<compile_context>
chip_gen: v7x
topology: tpu7x:2x2x1
jax: 0.10.2.dev20260603
libtpu: 0.0.44.dev20260713+nightly
codegen_flags: <defaults>
</compile_context>

<pallas_src>
import functools
from typing import Any

import jax
import jax.numpy as jnp
from jax import lax
from jax.experimental import pallas as pl
from jax.experimental.pallas import tpu as pltpu
from jax.experimental.pallas import tpu_sc as plsc

N = 100000
D_IN = 128
H = 32
HH = 16
C_OUT = 2

B_N = 1024
N_TAB = 102400
N_BLOCKS = N_TAB // B_N
LAST_X_BLK = (N - 1) // B_N
PACK = B_N * HH // 128
N_PACK = N_TAB * HH // 128

E = 1600000
ER = 128
E_ROWS = 12544
E_PAD = E_ROWS * ER
K_CH = 8
K_AG = 4

NSC = 2
NTILE = 16
ROWS_PER_TILE = E_ROWS // NTILE
HALF_RPT = ROWS_PER_TILE // NSC
TPS = N_TAB // NTILE
NHALF_PS = N_TAB // NSC // NTILE

_mesh = plsc.VectorSubcoreMesh(core_axis_name="c", subcore_axis_name="s")
_sc_params = pltpu.CompilerParams(use_tc_tiling_on_sc=False)


def _deg_body(dst_hbm, zeros1_hbm, ones_hbm, dp_hbm, dacc, didx, ones_v,
              dsem):
    c = lax.axis_index("c")
    s = lax.axis_index("s")
    pltpu.sync_copy(zeros1_hbm, dacc.at[pl.ds(s * TPS, TPS)])
    pltpu.sync_copy(ones_hbm, ones_v)
    plsc.subcore_barrier()

    def step(it, carry):
        base = (c * NTILE + s) * HALF_RPT + it * K_CH
        pltpu.sync_copy(dst_hbm.at[pl.ds(base, K_CH)], didx)
        cps = [pltpu.async_copy(ones_v, dacc.at[didx.at[j]], dsem, add=True)
               for j in range(K_CH)]
        for cp in cps:
            cp.wait()
        return carry

    lax.fori_loop(0, HALF_RPT // K_CH, step, 0)
    plsc.subcore_barrier()

    pltpu.sync_copy(dacc.at[pl.ds(s * TPS, TPS)],
                    dp_hbm.at[c].at[pl.ds(s * TPS, TPS)])


_deg_call = pl.kernel(
    _deg_body,
    out_type=jax.ShapeDtypeStruct((NSC, N_TAB), jnp.float32),
    mesh=_mesh,
    scratch_types=[
        pltpu.VMEM_SHARED((N_TAB,), jnp.float32),
        pltpu.VMEM((K_CH, ER), jnp.int32),
        pltpu.VMEM((ER,), jnp.float32),
        pltpu.SemaphoreType.DMA,
    ],
    compiler_params=_sc_params,
)


def _agg_body(m_hbm, src_hbm, dst_hbm, zeros2_hbm, g_hbm, acc,
              rows0, rows1, sidx0, sidx1, didx0, didx1,
              gsem0, gsem1, ssem0, ssem1):
    c = lax.axis_index("c")
    s = lax.axis_index("s")
    pltpu.sync_copy(zeros2_hbm, acc.at[pl.ds(s * TPS, TPS)])
    plsc.subcore_barrier()

    base0 = s * ROWS_PER_TILE
    pltpu.sync_copy(src_hbm.at[pl.ds(base0, K_AG)], sidx0)
    pltpu.sync_copy(dst_hbm.at[pl.ds(base0, K_AG)], didx0)
    for j in range(K_AG):
        pltpu.async_copy(m_hbm.at[c].at[sidx0.at[j]], rows0.at[j], gsem0)

    def dstep(g, carry):
        base1 = s * ROWS_PER_TILE + (2 * g + 1) * K_AG
        pltpu.sync_copy(src_hbm.at[pl.ds(base1, K_AG)], sidx1)
        pltpu.sync_copy(dst_hbm.at[pl.ds(base1, K_AG)], didx1)
        g1 = [pltpu.async_copy(m_hbm.at[c].at[sidx1.at[j]], rows1.at[j],
                               gsem1)
              for j in range(K_AG)]
        for j in range(K_AG):
            pltpu.make_async_copy(m_hbm.at[c].at[sidx0.at[j]], rows0.at[j],
                                  gsem0).wait()
        s0 = [pltpu.async_copy(rows0.at[j], acc.at[didx0.at[j]], ssem0,
                               add=True)
              for j in range(K_AG)]
        for cp in s0:
            cp.wait()
        base2 = jnp.minimum(s * ROWS_PER_TILE + (2 * g + 2) * K_AG,
                            E_ROWS - K_AG)
        pltpu.sync_copy(src_hbm.at[pl.ds(base2, K_AG)], sidx0)
        pltpu.sync_copy(dst_hbm.at[pl.ds(base2, K_AG)], didx0)
        for j in range(K_AG):
            pltpu.async_copy(m_hbm.at[c].at[sidx0.at[j]], rows0.at[j], gsem0)
        for cp in g1:
            cp.wait()
        s1 = [pltpu.async_copy(rows1.at[j], acc.at[didx1.at[j]], ssem1,
                               add=True)
              for j in range(K_AG)]
        for cp in s1:
            cp.wait()
        return carry

    lax.fori_loop(0, ROWS_PER_TILE // K_AG // 2, dstep, 0)
    for j in range(K_AG):
        pltpu.make_async_copy(m_hbm.at[c].at[sidx0.at[j]], rows0.at[j],
                              gsem0).wait()
    plsc.subcore_barrier()
    pltpu.sync_copy(acc.at[pl.ds(s * TPS, TPS)],
                    g_hbm.at[c].at[pl.ds(s * TPS, TPS)])


_agg_call = pl.kernel(
    _agg_body,
    out_type=jax.ShapeDtypeStruct((NSC, N_TAB, HH), jnp.float32),
    mesh=_mesh,
    scratch_types=[
        pltpu.VMEM_SHARED((N_TAB, HH), jnp.float32),
        pltpu.VMEM((K_AG, ER, HH), jnp.float32),
        pltpu.VMEM((K_AG, ER, HH), jnp.float32),
        pltpu.VMEM((K_AG, ER), jnp.int32),
        pltpu.VMEM((K_AG, ER), jnp.int32),
        pltpu.VMEM((K_AG, ER), jnp.int32),
        pltpu.VMEM((K_AG, ER), jnp.int32),
        pltpu.SemaphoreType.DMA,
        pltpu.SemaphoreType.DMA,
        pltpu.SemaphoreType.DMA,
        pltpu.SemaphoreType.DMA,
    ],
    compiler_params=_sc_params,
)


def _pack(hh):
    h3 = hh.reshape(PACK, 8, HH)
    return jnp.concatenate(
        [h3[:, j:j + 1, :].reshape(PACK, HH) for j in range(8)], axis=1)


def _unpack(fp):
    parts = [fp[:, HH * j:HH * (j + 1)].reshape(PACK, 1, HH)
             for j in range(8)]
    return jnp.concatenate(parts, axis=1).reshape(B_N, HH)


def _mlp_body(x_ref, w1_ref, b1_ref, w2_ref, b2_ref, dg_ref,
              hs_ref, m1_ref, dp_ref):
    i = pl.program_id(0)
    x = x_ref[...]
    h1 = jnp.maximum(
        jnp.dot(x, w1_ref[...], preferred_element_type=jnp.float32)
        + b1_ref[...], 0.0)
    h = jnp.maximum(
        jnp.dot(h1, w2_ref[...], preferred_element_type=jnp.float32)
        + b2_ref[...], 0.0)
    rows = i * B_N + lax.broadcasted_iota(jnp.int32, (B_N, 1), 0)
    h = jnp.where(rows < N, h, 0.0)
    dg = dg_ref[0] + dg_ref[1]
    dpn = lax.rsqrt(jnp.maximum(dg, 1.0))
    dpb = _pack(jnp.broadcast_to(dpn, (B_N, HH)))
    dp_ref[...] = dpb
    hp0 = _pack(h[:, :HH])
    hp1 = _pack(h[:, HH:])
    hs_ref[0] = hp0
    hs_ref[1] = hp1
    m1_ref[0] = hp0 * dpb
    m1_ref[1] = hp1 * dpb


_mlp_call = pl.pallas_call(
    _mlp_body,
    grid=(N_BLOCKS,),
    in_specs=[
        pl.BlockSpec((B_N, D_IN), lambda i: (jnp.minimum(i, LAST_X_BLK), 0)),
        pl.BlockSpec((D_IN, H), lambda i: (0, 0)),
        pl.BlockSpec((1, H), lambda i: (0, 0)),
        pl.BlockSpec((H, H), lambda i: (0, 0)),
        pl.BlockSpec((1, H), lambda i: (0, 0)),
        pl.BlockSpec((NSC, B_N, 1), lambda i: (0, i, 0)),
    ],
    out_specs=[
        pl.BlockSpec((NSC, PACK, 128), lambda i: (0, i, 0)),
        pl.BlockSpec((NSC, PACK, 128), lambda i: (0, i, 0)),
        pl.BlockSpec((PACK, 128), lambda i: (i, 0)),
    ],
    out_shape=[
        jax.ShapeDtypeStruct((NSC, N_PACK, 128), jnp.float32),
        jax.ShapeDtypeStruct((NSC, N_PACK, 128), jnp.float32),
        jax.ShapeDtypeStruct((N_PACK, 128), jnp.float32),
    ],
)


def _comb_body(h_ref, g_ref, dp_ref, t_ref, m_ref):
    dp = dp_ref[...][None]
    t = h_ref[...] + g_ref[...] * dp
    t_ref[...] = t
    m_ref[...] = t * dp


_comb_call = pl.pallas_call(
    _comb_body,
    grid=(N_BLOCKS,),
    in_specs=[
        pl.BlockSpec((NSC, PACK, 128), lambda i: (0, i, 0)),
        pl.BlockSpec((NSC, PACK, 128), lambda i: (0, i, 0)),
        pl.BlockSpec((PACK, 128), lambda i: (i, 0)),
    ],
    out_specs=[
        pl.BlockSpec((NSC, PACK, 128), lambda i: (0, i, 0)),
        pl.BlockSpec((NSC, PACK, 128), lambda i: (0, i, 0)),
    ],
    out_shape=[
        jax.ShapeDtypeStruct((NSC, N_PACK, 128), jnp.float32),
        jax.ShapeDtypeStruct((NSC, N_PACK, 128), jnp.float32),
    ],
)


def _fin_body(t2_ref, g3_ref, dp_ref, bw_ref, w3_ref, b3_ref, o_ref):
    w0 = jnp.maximum(bw_ref[0], 0.0)
    w1 = jnp.maximum(bw_ref[1], 0.0)
    w2 = jnp.maximum(bw_ref[2], 0.0)
    ca = 0.25 * w0
    cb = 0.5 * w1 + 0.25 * w2
    dp = dp_ref[...][None]
    t2 = t2_ref[...]
    f = ca * t2 + cb * (t2 - g3_ref[...] * dp)
    f = jnp.maximum(f, 0.0)
    fcat = jnp.concatenate([_unpack(f[0]), _unpack(f[1])], axis=1)
    o_ref[...] = (
        jnp.dot(fcat, w3_ref[...], preferred_element_type=jnp.float32)
        + b3_ref[...])


_fin_call = pl.pallas_call(
    _fin_body,
    grid=(N_BLOCKS,),
    in_specs=[
        pl.BlockSpec((NSC, PACK, 128), lambda i: (0, i, 0)),
        pl.BlockSpec((NSC, PACK, 128), lambda i: (0, i, 0)),
        pl.BlockSpec((PACK, 128), lambda i: (i, 0)),
        pl.BlockSpec(memory_space=pltpu.SMEM),
        pl.BlockSpec((H, C_OUT), lambda i: (0, 0)),
        pl.BlockSpec((1, C_OUT), lambda i: (0, 0)),
    ],
    out_specs=pl.BlockSpec((B_N, C_OUT), lambda i: (i, 0)),
    out_shape=jax.ShapeDtypeStruct((N_TAB, C_OUT), jnp.float32),
)


def _to_sc(a):
    return a.reshape(NSC, N_TAB, HH)


def _to_tc(a):
    return a.reshape(NSC, N_PACK, 128)


def kernel(x, edge_index, W1, b1, W2, b2, bern_w, W3, b3):
    src = edge_index[0].astype(jnp.int32)
    dst = edge_index[1].astype(jnp.int32)
    npad = E_PAD - E
    pad_idx = N + (jnp.arange(npad, dtype=jnp.int32) % (N_TAB - N))
    src2d = jnp.concatenate([src, pad_idx]).reshape(E_ROWS, ER)
    dst2d = jnp.concatenate([dst, pad_idx]).reshape(E_ROWS, ER)

    zeros1 = jnp.zeros((TPS,), jnp.float32)
    zeros2 = jnp.zeros((TPS, HH), jnp.float32)
    ones_e = jnp.ones((ER,), jnp.float32)

    dg = _deg_call(dst2d, zeros1, ones_e).reshape(NSC, N_TAB, 1)
    hs, m1, dp = _mlp_call(x, W1.T, b1[None], W2.T, b2[None], dg)
    g1 = _agg_call(_to_sc(m1), src2d, dst2d, zeros2)
    t1, m2 = _comb_call(hs, _to_tc(g1), dp)
    g2 = _agg_call(_to_sc(m2), src2d, dst2d, zeros2)
    t2, m3 = _comb_call(t1, _to_tc(g2), dp)
    g3 = _agg_call(_to_sc(m3), src2d, dst2d, zeros2)
    out = _fin_call(t2, _to_tc(g3), dp, bern_w, W3.T, b3[None])
    return out[:N]

# --- scband reference (transcript-rebuilt; emitter-appended) ---
"""Pipeline reference for scband-bern-net-10273561772517 (READ-ONLY COPY).

The authoritative reference and input builder live on the scoring server;
editing this copy changes nothing except your own understanding.
"""

import jax, jax.numpy as jnp
import numpy as np
from math import comb

N = 100000
E = 1600000
D_IN = 128
H = 32
C = 2
K = 2


def setup_inputs(seed: int = 0) -> dict:
    key = jax.random.key(seed)
    ks = jax.random.split(key, 8)
    x = jax.random.normal(ks[0], (N, D_IN), dtype=jnp.float32)
    edge_index = jax.random.randint(ks[1], (2, E), 0, N)
    W1 = jax.random.normal(ks[2], (H, D_IN), dtype=jnp.float32) / np.sqrt(D_IN)
    b1 = jnp.zeros((H,), dtype=jnp.float32)
    W2 = jax.random.normal(ks[3], (H, H), dtype=jnp.float32) / np.sqrt(H)
    b2 = jnp.zeros((H,), dtype=jnp.float32)
    bern_w = jnp.ones((K + 1,), dtype=jnp.float32)
    W3 = jax.random.normal(ks[4], (C, H), dtype=jnp.float32) / np.sqrt(H)
    b3 = jnp.zeros((C,), dtype=jnp.float32)
    return {"x": x, "edge_index": edge_index, "W1": W1, "b1": b1, "W2": W2, "b2": b2, "bern_w": bern_w, "W3": W3, "b3": b3}


def reference(x, edge_index, W1, b1, W2, b2, bern_w, W3, b3):
    src = edge_index[0]
    dst = edge_index[1]
    # in-degrees of destination nodes (DGL in_degrees)
    deg = jax.ops.segment_sum(jnp.ones((E,), jnp.float32), dst, num_segments=N)
    D_invsqrt = jnp.power(jnp.clip(deg, 1.0, None), -0.5)[:, None]

    def agg(h):
        # graph.update_all(copy_u('h','m'), sum('m','h')) on h * D_invsqrt
        return jax.ops.segment_sum((h * D_invsqrt)[src], dst, num_segments=N)

    def unnLaplacian1(h):
        return h - agg(h) * D_invsqrt

    def unnLaplacian2(h):
        return h + agg(h) * D_invsqrt

    h = jax.nn.relu(x @ W1.T + b1)
    h = jax.nn.relu(h @ W2.T + b2)

    # BernConv (faithful to original, including the inner-loop use of `feat`)
    w = jax.nn.relu(bern_w)
    tmp = [h]
    feat = h
    for i in range(K):
        feat = unnLaplacian2(feat)
        tmp.append(feat)
    out_feat = comb(K, 0) / 2 ** K * w[0] * tmp[K]
    for i in range(K):
        xx = tmp[K - i - 1]
        for j in range(i + 1):
            xx = unnLaplacian1(feat)
        out_feat = out_feat + comb(K, i + 1) / 2 ** K * w[i + 1] * xx

    h = jax.nn.relu(out_feat)
    out = h @ W3.T + b3
    return out

if __name__ == "__main__":
    import jax
    _d = setup_inputs()
    print(jax.jit(kernel)(*tuple(_d.values())))

</pallas_src>

<mosaic_0001>
#map = affine_map<(d0, d1) -> (0, 0, 0)>
#map1 = affine_map<(d0, d1) -> (0, 0)>
module attributes {stable_mosaic.version = 14 : i64} {
  func.func @_agg_body(%arg0: i32, %arg1: i32, %arg2: memref<2x102400x16xf32, #tpu.memory_space<hbm>>, %arg3: memref<12544x128xi32, #tpu.memory_space<hbm>>, %arg4: memref<12544x128xi32, #tpu.memory_space<hbm>>, %arg5: memref<6400x16xf32, #tpu.memory_space<hbm>>, %arg6: memref<2x102400x16xf32, #tpu.memory_space<hbm>>, %arg7: memref<102400x16xf32, #tpu.memory_space<vmem_shared>>, %arg8: memref<4x128x16xf32, #tpu.memory_space<vmem>>, %arg9: memref<4x128x16xf32, #tpu.memory_space<vmem>>, %arg10: memref<4x128xi32, #tpu.memory_space<vmem>>, %arg11: memref<4x128xi32, #tpu.memory_space<vmem>>, %arg12: memref<4x128xi32, #tpu.memory_space<vmem>>, %arg13: memref<4x128xi32, #tpu.memory_space<vmem>>, %arg14: memref<!tpu.dma_semaphore, #tpu.memory_space<semaphore_mem>>, %arg15: memref<!tpu.dma_semaphore, #tpu.memory_space<semaphore_mem>>, %arg16: memref<!tpu.dma_semaphore, #tpu.memory_space<semaphore_mem>>, %arg17: memref<!tpu.dma_semaphore, #tpu.memory_space<semaphore_mem>>) attributes {dimension_semantics = [#tpu.dimension_semantics<core_parallel>, #tpu.dimension_semantics<subcore_parallel>], iteration_bounds = array<i64: 2, 16>, scalar_prefetch = 0 : i64, scratch_operands = 11 : i64, tpu.core_type = #tpu.core_type<sc_vector_subcore>, window_params = [{transform_indices = #map}, {transform_indices = #map1}, {transform_indices = #map1}, {transform_indices = #map1}, {transform_indices = #map}]} {
    %mul3A = arith.constant 6400 : i32
    %mul3A_0 = arith.muli %arg1, %mul3A : i32
    "tpu.region"() ({
      %run_scoped3A = tpu.sem_alloc : memref<!tpu.dma_semaphore, #tpu.memory_space<semaphore_mem>>
      %dma_start3A_139 = arith.constant 0 : i32
      %dma_start3A_140 = tpu.memref_slice %arg7[%mul3A_0, %dma_start3A_139] : memref<102400x16xf32, #tpu.memory_space<vmem_shared>> -> memref<6400x16xf32, #tpu.memory_space<vmem_shared>>
      tpu.enqueue_dma source(%arg5 : memref<6400x16xf32, #tpu.memory_space<hbm>>) target(%dma_start3A_140 : memref<6400x16xf32, #tpu.memory_space<vmem_shared>>) target_semaphore(%run_scoped3A : memref<!tpu.dma_semaphore, #tpu.memory_space<semaphore_mem>>)
      %dma_wait3A_141 = arith.constant 0 : i32
      %dma_wait3A_142 = tpu.memref_slice %arg7[%mul3A_0, %dma_wait3A_141] : memref<102400x16xf32, #tpu.memory_space<vmem_shared>> -> memref<6400x16xf32, #tpu.memory_space<vmem_shared>>
      tpu.wait_dma2 semaphore(%run_scoped3A : memref<!tpu.dma_semaphore, #tpu.memory_space<semaphore_mem>>) src(%arg5 : memref<6400x16xf32, #tpu.memory_space<hbm>>) dst(%dma_wait3A_142 : memref<6400x16xf32, #tpu.memory_space<vmem_shared>>)
      tpu.yield
    }) : () -> ()
    %barrier3A = arith.constant 0 : index
    tpu.barrier barrier_id(%barrier3A)
    %mul3A_1 = arith.constant 784 : i32
    %mul3A_2 = arith.muli %arg1, %mul3A_1 : i32
    "tpu.region"() ({
      %run_scoped3A = tpu.sem_alloc : memref<!tpu.dma_semaphore, #tpu.memory_space<semaphore_mem>>
      %dma_start3A_139 = arith.constant 0 : i32
      %dma_start3A_140 = tpu.memref_slice %arg3[%mul3A_2, %dma_start3A_139] : memref<12544x128xi32, #tpu.memory_space<hbm>> -> memref<4x128xi32, #tpu.memory_space<hbm>>
      %dma_start3A_141 = arith.constant 0 : i32
      %dma_start3A_142 = tpu.memref_slice %arg3[%mul3A_2, %dma_start3A_141] : memref<12544x128xi32, #tpu.memory_space<hbm>> -> memref<4x128xi32, #tpu.memory_space<hbm>>
      tpu.enqueue_dma source(%dma_start3A_142 : memref<4x128xi32, #tpu.memory_space<hbm>>) target(%arg10 : memref<4x128xi32, #tpu.memory_space<vmem>>) target_semaphore(%run_scoped3A : memref<!tpu.dma_semaphore, #tpu.memory_space<semaphore_mem>>)
      %dma_wait3A_143 = arith.constant 0 : i32
      %dma_wait3A_144 = tpu.memref_slice %arg3[%mul3A_2, %dma_wait3A_143] : memref<12544x128xi32, #tpu.memory_space<hbm>> -> memref<4x128xi32, #tpu.memory_space<hbm>>
      %dma_wait3A_145 = arith.constant 0 : i32
      %dma_wait3A_146 = tpu.memref_slice %arg3[%mul3A_2, %dma_wait3A_145] : memref<12544x128xi32, #tpu.memory_space<hbm>> -> memref<4x128xi32, #tpu.memory_space<hbm>>
      tpu.wait_dma2 semaphore(%run_scoped3A : memref<!tpu.dma_semaphore, #tpu.memory_space<semaphore_mem>>) src(%dma_wait3A_146 : memref<4x128xi32, #tpu.memory_space<hbm>>) dst(%arg10 : memref<4x128xi32, #tpu.memory_space<vmem>>)
      tpu.yield
    }) : () -> ()
    "tpu.region"() ({
      %run_scoped3A = tpu.sem_alloc : memref<!tpu.dma_semaphore, #tpu.memory_space<semaphore_mem>>
      %dma_start3A_139 = arith.constant 0 : i32
      %dma_start3A_140 = tpu.memref_slice %arg4[%mul3A_2, %dma_start3A_139] : memref<12544x128xi32, #tpu.memory_space<hbm>> -> memref<4x128xi32, #tpu.memory_space<hbm>>
      %dma_start3A_141 = arith.constant 0 : i32
      %dma_start3A_142 = tpu.memref_slice %arg4[%mul3A_2, %dma_start3A_141] : memref<12544x128xi32, #tpu.memory_space<hbm>> -> memref<4x128xi32, #tpu.memory_space<hbm>>
      tpu.enqueue_dma source(%dma_start3A_142 : memref<4x128xi32, #tpu.memory_space<hbm>>) target(%arg12 : memref<4x128xi32, #tpu.memory_space<vmem>>) target_semaphore(%run_scoped3A : memref<!tpu.dma_semaphore, #tpu.memory_space<semaphore_mem>>)
      %dma_wait3A_143 = arith.constant 0 : i32
      %dma_wait3A_144 = tpu.memref_slice %arg4[%mul3A_2, %dma_wait3A_143] : memref<12544x128xi32, #tpu.memory_space<hbm>> -> memref<4x128xi32, #tpu.memory_space<hbm>>
      %dma_wait3A_145 = arith.constant 0 : i32
      %dma_wait3A_146 = tpu.memref_slice %arg4[%mul3A_2, %dma_wait3A_145] : memref<12544x128xi32, #tpu.memory_space<hbm>> -> memref<4x128xi32, #tpu.memory_space<hbm>>
      tpu.wait_dma2 semaphore(%run_scoped3A : memref<!tpu.dma_semaphore, #tpu.memory_space<semaphore_mem>>) src(%dma_wait3A_146 : memref<4x128xi32, #tpu.memory_space<hbm>>) dst(%arg12 : memref<4x128xi32, #tpu.memory_space<vmem>>)
      tpu.yield
    }) : () -> ()
    %dma_start3A = arith.constant 0 : i32
    %dma_start3A_3 = arith.constant 0 : i32
    %dma_start3A_4 = arith.constant 0 : i32
    %dma_start3A_5 = arith.constant 0 : i32
    %dma_start3A_6 = tpu.memref_slice %arg8[%dma_start3A_3, %dma_start3A_4, %dma_start3A_5] : memref<4x128x16xf32, #tpu.memory_space<vmem>> -> memref<1x128x16xf32, #tpu.memory_space<vmem>>
    %dma_start3A_7 = tpu.memref_squeeze %dma_start3A_6 : memref<1x128x16xf32, #tpu.memory_space<vmem>> -> memref<128x16xf32, #tpu.memory_space<vmem>>
    %dma_start3A_8 = arith.constant 0 : i32
    %dma_start3A_9 = tpu.memref_slice %arg10[%dma_start3A, %dma_start3A_8] : memref<4x128xi32, #tpu.memory_space<vmem>> -> memref<1x128xi32, #tpu.memory_space<vmem>>
    %dma_start3A_10 = tpu.memref_squeeze %dma_start3A_9 : memref<1x128xi32, #tpu.memory_space<vmem>> -> memref<128xi32, #tpu.memory_space<vmem>>
    %dma_start3A_11 = arith.constant 0 : i32
    %dma_start3A_12 = arith.constant 0 : i32
    %dma_start3A_13 = tpu.memref_slice %arg2[%arg0, %dma_start3A_11, %dma_start3A_12] : memref<2x102400x16xf32, #tpu.memory_space<hbm>> -> memref<1x102400x16xf32, #tpu.memory_space<hbm>>
    %dma_start3A_14 = tpu.memref_squeeze %dma_start3A_13 : memref<1x102400x16xf32, #tpu.memory_space<hbm>> -> memref<102400x16xf32, #tpu.memory_space<hbm>>
    %dma_start3A_15 = arith.constant 0 : i32
    %dma_start3A_16 = arith.constant 0 : i32
    %dma_start3A_17 = tpu.memref_slice %dma_start3A_14[%dma_start3A_15, %dma_start3A_16] : memref<102400x16xf32, #tpu.memory_space<hbm>> -> memref<102400x16xf32, #tpu.memory_space<hbm>>
    tpu.enqueue_indirect_dma source(%dma_start3A_17 : memref<102400x16xf32, #tpu.memory_space<hbm>>) target(%dma_start3A_7 : memref<128x16xf32, #tpu.memory_space<vmem>>) offsets(%dma_start3A_10 : memref<128xi32, #tpu.memory_space<vmem>>) semaphore(%arg14 : memref<!tpu.dma_semaphore, #tpu.memory_space<semaphore_mem>>)
    %dma_start3A_18 = arith.constant 1 : i32
    %dma_start3A_19 = arith.constant 1 : i32
    %dma_start3A_20 = arith.constant 0 : i32
    %dma_start3A_21 = arith.constant 0 : i32
    %dma_start3A_22 = tpu.memref_slice %arg8[%dma_start3A_19, %dma_start3A_20, %dma_start3A_21] : memref<4x128x16xf32, #tpu.memory_space<vmem>> -> memref<1x128x16xf32, #tpu.memory_space<vmem>>
    %dma_start3A_23 = tpu.memref_squeeze %dma_start3A_22 : memref<1x128x16xf32, #tpu.memory_space<vmem>> -> memref<128x16xf32, #tpu.memory_space<vmem>>
    %dma_start3A_24 = arith.constant 0 : i32
    %dma_start3A_25 = tpu.memref_slice %arg10[%dma_start3A_18, %dma_start3A_24] : memref<4x128xi32, #tpu.memory_space<vmem>> -> memref<1x128xi32, #tpu.memory_space<vmem>>
    %dma_start3A_26 = tpu.memref_squeeze %dma_start3A_25 : memref<1x128xi32, #tpu.memory_space<vmem>> -> memref<128xi32, #tpu.memory_space<vmem>>
    %dma_start3A_27 = arith.constant 0 : i32
    %dma_start3A_28 = arith.constant 0 : i32
    %dma_start3A_29 = tpu.memref_slice %arg2[%arg0, %dma_start3A_27, %dma_start3A_28] : memref<2x102400x16xf32, #tpu.memory_space<hbm>> -> memref<1x102400x16xf32, #tpu.memory_space<hbm>>
    %dma_start3A_30 = tpu.memref_squeeze %dma_start3A_29 : memref<1x102400x16xf32, #tpu.memory_space<hbm>> -> memref<102400x16xf32, #tpu.memory_space<hbm>>
    %dma_start3A_31 = arith.constant 0 : i32
    %dma_start3A_32 = arith.constant 0 : i32
    %dma_start3A_33 = tpu.memref_slice %dma_start3A_30[%dma_start3A_31, %dma_start3A_32] : memref<102400x16xf32, #tpu.memory_space<hbm>> -> memref<102400x16xf32, #tpu.memory_space<hbm>>
    tpu.enqueue_indirect_dma source(%dma_start3A_33 : memref<102400x16xf32, #tpu.memory_space<hbm>>) target(%dma_start3A_23 : memref<128x16xf32, #tpu.memory_space<vmem>>) offsets(%dma_start3A_26 : memref<128xi32, #tpu.memory_space<vmem>>) semaphore(%arg14 : memref<!tpu.dma_semaphore, #tpu.memory_space<semaphore_mem>>)
    %dma_start3A_34 = arith.constant 2 : i32
    %dma_start3A_35 = arith.constant 2 : i32
    %dma_start3A_36 = arith.constant 0 : i32
    %dma_start3A_37 = arith.constant 0 : i32
    %dma_start3A_38 = tpu.memref_slice %arg8[%dma_start3A_35, %dma_start3A_36, %dma_start3A_37] : memref<4x128x16xf32, #tpu.memory_space<vmem>> -> memref<1x128x16xf32, #tpu.memory_space<vmem>>
    %dma_start3A_39 = tpu.memref_squeeze %dma_start3A_38 : memref<1x128x16xf32, #tpu.memory_space<vmem>> -> memref<128x16xf32, #tpu.memory_space<vmem>>
    %dma_start3A_40 = arith.constant 0 : i32
    %dma_start3A_41 = tpu.memref_slice %arg10[%dma_start3A_34, %dma_start3A_40] : memref<4x128xi32, #tpu.memory_space<vmem>> -> memref<1x128xi32, #tpu.memory_space<vmem>>
    %dma_start3A_42 = tpu.memref_squeeze %dma_start3A_41 : memref<1x128xi32, #tpu.memory_space<vmem>> -> memref<128xi32, #tpu.memory_space<vmem>>
    %dma_start3A_43 = arith.constant 0 : i32
    %dma_start3A_44 = arith.constant 0 : i32
    %dma_start3A_45 = tpu.memref_slice %arg2[%arg0, %dma_start3A_43, %dma_start3A_44] : memref<2x102400x16xf32, #tpu.memory_space<hbm>> -> memref<1x102400x16xf32, #tpu.memory_space<hbm>>
    %dma_start3A_46 = tpu.memref_squeeze %dma_start3A_45 : memref<1x102400x16xf32, #tpu.memory_space<hbm>> -> memref<102400x16xf32, #tpu.memory_space<hbm>>
    %dma_start3A_47 = arith.constant 0 : i32
    %dma_start3A_48 = arith.constant 0 : i32
    %dma_start3A_49 = tpu.memref_slice %dma_start3A_46[%dma_start3A_47, %dma_start3A_48] : memref<102400x16xf32, #tpu.memory_space<hbm>> -> memref<102400x16xf32, #tpu.memory_space<hbm>>
    tpu.enqueue_indirect_dma source(%dma_start3A_49 : memref<102400x16xf32, #tpu.memory_space<hbm>>) target(%dma_start3A_39 : memref<128x16xf32, #tpu.memory_space<vmem>>) offsets(%dma_start3A_42 : memref<128xi32, #tpu.memory_space<vmem>>) semaphore(%arg14 : memref<!tpu.dma_semaphore, #tpu.memory_space<semaphore_mem>>)
    %dma_start3A_50 = arith.constant 3 : i32
    %dma_start3A_51 = arith.constant 3 : i32
    %dma_start3A_52 = arith.constant 0 : i32
    %dma_start3A_53 = arith.constant 0 : i32
    %dma_start3A_54 = tpu.memref_slice %arg8[%dma_start3A_51, %dma_start3A_52, %dma_start3A_53] : memref<4x128x16xf32, #tpu.memory_space<vmem>> -> memref<1x128x16xf32, #tpu.memory_space<vmem>>
    %dma_start3A_55 = tpu.memref_squeeze %dma_start3A_54 : memref<1x128x16xf32, #tpu.memory_space<vmem>> -> memref<128x16xf32, #tpu.memory_space<vmem>>
    %dma_start3A_56 = arith.constant 0 : i32
    %dma_start3A_57 = tpu.memref_slice %arg10[%dma_start3A_50, %dma_start3A_56] : memref<4x128xi32, #tpu.memory_space<vmem>> -> memref<1x128xi32, #tpu.memory_space<vmem>>
    %dma_start3A_58 = tpu.memref_squeeze %dma_start3A_57 : memref<1x128xi32, #tpu.memory_space<vmem>> -> memref<128xi32, #tpu.memory_space<vmem>>
    %dma_start3A_59 = arith.constant 0 : i32
    %dma_start3A_60 = arith.constant 0 : i32
    %dma_start3A_61 = tpu.memref_slice %arg2[%arg0, %dma_start3A_59, %dma_start3A_60] : memref<2x102400x16xf32, #tpu.memory_space<hbm>> -> memref<1x102400x16xf32, #tpu.memory_space<hbm>>
    %dma_start3A_62 = tpu.memref_squeeze %dma_start3A_61 : memref<1x102400x16xf32, #tpu.memory_space<hbm>> -> memref<102400x16xf32, #tpu.memory_space<hbm>>
    %dma_start3A_63 = arith.constant 0 : i32
    %dma_start3A_64 = arith.constant 0 : i32
    %dma_start3A_65 = tpu.memref_slice %dma_start3A_62[%dma_start3A_63, %dma_start3A_64] : memref<102400x16xf32, #tpu.memory_space<hbm>> -> memref<102400x16xf32, #tpu.memory_space<hbm>>
    tpu.enqueue_indirect_dma source(%dma_start3A_65 : memref<102400x16xf32, #tpu.memory_space<hbm>>) target(%dma_start3A_55 : memref<128x16xf32, #tpu.memory_space<vmem>>) offsets(%dma_start3A_58 : memref<128xi32, #tpu.memory_space<vmem>>) semaphore(%arg14 : memref<!tpu.dma_semaphore, #tpu.memory_space<semaphore_mem>>)
    %scan3A = arith.constant 0 : i32
    %scan3A_66 = arith.constant 0 : i32
    %scan3A_67 = arith.constant 98 : i32
    %scan3A_68 = arith.addi %scan3A_66, %scan3A_67 : i32
    %scan3A_69 = arith.constant 1 : i32
    scf.for %scan3A_139 = %scan3A_66 to %scan3A_68 step %scan3A_69  : i32 {
      %mul3A_140 = arith.constant 784 : i32
      %mul3A_141 = arith.muli %arg1, %mul3A_140 : i32
      %mul3A_142 = arith.constant 2 : i32
      %mul3A_143 = arith.muli %mul3A_142, %scan3A_139 : i32
      %add3A = arith.constant 1 : i32
      %add3A_144 = arith.addi %mul3A_143, %add3A : i32
      %mul3A_145 = arith.constant 4 : i32
      %mul3A_146 = arith.muli %add3A_144, %mul3A_145 : i32
      %add3A_147 = arith.addi %mul3A_141, %mul3A_146 : i32
      "tpu.region"() ({
        %run_scoped3A = tpu.sem_alloc : memref<!tpu.dma_semaphore, #tpu.memory_space<semaphore_mem>>
        %dma_start3A_606 = arith.constant 0 : i32
        %dma_start3A_607 = tpu.memref_slice %arg3[%add3A_147, %dma_start3A_606] : memref<12544x128xi32, #tpu.memory_space<hbm>> -> memref<4x128xi32, #tpu.memory_space<hbm>>
        %dma_start3A_608 = arith.constant 0 : i32
        %dma_start3A_609 = tpu.memref_slice %arg3[%add3A_147, %dma_start3A_608] : memref<12544x128xi32, #tpu.memory_space<hbm>> -> memref<4x128xi32, #tpu.memory_space<hbm>>
        tpu.enqueue_dma source(%dma_start3A_609 : memref<4x128xi32, #tpu.memory_space<hbm>>) target(%arg11 : memref<4x128xi32, #tpu.memory_space<vmem>>) target_semaphore(%run_scoped3A : memref<!tpu.dma_semaphore, #tpu.memory_space<semaphore_mem>>)
        %dma_wait3A_610 = arith.constant 0 : i32
        %dma_wait3A_611 = tpu.memref_slice %arg3[%add3A_147, %dma_wait3A_610] : memref<12544x128xi32, #tpu.memory_space<hbm>> -> memref<4x128xi32, #tpu.memory_space<hbm>>
        %dma_wait3A_612 = arith.constant 0 : i32
        %dma_wait3A_613 = tpu.memref_slice %arg3[%add3A_147, %dma_wait3A_612] : memref<12544x128xi32, #tpu.memory_space<hbm>> -> memref<4x128xi32, #tpu.memory_space<hbm>>
        tpu.wait_dma2 semaphore(%run_scoped3A : memref<!tpu.dma_semaphore, #tpu.memory_space<semaphore_mem>>) src(%dma_wait3A_613 : memref<4x128xi32, #tpu.memory_space<hbm>>) dst(%arg11 : memref<4x128xi32, #tpu.memory_space<vmem>>)
        tpu.yield
      }) : () -> ()
      "tpu.region"() ({
        %run_scoped3A = tpu.sem_alloc : memref<!tpu.dma_semaphore, #tpu.memory_space<semaphore_mem>>
        %dma_start3A_606 = arith.constant 0 : i32
        %dma_start3A_607 = tpu.memref_slice %arg4[%add3A_147, %dma_start3A_606] : memref<12544x128xi32, #tpu.memory_space<hbm>> -> memref<4x128xi32, #tpu.memory_space<hbm>>
        %dma_start3A_608 = arith.constant 0 : i32
        %dma_start3A_609 = tpu.memref_slice %arg4[%add3A_147, %dma_start3A_608] : memref<12544x128xi32, #tpu.memory_space<hbm>> -> memref<4x128xi32, #tpu.memory_space<hbm>>
        tpu.enqueue_dma source(%dma_start3A_609 : memref<4x128xi32, #tpu.memory_space<hbm>>) target(%arg13 : memref<4x128xi32, #tpu.memory_space<vmem>>) target_semaphore(%run_scoped3A : memref<!tpu.dma_semaphore, #tpu.memory_space<semaphore_mem>>)
        %dma_wait3A_610 = arith.constant 0 : i32
        %dma_wait3A_611 = tpu.memref_slice %arg4[%add3A_147, %dma_wait3A_610] : memref<12544x128xi32, #tpu.memory_space<hbm>> -> memref<4x128xi32, #tpu.memory_space<hbm>>
        %dma_wait3A_612 = arith.constant 0 : i32
        %dma_wait3A_613 = tpu.memref_slice %arg4[%add3A_147, %dma_wait3A_612] : memref<12544x128xi32, #tpu.memory_space<hbm>> -> memref<4x128xi32, #tpu.memory_space<hbm>>
        tpu.wait_dma2 semaphore(%run_scoped3A : memref<!tpu.dma_semaphore, #tpu.memory_space<semaphore_mem>>) src(%dma_wait3A_613 : memref<4x128xi32, #tpu.memory_space<hbm>>) dst(%arg13 : memref<4x128xi32, #tpu.memory_space<vmem>>)
        tpu.yield
      }) : () -> ()
      %dma_start3A_148 = arith.constant 0 : i32
      %dma_start3A_149 = arith.constant 0 : i32
      %dma_start3A_150 = arith.constant 0 : i32
      %dma_start3A_151 = arith.constant 0 : i32
      %dma_start3A_152 = tpu.memref_slice %arg9[%dma_start3A_149, %dma_start3A_150, %dma_start3A_151] : memref<4x128x16xf32, #tpu.memory_space<vmem>> -> memref<1x128x16xf32, #tpu.memory_space<vmem>>
      %dma_start3A_153 = tpu.memref_squeeze %dma_start3A_152 : memref<1x128x16xf32, #tpu.memory_space<vmem>> -> memref<128x16xf32, #tpu.memory_space<vmem>>
      %dma_start3A_154 = arith.constant 0 : i32
      %dma_start3A_155 = tpu.memref_slice %arg11[%dma_start3A_148, %dma_start3A_154] : memref<4x128xi32, #tpu.memory_space<vmem>> -> memref<1x128xi32, #tpu.memory_space<vmem>>
      %dma_start3A_156 = tpu.memref_squeeze %dma_start3A_155 : memref<1x128xi32, #tpu.memory_space<vmem>> -> memref<128xi32, #tpu.memory_space<vmem>>
      %dma_start3A_157 = arith.constant 0 : i32
      %dma_start3A_158 = arith.constant 0 : i32
      %dma_start3A_159 = tpu.memref_slice %arg2[%arg0, %dma_start3A_157, %dma_start3A_158] : memref<2x102400x16xf32, #tpu.memory_space<hbm>> -> memref<1x102400x16xf32, #tpu.memory_space<hbm>>
      %dma_start3A_160 = tpu.memref_squeeze %dma_start3A_159 : memref<1x102400x16xf32, #tpu.memory_space<hbm>> -> memref<102400x16xf32, #tpu.memory_space<hbm>>
      %dma_start3A_161 = arith.constant 0 : i32
      %dma_start3A_162 = arith.constant 0 : i32
      %dma_start3A_163 = tpu.memref_slice %dma_start3A_160[%dma_start3A_161, %dma_start3A_162] : memref<102400x16xf32, #tpu.memory_space<hbm>> -> memref<102400x16xf32, #tpu.memory_space<hbm>>
      tpu.enqueue_indirect_dma source(%dma_start3A_163 : memref<102400x16xf32, #tpu.memory_space<hbm>>) target(%dma_start3A_153 : memref<128x16xf32, #tpu.memory_space<vmem>>) offsets(%dma_start3A_156 : memref<128xi32, #tpu.memory_space<vmem>>) semaphore(%arg15 : memref<!tpu.dma_semaphore, #tpu.memory_space<semaphore_mem>>)
      %dma_start3A_164 = arith.constant 1 : i32
      %dma_start3A_165 = arith.constant 1 : i32
      %dma_start3A_166 = arith.constant 0 : i32
      %dma_start3A_167 = arith.constant 0 : i32
      %dma_start3A_168 = tpu.memref_slice %arg9[%dma_start3A_165, %dma_start3A_166, %dma_start3A_167] : memref<4x128x16xf32, #tpu.memory_space<vmem>> -> memref<1x128x16xf32, #tpu.memory_space<vmem>>
      %dma_start3A_169 = tpu.memref_squeeze %dma_start3A_168 : memref<1x128x16xf32, #tpu.memory_space<vmem>> -> memref<128x16xf32, #tpu.memory_space<vmem>>
      %dma_start3A_170 = arith.constant 0 : i32
      %dma_start3A_171 = tpu.memref_slice %arg11[%dma_start3A_164, %dma_start3A_170] : memref<4x128xi32, #tpu.memory_space<vmem>> -> memref<1x128xi32, #tpu.memory_space<vmem>>
      %dma_start3A_172 = tpu.memref_squeeze %dma_start3A_171 : memref<1x128xi32, #tpu.memory_space<vmem>> -> memref<128xi32, #tpu.memory_space<vmem>>
      %dma_start3A_173 = arith.constant 0 : i32
      %dma_start3A_174 = arith.constant 0 : i32
      %dma_start3A_175 = tpu.memref_slice %arg2[%arg0, %dma_start3A_173, %dma_start3A_174] : memref<2x102400x16xf32, #tpu.memory_space<hbm>> -> memref<1x102400x16xf32, #tpu.memory_space<hbm>>
      %dma_start3A_176 = tpu.memref_squeeze %dma_start3A_175 : memref<1x102400x16xf32, #tpu.memory_space<hbm>> -> memref<102400x16xf32, #tpu.memory_space<hbm>>
      %dma_start3A_177 = arith.constant 0 : i32
      %dma_start3A_178 = arith.constant 0 : i32
      %dma_start3A_179 = tpu.memref_slice %dma_start3A_176[%dma_start3A_177, %dma_start3A_178] : memref<102400x16xf32, #tpu.memory_space<hbm>> -> memref<102400x16xf32, #tpu.memory_space<hbm>>
      tpu.enqueue_indirect_dma source(%dma_start3A_179 : memref<102400x16xf32, #tpu.memory_space<hbm>>) target(%dma_start3A_169 : memref<128x16xf32, #tpu.memory_space<vmem>>) offsets(%dma_start3A_172 : memref<128xi32, #tpu.memory_space<vmem>>) semaphore(%arg15 : memref<!tpu.dma_semaphore, #tpu.memory_space<semaphore_mem>>)
      %dma_start3A_180 = arith.constant 2 : i32
      %dma_start3A_181 = arith.constant 2 : i32
      %dma_start3A_182 = arith.constant 0 : i32
      %dma_start3A_183 = arith.constant 0 : i32
      %dma_start3A_184 = tpu.memref_slice %arg9[%dma_start3A_181, %dma_start3A_182, %dma_start3A_183] : memref<4x128x16xf32, #tpu.memory_space<vmem>> -> memref<1x128x16xf32, #tpu.memory_space<vmem>>
      %dma_start3A_185 = tpu.memref_squeeze %dma_start3A_184 : memref<1x128x16xf32, #tpu.memory_space<vmem>> -> memref<128x16xf32, #tpu.memory_space<vmem>>
      %dma_start3A_186 = arith.constant 0 : i32
      %dma_start3A_187 = tpu.memref_slice %arg11[%dma_start3A_180, %dma_start3A_186] : memref<4x128xi32, #tpu.memory_space<vmem>> -> memref<1x128xi32, #tpu.memory_space<vmem>>
      %dma_start3A_188 = tpu.memref_squeeze %dma_start3A_187 : memref<1x128xi32, #tpu.memory_space<vmem>> -> memref<128xi32, #tpu.memory_space<vmem>>
      %dma_start3A_189 = arith.constant 0 : i32
      %dma_start3A_190 = arith.constant 0 : i32
      %dma_start3A_191 = tpu.memref_slice %arg2[%arg0, %dma_start3A_189, %dma_start3A_190] : memref<2x102400x16xf32, #tpu.memory_space<hbm>> -> memref<1x102400x16xf32, #tpu.memory_space<hbm>>
      %dma_start3A_192 = tpu.memref_squeeze %dma_start3A_191 : memref<1x102400x16xf32, #tpu.memory_space<hbm>> -> memref<102400x16xf32, #tpu.memory_space<hbm>>
      %dma_start3A_193 = arith.constant 0 : i32
      %dma_start3A_194 = arith.constant 0 : i32
      %dma_start3A_195 = tpu.memref_slice %dma_start3A_192[%dma_start3A_193, %dma_start3A_194] : memref<102400x16xf32, #tpu.memory_space<hbm>> -> memref<102400x16xf32, #tpu.memory_space<hbm>>
      tpu.enqueue_indirect_dma source(%dma_start3A_195 : memref<102400x16xf32, #tpu.memory_space<hbm>>) target(%dma_start3A_185 : memref<128x16xf32, #tpu.memory_space<vmem>>) offsets(%dma_start3A_188 : memref<128xi32, #tpu.memory_space<vmem>>) semaphore(%arg15 : memref<!tpu.dma_semaphore, #tpu.memory_space<semaphore_mem>>)
      %dma_start3A_196 = arith.constant 3 : i32
      %dma_start3A_197 = arith.constant 3 : i32
      %dma_start3A_198 = arith.constant 0 : i32
      %dma_start3A_199 = arith.constant 0 : i32
      %dma_start3A_200 = tpu.memref_slice %arg9[%dma_start3A_197, %dma_start3A_198, %dma_start3A_199] : memref<4x128x16xf32, #tpu.memory_space<vmem>> -> memref<1x128x16xf32, #tpu.memory_space<vmem>>
      %dma_start3A_201 = tpu.memref_squeeze %dma_start3A_200 : memref<1x128x16xf32, #tpu.memory_space<vmem>> -> memref<128x16xf32, #tpu.memory_space<vmem>>
      %dma_start3A_202 = arith.constant 0 : i32
      %dma_start3A_203 = tpu.memref_slice %arg11[%dma_start3A_196, %dma_start3A_202] : memref<4x128xi32, #tpu.memory_space<vmem>> -> memref<1x128xi32, #tpu.memory_space<vmem>>
      %dma_start3A_204 = tpu.memref_squeeze %dma_start3A_203 : memref<1x128xi32, #tpu.memory_space<vmem>> -> memref<128xi32, #tpu.memory_space<vmem>>
      %dma_start3A_205 = arith.constant 0 : i32
      %dma_start3A_206 = arith.constant 0 : i32
      %dma_start3A_207 = tpu.memref_slice %arg2[%arg0, %dma_start3A_205, %dma_start3A_206] : memref<2x102400x16xf32, #tpu.memory_space<hbm>> -> memref<1x102400x16xf32, #tpu.memory_space<hbm>>
      %dma_start3A_208 = tpu.memref_squeeze %dma_start3A_207 : memref<1x102400x16xf32, #tpu.memory_space<hbm>> -> memref<102400x16xf32, #tpu.memory_space<hbm>>
      %dma_start3A_209 = arith.constant 0 : i32
      %dma_start3A_210 = arith.constant 0 : i32
      %dma_start3A_211 = tpu.memref_slice %dma_start3A_208[%dma_start3A_209, %dma_start3A_210] : memref<102400x16xf32, #tpu.memory_space<hbm>> -> memref<102400x16xf32, #tpu.memory_space<hbm>>
      tpu.enqueue_indirect_dma source(%dma_start3A_211 : memref<102400x16xf32, #tpu.memory_space<hbm>>) target(%dma_start3A_201 : memref<128x16xf32, #tpu.memory_space<vmem>>) offsets(%dma_start3A_204 : memref<128xi32, #tpu.memory_space<vmem>>) semaphore(%arg15 : memref<!tpu.dma_semaphore, #tpu.memory_space<semaphore_mem>>)
      %dma_wait3A_212 = arith.constant 0 : i32
      %dma_wait3A_213 = arith.constant 0 : i32
      %dma_wait3A_214 = arith.constant 0 : i32
      %dma_wait3A_215 = arith.constant 0 : i32
      %dma_wait3A_216 = tpu.memref_slice %arg8[%dma_wait3A_213, %dma_wait3A_214, %dma_wait3A_215] : memref<4x128x16xf32, #tpu.memory_space<vmem>> -> memref<1x128x16xf32, #tpu.memory_space<vmem>>
      %dma_wait3A_217 = tpu.memref_squeeze %dma_wait3A_216 : memref<1x128x16xf32, #tpu.memory_space<vmem>> -> memref<128x16xf32, #tpu.memory_space<vmem>>
      %dma_wait3A_218 = arith.constant 0 : i32
      %dma_wait3A_219 = tpu.memref_slice %arg10[%dma_wait3A_212, %dma_wait3A_218] : memref<4x128xi32, #tpu.memory_space<vmem>> -> memref<1x128xi32, #tpu.memory_space<vmem>>
      %dma_wait3A_220 = tpu.memref_squeeze %dma_wait3A_219 : memref<1x128xi32, #tpu.memory_space<vmem>> -> memref<128xi32, #tpu.memory_space<vmem>>
      %dma_wait3A_221 = arith.constant 0 : i32
      %dma_wait3A_222 = arith.constant 0 : i32
      %dma_wait3A_223 = tpu.memref_slice %arg2[%arg0, %dma_wait3A_221, %dma_wait3A_222] : memref<2x102400x16xf32, #tpu.memory_space<hbm>> -> memref<1x102400x16xf32, #tpu.memory_space<hbm>>
      %dma_wait3A_224 = tpu.memref_squeeze %dma_wait3A_223 : memref<1x102400x16xf32, #tpu.memory_space<hbm>> -> memref<102400x16xf32, #tpu.memory_space<hbm>>
      %dma_wait3A_225 = arith.constant 0 : i32
      %dma_wait3A_226 = arith.constant 0 : i32
      %dma_wait3A_227 = tpu.memref_slice %dma_wait3A_224[%dma_wait3A_225, %dma_wait3A_226] : memref<102400x16xf32, #tpu.memory_space<hbm>> -> memref<102400x16xf32, #tpu.memory_space<hbm>>
      tpu.wait_indirect_dma semaphore(%arg14 : memref<!tpu.dma_semaphore, #tpu.memory_space<semaphore_mem>>) src(%dma_wait3A_227 : memref<102400x16xf32, #tpu.memory_space<hbm>>) dst(%dma_wait3A_217 : memref<128x16xf32, #tpu.memory_space<vmem>>)
      %dma_wait3A_228 = arith.constant 1 : i32
      %dma_wait3A_229 = arith.constant 1 : i32
      %dma_wait3A_230 = arith.constant 0 : i32
      %dma_wait3A_231 = arith.constant 0 : i32
      %dma_wait3A_232 = tpu.memref_slice %arg8[%dma_wait3A_229, %dma_wait3A_230, %dma_wait3A_231] : memref<4x128x16xf32, #tpu.memory_space<vmem>> -> memref<1x128x16xf32, #tpu.memory_space<vmem>>
      %dma_wait3A_233 = tpu.memref_squeeze %dma_wait3A_232 : memref<1x128x16xf32, #tpu.memory_space<vmem>> -> memref<128x16xf32, #tpu.memory_space<vmem>>
      %dma_wait3A_234 = arith.constant 0 : i32
      %dma_wait3A_235 = tpu.memref_slice %arg10[%dma_wait3A_228, %dma_wait3A_234] : memref<4x128xi32, #tpu.memory_space<vmem>> -> memref<1x128xi32, #tpu.memory_space<vmem>>
      %dma_wait3A_236 = tpu.memref_squeeze %dma_wait3A_235 : memref<1x128xi32, #tpu.memory_space<vmem>> -> memref<128xi32, #tpu.memory_space<vmem>>
      %dma_wait3A_237 = arith.constant 0 : i32
      %dma_wait3A_238 = arith.constant 0 : i32
      %dma_wait3A_239 = tpu.memref_slice %arg2[%arg0, %dma_wait3A_237, %dma_wait3A_238] : memref<2x102400x16xf32, #tpu.memory_space<hbm>> -> memref<1x102400x16xf32, #tpu.memory_space<hbm>>
      %dma_wait3A_240 = tpu.memref_squeeze %dma_wait3A_239 : memref<1x102400x16xf32, #tpu.memory_space<hbm>> -> memref<102400x16xf32, #tpu.memory_space<hbm>>
      %dma_wait3A_241 = arith.constant 0 : i32
      %dma_wait3A_242 = arith.constant 0 : i32
      %dma_wait3A_243 = tpu.memref_slice %dma_wait3A_240[%dma_wait3A_241, %dma_wait3A_242] : memref<102400x16xf32, #tpu.memory_space<hbm>> -> memref<102400x16xf32, #tpu.memory_space<hbm>>
      tpu.wait_indirect_dma semaphore(%arg14 : memref<!tpu.dma_semaphore, #tpu.memory_space<semaphore_mem>>) src(%dma_wait3A_243 : memref<102400x16xf32, #tpu.memory_space<hbm>>) dst(%dma_wait3A_233 : memref<128x16xf32, #tpu.memory_space<vmem>>)
      %dma_wait3A_244 = arith.constant 2 : i32
      %dma_wait3A_245 = arith.constant 2 : i32
      %dma_wait3A_246 = arith.constant 0 : i32
      %dma_wait3A_247 = arith.constant 0 : i32
      %dma_wait3A_248 = tpu.memref_slice %arg8[%dma_wait3A_245, %dma_wait3A_246, %dma_wait3A_247] : memref<4x128x16xf32, #tpu.memory_space<vmem>> -> memref<1x128x16xf32, #tpu.memory_space<vmem>>
      %dma_wait3A_249 = tpu.memref_squeeze %dma_wait3A_248 : memref<1x128x16xf32, #tpu.memory_space<vmem>> -> memref<128x16xf32, #tpu.memory_space<vmem>>
      %dma_wait3A_250 = arith.constant 0 : i32
      %dma_wait3A_251 = tpu.memref_slice %arg10[%dma_wait3A_244, %dma_wait3A_250] : memref<4x128xi32, #tpu.memory_space<vmem>> -> memref<1x128xi32, #tpu.memory_space<vmem>>
      %dma_wait3A_252 = tpu.memref_squeeze %dma_wait3A_251 : memref<1x128xi32, #tpu.memory_space<vmem>> -> memref<128xi32, #tpu.memory_space<vmem>>
      %dma_wait3A_253 = arith.constant 0 : i32
      %dma_wait3A_254 = arith.constant 0 : i32
      %dma_wait3A_255 = tpu.memref_slice %arg2[%arg0, %dma_wait3A_253, %dma_wait3A_254] : memref<2x102400x16xf32, #tpu.memory_space<hbm>> -> memref<1x102400x16xf32, #tpu.memory_space<hbm>>
      %dma_wait3A_256 = tpu.memref_squeeze %dma_wait3A_255 : memref<1x102400x16xf32, #tpu.memory_space<hbm>> -> memref<102400x16xf32, #tpu.memory_space<hbm>>
      %dma_wait3A_257 = arith.constant 0 : i32
      %dma_wait3A_258 = arith.constant 0 : i32
      %dma_wait3A_259 = tpu.memref_slice %dma_wait3A_256[%dma_wait3A_257, %dma_wait3A_258] : memref<102400x16xf32, #tpu.memory_space<hbm>> -> memref<102400x16xf32, #tpu.memory_space<hbm>>
      tpu.wait_indirect_dma semaphore(%arg14 : memref<!tpu.dma_semaphore, #tpu.memory_space<semaphore_mem>>) src(%dma_wait3A_259 : memref<102400x16xf32, #tpu.memory_space<hbm>>) dst(%dma_wait3A_249 : memref<128x16xf32, #tpu.memory_space<vmem>>)
      %dma_wait3A_260 = arith.constant 3 : i32
      %dma_wait3A_261 = arith.constant 3 : i32
      %dma_wait3A_262 = arith.constant 0 : i32
      %dma_wait3A_263 = arith.constant 0 : i32
      %dma_wait3A_264 = tpu.memref_slice %arg8[%dma_wait3A_261, %dma_wait3A_262, %dma_wait3A_263] : memref<4x128x16xf32, #tpu.memory_space<vmem>> -> memref<1x128x16xf32, #tpu.memory_space<vmem>>
      %dma_wait3A_265 = tpu.memref_squeeze %dma_wait3A_264 : memref<1x128x16xf32, #tpu.memory_space<vmem>> -> memref<128x16xf32, #tpu.memory_space<vmem>>
      %dma_wait3A_266 = arith.constant 0 : i32
      %dma_wait3A_267 = tpu.memref_slice %arg10[%dma_wait3A_260, %dma_wait3A_266] : memref<4x128xi32, #tpu.memory_space<vmem>> -> memref<1x128xi32, #tpu.memory_space<vmem>>
      %dma_wait3A_268 = tpu.memref_squeeze %dma_wait3A_267 : memref<1x128xi32, #tpu.memory_space<vmem>> -> memref<128xi32, #tpu.memory_space<vmem>>
      %dma_wait3A_269 = arith.constant 0 : i32
      %dma_wait3A_270 = arith.constant 0 : i32
      %dma_wait3A_271 = tpu.memref_slice %arg2[%arg0, %dma_wait3A_269, %dma_wait3A_270] : memref<2x102400x16xf32, #tpu.memory_space<hbm>> -> memref<1x102400x16xf32, #tpu.memory_space<hbm>>
      %dma_wait3A_272 = tpu.memref_squeeze %dma_wait3A_271 : memref<1x102400x16xf32, #tpu.memory_space<hbm>> -> memref<102400x16xf32, #tpu.memory_space<hbm>>
      %dma_wait3A_273 = arith.constant 0 : i32
      %dma_wait3A_274 = arith.constant 0 : i32
      %dma_wait3A_275 = tpu.memref_slice %dma_wait3A_272[%dma_wait3A_273, %dma_wait3A_274] : memref<102400x16xf32, #tpu.memory_space<hbm>> -> memref<102400x16xf32, #tpu.memory_space<hbm>>
      tpu.wait_indirect_dma semaphore(%arg14 : memref<!tpu.dma_semaphore, #tpu.memory_space<semaphore_mem>>) src(%dma_wait3A_275 : memref<102400x16xf32, #tpu.memory_space<hbm>>) dst(%dma_wait3A_265 : memref<128x16xf32, #tpu.memory_space<vmem>>)
      %dma_start3A_276 = arith.constant 0 : i32
      %dma_start3A_277 = arith.constant 0 : i32
      %dma_start3A_278 = arith.constant 0 : i32
      %dma_start3A_279 = arith.constant 0 : i32
      %dma_start3A_280 = tpu.memref_slice %arg8[%dma_start3A_276, %dma_start3A_278, %dma_start3A_279] : memref<4x128x16xf32, #tpu.memory_space<vmem>> -> memref<1x128x16xf32, #tpu.memory_space<vmem>>
      %dma_start3A_281 = tpu.memref_squeeze %dma_start3A_280 : memref<1x128x16xf32, #tpu.memory_space<vmem>> -> memref<128x16xf32, #tpu.memory_space<vmem>>
      %dma_start3A_282 = arith.constant 0 : i32
      %dma_start3A_283 = tpu.memref_slice %arg12[%dma_start3A_277, %dma_start3A_282] : memref<4x128xi32, #tpu.memory_space<vmem>> -> memref<1x128xi32, #tpu.memory_space<vmem>>
      %dma_start3A_284 = tpu.memref_squeeze %dma_start3A_283 : memref<1x128xi32, #tpu.memory_space<vmem>> -> memref<128xi32, #tpu.memory_space<vmem>>
      %dma_start3A_285 = arith.constant 0 : i32
      %dma_start3A_286 = arith.constant 0 : i32
      %dma_start3A_287 = tpu.memref_slice %arg7[%dma_start3A_285, %dma_start3A_286] : memref<102400x16xf32, #tpu.memory_space<vmem_shared>> -> memref<102400x16xf32, #tpu.memory_space<vmem_shared>>
      tpu.enqueue_indirect_dma source(%dma_start3A_281 : memref<128x16xf32, #tpu.memory_space<vmem>>) target(%dma_start3A_287 : memref<102400x16xf32, #tpu.memory_space<vmem_shared>>) offsets(%dma_start3A_284 : memref<128xi32, #tpu.memory_space<vmem>>) semaphore(%arg16 : memref<!tpu.dma_semaphore, #tpu.memory_space<semaphore_mem>>) {add = true}
      %dma_start3A_288 = arith.constant 1 : i32
      %dma_start3A_289 = arith.constant 1 : i32
      %dma_start3A_290 = arith.constant 0 : i32
      %dma_start3A_291 = arith.constant 0 : i32
      %dma_start3A_292 = tpu.memref_slice %arg8[%dma_start3A_288, %dma_start3A_290, %dma_start3A_291] : memref<4x128x16xf32, #tpu.memory_space<vmem>> -> memref<1x128x16xf32, #tpu.memory_space<vmem>>
      %dma_start3A_293 = tpu.memref_squeeze %dma_start3A_292 : memref<1x128x16xf32, #tpu.memory_space<vmem>> -> memref<128x16xf32, #tpu.memory_space<vmem>>
      %dma_start3A_294 = arith.constant 0 : i32
      %dma_start3A_295 = tpu.memref_slice %arg12[%dma_start3A_289, %dma_start3A_294] : memref<4x128xi32, #tpu.memory_space<vmem>> -> memref<1x128xi32, #tpu.memory_space<vmem>>
      %dma_start3A_296 = tpu.memref_squeeze %dma_start3A_295 : memref<1x128xi32, #tpu.memory_space<vmem>> -> memref<128xi32, #tpu.memory_space<vmem>>
      %dma_start3A_297 = arith.constant 0 : i32
      %dma_start3A_298 = arith.constant 0 : i32
      %dma_start3A_299 = tpu.memref_slice %arg7[%dma_start3A_297, %dma_start3A_298] : memref<102400x16xf32, #tpu.memory_space<vmem_shared>> -> memref<102400x16xf32, #tpu.memory_space<vmem_shared>>
      tpu.enqueue_indirect_dma source(%dma_start3A_293 : memref<128x16xf32, #tpu.memory_space<vmem>>) target(%dma_start3A_299 : memref<102400x16xf32, #tpu.memory_space<vmem_shared>>) offsets(%dma_start3A_296 : memref<128xi32, #tpu.memory_space<vmem>>) semaphore(%arg16 : memref<!tpu.dma_semaphore, #tpu.memory_space<semaphore_mem>>) {add = true}
      %dma_start3A_300 = arith.constant 2 : i32
      %dma_start3A_301 = arith.constant 2 : i32
      %dma_start3A_302 = arith.constant 0 : i32
      %dma_start3A_303 = arith.constant 0 : i32
      %dma_start3A_304 = tpu.memref_slice %arg8[%dma_start3A_300, %dma_start3A_302, %dma_start3A_303] : memref<4x128x16xf32, #tpu.memory_space<vmem>> -> memref<1x128x16xf32, #tpu.memory_space<vmem>>
      %dma_start3A_305 = tpu.memref_squeeze %dma_start3A_304 : memref<1x128x16xf32, #tpu.memory_space<vmem>> -> memref<128x16xf32, #tpu.memory_space<vmem>>
      %dma_start3A_306 = arith.constant 0 : i32
      %dma_start3A_307 = tpu.memref_slice %arg12[%dma_start3A_301, %dma_start3A_306] : memref<4x128xi32, #tpu.memory_space<vmem>> -> memref<1x128xi32, #tpu.memory_space<vmem>>
      %dma_start3A_308 = tpu.memref_squeeze %dma_start3A_307 : memref<1x128xi32, #tpu.memory_space<vmem>> -> memref<128xi32, #tpu.memory_space<vmem>>
      %dma_start3A_309 = arith.constant 0 : i32
      %dma_start3A_310 = arith.constant 0 : i32
      %dma_start3A_311 = tpu.memref_slice %arg7[%dma_start3A_309, %dma_start3A_310] : memref<102400x16xf32, #tpu.memory_space<vmem_shared>> -> memref<102400x16xf32, #tpu.memory_space<vmem_shared>>
      tpu.enqueue_indirect_dma source(%dma_start3A_305 : memref<128x16xf32, #tpu.memory_space<vmem>>) target(%dma_start3A_311 : memref<102400x16xf32, #tpu.memory_space<vmem_shared>>) offsets(%dma_start3A_308 : memref<128xi32, #tpu.memory_space<vmem>>) semaphore(%arg16 : memref<!tpu.dma_semaphore, #tpu.memory_space<semaphore_mem>>) {add = true}
      %dma_start3A_312 = arith.constant 3 : i32
      %dma_start3A_313 = arith.constant 3 : i32
      %dma_start3A_314 = arith.constant 0 : i32
      %dma_start3A_315 = arith.constant 0 : i32
      %dma_start3A_316 = tpu.memref_slice %arg8[%dma_start3A_312, %dma_start3A_314, %dma_start3A_315] : memref<4x128x16xf32, #tpu.memory_space<vmem>> -> memref<1x128x16xf32, #tpu.memory_space<vmem>>
      %dma_start3A_317 = tpu.memref_squeeze %dma_start3A_316 : memref<1x128x16xf32, #tpu.memory_space<vmem>> -> memref<128x16xf32, #tpu.memory_space<vmem>>
      %dma_start3A_318 = arith.constant 0 : i32
      %dma_start3A_319 = tpu.memref_slice %arg12[%dma_start3A_313, %dma_start3A_318] : memref<4x128xi32, #tpu.memory_space<vmem>> -> memref<1x128xi32, #tpu.memory_space<vmem>>
      %dma_start3A_320 = tpu.memref_squeeze %dma_start3A_319 : memref<1x128xi32, #tpu.memory_space<vmem>> -> memref<128xi32, #tpu.memory_space<vmem>>
      %dma_start3A_321 = arith.constant 0 : i32
      %dma_start3A_322 = arith.constant 0 : i32
      %dma_start3A_323 = tpu.memref_slice %arg7[%dma_start3A_321, %dma_start3A_322] : memref<102400x16xf32, #tpu.memory_space<vmem_shared>> -> memref<102400x16xf32, #tpu.memory_space<vmem_shared>>
      tpu.enqueue_indirect_dma source(%dma_start3A_317 : memref<128x16xf32, #tpu.memory_space<vmem>>) target(%dma_start3A_323 : memref<102400x16xf32, #tpu.memory_space<vmem_shared>>) offsets(%dma_start3A_320 : memref<128xi32, #tpu.memory_space<vmem>>) semaphore(%arg16 : memref<!tpu.dma_semaphore, #tpu.memory_space<semaphore_mem>>) {add = true}
      %dma_wait3A_324 = arith.constant 0 : i32
      %dma_wait3A_325 = arith.constant 0 : i32
      %dma_wait3A_326 = arith.constant 0 : i32
      %dma_wait3A_327 = arith.constant 0 : i32
      %dma_wait3A_328 = tpu.memref_slice %arg8[%dma_wait3A_324, %dma_wait3A_326, %dma_wait3A_327] : memref<4x128x16xf32, #tpu.memory_space<vmem>> -> memref<1x128x16xf32, #tpu.memory_space<vmem>>
      %dma_wait3A_329 = tpu.memref_squeeze %dma_wait3A_328 : memref<1x128x16xf32, #tpu.memory_space<vmem>> -> memref<128x16xf32, #tpu.memory_space<vmem>>
      %dma_wait3A_330 = arith.constant 0 : i32
      %dma_wait3A_331 = tpu.memref_slice %arg12[%dma_wait3A_325, %dma_wait3A_330] : memref<4x128xi32, #tpu.memory_space<vmem>> -> memref<1x128xi32, #tpu.memory_space<vmem>>
      %dma_wait3A_332 = tpu.memref_squeeze %dma_wait3A_331 : memref<1x128xi32, #tpu.memory_space<vmem>> -> memref<128xi32, #tpu.memory_space<vmem>>
      %dma_wait3A_333 = arith.constant 0 : i32
      %dma_wait3A_334 = arith.constant 0 : i32
      %dma_wait3A_335 = tpu.memref_slice %arg7[%dma_wait3A_333, %dma_wait3A_334] : memref<102400x16xf32, #tpu.memory_space<vmem_shared>> -> memref<102400x16xf32, #tpu.memory_space<vmem_shared>>
      tpu.wait_indirect_dma semaphore(%arg16 : memref<!tpu.dma_semaphore, #tpu.memory_space<semaphore_mem>>) src(%dma_wait3A_329 : memref<128x16xf32, #tpu.memory_space<vmem>>) dst(%dma_wait3A_335 : memref<102400x16xf32, #tpu.memory_space<vmem_shared>>)
      %dma_wait3A_336 = arith.constant 1 : i32
      %dma_wait3A_337 = arith.constant 1 : i32
      %dma_wait3A_338 = arith.constant 0 : i32
      %dma_wait3A_339 = arith.constant 0 : i32
      %dma_wait3A_340 = tpu.memref_slice %arg8[%dma_wait3A_336, %dma_wait3A_338, %dma_wait3A_339] : memref<4x128x16xf32, #tpu.memory_space<vmem>> -> memref<1x128x16xf32, #tpu.memory_space<vmem>>
      %dma_wait3A_341 = tpu.memref_squeeze %dma_wait3A_340 : memref<1x128x16xf32, #tpu.memory_space<vmem>> -> memref<128x16xf32, #tpu.memory_space<vmem>>
      %dma_wait3A_342 = arith.constant 0 : i32
      %dma_wait3A_343 = tpu.memref_slice %arg12[%dma_wait3A_337, %dma_wait3A_342] : memref<4x128xi32, #tpu.memory_space<vmem>> -> memref<1x128xi32, #tpu.memory_space<vmem>>
      %dma_wait3A_344 = tpu.memref_squeeze %dma_wait3A_343 : memref<1x128xi32, #tpu.memory_space<vmem>> -> memref<128xi32, #tpu.memory_space<vmem>>
      %dma_wait3A_345 = arith.constant 0 : i32
      %dma_wait3A_346 = arith.constant 0 : i32
      %dma_wait3A_347 = tpu.memref_slice %arg7[%dma_wait3A_345, %dma_wait3A_346] : memref<102400x16xf32, #tpu.memory_space<vmem_shared>> -> memref<102400x16xf32, #tpu.memory_space<vmem_shared>>
      tpu.wait_indirect_dma semaphore(%arg16 : memref<!tpu.dma_semaphore, #tpu.memory_space<semaphore_mem>>) src(%dma_wait3A_341 : memref<128x16xf32, #tpu.memory_space<vmem>>) dst(%dma_wait3A_347 : memref<102400x16xf32, #tpu.memory_space<vmem_shared>>)
      %dma_wait3A_348 = arith.constant 2 : i32
      %dma_wait3A_349 = arith.constant 2 : i32
      %dma_wait3A_350 = arith.constant 0 : i32
      %dma_wait3A_351 = arith.constant 0 : i32
      %dma_wait3A_352 = tpu.memref_slice %arg8[%dma_wait3A_348, %dma_wait3A_350, %dma_wait3A_351] : memref<4x128x16xf32, #tpu.memory_space<vmem>> -> memref<1x128x16xf32, #tpu.memory_space<vmem>>
      %dma_wait3A_353 = tpu.memref_squeeze %dma_wait3A_352 : memref<1x128x16xf32, #tpu.memory_space<vmem>> -> memref<128x16xf32, #tpu.memory_space<vmem>>
      %dma_wait3A_354 = arith.constant 0 : i32
      %dma_wait3A_355 = tpu.memref_slice %arg12[%dma_wait3A_349, %dma_wait3A_354] : memref<4x128xi32, #tpu.memory_space<vmem>> -> memref<1x128xi32, #tpu.memory_space<vmem>>
      %dma_wait3A_356 = tpu.memref_squeeze %dma_wait3A_355 : memref<1x128xi32, #tpu.memory_space<vmem>> -> memref<128xi32, #tpu.memory_space<vmem>>
      %dma_wait3A_357 = arith.constant 0 : i32
      %dma_wait3A_358 = arith.constant 0 : i32
      %dma_wait3A_359 = tpu.memref_slice %arg7[%dma_wait3A_357, %dma_wait3A_358] : memref<102400x16xf32, #tpu.memory_space<vmem_shared>> -> memref<102400x16xf32, #tpu.memory_space<vmem_shared>>
      tpu.wait_indirect_dma semaphore(%arg16 : memref<!tpu.dma_semaphore, #tpu.memory_space<semaphore_mem>>) src(%dma_wait3A_353 : memref<128x16xf32, #tpu.memory_space<vmem>>) dst(%dma_wait3A_359 : memref<102400x16xf32, #tpu.memory_space<vmem_shared>>)
      %dma_wait3A_360 = arith.constant 3 : i32
      %dma_wait3A_361 = arith.constant 3 : i32
      %dma_wait3A_362 = arith.constant 0 : i32
      %dma_wait3A_363 = arith.constant 0 : i32
      %dma_wait3A_364 = tpu.memref_slice %arg8[%dma_wait3A_360, %dma_wait3A_362, %dma_wait3A_363] : memref<4x128x16xf32, #tpu.memory_space<vmem>> -> memref<1x128x16xf32, #tpu.memory_space<vmem>>
      %dma_wait3A_365 = tpu.memref_squeeze %dma_wait3A_364 : memref<1x128x16xf32, #tpu.memory_space<vmem>> -> memref<128x16xf32, #tpu.memory_space<vmem>>
      %dma_wait3A_366 = arith.constant 0 : i32
      %dma_wait3A_367 = tpu.memref_slice %arg12[%dma_wait3A_361, %dma_wait3A_366] : memref<4x128xi32, #tpu.memory_space<vmem>> -> memref<1x128xi32, #tpu.memory_space<vmem>>
      %dma_wait3A_368 = tpu.memref_squeeze %dma_wait3A_367 : memref<1x128xi32, #tpu.memory_space<vmem>> -> memref<128xi32, #tpu.memory_space<vmem>>
      %dma_wait3A_369 = arith.constant 0 : i32
      %dma_wait3A_370 = arith.constant 0 : i32
      %dma_wait3A_371 = tpu.memref_slice %arg7[%dma_wait3A_369, %dma_wait3A_370] : memref<102400x16xf32, #tpu.memory_space<vmem_shared>> -> memref<102400x16xf32, #tpu.memory_space<vmem_shared>>
      tpu.wait_indirect_dma semaphore(%arg16 : memref<!tpu.dma_semaphore, #tpu.memory_space<semaphore_mem>>) src(%dma_wait3A_365 : memref<128x16xf32, #tpu.memory_space<vmem>>) dst(%dma_wait3A_371 : memref<102400x16xf32, #tpu.memory_space<vmem_shared>>)
      %mul3A_372 = arith.constant 784 : i32
      %mul3A_373 = arith.muli %arg1, %mul3A_372 : i32
      %mul3A_374 = arith.constant 2 : i32
      %mul3A_375 = arith.muli %mul3A_374, %scan3A_139 : i32
      %add3A_376 = arith.constant 2 : i32
      %add3A_377 = arith.addi %mul3A_375, %add3A_376 : i32
      %mul3A_378 = arith.constant 4 : i32
      %mul3A_379 = arith.muli %add3A_377, %mul3A_378 : i32
      %add3A_380 = arith.addi %mul3A_373, %mul3A_379 : i32
      %min3A = arith.constant 12540 : i32
      %min3A_381 = arith.minsi %add3A_380, %min3A : i32
      "tpu.region"() ({
        %run_scoped3A = tpu.sem_alloc : memref<!tpu.dma_semaphore, #tpu.memory_space<semaphore_mem>>
        %dma_start3A_606 = arith.constant 0 : i32
        %dma_start3A_607 = tpu.memref_slice %arg3[%min3A_381, %dma_start3A_606] : memref<12544x128xi32, #tpu.memory_space<hbm>> -> memref<4x128xi32, #tpu.memory_space<hbm>>
        %dma_start3A_608 = arith.constant 0 : i32
        %dma_start3A_609 = tpu.memref_slice %arg3[%min3A_381, %dma_start3A_608] : memref<12544x128xi32, #tpu.memory_space<hbm>> -> memref<4x128xi32, #tpu.memory_space<hbm>>
        tpu.enqueue_dma source(%dma_start3A_609 : memref<4x128xi32, #tpu.memory_space<hbm>>) target(%arg10 : memref<4x128xi32, #tpu.memory_space<vmem>>) target_semaphore(%run_scoped3A : memref<!tpu.dma_semaphore, #tpu.memory_space<semaphore_mem>>)
        %dma_wait3A_610 = arith.constant 0 : i32
        %dma_wait3A_611 = tpu.memref_slice %arg3[%min3A_381, %dma_wait3A_610] : memref<12544x128xi32, #tpu.memory_space<hbm>> -> memref<4x128xi32, #tpu.memory_space<hbm>>
        %dma_wait3A_612 = arith.constant 0 : i32
        %dma_wait3A_613 = tpu.memref_slice %arg3[%min3A_381, %dma_wait3A_612] : memref<12544x128xi32, #tpu.memory_space<hbm>> -> memref<4x128xi32, #tpu.memory_space<hbm>>
        tpu.wait_dma2 semaphore(%run_scoped3A : memref<!tpu.dma_semaphore, #tpu.memory_space<semaphore_mem>>) src(%dma_wait3A_613 : memref<4x128xi32, #tpu.memory_space<hbm>>) dst(%arg10 : memref<4x128xi32, #tpu.memory_space<vmem>>)
        tpu.yield
      }) : () -> ()
      "tpu.region"() ({
        %run_scoped3A = tpu.sem_alloc : memref<!tpu.dma_semaphore, #tpu.memory_space<semaphore_mem>>
        %dma_start3A_606 = arith.constant 0 : i32
        %dma_start3A_607 = tpu.memref_slice %arg4[%min3A_381, %dma_start3A_606] : memref<12544x128xi32, #tpu.memory_space<hbm>> -> memref<4x128xi32, #tpu.memory_space<hbm>>
        %dma_start3A_608 = arith.constant 0 : i32
        %dma_start3A_609 = tpu.memref_slice %arg4[%min3A_381, %dma_start3A_608] : memref<12544x128xi32, #tpu.memory_space<hbm>> -> memref<4x128xi32, #tpu.memory_space<hbm>>
        tpu.enqueue_dma source(%dma_start3A_609 : memref<4x128xi32, #tpu.memory_space<hbm>>) target(%arg12 : memref<4x128xi32, #tpu.memory_space<vmem>>) target_semaphore(%run_scoped3A : memref<!tpu.dma_semaphore, #tpu.memory_space<semaphore_mem>>)
        %dma_wait3A_610 = arith.constant 0 : i32
        %dma_wait3A_611 = tpu.memref_slice %arg4[%min3A_381, %dma_wait3A_610] : memref<12544x128xi32, #tpu.memory_space<hbm>> -> memref<4x128xi32, #tpu.memory_space<hbm>>
        %dma_wait3A_612 = arith.constant 0 : i32
        %dma_wait3A_613 = tpu.memref_slice %arg4[%min3A_381, %dma_wait3A_612] : memref<12544x128xi32, #tpu.memory_space<hbm>> -> memref<4x128xi32, #tpu.memory_space<hbm>>
        tpu.wait_dma2 semaphore(%run_scoped3A : memref<!tpu.dma_semaphore, #tpu.memory_space<semaphore_mem>>) src(%dma_wait3A_613 : memref<4x128xi32, #tpu.memory_space<hbm>>) dst(%arg12 : memref<4x128xi32, #tpu.memory_space<vmem>>)
        tpu.yield
      }) : () -> ()
      %dma_start3A_382 = arith.constant 0 : i32
      %dma_start3A_383 = arith.constant 0 : i32
      %dma_start3A_384 = arith.constant 0 : i32
      %dma_start3A_385 = arith.constant 0 : i32
      %dma_start3A_386 = tpu.memref_slice %arg8[%dma_start3A_383, %dma_start3A_384, %dma_start3A_385] : memref<4x128x16xf32, #tpu.memory_space<vmem>> -> memref<1x128x16xf32, #tpu.memory_space<vmem>>
      %dma_start3A_387 = tpu.memref_squeeze %dma_start3A_386 : memref<1x128x16xf32, #tpu.memory_space<vmem>> -> memref<128x16xf32, #tpu.memory_space<vmem>>
      %dma_start3A_388 = arith.constant 0 : i32
      %dma_start3A_389 = tpu.memref_slice %arg10[%dma_start3A_382, %dma_start3A_388] : memref<4x128xi32, #tpu.memory_space<vmem>> -> memref<1x128xi32, #tpu.memory_space<vmem>>
      %dma_start3A_390 = tpu.memref_squeeze %dma_start3A_389 : memref<1x128xi32, #tpu.memory_space<vmem>> -> memref<128xi32, #tpu.memory_space<vmem>>
      %dma_start3A_391 = arith.constant 0 : i32
      %dma_start3A_392 = arith.constant 0 : i32
      %dma_start3A_393 = tpu.memref_slice %arg2[%arg0, %dma_start3A_391, %dma_start3A_392] : memref<2x102400x16xf32, #tpu.memory_space<hbm>> -> memref<1x102400x16xf32, #tpu.memory_space<hbm>>
      %dma_start3A_394 = tpu.memref_squeeze %dma_start3A_393 : memref<1x102400x16xf32, #tpu.memory_space<hbm>> -> memref<102400x16xf32, #tpu.memory_space<hbm>>
      %dma_start3A_395 = arith.constant 0 : i32
      %dma_start3A_396 = arith.constant 0 : i32
      %dma_start3A_397 = tpu.memref_slice %dma_start3A_394[%dma_start3A_395, %dma_start3A_396] : memref<102400x16xf32, #tpu.memory_space<hbm>> -> memref<102400x16xf32, #tpu.memory_space<hbm>>
      tpu.enqueue_indirect_dma source(%dma_start3A_397 : memref<102400x16xf32, #tpu.memory_space<hbm>>) target(%dma_start3A_387 : memref<128x16xf32, #tpu.memory_space<vmem>>) offsets(%dma_start3A_390 : memref<128xi32, #tpu.memory_space<vmem>>) semaphore(%arg14 : memref<!tpu.dma_semaphore, #tpu.memory_space<semaphore_mem>>)
      %dma_start3A_398 = arith.constant 1 : i32
      %dma_start3A_399 = arith.constant 1 : i32
      %dma_start3A_400 = arith.constant 0 : i32
      %dma_start3A_401 = arith.constant 0 : i32
      %dma_start3A_402 = tpu.memref_slice %arg8[%dma_start3A_399, %dma_start3A_400, %dma_start3A_401] : memref<4x128x16xf32, #tpu.memory_space<vmem>> -> memref<1x128x16xf32, #tpu.memory_space<vmem>>
      %dma_start3A_403 = tpu.memref_squeeze %dma_start3A_402 : memref<1x128x16xf32, #tpu.memory_space<vmem>> -> memref<128x16xf32, #tpu.memory_space<vmem>>
      %dma_start3A_404 = arith.constant 0 : i32
      %dma_start3A_405 = tpu.memref_slice %arg10[%dma_start3A_398, %dma_start3A_404] : memref<4x128xi32, #tpu.memory_space<vmem>> -> memref<1x128xi32, #tpu.memory_space<vmem>>
      %dma_start3A_406 = tpu.memref_squeeze %dma_start3A_405 : memref<1x128xi32, #tpu.memory_space<vmem>> -> memref<128xi32, #tpu.memory_space<vmem>>
      %dma_start3A_407 = arith.constant 0 : i32
      %dma_start3A_408 = arith.constant 0 : i32
      %dma_start3A_409 = tpu.memref_slice %arg2[%arg0, %dma_start3A_407, %dma_start3A_408] : memref<2x102400x16xf32, #tpu.memory_space<hbm>> -> memref<1x102400x16xf32, #tpu.memory_space<hbm>>
      %dma_start3A_410 = tpu.memref_squeeze %dma_start3A_409 : memref<1x102400x16xf32, #tpu.memory_space<hbm>> -> memref<102400x16xf32, #tpu.memory_space<hbm>>
      %dma_start3A_411 = arith.constant 0 : i32
      %dma_start3A_412 = arith.constant 0 : i32
      %dma_start3A_413 = tpu.memref_slice %dma_start3A_410[%dma_start3A_411, %dma_start3A_412] : memref<102400x16xf32, #tpu.memory_space<hbm>> -> memref<102400x16xf32, #tpu.memory_space<hbm>>
      tpu.enqueue_indirect_dma source(%dma_start3A_413 : memref<102400x16xf32, #tpu.memory_space<hbm>>) target(%dma_start3A_403 : memref<128x16xf32, #tpu.memory_space<vmem>>) offsets(%dma_start3A_406 : memref<128xi32, #tpu.memory_space<vmem>>) semaphore(%arg14 : memref<!tpu.dma_semaphore, #tpu.memory_space<semaphore_mem>>)
      %dma_start3A_414 = arith.constant 2 : i32
      %dma_start3A_415 = arith.constant 2 : i32
      %dma_start3A_416 = arith.constant 0 : i32
      %dma_start3A_417 = arith.constant 0 : i32
      %dma_start3A_418 = tpu.memref_slice %arg8[%dma_start3A_415, %dma_start3A_416, %dma_start3A_417] : memref<4x128x16xf32, #tpu.memory_space<vmem>> -> memref<1x128x16xf32, #tpu.memory_space<vmem>>
      %dma_start3A_419 = tpu.memref_squeeze %dma_start3A_418 : memref<1x128x16xf32, #tpu.memory_space<vmem>> -> memref<128x16xf32, #tpu.memory_space<vmem>>
      %dma_start3A_420 = arith.constant 0 : i32
      %dma_start3A_421 = tpu.memref_slice %arg10[%dma_start3A_414, %dma_start3A_420] : memref<4x128xi32, #tpu.memory_space<vmem>> -> memref<1x128xi32, #tpu.memory_space<vmem>>
      %dma_start3A_422 = tpu.memref_squeeze %dma_start3A_421 : memref<1x128xi32, #tpu.memory_space<vmem>> -> memref<128xi32, #tpu.memory_space<vmem>>
      %dma_start3A_423 = arith.constant 0 : i32
      %dma_start3A_424 = arith.constant 0 : i32
      %dma_start3A_425 = tpu.memref_slice %arg2[%arg0, %dma_start3A_423, %dma_start3A_424] : memref<2x102400x16xf32, #tpu.memory_space<hbm>> -> memref<1x102400x16xf32, #tpu.memory_space<hbm>>
      %dma_start3A_426 = tpu.memref_squeeze %dma_start3A_425 : memref<1x102400x16xf32, #tpu.memory_space<hbm>> -> memref<102400x16xf32, #tpu.memory_space<hbm>>
      %dma_start3A_427 = arith.constant 0 : i32
      %dma_start3A_428 = arith.constant 0 : i32
      %dma_start3A_429 = tpu.memref_slice %dma_start3A_426[%dma_start3A_427, %dma_start3A_428] : memref<102400x16xf32, #tpu.memory_space<hbm>> -> memref<102400x16xf32, #tpu.memory_space<hbm>>
      tpu.enqueue_indirect_dma source(%dma_start3A_429 : memref<102400x16xf32, #tpu.memory_space<hbm>>) target(%dma_start3A_419 : memref<128x16xf32, #tpu.memory_space<vmem>>) offsets(%dma_start3A_422 : memref<128xi32, #tpu.memory_space<vmem>>) semaphore(%arg14 : memref<!tpu.dma_semaphore, #tpu.memory_space<semaphore_mem>>)
      %dma_start3A_430 = arith.constant 3 : i32
      %dma_start3A_431 = arith.constant 3 : i32
      %dma_start3A_432 = arith.constant 0 : i32
      %dma_start3A_433 = arith.constant 0 : i32
      %dma_start3A_434 = tpu.memref_slice %arg8[%dma_start3A_431, %dma_start3A_432, %dma_start3A_433] : memref<4x128x16xf32, #tpu.memory_space<vmem>> -> memref<1x128x16xf32, #tpu.memory_space<vmem>>
      %dma_start3A_435 = tpu.memref_squeeze %dma_start3A_434 : memref<1x128x16xf32, #tpu.memory_space<vmem>> -> memref<128x16xf32, #tpu.memory_space<vmem>>
      %dma_start3A_436 = arith.constant 0 : i32
      %dma_start3A_437 = tpu.memref_slice %arg10[%dma_start3A_430, %dma_start3A_436] : memref<4x128xi32, #tpu.memory_space<vmem>> -> memref<1x128xi32, #tpu.memory_space<vmem>>
      %dma_start3A_438 = tpu.memref_squeeze %dma_start3A_437 : memref<1x128xi32, #tpu.memory_space<vmem>> -> memref<128xi32, #tpu.memory_space<vmem>>
      %dma_start3A_439 = arith.constant 0 : i32
      %dma_start3A_440 = arith.constant 0 : i32
      %dma_start3A_441 = tpu.memref_slice %arg2[%arg0, %dma_start3A_439, %dma_start3A_440] : memref<2x102400x16xf32, #tpu.memory_space<hbm>> -> memref<1x102400x16xf32, #tpu.memory_space<hbm>>
      %dma_start3A_442 = tpu.memref_squeeze %dma_start3A_441 : memref<1x102400x16xf32, #tpu.memory_space<hbm>> -> memref<102400x16xf32, #tpu.memory_space<hbm>>
      %dma_start3A_443 = arith.constant 0 : i32
      %dma_start3A_444 = arith.constant 0 : i32
      %dma_start3A_445 = tpu.memref_slice %dma_start3A_442[%dma_start3A_443, %dma_start3A_444] : memref<102400x16xf32, #tpu.memory_space<hbm>> -> memref<102400x16xf32, #tpu.memory_space<hbm>>
      tpu.enqueue_indirect_dma source(%dma_start3A_445 : memref<102400x16xf32, #tpu.memory_space<hbm>>) target(%dma_start3A_435 : memref<128x16xf32, #tpu.memory_space<vmem>>) offsets(%dma_start3A_438 : memref<128xi32, #tpu.memory_space<vmem>>) semaphore(%arg14 : memref<!tpu.dma_semaphore, #tpu.memory_space<semaphore_mem>>)
      %dma_wait3A_446 = arith.constant 0 : i32
      %dma_wait3A_447 = arith.constant 0 : i32
      %dma_wait3A_448 = arith.constant 0 : i32
      %dma_wait3A_449 = arith.constant 0 : i32
      %dma_wait3A_450 = tpu.memref_slice %arg9[%dma_wait3A_447, %dma_wait3A_448, %dma_wait3A_449] : memref<4x128x16xf32, #tpu.memory_space<vmem>> -> memref<1x128x16xf32, #tpu.memory_space<vmem>>
      %dma_wait3A_451 = tpu.memref_squeeze %dma_wait3A_450 : memref<1x128x16xf32, #tpu.memory_space<vmem>> -> memref<128x16xf32, #tpu.memory_space<vmem>>
      %dma_wait3A_452 = arith.constant 0 : i32
      %dma_wait3A_453 = tpu.memref_slice %arg11[%dma_wait3A_446, %dma_wait3A_452] : memref<4x128xi32, #tpu.memory_space<vmem>> -> memref<1x128xi32, #tpu.memory_space<vmem>>
      %dma_wait3A_454 = tpu.memref_squeeze %dma_wait3A_453 : memref<1x128xi32, #tpu.memory_space<vmem>> -> memref<128xi32, #tpu.memory_space<vmem>>
      %dma_wait3A_455 = arith.constant 0 : i32
      %dma_wait3A_456 = arith.constant 0 : i32
      %dma_wait3A_457 = tpu.memref_slice %arg2[%arg0, %dma_wait3A_455, %dma_wait3A_456] : memref<2x102400x16xf32, #tpu.memory_space<hbm>> -> memref<1x102400x16xf32, #tpu.memory_space<hbm>>
      %dma_wait3A_458 = tpu.memref_squeeze %dma_wait3A_457 : memref<1x102400x16xf32, #tpu.memory_space<hbm>> -> memref<102400x16xf32, #tpu.memory_space<hbm>>
      %dma_wait3A_459 = arith.constant 0 : i32
      %dma_wait3A_460 = arith.constant 0 : i32
      %dma_wait3A_461 = tpu.memref_slice %dma_wait3A_458[%dma_wait3A_459, %dma_wait3A_460] : memref<102400x16xf32, #tpu.memory_space<hbm>> -> memref<102400x16xf32, #tpu.memory_space<hbm>>
      tpu.wait_indirect_dma semaphore(%arg15 : memref<!tpu.dma_semaphore, #tpu.memory_space<semaphore_mem>>) src(%dma_wait3A_461 : memref<102400x16xf32, #tpu.memory_space<hbm>>) dst(%dma_wait3A_451 : memref<128x16xf32, #tpu.memory_space<vmem>>)
      %dma_wait3A_462 = arith.constant 1 : i32
      %dma_wait3A_463 = arith.constant 1 : i32
      %dma_wait3A_464 = arith.constant 0 : i32
      %dma_wait3A_465 = arith.constant 0 : i32
      %dma_wait3A_466 = tpu.memref_slice %arg9[%dma_wait3A_463, %dma_wait3A_464, %dma_wait3A_465] : memref<4x128x16xf32, #tpu.memory_space<vmem>> -> memref<1x128x16xf32, #tpu.memory_space<vmem>>
      %dma_wait3A_467 = tpu.memref_squeeze %dma_wait3A_466 : memref<1x128x16xf32, #tpu.memory_space<vmem>> -> memref<128x16xf32, #tpu.memory_space<vmem>>
      %dma_wait3A_468 = arith.constant 0 : i32
      %dma_wait3A_469 = tpu.memref_slice %arg11[%dma_wait3A_462, %dma_wait3A_468] : memref<4x128xi32, #tpu.memory_space<vmem>> -> memref<1x128xi32, #tpu.memory_space<vmem>>
      %dma_wait3A_470 = tpu.memref_squeeze %dma_wait3A_469 : memref<1x128xi32, #tpu.memory_space<vmem>> -> memref<128xi32, #tpu.memory_space<vmem>>
      %dma_wait3A_471 = arith.constant 0 : i32
      %dma_wait3A_472 = arith.constant 0 : i32
      %dma_wait3A_473 = tpu.memref_slice %arg2[%arg0, %dma_wait3A_471, %dma_wait3A_472] : memref<2x102400x16xf32, #tpu.memory_space<hbm>> -> memref<1x102400x16xf32, #tpu.memory_space<hbm>>
      %dma_wait3A_474 = tpu.memref_squeeze %dma_wait3A_473 : memref<1x102400x16xf32, #tpu.memory_space<hbm>> -> memref<102400x16xf32, #tpu.memory_space<hbm>>
      %dma_wait3A_475 = arith.constant 0 : i32
      %dma_wait3A_476 = arith.constant 0 : i32
      %dma_wait3A_477 = tpu.memref_slice %dma_wait3A_474[%dma_wait3A_475, %dma_wait3A_476] : memref<102400x16xf32, #tpu.memory_space<hbm>> -> memref<102400x16xf32, #tpu.memory_space<hbm>>
      tpu.wait_indirect_dma semaphore(%arg15 : memref<!tpu.dma_semaphore, #tpu.memory_space<semaphore_mem>>) src(%dma_wait3A_477 : memref<102400x16xf32, #tpu.memory_space<hbm>>) dst(%dma_wait3A_467 : memref<128x16xf32, #tpu.memory_space<vmem>>)
      %dma_wait3A_478 = arith.constant 2 : i32
      %dma_wait3A_479 = arith.constant 2 : i32
      %dma_wait3A_480 = arith.constant 0 : i32
      %dma_wait3A_481 = arith.constant 0 : i32
      %dma_wait3A_482 = tpu.memref_slice %arg9[%dma_wait3A_479, %dma_wait3A_480, %dma_wait3A_481] : memref<4x128x16xf32, #tpu.memory_space<vmem>> -> memref<1x128x16xf32, #tpu.memory_space<vmem>>
      %dma_wait3A_483 = tpu.memref_squeeze %dma_wait3A_482 : memref<1x128x16xf32, #tpu.memory_space<vmem>> -> memref<128x16xf32, #tpu.memory_space<vmem>>
      %dma_wait3A_484 = arith.constant 0 : i32
      %dma_wait3A_485 = tpu.memref_slice %arg11[%dma_wait3A_478, %dma_wait3A_484] : memref<4x128xi32, #tpu.memory_space<vmem>> -> memref<1x128xi32, #tpu.memory_space<vmem>>
      %dma_wait3A_486 = tpu.memref_squeeze %dma_wait3A_485 : memref<1x128xi32, #tpu.memory_space<vmem>> -> memref<128xi32, #tpu.memory_space<vmem>>
      %dma_wait3A_487 = arith.constant 0 : i32
      %dma_wait3A_488 = arith.constant 0 : i32
      %dma_wait3A_489 = tpu.memref_slice %arg2[%arg0, %dma_wait3A_487, %dma_wait3A_488] : memref<2x102400x16xf32, #tpu.memory_space<hbm>> -> memref<1x102400x16xf32, #tpu.memory_space<hbm>>
      %dma_wait3A_490 = tpu.memref_squeeze %dma_wait3A_489 : memref<1x102400x16xf32, #tpu.memory_space<hbm>> -> memref<102400x16xf32, #tpu.memory_space<hbm>>
      %dma_wait3A_491 = arith.constant 0 : i32
      %dma_wait3A_492 = arith.constant 0 : i32
      %dma_wait3A_493 = tpu.memref_slice %dma_wait3A_490[%dma_wait3A_491, %dma_wait3A_492] : memref<102400x16xf32, #tpu.memory_space<hbm>> -> memref<102400x16xf32, #tpu.memory_space<hbm>>
      tpu.wait_indirect_dma semaphore(%arg15 : memref<!tpu.dma_semaphore, #tpu.memory_space<semaphore_mem>>) src(%dma_wait3A_493 : memref<102400x16xf32, #tpu.memory_space<hbm>>) dst(%dma_wait3A_483 : memref<128x16xf32, #tpu.memory_space<vmem>>)
      %dma_wait3A_494 = arith.constant 3 : i32
      %dma_wait3A_495 = arith.constant 3 : i32
      %dma_wait3A_496 = arith.constant 0 : i32
      %dma_wait3A_497 = arith.constant 0 : i32
      %dma_wait3A_498 = tpu.memref_slice %arg9[%dma_wait3A_495, %dma_wait3A_496, %dma_wait3A_497] : memref<4x128x16xf32, #tpu.memory_space<vmem>> -> memref<1x128x16xf32, #tpu.memory_space<vmem>>
      %dma_wait3A_499 = tpu.memref_squeeze %dma_wait3A_498 : memref<1x128x16xf32, #tpu.memory_space<vmem>> -> memref<128x16xf32, #tpu.memory_space<vmem>>
      %dma_wait3A_500 = arith.constant 0 : i32
      %dma_wait3A_501 = tpu.memref_slice %arg11[%dma_wait3A_494, %dma_wait3A_500] : memref<4x128xi32, #tpu.memory_space<vmem>> -> memref<1x128xi32, #tpu.memory_space<vmem>>
      %dma_wait3A_502 = tpu.memref_squeeze %dma_wait3A_501 : memref<1x128xi32, #tpu.memory_space<vmem>> -> memref<128xi32, #tpu.memory_space<vmem>>
      %dma_wait3A_503 = arith.constant 0 : i32
      %dma_wait3A_504 = arith.constant 0 : i32
      %dma_wait3A_505 = tpu.memref_slice %arg2[%arg0, %dma_wait3A_503, %dma_wait3A_504] : memref<2x102400x16xf32, #tpu.memory_space<hbm>> -> memref<1x102400x16xf32, #tpu.memory_space<hbm>>
      %dma_wait3A_506 = tpu.memref_squeeze %dma_wait3A_505 : memref<1x102400x16xf32, #tpu.memory_space<hbm>> -> memref<102400x16xf32, #tpu.memory_space<hbm>>
      %dma_wait3A_507 = arith.constant 0 : i32
      %dma_wait3A_508 = arith.constant 0 : i32
      %dma_wait3A_509 = tpu.memref_slice %dma_wait3A_506[%dma_wait3A_507, %dma_wait3A_508] : memref<102400x16xf32, #tpu.memory_space<hbm>> -> memref<102400x16xf32, #tpu.memory_space<hbm>>
      tpu.wait_indirect_dma semaphore(%arg15 : memref<!tpu.dma_semaphore, #tpu.memory_space<semaphore_mem>>) src(%dma_wait3A_509 : memref<102400x16xf32, #tpu.memory_space<hbm>>) dst(%dma_wait3A_499 : memref<128x16xf32, #tpu.memory_space<vmem>>)
      %dma_start3A_510 = arith.constant 0 : i32
      %dma_start3A_511 = arith.constant 0 : i32
      %dma_start3A_512 = arith.constant 0 : i32
      %dma_start3A_513 = arith.constant 0 : i32
      %dma_start3A_514 = tpu.memref_slice %arg9[%dma_start3A_510, %dma_start3A_512, %dma_start3A_513] : memref<4x128x16xf32, #tpu.memory_space<vmem>> -> memref<1x128x16xf32, #tpu.memory_space<vmem>>
      %dma_start3A_515 = tpu.memref_squeeze %dma_start3A_514 : memref<1x128x16xf32, #tpu.memory_space<vmem>> -> memref<128x16xf32, #tpu.memory_space<vmem>>
      %dma_start3A_516 = arith.constant 0 : i32
      %dma_start3A_517 = tpu.memref_slice %arg13[%dma_start3A_511, %dma_start3A_516] : memref<4x128xi32, #tpu.memory_space<vmem>> -> memref<1x128xi32, #tpu.memory_space<vmem>>
      %dma_start3A_518 = tpu.memref_squeeze %dma_start3A_517 : memref<1x128xi32, #tpu.memory_space<vmem>> -> memref<128xi32, #tpu.memory_space<vmem>>
      %dma_start3A_519 = arith.constant 0 : i32
      %dma_start3A_520 = arith.constant 0 : i32
      %dma_start3A_521 = tpu.memref_slice %arg7[%dma_start3A_519, %dma_start3A_520] : memref<102400x16xf32, #tpu.memory_space<vmem_shared>> -> memref<102400x16xf32, #tpu.memory_space<vmem_shared>>
      tpu.enqueue_indirect_dma source(%dma_start3A_515 : memref<128x16xf32, #tpu.memory_space<vmem>>) target(%dma_start3A_521 : memref<102400x16xf32, #tpu.memory_space<vmem_shared>>) offsets(%dma_start3A_518 : memref<128xi32, #tpu.memory_space<vmem>>) semaphore(%arg17 : memref<!tpu.dma_semaphore, #tpu.memory_space<semaphore_mem>>) {add = true}
      %dma_start3A_522 = arith.constant 1 : i32
      %dma_start3A_523 = arith.constant 1 : i32
      %dma_start3A_524 = arith.constant 0 : i32
      %dma_start3A_525 = arith.constant 0 : i32
      %dma_start3A_526 = tpu.memref_slice %arg9[%dma_start3A_522, %dma_start3A_524, %dma_start3A_525] : memref<4x128x16xf32, #tpu.memory_space<vmem>> -> memref<1x128x16xf32, #tpu.memory_space<vmem>>
      %dma_start3A_527 = tpu.memref_squeeze %dma_start3A_526 : memref<1x128x16xf32, #tpu.memory_space<vmem>> -> memref<128x16xf32, #tpu.memory_space<vmem>>
      %dma_start3A_528 = arith.constant 0 : i32
      %dma_start3A_529 = tpu.memref_slice %arg13[%dma_start3A_523, %dma_start3A_528] : memref<4x128xi32, #tpu.memory_space<vmem>> -> memref<1x128xi32, #tpu.memory_space<vmem>>
      %dma_start3A_530 = tpu.memref_squeeze %dma_start3A_529 : memref<1x128xi32, #tpu.memory_space<vmem>> -> memref<128xi32, #tpu.memory_space<vmem>>
      %dma_start3A_531 = arith.constant 0 : i32
      %dma_start3A_532 = arith.constant 0 : i32
      %dma_start3A_533 = tpu.memref_slice %arg7[%dma_start3A_531, %dma_start3A_532] : memref<102400x16xf32, #tpu.memory_space<vmem_shared>> -> memref<102400x16xf32, #tpu.memory_space<vmem_shared>>
      tpu.enqueue_indirect_dma source(%dma_start3A_527 : memref<128x16xf32, #tpu.memory_space<vmem>>) target(%dma_start3A_533 : memref<102400x16xf32, #tpu.memory_space<vmem_shared>>) offsets(%dma_start3A_530 : memref<128xi32, #tpu.memory_space<vmem>>) semaphore(%arg17 : memref<!tpu.dma_semaphore, #tpu.memory_space<semaphore_mem>>) {add = true}
      %dma_start3A_534 = arith.constant 2 : i32
      %dma_start3A_535 = arith.constant 2 : i32
      %dma_start3A_536 = arith.constant 0 : i32
      %dma_start3A_537 = arith.constant 0 : i32
      %dma_start3A_538 = tpu.memref_slice %arg9[%dma_start3A_534, %dma_start3A_536, %dma_start3A_537] : memref<4x128x16xf32, #tpu.memory_space<vmem>> -> memref<1x128x16xf32, #tpu.memory_space<vmem>>
      %dma_start3A_539 = tpu.memref_squeeze %dma_start3A_538 : memref<1x128x16xf32, #tpu.memory_space<vmem>> -> memref<128x16xf32, #tpu.memory_space<vmem>>
      %dma_start3A_540 = arith.constant 0 : i32
      %dma_start3A_541 = tpu.memref_slice %arg13[%dma_start3A_535, %dma_start3A_540] : memref<4x128xi32, #tpu.memory_space<vmem>> -> memref<1x128xi32, #tpu.memory_space<vmem>>
      %dma_start3A_542 = tpu.memref_squeeze %dma_start3A_541 : memref<1x128xi32, #tpu.memory_space<vmem>> -> memref<128xi32, #tpu.memory_space<vmem>>
      %dma_start3A_543 = arith.constant 0 : i32
      %dma_start3A_544 = arith.constant 0 : i32
      %dma_start3A_545 = tpu.memref_slice %arg7[%dma_start3A_543, %dma_start3A_544] : memref<102400x16xf32, #tpu.memory_space<vmem_shared>> -> memref<102400x16xf32, #tpu.memory_space<vmem_shared>>
      tpu.enqueue_indirect_dma source(%dma_start3A_539 : memref<128x16xf32, #tpu.memory_space<vmem>>) target(%dma_start3A_545 : memref<102400x16xf32, #tpu.memory_space<vmem_shared>>) offsets(%dma_start3A_542 : memref<128xi32, #tpu.memory_space<vmem>>) semaphore(%arg17 : memref<!tpu.dma_semaphore, #tpu.memory_space<semaphore_mem>>) {add = true}
      %dma_start3A_546 = arith.constant 3 : i32
      %dma_start3A_547 = arith.constant 3 : i32
      %dma_start3A_548 = arith.constant 0 : i32
      %dma_start3A_549 = arith.constant 0 : i32
      %dma_start3A_550 = tpu.memref_slice %arg9[%dma_start3A_546, %dma_start3A_548, %dma_start3A_549] : memref<4x128x16xf32, #tpu.memory_space<vmem>> -> memref<1x128x16xf32, #tpu.memory_space<vmem>>
      %dma_start3A_551 = tpu.memref_squeeze %dma_start3A_550 : memref<1x128x16xf32, #tpu.memory_space<vmem>> -> memref<128x16xf32, #tpu.memory_space<vmem>>
      %dma_start3A_552 = arith.constant 0 : i32
      %dma_start3A_553 = tpu.memref_slice %arg13[%dma_start3A_547, %dma_start3A_552] : memref<4x128xi32, #tpu.memory_space<vmem>> -> memref<1x128xi32, #tpu.memory_space<vmem>>
      %dma_start3A_554 = tpu.memref_squeeze %dma_start3A_553 : memref<1x128xi32, #tpu.memory_space<vmem>> -> memref<128xi32, #tpu.memory_space<vmem>>
      %dma_start3A_555 = arith.constant 0 : i32
      %dma_start3A_556 = arith.constant 0 : i32
      %dma_start3A_557 = tpu.memref_slice %arg7[%dma_start3A_555, %dma_start3A_556] : memref<102400x16xf32, #tpu.memory_space<vmem_shared>> -> memref<102400x16xf32, #tpu.memory_space<vmem_shared>>
      tpu.enqueue_indirect_dma source(%dma_start3A_551 : memref<128x16xf32, #tpu.memory_space<vmem>>) target(%dma_start3A_557 : memref<102400x16xf32, #tpu.memory_space<vmem_shared>>) offsets(%dma_start3A_554 : memref<128xi32, #tpu.memory_space<vmem>>) semaphore(%arg17 : memref<!tpu.dma_semaphore, #tpu.memory_space<semaphore_mem>>) {add = true}
      %dma_wait3A_558 = arith.constant 0 : i32
      %dma_wait3A_559 = arith.constant 0 : i32
      %dma_wait3A_560 = arith.constant 0 : i32
      %dma_wait3A_561 = arith.constant 0 : i32
      %dma_wait3A_562 = tpu.memref_slice %arg9[%dma_wait3A_558, %dma_wait3A_560, %dma_wait3A_561] : memref<4x128x16xf32, #tpu.memory_space<vmem>> -> memref<1x128x16xf32, #tpu.memory_space<vmem>>
      %dma_wait3A_563 = tpu.memref_squeeze %dma_wait3A_562 : memref<1x128x16xf32, #tpu.memory_space<vmem>> -> memref<128x16xf32, #tpu.memory_space<vmem>>
      %dma_wait3A_564 = arith.constant 0 : i32
      %dma_wait3A_565 = tpu.memref_slice %arg13[%dma_wait3A_559, %dma_wait3A_564] : memref<4x128xi32, #tpu.memory_space<vmem>> -> memref<1x128xi32, #tpu.memory_space<vmem>>
      %dma_wait3A_566 = tpu.memref_squeeze %dma_wait3A_565 : memref<1x128xi32, #tpu.memory_space<vmem>> -> memref<128xi32, #tpu.memory_space<vmem>>
      %dma_wait3A_567 = arith.constant 0 : i32
      %dma_wait3A_568 = arith.constant 0 : i32
      %dma_wait3A_569 = tpu.memref_slice %arg7[%dma_wait3A_567, %dma_wait3A_568] : memref<102400x16xf32, #tpu.memory_space<vmem_shared>> -> memref<102400x16xf32, #tpu.memory_space<vmem_shared>>
      tpu.wait_indirect_dma semaphore(%arg17 : memref<!tpu.dma_semaphore, #tpu.memory_space<semaphore_mem>>) src(%dma_wait3A_563 : memref<128x16xf32, #tpu.memory_space<vmem>>) dst(%dma_wait3A_569 : memref<102400x16xf32, #tpu.memory_space<vmem_shared>>)
      %dma_wait3A_570 = arith.constant 1 : i32
      %dma_wait3A_571 = arith.constant 1 : i32
      %dma_wait3A_572 = arith.constant 0 : i32
      %dma_wait3A_573 = arith.constant 0 : i32
      %dma_wait3A_574 = tpu.memref_slice %arg9[%dma_wait3A_570, %dma_wait3A_572, %dma_wait3A_573] : memref<4x128x16xf32, #tpu.memory_space<vmem>> -> memref<1x128x16xf32, #tpu.memory_space<vmem>>
      %dma_wait3A_575 = tpu.memref_squeeze %dma_wait3A_574 : memref<1x128x16xf32, #tpu.memory_space<vmem>> -> memref<128x16xf32, #tpu.memory_space<vmem>>
      %dma_wait3A_576 = arith.constant 0 : i32
      %dma_wait3A_577 = tpu.memref_slice %arg13[%dma_wait3A_571, %dma_wait3A_576] : memref<4x128xi32, #tpu.memory_space<vmem>> -> memref<1x128xi32, #tpu.memory_space<vmem>>
      %dma_wait3A_578 = tpu.memref_squeeze %dma_wait3A_577 : memref<1x128xi32, #tpu.memory_space<vmem>> -> memref<128xi32, #tpu.memory_space<vmem>>
      %dma_wait3A_579 = arith.constant 0 : i32
      %dma_wait3A_580 = arith.constant 0 : i32
      %dma_wait3A_581 = tpu.memref_slice %arg7[%dma_wait3A_579, %dma_wait3A_580] : memref<102400x16xf32, #tpu.memory_space<vmem_shared>> -> memref<102400x16xf32, #tpu.memory_space<vmem_shared>>
      tpu.wait_indirect_dma semaphore(%arg17 : memref<!tpu.dma_semaphore, #tpu.memory_space<semaphore_mem>>) src(%dma_wait3A_575 : memref<128x16xf32, #tpu.memory_space<vmem>>) dst(%dma_wait3A_581 : memref<102400x16xf32, #tpu.memory_space<vmem_shared>>)
      %dma_wait3A_582 = arith.constant 2 : i32
      %dma_wait3A_583 = arith.constant 2 : i32
      %dma_wait3A_584 = arith.constant 0 : i32
      %dma_wait3A_585 = arith.constant 0 : i32
      %dma_wait3A_586 = tpu.memref_slice %arg9[%dma_wait3A_582, %dma_wait3A_584, %dma_wait3A_585] : memref<4x128x16xf32, #tpu.memory_space<vmem>> -> memref<1x128x16xf32, #tpu.memory_space<vmem>>
      %dma_wait3A_587 = tpu.memref_squeeze %dma_wait3A_586 : memref<1x128x16xf32, #tpu.memory_space<vmem>> -> memref<128x16xf32, #tpu.memory_space<vmem>>
      %dma_wait3A_588 = arith.constant 0 : i32
      %dma_wait3A_589 = tpu.memref_slice %arg13[%dma_wait3A_583, %dma_wait3A_588] : memref<4x128xi32, #tpu.memory_space<vmem>> -> memref<1x128xi32, #tpu.memory_space<vmem>>
      %dma_wait3A_590 = tpu.memref_squeeze %dma_wait3A_589 : memref<1x128xi32, #tpu.memory_space<vmem>> -> memref<128xi32, #tpu.memory_space<vmem>>
      %dma_wait3A_591 = arith.constant 0 : i32
      %dma_wait3A_592 = arith.constant 0 : i32
      %dma_wait3A_593 = tpu.memref_slice %arg7[%dma_wait3A_591, %dma_wait3A_592] : memref<102400x16xf32, #tpu.memory_space<vmem_shared>> -> memref<102400x16xf32, #tpu.memory_space<vmem_shared>>
      tpu.wait_indirect_dma semaphore(%arg17 : memref<!tpu.dma_semaphore, #tpu.memory_space<semaphore_mem>>) src(%dma_wait3A_587 : memref<128x16xf32, #tpu.memory_space<vmem>>) dst(%dma_wait3A_593 : memref<102400x16xf32, #tpu.memory_space<vmem_shared>>)
      %dma_wait3A_594 = arith.constant 3 : i32
      %dma_wait3A_595 = arith.constant 3 : i32
      %dma_wait3A_596 = arith.constant 0 : i32
      %dma_wait3A_597 = arith.constant 0 : i32
      %dma_wait3A_598 = tpu.memref_slice %arg9[%dma_wait3A_594, %dma_wait3A_596, %dma_wait3A_597] : memref<4x128x16xf32, #tpu.memory_space<vmem>> -> memref<1x128x16xf32, #tpu.memory_space<vmem>>
      %dma_wait3A_599 = tpu.memref_squeeze %dma_wait3A_598 : memref<1x128x16xf32, #tpu.memory_space<vmem>> -> memref<128x16xf32, #tpu.memory_space<vmem>>
      %dma_wait3A_600 = arith.constant 0 : i32
      %dma_wait3A_601 = tpu.memref_slice %arg13[%dma_wait3A_595, %dma_wait3A_600] : memref<4x128xi32, #tpu.memory_space<vmem>> -> memref<1x128xi32, #tpu.memory_space<vmem>>
      %dma_wait3A_602 = tpu.memref_squeeze %dma_wait3A_601 : memref<1x128xi32, #tpu.memory_space<vmem>> -> memref<128xi32, #tpu.memory_space<vmem>>
      %dma_wait3A_603 = arith.constant 0 : i32
      %dma_wait3A_604 = arith.constant 0 : i32
      %dma_wait3A_605 = tpu.memref_slice %arg7[%dma_wait3A_603, %dma_wait3A_604] : memref<102400x16xf32, #tpu.memory_space<vmem_shared>> -> memref<102400x16xf32, #tpu.memory_space<vmem_shared>>
      tpu.wait_indirect_dma semaphore(%arg17 : memref<!tpu.dma_semaphore, #tpu.memory_space<semaphore_mem>>) src(%dma_wait3A_599 : memref<128x16xf32, #tpu.memory_space<vmem>>) dst(%dma_wait3A_605 : memref<102400x16xf32, #tpu.memory_space<vmem_shared>>)
    }
    %scan3A_70 = arith.constant 98 : i32
    %dma_wait3A = arith.constant 0 : i32
    %dma_wait3A_71 = arith.constant 0 : i32
    %dma_wait3A_72 = arith.constant 0 : i32
    %dma_wait3A_73 = arith.constant 0 : i32
    %dma_wait3A_74 = tpu.memref_slice %arg8[%dma_wait3A_71, %dma_wait3A_72, %dma_wait3A_73] : memref<4x128x16xf32, #tpu.memory_space<vmem>> -> memref<1x128x16xf32, #tpu.memory_space<vmem>>
    %dma_wait3A_75 = tpu.memref_squeeze %dma_wait3A_74 : memref<1x128x16xf32, #tpu.memory_space<vmem>> -> memref<128x16xf32, #tpu.memory_space<vmem>>
    %dma_wait3A_76 = arith.constant 0 : i32
    %dma_wait3A_77 = tpu.memref_slice %arg10[%dma_wait3A, %dma_wait3A_76] : memref<4x128xi32, #tpu.memory_space<vmem>> -> memref<1x128xi32, #tpu.memory_space<vmem>>
    %dma_wait3A_78 = tpu.memref_squeeze %dma_wait3A_77 : memref<1x128xi32, #tpu.memory_space<vmem>> -> memref<128xi32, #tpu.memory_space<vmem>>
    %dma_wait3A_79 = arith.constant 0 : i32
    %dma_wait3A_80 = arith.constant 0 : i32
    %dma_wait3A_81 = tpu.memref_slice %arg2[%arg0, %dma_wait3A_79, %dma_wait3A_80] : memref<2x102400x16xf32, #tpu.memory_space<hbm>> -> memref<1x102400x16xf32, #tpu.memory_space<hbm>>
    %dma_wait3A_82 = tpu.memref_squeeze %dma_wait3A_81 : memref<1x102400x16xf32, #tpu.memory_space<hbm>> -> memref<102400x16xf32, #tpu.memory_space<hbm>>
    %dma_wait3A_83 = arith.constant 0 : i32
    %dma_wait3A_84 = arith.constant 0 : i32
    %dma_wait3A_85 = tpu.memref_slice %dma_wait3A_82[%dma_wait3A_83, %dma_wait3A_84] : memref<102400x16xf32, #tpu.memory_space<hbm>> -> memref<102400x16xf32, #tpu.memory_space<hbm>>
    tpu.wait_indirect_dma semaphore(%arg14 : memref<!tpu.dma_semaphore, #tpu.memory_space<semaphore_mem>>) src(%dma_wait3A_85 : memref<102400x16xf32, #tpu.memory_space<hbm>>) dst(%dma_wait3A_75 : memref<128x16xf32, #tpu.memory_space<vmem>>)
    %dma_wait3A_86 = arith.constant 1 : i32
    %dma_wait3A_87 = arith.constant 1 : i32
    %dma_wait3A_88 = arith.constant 0 : i32
    %dma_wait3A_89 = arith.constant 0 : i32
    %dma_wait3A_90 = tpu.memref_slice %arg8[%dma_wait3A_87, %dma_wait3A_88, %dma_wait3A_89] : memref<4x128x16xf32, #tpu.memory_space<vmem>> -> memref<1x128x16xf32, #tpu.memory_space<vmem>>
    %dma_wait3A_91 = tpu.memref_squeeze %dma_wait3A_90 : memref<1x128x16xf32, #tpu.memory_space<vmem>> -> memref<128x16xf32, #tpu.memory_space<vmem>>
    %dma_wait3A_92 = arith.constant 0 : i32
    %dma_wait3A_93 = tpu.memref_slice %arg10[%dma_wait3A_86, %dma_wait3A_92] : memref<4x128xi32, #tpu.memory_space<vmem>> -> memref<1x128xi32, #tpu.memory_space<vmem>>
    %dma_wait3A_94 = tpu.memref_squeeze %dma_wait3A_93 : memref<1x128xi32, #tpu.memory_space<vmem>> -> memref<128xi32, #tpu.memory_space<vmem>>
    %dma_wait3A_95 = arith.constant 0 : i32
    %dma_wait3A_96 = arith.constant 0 : i32
    %dma_wait3A_97 = tpu.memref_slice %arg2[%arg0, %dma_wait3A_95, %dma_wait3A_96] : memref<2x102400x16xf32, #tpu.memory_space<hbm>> -> memref<1x102400x16xf32, #tpu.memory_space<hbm>>
    %dma_wait3A_98 = tpu.memref_squeeze %dma_wait3A_97 : memref<1x102400x16xf32, #tpu.memory_space<hbm>> -> memref<102400x16xf32, #tpu.memory_space<hbm>>
    %dma_wait3A_99 = arith.constant 0 : i32
    %dma_wait3A_100 = arith.constant 0 : i32
    %dma_wait3A_101 = tpu.memref_slice %dma_wait3A_98[%dma_wait3A_99, %dma_wait3A_100] : memref<102400x16xf32, #tpu.memory_space<hbm>> -> memref<102400x16xf32, #tpu.memory_space<hbm>>
    tpu.wait_indirect_dma semaphore(%arg14 : memref<!tpu.dma_semaphore, #tpu.memory_space<semaphore_mem>>) src(%dma_wait3A_101 : memref<102400x16xf32, #tpu.memory_space<hbm>>) dst(%dma_wait3A_91 : memref<128x16xf32, #tpu.memory_space<vmem>>)
    %dma_wait3A_102 = arith.constant 2 : i32
    %dma_wait3A_103 = arith.constant 2 : i32
    %dma_wait3A_104 = arith.constant 0 : i32
    %dma_wait3A_105 = arith.constant 0 : i32
    %dma_wait3A_106 = tpu.memref_slice %arg8[%dma_wait3A_103, %dma_wait3A_104, %dma_wait3A_105] : memref<4x128x16xf32, #tpu.memory_space<vmem>> -> memref<1x128x16xf32, #tpu.memory_space<vmem>>
    %dma_wait3A_107 = tpu.memref_squeeze %dma_wait3A_106 : memref<1x128x16xf32, #tpu.memory_space<vmem>> -> memref<128x16xf32, #tpu.memory_space<vmem>>
    %dma_wait3A_108 = arith.constant 0 : i32
    %dma_wait3A_109 = tpu.memref_slice %arg10[%dma_wait3A_102, %dma_wait3A_108] : memref<4x128xi32, #tpu.memory_space<vmem>> -> memref<1x128xi32, #tpu.memory_space<vmem>>
    %dma_wait3A_110 = tpu.memref_squeeze %dma_wait3A_109 : memref<1x128xi32, #tpu.memory_space<vmem>> -> memref<128xi32, #tpu.memory_space<vmem>>
    %dma_wait3A_111 = arith.constant 0 : i32
    %dma_wait3A_112 = arith.constant 0 : i32
    %dma_wait3A_113 = tpu.memref_slice %arg2[%arg0, %dma_wait3A_111, %dma_wait3A_112] : memref<2x102400x16xf32, #tpu.memory_space<hbm>> -> memref<1x102400x16xf32, #tpu.memory_space<hbm>>
    %dma_wait3A_114 = tpu.memref_squeeze %dma_wait3A_113 : memref<1x102400x16xf32, #tpu.memory_space<hbm>> -> memref<102400x16xf32, #tpu.memory_space<hbm>>
    %dma_wait3A_115 = arith.constant 0 : i32
    %dma_wait3A_116 = arith.constant 0 : i32
    %dma_wait3A_117 = tpu.memref_slice %dma_wait3A_114[%dma_wait3A_115, %dma_wait3A_116] : memref<102400x16xf32, #tpu.memory_space<hbm>> -> memref<102400x16xf32, #tpu.memory_space<hbm>>
    tpu.wait_indirect_dma semaphore(%arg14 : memref<!tpu.dma_semaphore, #tpu.memory_space<semaphore_mem>>) src(%dma_wait3A_117 : memref<102400x16xf32, #tpu.memory_space<hbm>>) dst(%dma_wait3A_107 : memref<128x16xf32, #tpu.memory_space<vmem>>)
    %dma_wait3A_118 = arith.constant 3 : i32
    %dma_wait3A_119 = arith.constant 3 : i32
    %dma_wait3A_120 = arith.constant 0 : i32
    %dma_wait3A_121 = arith.constant 0 : i32
    %dma_wait3A_122 = tpu.memref_slice %arg8[%dma_wait3A_119, %dma_wait3A_120, %dma_wait3A_121] : memref<4x128x16xf32, #tpu.memory_space<vmem>> -> memref<1x128x16xf32, #tpu.memory_space<vmem>>
    %dma_wait3A_123 = tpu.memref_squeeze %dma_wait3A_122 : memref<1x128x16xf32, #tpu.memory_space<vmem>> -> memref<128x16xf32, #tpu.memory_space<vmem>>
    %dma_wait3A_124 = arith.constant 0 : i32
    %dma_wait3A_125 = tpu.memref_slice %arg10[%dma_wait3A_118, %dma_wait3A_124] : memref<4x128xi32, #tpu.memory_space<vmem>> -> memref<1x128xi32, #tpu.memory_space<vmem>>
    %dma_wait3A_126 = tpu.memref_squeeze %dma_wait3A_125 : memref<1x128xi32, #tpu.memory_space<vmem>> -> memref<128xi32, #tpu.memory_space<vmem>>
    %dma_wait3A_127 = arith.constant 0 : i32
    %dma_wait3A_128 = arith.constant 0 : i32
    %dma_wait3A_129 = tpu.memref_slice %arg2[%arg0, %dma_wait3A_127, %dma_wait3A_128] : memref<2x102400x16xf32, #tpu.memory_space<hbm>> -> memref<1x102400x16xf32, #tpu.memory_space<hbm>>
    %dma_wait3A_130 = tpu.memref_squeeze %dma_wait3A_129 : memref<1x102400x16xf32, #tpu.memory_space<hbm>> -> memref<102400x16xf32, #tpu.memory_space<hbm>>
    %dma_wait3A_131 = arith.constant 0 : i32
    %dma_wait3A_132 = arith.constant 0 : i32
    %dma_wait3A_133 = tpu.memref_slice %dma_wait3A_130[%dma_wait3A_131, %dma_wait3A_132] : memref<102400x16xf32, #tpu.memory_space<hbm>> -> memref<102400x16xf32, #tpu.memory_space<hbm>>
    tpu.wait_indirect_dma semaphore(%arg14 : memref<!tpu.dma_semaphore, #tpu.memory_space<semaphore_mem>>) src(%dma_wait3A_133 : memref<102400x16xf32, #tpu.memory_space<hbm>>) dst(%dma_wait3A_123 : memref<128x16xf32, #tpu.memory_space<vmem>>)
    %barrier3A_134 = arith.constant 0 : index
    tpu.barrier barrier_id(%barrier3A_134)
    %mul3A_135 = arith.constant 6400 : i32
    %mul3A_136 = arith.muli %arg1, %mul3A_135 : i32
    %mul3A_137 = arith.constant 6400 : i32
    %mul3A_138 = arith.muli %arg1, %mul3A_137 : i32
    "tpu.region"() ({
      %run_scoped3A = tpu.sem_alloc : memref<!tpu.dma_semaphore, #tpu.memory_space<semaphore_mem>>
      %dma_start3A_139 = arith.constant 0 : i32
      %dma_start3A_140 = arith.constant 0 : i32
      %dma_start3A_141 = tpu.memref_slice %arg6[%arg0, %dma_start3A_139, %dma_start3A_140] : memref<2x102400x16xf32, #tpu.memory_space<hbm>> -> memref<1x102400x16xf32, #tpu.memory_space<hbm>>
      %dma_start3A_142 = tpu.memref_squeeze %dma_start3A_141 : memref<1x102400x16xf32, #tpu.memory_space<hbm>> -> memref<102400x16xf32, #tpu.memory_space<hbm>>
      %dma_start3A_143 = arith.constant 0 : i32
      %dma_start3A_144 = tpu.memref_slice %dma_start3A_142[%mul3A_138, %dma_start3A_143] : memref<102400x16xf32, #tpu.memory_space<hbm>> -> memref<6400x16xf32, #tpu.memory_space<hbm>>
      %dma_start3A_145 = arith.constant 0 : i32
      %dma_start3A_146 = tpu.memref_slice %arg7[%mul3A_136, %dma_start3A_145] : memref<102400x16xf32, #tpu.memory_space<vmem_shared>> -> memref<6400x16xf32, #tpu.memory_space<vmem_shared>>
      tpu.enqueue_dma source(%dma_start3A_146 : memref<6400x16xf32, #tpu.memory_space<vmem_shared>>) target(%dma_start3A_144 : memref<6400x16xf32, #tpu.memory_space<hbm>>) target_semaphore(%run_scoped3A : memref<!tpu.dma_semaphore, #tpu.memory_space<semaphore_mem>>)
      %dma_wait3A_147 = arith.constant 0 : i32
      %dma_wait3A_148 = arith.constant 0 : i32
      %dma_wait3A_149 = tpu.memref_slice %arg6[%arg0, %dma_wait3A_147, %dma_wait3A_148] : memref<2x102400x16xf32, #tpu.memory_space<hbm>> -> memref<1x102400x16xf32, #tpu.memory_space<hbm>>
      %dma_wait3A_150 = tpu.memref_squeeze %dma_wait3A_149 : memref<1x102400x16xf32, #tpu.memory_space<hbm>> -> memref<102400x16xf32, #tpu.memory_space<hbm>>
      %dma_wait3A_151 = arith.constant 0 : i32
      %dma_wait3A_152 = tpu.memref_slice %dma_wait3A_150[%mul3A_138, %dma_wait3A_151] : memref<102400x16xf32, #tpu.memory_space<hbm>> -> memref<6400x16xf32, #tpu.memory_space<hbm>>
      %dma_wait3A_153 = arith.constant 0 : i32
      %dma_wait3A_154 = tpu.memref_slice %arg7[%mul3A_136, %dma_wait3A_153] : memref<102400x16xf32, #tpu.memory_space<vmem_shared>> -> memref<6400x16xf32, #tpu.memory_space<vmem_shared>>
      tpu.wait_dma2 semaphore(%run_scoped3A : memref<!tpu.dma_semaphore, #tpu.memory_space<semaphore_mem>>) src(%dma_wait3A_154 : memref<6400x16xf32, #tpu.memory_space<vmem_shared>>) dst(%dma_wait3A_152 : memref<6400x16xf32, #tpu.memory_space<hbm>>)
      tpu.yield
    }) : () -> ()
    return
  }
}

#map = affine_map<(d0, d1) -> (0, 0)>
#map1 = affine_map<(d0, d1) -> (0)>
module attributes {stable_mosaic.version = 14 : i64} {
  func.func @_deg_body(%arg0: i32, %arg1: i32, %arg2: memref<12544x128xi32, #tpu.memory_space<hbm>>, %arg3: memref<6400xf32, #tpu.memory_space<hbm>>, %arg4: memref<128xf32, #tpu.memory_space<hbm>>, %arg5: memref<2x102400xf32, #tpu.memory_space<hbm>>, %arg6: memref<102400xf32, #tpu.memory_space<vmem_shared>>, %arg7: memref<8x128xi32, #tpu.memory_space<vmem>>, %arg8: memref<128xf32, #tpu.memory_space<vmem>>, %arg9: memref<!tpu.dma_semaphore, #tpu.memory_space<semaphore_mem>>) attributes {dimension_semantics = [#tpu.dimension_semantics<core_parallel>, #tpu.dimension_semantics<subcore_parallel>], iteration_bounds = array<i64: 2, 16>, scalar_prefetch = 0 : i64, scratch_operands = 4 : i64, tpu.core_type = #tpu.core_type<sc_vector_subcore>, window_params = [{transform_indices = #map}, {transform_indices = #map1}, {transform_indices = #map1}, {transform_indices = #map}]} {
    %mul3A = arith.constant 6400 : i32
    %mul3A_0 = arith.muli %arg1, %mul3A : i32
    "tpu.region"() ({
      %run_scoped3A = tpu.sem_alloc : memref<!tpu.dma_semaphore, #tpu.memory_space<semaphore_mem>>
      %dma_start3A = tpu.memref_slice %arg6[%mul3A_0] : memref<102400xf32, #tpu.memory_space<vmem_shared>> -> memref<6400xf32, #tpu.memory_space<vmem_shared>>
      tpu.enqueue_dma source(%arg3 : memref<6400xf32, #tpu.memory_space<hbm>>) target(%dma_start3A : memref<6400xf32, #tpu.memory_space<vmem_shared>>) target_semaphore(%run_scoped3A : memref<!tpu.dma_semaphore, #tpu.memory_space<semaphore_mem>>)
      %dma_wait3A = tpu.memref_slice %arg6[%mul3A_0] : memref<102400xf32, #tpu.memory_space<vmem_shared>> -> memref<6400xf32, #tpu.memory_space<vmem_shared>>
      tpu.wait_dma2 semaphore(%run_scoped3A : memref<!tpu.dma_semaphore, #tpu.memory_space<semaphore_mem>>) src(%arg3 : memref<6400xf32, #tpu.memory_space<hbm>>) dst(%dma_wait3A : memref<6400xf32, #tpu.memory_space<vmem_shared>>)
      tpu.yield
    }) : () -> ()
    "tpu.region"() ({
      %run_scoped3A = tpu.sem_alloc : memref<!tpu.dma_semaphore, #tpu.memory_space<semaphore_mem>>
      tpu.enqueue_dma source(%arg4 : memref<128xf32, #tpu.memory_space<hbm>>) target(%arg8 : memref<128xf32, #tpu.memory_space<vmem>>) target_semaphore(%run_scoped3A : memref<!tpu.dma_semaphore, #tpu.memory_space<semaphore_mem>>)
      tpu.wait_dma2 semaphore(%run_scoped3A : memref<!tpu.dma_semaphore, #tpu.memory_space<semaphore_mem>>) src(%arg4 : memref<128xf32, #tpu.memory_space<hbm>>) dst(%arg8 : memref<128xf32, #tpu.memory_space<vmem>>)
      tpu.yield
    }) : () -> ()
    %barrier3A = arith.constant 0 : index
    tpu.barrier barrier_id(%barrier3A)
    %scan3A = arith.constant 0 : i32
    %scan3A_1 = arith.constant 0 : i32
    %scan3A_2 = arith.constant 49 : i32
    %scan3A_3 = arith.addi %scan3A_1, %scan3A_2 : i32
    %scan3A_4 = arith.constant 1 : i32
    scf.for %scan3A_11 = %scan3A_1 to %scan3A_3 step %scan3A_4  : i32 {
      %mul3A_12 = arith.constant 16 : i32
      %mul3A_13 = arith.muli %arg0, %mul3A_12 : i32
      %add3A = arith.addi %mul3A_13, %arg1 : i32
      %mul3A_14 = arith.constant 392 : i32
      %mul3A_15 = arith.muli %add3A, %mul3A_14 : i32
      %mul3A_16 = arith.constant 8 : i32
      %mul3A_17 = arith.muli %scan3A_11, %mul3A_16 : i32
      %add3A_18 = arith.addi %mul3A_15, %mul3A_17 : i32
      "tpu.region"() ({
        %run_scoped3A = tpu.sem_alloc : memref<!tpu.dma_semaphore, #tpu.memory_space<semaphore_mem>>
        %dma_start3A_113 = arith.constant 0 : i32
        %dma_start3A_114 = tpu.memref_slice %arg2[%add3A_18, %dma_start3A_113] : memref<12544x128xi32, #tpu.memory_space<hbm>> -> memref<8x128xi32, #tpu.memory_space<hbm>>
        %dma_start3A_115 = arith.constant 0 : i32
        %dma_start3A_116 = tpu.memref_slice %arg2[%add3A_18, %dma_start3A_115] : memref<12544x128xi32, #tpu.memory_space<hbm>> -> memref<8x128xi32, #tpu.memory_space<hbm>>
        tpu.enqueue_dma source(%dma_start3A_116 : memref<8x128xi32, #tpu.memory_space<hbm>>) target(%arg7 : memref<8x128xi32, #tpu.memory_space<vmem>>) target_semaphore(%run_scoped3A : memref<!tpu.dma_semaphore, #tpu.memory_space<semaphore_mem>>)
        %dma_wait3A_117 = arith.constant 0 : i32
        %dma_wait3A_118 = tpu.memref_slice %arg2[%add3A_18, %dma_wait3A_117] : memref<12544x128xi32, #tpu.memory_space<hbm>> -> memref<8x128xi32, #tpu.memory_space<hbm>>
        %dma_wait3A_119 = arith.constant 0 : i32
        %dma_wait3A_120 = tpu.memref_slice %arg2[%add3A_18, %dma_wait3A_119] : memref<12544x128xi32, #tpu.memory_space<hbm>> -> memref<8x128xi32, #tpu.memory_space<hbm>>
        tpu.wait_dma2 semaphore(%run_scoped3A : memref<!tpu.dma_semaphore, #tpu.memory_space<semaphore_mem>>) src(%dma_wait3A_120 : memref<8x128xi32, #tpu.memory_space<hbm>>) dst(%arg7 : memref<8x128xi32, #tpu.memory_space<vmem>>)
        tpu.yield
      }) : () -> ()
      %dma_start3A = arith.constant 0 : i32
      %dma_start3A_19 = arith.constant 0 : i32
      %dma_start3A_20 = tpu.memref_slice %arg7[%dma_start3A, %dma_start3A_19] : memref<8x128xi32, #tpu.memory_space<vmem>> -> memref<1x128xi32, #tpu.memory_space<vmem>>
      %dma_start3A_21 = tpu.memref_squeeze %dma_start3A_20 : memref<1x128xi32, #tpu.memory_space<vmem>> -> memref<128xi32, #tpu.memory_space<vmem>>
      %dma_start3A_22 = arith.constant 0 : i32
      %dma_start3A_23 = tpu.memref_slice %arg6[%dma_start3A_22] : memref<102400xf32, #tpu.memory_space<vmem_shared>> -> memref<102400xf32, #tpu.memory_space<vmem_shared>>
      tpu.enqueue_indirect_dma source(%arg8 : memref<128xf32, #tpu.memory_space<vmem>>) target(%dma_start3A_23 : memref<102400xf32, #tpu.memory_space<vmem_shared>>) offsets(%dma_start3A_21 : memref<128xi32, #tpu.memory_space<vmem>>) semaphore(%arg9 : memref<!tpu.dma_semaphore, #tpu.memory_space<semaphore_mem>>) {add = true}
      %dma_start3A_24 = arith.constant 1 : i32
      %dma_start3A_25 = arith.constant 0 : i32
      %dma_start3A_26 = tpu.memref_slice %arg7[%dma_start3A_24, %dma_start3A_25] : memref<8x128xi32, #tpu.memory_space<vmem>> -> memref<1x128xi32, #tpu.memory_space<vmem>>
      %dma_start3A_27 = tpu.memref_squeeze %dma_start3A_26 : memref<1x128xi32, #tpu.memory_space<vmem>> -> memref<128xi32, #tpu.memory_space<vmem>>
      %dma_start3A_28 = arith.constant 0 : i32
      %dma_start3A_29 = tpu.memref_slice %arg6[%dma_start3A_28] : memref<102400xf32, #tpu.memory_space<vmem_shared>> -> memref<102400xf32, #tpu.memory_space<vmem_shared>>
      tpu.enqueue_indirect_dma source(%arg8 : memref<128xf32, #tpu.memory_space<vmem>>) target(%dma_start3A_29 : memref<102400xf32, #tpu.memory_space<vmem_shared>>) offsets(%dma_start3A_27 : memref<128xi32, #tpu.memory_space<vmem>>) semaphore(%arg9 : memref<!tpu.dma_semaphore, #tpu.memory_space<semaphore_mem>>) {add = true}
      %dma_start3A_30 = arith.constant 2 : i32
      %dma_start3A_31 = arith.constant 0 : i32
      %dma_start3A_32 = tpu.memref_slice %arg7[%dma_start3A_30, %dma_start3A_31] : memref<8x128xi32, #tpu.memory_space<vmem>> -> memref<1x128xi32, #tpu.memory_space<vmem>>
      %dma_start3A_33 = tpu.memref_squeeze %dma_start3A_32 : memref<1x128xi32, #tpu.memory_space<vmem>> -> memref<128xi32, #tpu.memory_space<vmem>>
      %dma_start3A_34 = arith.constant 0 : i32
      %dma_start3A_35 = tpu.memref_slice %arg6[%dma_start3A_34] : memref<102400xf32, #tpu.memory_space<vmem_shared>> -> memref<102400xf32, #tpu.memory_space<vmem_shared>>
      tpu.enqueue_indirect_dma source(%arg8 : memref<128xf32, #tpu.memory_space<vmem>>) target(%dma_start3A_35 : memref<102400xf32, #tpu.memory_space<vmem_shared>>) offsets(%dma_start3A_33 : memref<128xi32, #tpu.memory_space<vmem>>) semaphore(%arg9 : memref<!tpu.dma_semaphore, #tpu.memory_space<semaphore_mem>>) {add = true}
      %dma_start3A_36 = arith.constant 3 : i32
      %dma_start3A_37 = arith.constant 0 : i32
      %dma_start3A_38 = tpu.memref_slice %arg7[%dma_start3A_36, %dma_start3A_37] : memref<8x128xi32, #tpu.memory_space<vmem>> -> memref<1x128xi32, #tpu.memory_space<vmem>>
      %dma_start3A_39 = tpu.memref_squeeze %dma_start3A_38 : memref<1x128xi32, #tpu.memory_space<vmem>> -> memref<128xi32, #tpu.memory_space<vmem>>
      %dma_start3A_40 = arith.constant 0 : i32
      %dma_start3A_41 = tpu.memref_slice %arg6[%dma_start3A_40] : memref<102400xf32, #tpu.memory_space<vmem_shared>> -> memref<102400xf32, #tpu.memory_space<vmem_shared>>
      tpu.enqueue_indirect_dma source(%arg8 : memref<128xf32, #tpu.memory_space<vmem>>) target(%dma_start3A_41 : memref<102400xf32, #tpu.memory_space<vmem_shared>>) offsets(%dma_start3A_39 : memref<128xi32, #tpu.memory_space<vmem>>) semaphore(%arg9 : memref<!tpu.dma_semaphore, #tpu.memory_space<semaphore_mem>>) {add = true}
      %dma_start3A_42 = arith.constant 4 : i32
      %dma_start3A_43 = arith.constant 0 : i32
      %dma_start3A_44 = tpu.memref_slice %arg7[%dma_start3A_42, %dma_start3A_43] : memref<8x128xi32, #tpu.memory_space<vmem>> -> memref<1x128xi32, #tpu.memory_space<vmem>>
      %dma_start3A_45 = tpu.memref_squeeze %dma_start3A_44 : memref<1x128xi32, #tpu.memory_space<vmem>> -> memref<128xi32, #tpu.memory_space<vmem>>
      %dma_start3A_46 = arith.constant 0 : i32
      %dma_start3A_47 = tpu.memref_slice %arg6[%dma_start3A_46] : memref<102400xf32, #tpu.memory_space<vmem_shared>> -> memref<102400xf32, #tpu.memory_space<vmem_shared>>
      tpu.enqueue_indirect_dma source(%arg8 : memref<128xf32, #tpu.memory_space<vmem>>) target(%dma_start3A_47 : memref<102400xf32, #tpu.memory_space<vmem_shared>>) offsets(%dma_start3A_45 : memref<128xi32, #tpu.memory_space<vmem>>) semaphore(%arg9 : memref<!tpu.dma_semaphore, #tpu.memory_space<semaphore_mem>>) {add = true}
      %dma_start3A_48 = arith.constant 5 : i32
      %dma_start3A_49 = arith.constant 0 : i32
      %dma_start3A_50 = tpu.memref_slice %arg7[%dma_start3A_48, %dma_start3A_49] : memref<8x128xi32, #tpu.memory_space<vmem>> -> memref<1x128xi32, #tpu.memory_space<vmem>>
      %dma_start3A_51 = tpu.memref_squeeze %dma_start3A_50 : memref<1x128xi32, #tpu.memory_space<vmem>> -> memref<128xi32, #tpu.memory_space<vmem>>
      %dma_start3A_52 = arith.constant 0 : i32
      %dma_start3A_53 = tpu.memref_slice %arg6[%dma_start3A_52] : memref<102400xf32, #tpu.memory_space<vmem_shared>> -> memref<102400xf32, #tpu.memory_space<vmem_shared>>
      tpu.enqueue_indirect_dma source(%arg8 : memref<128xf32, #tpu.memory_space<vmem>>) target(%dma_start3A_53 : memref<102400xf32, #tpu.memory_space<vmem_shared>>) offsets(%dma_start3A_51 : memref<128xi32, #tpu.memory_space<vmem>>) semaphore(%arg9 : memref<!tpu.dma_semaphore, #tpu.memory_space<semaphore_mem>>) {add = true}
      %dma_start3A_54 = arith.constant 6 : i32
      %dma_start3A_55 = arith.constant 0 : i32
      %dma_start3A_56 = tpu.memref_slice %arg7[%dma_start3A_54, %dma_start3A_55] : memref<8x128xi32, #tpu.memory_space<vmem>> -> memref<1x128xi32, #tpu.memory_space<vmem>>
      %dma_start3A_57 = tpu.memref_squeeze %dma_start3A_56 : memref<1x128xi32, #tpu.memory_space<vmem>> -> memref<128xi32, #tpu.memory_space<vmem>>
      %dma_start3A_58 = arith.constant 0 : i32
      %dma_start3A_59 = tpu.memref_slice %arg6[%dma_start3A_58] : memref<102400xf32, #tpu.memory_space<vmem_shared>> -> memref<102400xf32, #tpu.memory_space<vmem_shared>>
      tpu.enqueue_indirect_dma source(%arg8 : memref<128xf32, #tpu.memory_space<vmem>>) target(%dma_start3A_59 : memref<102400xf32, #tpu.memory_space<vmem_shared>>) offsets(%dma_start3A_57 : memref<128xi32, #tpu.memory_space<vmem>>) semaphore(%arg9 : memref<!tpu.dma_semaphore, #tpu.memory_space<semaphore_mem>>) {add = true}
      %dma_start3A_60 = arith.constant 7 : i32
      %dma_start3A_61 = arith.constant 0 : i32
      %dma_start3A_62 = tpu.memref_slice %arg7[%dma_start3A_60, %dma_start3A_61] : memref<8x128xi32, #tpu.memory_space<vmem>> -> memref<1x128xi32, #tpu.memory_space<vmem>>
      %dma_start3A_63 = tpu.memref_squeeze %dma_start3A_62 : memref<1x128xi32, #tpu.memory_space<vmem>> -> memref<128xi32, #tpu.memory_space<vmem>>
      %dma_start3A_64 = arith.constant 0 : i32
      %dma_start3A_65 = tpu.memref_slice %arg6[%dma_start3A_64] : memref<102400xf32, #tpu.memory_space<vmem_shared>> -> memref<102400xf32, #tpu.memory_space<vmem_shared>>
      tpu.enqueue_indirect_dma source(%arg8 : memref<128xf32, #tpu.memory_space<vmem>>) target(%dma_start3A_65 : memref<102400xf32, #tpu.memory_space<vmem_shared>>) offsets(%dma_start3A_63 : memref<128xi32, #tpu.memory_space<vmem>>) semaphore(%arg9 : memref<!tpu.dma_semaphore, #tpu.memory_space<semaphore_mem>>) {add = true}
      %dma_wait3A = arith.constant 0 : i32
      %dma_wait3A_66 = arith.constant 0 : i32
      %dma_wait3A_67 = tpu.memref_slice %arg7[%dma_wait3A, %dma_wait3A_66] : memref<8x128xi32, #tpu.memory_space<vmem>> -> memref<1x128xi32, #tpu.memory_space<vmem>>
      %dma_wait3A_68 = tpu.memref_squeeze %dma_wait3A_67 : memref<1x128xi32, #tpu.memory_space<vmem>> -> memref<128xi32, #tpu.memory_space<vmem>>
      %dma_wait3A_69 = arith.constant 0 : i32
      %dma_wait3A_70 = tpu.memref_slice %arg6[%dma_wait3A_69] : memref<102400xf32, #tpu.memory_space<vmem_shared>> -> memref<102400xf32, #tpu.memory_space<vmem_shared>>
      tpu.wait_indirect_dma semaphore(%arg9 : memref<!tpu.dma_semaphore, #tpu.memory_space<semaphore_mem>>) src(%arg8 : memref<128xf32, #tpu.memory_space<vmem>>) dst(%dma_wait3A_70 : memref<102400xf32, #tpu.memory_space<vmem_shared>>)
      %dma_wait3A_71 = arith.constant 1 : i32
      %dma_wait3A_72 = arith.constant 0 : i32
      %dma_wait3A_73 = tpu.memref_slice %arg7[%dma_wait3A_71, %dma_wait3A_72] : memref<8x128xi32, #tpu.memory_space<vmem>> -> memref<1x128xi32, #tpu.memory_space<vmem>>
      %dma_wait3A_74 = tpu.memref_squeeze %dma_wait3A_73 : memref<1x128xi32, #tpu.memory_space<vmem>> -> memref<128xi32, #tpu.memory_space<vmem>>
      %dma_wait3A_75 = arith.constant 0 : i32
      %dma_wait3A_76 = tpu.memref_slice %arg6[%dma_wait3A_75] : memref<102400xf32, #tpu.memory_space<vmem_shared>> -> memref<102400xf32, #tpu.memory_space<vmem_shared>>
      tpu.wait_indirect_dma semaphore(%arg9 : memref<!tpu.dma_semaphore, #tpu.memory_space<semaphore_mem>>) src(%arg8 : memref<128xf32, #tpu.memory_space<vmem>>) dst(%dma_wait3A_76 : memref<102400xf32, #tpu.memory_space<vmem_shared>>)
      %dma_wait3A_77 = arith.constant 2 : i32
      %dma_wait3A_78 = arith.constant 0 : i32
      %dma_wait3A_79 = tpu.memref_slice %arg7[%dma_wait3A_77, %dma_wait3A_78] : memref<8x128xi32, #tpu.memory_space<vmem>> -> memref<1x128xi32, #tpu.memory_space<vmem>>
      %dma_wait3A_80 = tpu.memref_squeeze %dma_wait3A_79 : memref<1x128xi32, #tpu.memory_space<vmem>> -> memref<128xi32, #tpu.memory_space<vmem>>
      %dma_wait3A_81 = arith.constant 0 : i32
      %dma_wait3A_82 = tpu.memref_slice %arg6[%dma_wait3A_81] : memref<102400xf32, #tpu.memory_space<vmem_shared>> -> memref<102400xf32, #tpu.memory_space<vmem_shared>>
      tpu.wait_indirect_dma semaphore(%arg9 : memref<!tpu.dma_semaphore, #tpu.memory_space<semaphore_mem>>) src(%arg8 : memref<128xf32, #tpu.memory_space<vmem>>) dst(%dma_wait3A_82 : memref<102400xf32, #tpu.memory_space<vmem_shared>>)
      %dma_wait3A_83 = arith.constant 3 : i32
      %dma_wait3A_84 = arith.constant 0 : i32
      %dma_wait3A_85 = tpu.memref_slice %arg7[%dma_wait3A_83, %dma_wait3A_84] : memref<8x128xi32, #tpu.memory_space<vmem>> -> memref<1x128xi32, #tpu.memory_space<vmem>>
      %dma_wait3A_86 = tpu.memref_squeeze %dma_wait3A_85 : memref<1x128xi32, #tpu.memory_space<vmem>> -> memref<128xi32, #tpu.memory_space<vmem>>
      %dma_wait3A_87 = arith.constant 0 : i32
      %dma_wait3A_88 = tpu.memref_slice %arg6[%dma_wait3A_87] : memref<102400xf32, #tpu.memory_space<vmem_shared>> -> memref<102400xf32, #tpu.memory_space<vmem_shared>>
      tpu.wait_indirect_dma semaphore(%arg9 : memref<!tpu.dma_semaphore, #tpu.memory_space<semaphore_mem>>) src(%arg8 : memref<128xf32, #tpu.memory_space<vmem>>) dst(%dma_wait3A_88 : memref<102400xf32, #tpu.memory_space<vmem_shared>>)
      %dma_wait3A_89 = arith.constant 4 : i32
      %dma_wait3A_90 = arith.constant 0 : i32
      %dma_wait3A_91 = tpu.memref_slice %arg7[%dma_wait3A_89, %dma_wait3A_90] : memref<8x128xi32, #tpu.memory_space<vmem>> -> memref<1x128xi32, #tpu.memory_space<vmem>>
      %dma_wait3A_92 = tpu.memref_squeeze %dma_wait3A_91 : memref<1x128xi32, #tpu.memory_space<vmem>> -> memref<128xi32, #tpu.memory_space<vmem>>
      %dma_wait3A_93 = arith.constant 0 : i32
      %dma_wait3A_94 = tpu.memref_slice %arg6[%dma_wait3A_93] : memref<102400xf32, #tpu.memory_space<vmem_shared>> -> memref<102400xf32, #tpu.memory_space<vmem_shared>>
      tpu.wait_indirect_dma semaphore(%arg9 : memref<!tpu.dma_semaphore, #tpu.memory_space<semaphore_mem>>) src(%arg8 : memref<128xf32, #tpu.memory_space<vmem>>) dst(%dma_wait3A_94 : memref<102400xf32, #tpu.memory_space<vmem_shared>>)
      %dma_wait3A_95 = arith.constant 5 : i32
      %dma_wait3A_96 = arith.constant 0 : i32
      %dma_wait3A_97 = tpu.memref_slice %arg7[%dma_wait3A_95, %dma_wait3A_96] : memref<8x128xi32, #tpu.memory_space<vmem>> -> memref<1x128xi32, #tpu.memory_space<vmem>>
      %dma_wait3A_98 = tpu.memref_squeeze %dma_wait3A_97 : memref<1x128xi32, #tpu.memory_space<vmem>> -> memref<128xi32, #tpu.memory_space<vmem>>
      %dma_wait3A_99 = arith.constant 0 : i32
      %dma_wait3A_100 = tpu.memref_slice %arg6[%dma_wait3A_99] : memref<102400xf32, #tpu.memory_space<vmem_shared>> -> memref<102400xf32, #tpu.memory_space<vmem_shared>>
      tpu.wait_indirect_dma semaphore(%arg9 : memref<!tpu.dma_semaphore, #tpu.memory_space<semaphore_mem>>) src(%arg8 : memref<128xf32, #tpu.memory_space<vmem>>) dst(%dma_wait3A_100 : memref<102400xf32, #tpu.memory_space<vmem_shared>>)
      %dma_wait3A_101 = arith.constant 6 : i32
      %dma_wait3A_102 = arith.constant 0 : i32
      %dma_wait3A_103 = tpu.memref_slice %arg7[%dma_wait3A_101, %dma_wait3A_102] : memref<8x128xi32, #tpu.memory_space<vmem>> -> memref<1x128xi32, #tpu.memory_space<vmem>>
      %dma_wait3A_104 = tpu.memref_squeeze %dma_wait3A_103 : memref<1x128xi32, #tpu.memory_space<vmem>> -> memref<128xi32, #tpu.memory_space<vmem>>
      %dma_wait3A_105 = arith.constant 0 : i32
      %dma_wait3A_106 = tpu.memref_slice %arg6[%dma_wait3A_105] : memref<102400xf32, #tpu.memory_space<vmem_shared>> -> memref<102400xf32, #tpu.memory_space<vmem_shared>>
      tpu.wait_indirect_dma semaphore(%arg9 : memref<!tpu.dma_semaphore, #tpu.memory_space<semaphore_mem>>) src(%arg8 : memref<128xf32, #tpu.memory_space<vmem>>) dst(%dma_wait3A_106 : memref<102400xf32, #tpu.memory_space<vmem_shared>>)
      %dma_wait3A_107 = arith.constant 7 : i32
      %dma_wait3A_108 = arith.constant 0 : i32
      %dma_wait3A_109 = tpu.memref_slice %arg7[%dma_wait3A_107, %dma_wait3A_108] : memref<8x128xi32, #tpu.memory_space<vmem>> -> memref<1x128xi32, #tpu.memory_space<vmem>>
      %dma_wait3A_110 = tpu.memref_squeeze %dma_wait3A_109 : memref<1x128xi32, #tpu.memory_space<vmem>> -> memref<128xi32, #tpu.memory_space<vmem>>
      %dma_wait3A_111 = arith.constant 0 : i32
      %dma_wait3A_112 = tpu.memref_slice %arg6[%dma_wait3A_111] : memref<102400xf32, #tpu.memory_space<vmem_shared>> -> memref<102400xf32, #tpu.memory_space<vmem_shared>>
      tpu.wait_indirect_dma semaphore(%arg9 : memref<!tpu.dma_semaphore, #tpu.memory_space<semaphore_mem>>) src(%arg8 : memref<128xf32, #tpu.memory_space<vmem>>) dst(%dma_wait3A_112 : memref<102400xf32, #tpu.memory_space<vmem_shared>>)
    }
    %scan3A_5 = arith.constant 49 : i32
    %barrier3A_6 = arith.constant 0 : index
    tpu.barrier barrier_id(%barrier3A_6)
    %mul3A_7 = arith.constant 6400 : i32
    %mul3A_8 = arith.muli %arg1, %mul3A_7 : i32
    %mul3A_9 = arith.constant 6400 : i32
    %mul3A_10 = arith.muli %arg1, %mul3A_9 : i32
    "tpu.region"() ({
      %run_scoped3A = tpu.sem_alloc : memref<!tpu.dma_semaphore, #tpu.memory_space<semaphore_mem>>
      %dma_start3A = arith.constant 0 : i32
      %dma_start3A_11 = tpu.memref_slice %arg5[%arg0, %dma_start3A] : memref<2x102400xf32, #tpu.memory_space<hbm>> -> memref<1x102400xf32, #tpu.memory_space<hbm>>
      %dma_start3A_12 = tpu.memref_squeeze %dma_start3A_11 : memref<1x102400xf32, #tpu.memory_space<hbm>> -> memref<102400xf32, #tpu.memory_space<hbm>>
      %dma_start3A_13 = tpu.memref_slice %dma_start3A_12[%mul3A_10] : memref<102400xf32, #tpu.memory_space<hbm>> -> memref<6400xf32, #tpu.memory_space<hbm>>
      %dma_start3A_14 = tpu.memref_slice %arg6[%mul3A_8] : memref<102400xf32, #tpu.memory_space<vmem_shared>> -> memref<6400xf32, #tpu.memory_space<vmem_shared>>
      tpu.enqueue_dma source(%dma_start3A_14 : memref<6400xf32, #tpu.memory_space<vmem_shared>>) target(%dma_start3A_13 : memref<6400xf32, #tpu.memory_space<hbm>>) target_semaphore(%run_scoped3A : memref<!tpu.dma_semaphore, #tpu.memory_space<semaphore_mem>>)
      %dma_wait3A = arith.constant 0 : i32
      %dma_wait3A_15 = tpu.memref_slice %arg5[%arg0, %dma_wait3A] : memref<2x102400xf32, #tpu.memory_space<hbm>> -> memref<1x102400xf32, #tpu.memory_space<hbm>>
      %dma_wait3A_16 = tpu.memref_squeeze %dma_wait3A_15 : memref<1x102400xf32, #tpu.memory_space<hbm>> -> memref<102400xf32, #tpu.memory_space<hbm>>
      %dma_wait3A_17 = tpu.memref_slice %dma_wait3A_16[%mul3A_10] : memref<102400xf32, #tpu.memory_space<hbm>> -> memref<6400xf32, #tpu.memory_space<hbm>>
      %dma_wait3A_18 = tpu.memref_slice %arg6[%mul3A_8] : memref<102400xf32, #tpu.memory_space<vmem_shared>> -> memref<6400xf32, #tpu.memory_space<vmem_shared>>
      tpu.wait_dma2 semaphore(%run_scoped3A : memref<!tpu.dma_semaphore, #tpu.memory_space<semaphore_mem>>) src(%dma_wait3A_18 : memref<6400xf32, #tpu.memory_space<vmem_shared>>) dst(%dma_wait3A_17 : memref<6400xf32, #tpu.memory_space<hbm>>)
      tpu.yield
    }) : () -> ()
    return
  }
}

#map = affine_map<(d0, d1) -> (0, 0, 0)>
#map1 = affine_map<(d0, d1) -> (0, 0)>
module attributes {stable_mosaic.version = 14 : i64} {
  func.func @_agg_body(%arg0: i32, %arg1: i32, %arg2: memref<2x102400x16xf32, #tpu.memory_space<hbm>>, %arg3: memref<12544x128xi32, #tpu.memory_space<hbm>>, %arg4: memref<12544x128xi32, #tpu.memory_space<hbm>>, %arg5: memref<6400x16xf32, #tpu.memory_space<hbm>>, %arg6: memref<2x102400x16xf32, #tpu.memory_space<hbm>>, %arg7: memref<102400x16xf32, #tpu.memory_space<vmem_shared>>, %arg8: memref<4x128x16xf32, #tpu.memory_space<vmem>>, %arg9: memref<4x128x16xf32, #tpu.memory_space<vmem>>, %arg10: memref<4x128xi32, #tpu.memory_space<vmem>>, %arg11: memref<4x128xi32, #tpu.memory_space<vmem>>, %arg12: memref<4x128xi32, #tpu.memory_space<vmem>>, %arg13: memref<4x128xi32, #tpu.memory_space<vmem>>, %arg14: memref<!tpu.dma_semaphore, #tpu.memory_space<semaphore_mem>>, %arg15: memref<!tpu.dma_semaphore, #tpu.memory_space<semaphore_mem>>, %arg16: memref<!tpu.dma_semaphore, #tpu.memory_space<semaphore_mem>>, %arg17: memref<!tpu.dma_semaphore, #tpu.memory_space<semaphore_mem>>) attributes {dimension_semantics = [#tpu.dimension_semantics<core_parallel>, #tpu.dimension_semantics<subcore_parallel>], iteration_bounds = array<i64: 2, 16>, scalar_prefetch = 0 : i64, scratch_operands = 11 : i64, tpu.core_type = #tpu.core_type<sc_vector_subcore>, window_params = [{transform_indices = #map}, {transform_indices = #map1}, {transform_indices = #map1}, {transform_indices = #map1}, {transform_indices = #map}]} {
    %mul3A = arith.constant 6400 : i32
    %mul3A_0 = arith.muli %arg1, %mul3A : i32
    "tpu.region"() ({
      %run_scoped3A = tpu.sem_alloc : memref<!tpu.dma_semaphore, #tpu.memory_space<semaphore_mem>>
      %dma_start3A_139 = arith.constant 0 : i32
      %dma_start3A_140 = tpu.memref_slice %arg7[%mul3A_0, %dma_start3A_139] : memref<102400x16xf32, #tpu.memory_space<vmem_shared>> -> memref<6400x16xf32, #tpu.memory_space<vmem_shared>>
      tpu.enqueue_dma source(%arg5 : memref<6400x16xf32, #tpu.memory_space<hbm>>) target(%dma_start3A_140 : memref<6400x16xf32, #tpu.memory_space<vmem_shared>>) target_semaphore(%run_scoped3A : memref<!tpu.dma_semaphore, #tpu.memory_space<semaphore_mem>>)
      %dma_wait3A_141 = arith.constant 0 : i32
      %dma_wait3A_142 = tpu.memref_slice %arg7[%mul3A_0, %dma_wait3A_141] : memref<102400x16xf32, #tpu.memory_space<vmem_shared>> -> memref<6400x16xf32, #tpu.memory_space<vmem_shared>>
      tpu.wait_dma2 semaphore(%run_scoped3A : memref<!tpu.dma_semaphore, #tpu.memory_space<semaphore_mem>>) src(%arg5 : memref<6400x16xf32, #tpu.memory_space<hbm>>) dst(%dma_wait3A_142 : memref<6400x16xf32, #tpu.memory_space<vmem_shared>>)
      tpu.yield
    }) : () -> ()
    %barrier3A = arith.constant 0 : index
    tpu.barrier barrier_id(%barrier3A)
    %mul3A_1 = arith.constant 784 : i32
    %mul3A_2 = arith.muli %arg1, %mul3A_1 : i32
    "tpu.region"() ({
      %run_scoped3A = tpu.sem_alloc : memref<!tpu.dma_semaphore, #tpu.memory_space<semaphore_mem>>
      %dma_start3A_139 = arith.constant 0 : i32
      %dma_start3A_140 = tpu.memref_slice %arg3[%mul3A_2, %dma_start3A_139] : memref<12544x128xi32, #tpu.memory_space<hbm>> -> memref<4x128xi32, #tpu.memory_space<hbm>>
      %dma_start3A_141 = arith.constant 0 : i32
      %dma_start3A_142 = tpu.memref_slice %arg3[%mul3A_2, %dma_start3A_141] : memref<12544x128xi32, #tpu.memory_space<hbm>> -> memref<4x128xi32, #tpu.memory_space<hbm>>
      tpu.enqueue_dma source(%dma_start3A_142 : memref<4x128xi32, #tpu.memory_space<hbm>>) target(%arg10 : memref<4x128xi32, #tpu.memory_space<vmem>>) target_semaphore(%run_scoped3A : memref<!tpu.dma_semaphore, #tpu.memory_space<semaphore_mem>>)
      %dma_wait3A_143 = arith.constant 0 : i32
      %dma_wait3A_144 = tpu.memref_slice %arg3[%mul3A_2, %dma_wait3A_143] : memref<12544x128xi32, #tpu.memory_space<hbm>> -> memref<4x128xi32, #tpu.memory_space<hbm>>
      %dma_wait3A_145 = arith.constant 0 : i32
      %dma_wait3A_146 = tpu.memref_slice %arg3[%mul3A_2, %dma_wait3A_145] : memref<12544x128xi32, #tpu.memory_space<hbm>> -> memref<4x128xi32, #tpu.memory_space<hbm>>
      tpu.wait_dma2 semaphore(%run_scoped3A : memref<!tpu.dma_semaphore, #tpu.memory_space<semaphore_mem>>) src(%dma_wait3A_146 : memref<4x128xi32, #tpu.memory_space<hbm>>) dst(%arg10 : memref<4x128xi32, #tpu.memory_space<vmem>>)
      tpu.yield
    }) : () -> ()
    "tpu.region"() ({
      %run_scoped3A = tpu.sem_alloc : memref<!tpu.dma_semaphore, #tpu.memory_space<semaphore_mem>>
      %dma_start3A_139 = arith.constant 0 : i32
      %dma_start3A_140 = tpu.memref_slice %arg4[%mul3A_2, %dma_start3A_139] : memref<12544x128xi32, #tpu.memory_space<hbm>> -> memref<4x128xi32, #tpu.memory_space<hbm>>
      %dma_start3A_141 = arith.constant 0 : i32
      %dma_start3A_142 = tpu.memref_slice %arg4[%mul3A_2, %dma_start3A_141] : memref<12544x128xi32, #tpu.memory_space<hbm>> -> memref<4x128xi32, #tpu.memory_space<hbm>>
      tpu.enqueue_dma source(%dma_start3A_142 : memref<4x128xi32, #tpu.memory_space<hbm>>) target(%arg12 : memref<4x128xi32, #tpu.memory_space<vmem>>) target_semaphore(%run_scoped3A : memref<!tpu.dma_semaphore, #tpu.memory_space<semaphore_mem>>)
      %dma_wait3A_143 = arith.constant 0 : i32
      %dma_wait3A_144 = tpu.memref_slice %arg4[%mul3A_2, %dma_wait3A_143] : memref<12544x128xi32, #tpu.memory_space<hbm>> -> memref<4x128xi32, #tpu.memory_space<hbm>>
      %dma_wait3A_145 = arith.constant 0 : i32
      %dma_wait3A_146 = tpu.memref_slice %arg4[%mul3A_2, %dma_wait3A_145] : memref<12544x128xi32, #tpu.memory_space<hbm>> -> memref<4x128xi32, #tpu.memory_space<hbm>>
      tpu.wait_dma2 semaphore(%run_scoped3A : memref<!tpu.dma_semaphore, #tpu.memory_space<semaphore_mem>>) src(%dma_wait3A_146 : memref<4x128xi32, #tpu.memory_space<hbm>>) dst(%arg12 : memref<4x128xi32, #tpu.memory_space<vmem>>)
      tpu.yield
    }) : () -> ()
    %dma_start3A = arith.constant 0 : i32
    %dma_start3A_3 = arith.constant 0 : i32
    %dma_start3A_4 = arith.constant 0 : i32
    %dma_start3A_5 = arith.constant 0 : i32
    %dma_start3A_6 = tpu.memref_slice %arg8[%dma_start3A_3, %dma_start3A_4, %dma_start3A_5] : memref<4x128x16xf32, #tpu.memory_space<vmem>> -> memref<1x128x16xf32, #tpu.memory_space<vmem>>
    %dma_start3A_7 = tpu.memref_squeeze %dma_start3A_6 : memref<1x128x16xf32, #tpu.memory_space<vmem>> -> memref<128x16xf32, #tpu.memory_space<vmem>>
    %dma_start3A_8 = arith.constant 0 : i32
    %dma_start3A_9 = tpu.memref_slice %arg10[%dma_start3A, %dma_start3A_8] : memref<4x128xi32, #tpu.memory_space<vmem>> -> memref<1x128xi32, #tpu.memory_space<vmem>>
    %dma_start3A_10 = tpu.memref_squeeze %dma_start3A_9 : memref<1x128xi32, #tpu.memory_space<vmem>> -> memref<128xi32, #tpu.memory_space<vmem>>
    %dma_start3A_11 = arith.constant 0 : i32
    %dma_start3A_12 = arith.constant 0 : i32
    %dma_start3A_13 = tpu.memref_slice %arg2[%arg0, %dma_start3A_11, %dma_start3A_12] : memref<2x102400x16xf32, #tpu.memory_space<hbm>> -> memref<1x102400x16xf32, #tpu.memory_space<hbm>>
    %dma_start3A_14 = tpu.memref_squeeze %dma_start3A_13 : memref<1x102400x16xf32, #tpu.memory_space<hbm>> -> memref<102400x16xf32, #tpu.memory_space<hbm>>
    %dma_start3A_15 = arith.constant 0 : i32
    %dma_start3A_16 = arith.constant 0 : i32
    %dma_start3A_17 = tpu.memref_slice %dma_start3A_14[%dma_start3A_15, %dma_start3A_16] : memref<102400x16xf32, #tpu.memory_space<hbm>> -> memref<102400x16xf32, #tpu.memory_space<hbm>>
    tpu.enqueue_indirect_dma source(%dma_start3A_17 : memref<102400x16xf32, #tpu.memory_space<hbm>>) target(%dma_start3A_7 : memref<128x16xf32, #tpu.memory_space<vmem>>) offsets(%dma_start3A_10 : memref<128xi32, #tpu.memory_space<vmem>>) semaphore(%arg14 : memref<!tpu.dma_semaphore, #tpu.memory_space<semaphore_mem>>)
    %dma_start3A_18 = arith.constant 1 : i32
    %dma_start3A_19 = arith.constant 1 : i32
    %dma_start3A_20 = arith.constant 0 : i32
    %dma_start3A_21 = arith.constant 0 : i32
    %dma_start3A_22 = tpu.memref_slice %arg8[%dma_start3A_19, %dma_start3A_20, %dma_start3A_21] : memref<4x128x16xf32, #tpu.memory_space<vmem>> -> memref<1x128x16xf32, #tpu.memory_space<vmem>>
    %dma_start3A_23 = tpu.memref_squeeze %dma_start3A_22 : memref<1x128x16xf32, #tpu.memory_space<vmem>> -> memref<128x16xf32, #tpu.memory_space<vmem>>
    %dma_start3A_24 = arith.constant 0 : i32
    %dma_start3A_25 = tpu.memref_slice %arg10[%dma_start3A_18, %dma_start3A_24] : memref<4x128xi32, #tpu.memory_space<vmem>> -> memref<1x128xi32, #tpu.memory_space<vmem>>
    %dma_start3A_26 = tpu.memref_squeeze %dma_start3A_25 : memref<1x128xi32, #tpu.memory_space<vmem>> -> memref<128xi32, #tpu.memory_space<vmem>>
    %dma_start3A_27 = arith.constant 0 : i32
    %dma_start3A_28 = arith.constant 0 : i32
    %dma_start3A_29 = tpu.memref_slice %arg2[%arg0, %dma_start3A_27, %dma_start3A_28] : memref<2x102400x16xf32, #tpu.memory_space<hbm>> -> memref<1x102400x16xf32, #tpu.memory_space<hbm>>
    %dma_start3A_30 = tpu.memref_squeeze %dma_start3A_29 : memref<1x102400x16xf32, #tpu.memory_space<hbm>> -> memref<102400x16xf32, #tpu.memory_space<hbm>>
    %dma_start3A_31 = arith.constant 0 : i32
    %dma_start3A_32 = arith.constant 0 : i32
    %dma_start3A_33 = tpu.memref_slice %dma_start3A_30[%dma_start3A_31, %dma_start3A_32] : memref<102400x16xf32, #tpu.memory_space<hbm>> -> memref<102400x16xf32, #tpu.memory_space<hbm>>
    tpu.enqueue_indirect_dma source(%dma_start3A_33 : memref<102400x16xf32, #tpu.memory_space<hbm>>) target(%dma_start3A_23 : memref<128x16xf32, #tpu.memory_space<vmem>>) offsets(%dma_start3A_26 : memref<128xi32, #tpu.memory_space<vmem>>) semaphore(%arg14 : memref<!tpu.dma_semaphore, #tpu.memory_space<semaphore_mem>>)
    %dma_start3A_34 = arith.constant 2 : i32
    %dma_start3A_35 = arith.constant 2 : i32
    %dma_start3A_36 = arith.constant 0 : i32
    %dma_start3A_37 = arith.constant 0 : i32
    %dma_start3A_38 = tpu.memref_slice %arg8[%dma_start3A_35, %dma_start3A_36, %dma_start3A_37] : memref<4x128x16xf32, #tpu.memory_space<vmem>> -> memref<1x128x16xf32, #tpu.memory_space<vmem>>
    %dma_start3A_39 = tpu.memref_squeeze %dma_start3A_38 : memref<1x128x16xf32, #tpu.memory_space<vmem>> -> memref<128x16xf32, #tpu.memory_space<vmem>>
    %dma_start3A_40 = arith.constant 0 : i32
    %dma_start3A_41 = tpu.memref_slice %arg10[%dma_start3A_34, %dma_start3A_40] : memref<4x128xi32, #tpu.memory_space<vmem>> -> memref<1x128xi32, #tpu.memory_space<vmem>>
    %dma_start3A_42 = tpu.memref_squeeze %dma_start3A_41 : memref<1x128xi32, #tpu.memory_space<vmem>> -> memref<128xi32, #tpu.memory_space<vmem>>
    %dma_start3A_43 = arith.constant 0 : i32
    %dma_start3A_44 = arith.constant 0 : i32
    %dma_start3A_45 = tpu.memref_slice %arg2[%arg0, %dma_start3A_43, %dma_start3A_44] : memref<2x102400x16xf32, #tpu.memory_space<hbm>> -> memref<1x102400x16xf32, #tpu.memory_space<hbm>>
    %dma_start3A_46 = tpu.memref_squeeze %dma_start3A_45 : memref<1x102400x16xf32, #tpu.memory_space<hbm>> -> memref<102400x16xf32, #tpu.memory_space<hbm>>
    %dma_start3A_47 = arith.constant 0 : i32
    %dma_start3A_48 = arith.constant 0 : i32
    %dma_start3A_49 = tpu.memref_slice %dma_start3A_46[%dma_start3A_47, %dma_start3A_48] : memref<102400x16xf32, #tpu.memory_space<hbm>> -> memref<102400x16xf32, #tpu.memory_space<hbm>>
    tpu.enqueue_indirect_dma source(%dma_start3A_49 : memref<102400x16xf32, #tpu.memory_space<hbm>>) target(%dma_start3A_39 : memref<128x16xf32, #tpu.memory_space<vmem>>) offsets(%dma_start3A_42 : memref<128xi32, #tpu.memory_space<vmem>>) semaphore(%arg14 : memref<!tpu.dma_semaphore, #tpu.memory_space<semaphore_mem>>)
    %dma_start3A_50 = arith.constant 3 : i32
    %dma_start3A_51 = arith.constant 3 : i32
    %dma_start3A_52 = arith.constant 0 : i32
    %dma_start3A_53 = arith.constant 0 : i32
    %dma_start3A_54 = tpu.memref_slice %arg8[%dma_start3A_51, %dma_start3A_52, %dma_start3A_53] : memref<4x128x16xf32, #tpu.memory_space<vmem>> -> memref<1x128x16xf32, #tpu.memory_space<vmem>>
    %dma_start3A_55 = tpu.memref_squeeze %dma_start3A_54 : memref<1x128x16xf32, #tpu.memory_space<vmem>> -> memref<128x16xf32, #tpu.memory_space<vmem>>
    %dma_start3A_56 = arith.constant 0 : i32
    %dma_start3A_57 = tpu.memref_slice %arg10[%dma_start3A_50, %dma_start3A_56] : memref<4x128xi32, #tpu.memory_space<vmem>> -> memref<1x128xi32, #tpu.memory_space<vmem>>
    %dma_start3A_58 = tpu.memref_squeeze %dma_start3A_57 : memref<1x128xi32, #tpu.memory_space<vmem>> -> memref<128xi32, #tpu.memory_space<vmem>>
    %dma_start3A_59 = arith.constant 0 : i32
    %dma_start3A_60 = arith.constant 0 : i32
    %dma_start3A_61 = tpu.memref_slice %arg2[%arg0, %dma_start3A_59, %dma_start3A_60] : memref<2x102400x16xf32, #tpu.memory_space<hbm>> -> memref<1x102400x16xf32, #tpu.memory_space<hbm>>
    %dma_start3A_62 = tpu.memref_squeeze %dma_start3A_61 : memref<1x102400x16xf32, #tpu.memory_space<hbm>> -> memref<102400x16xf32, #tpu.memory_space<hbm>>
    %dma_start3A_63 = arith.constant 0 : i32
    %dma_start3A_64 = arith.constant 0 : i32
    %dma_start3A_65 = tpu.memref_slice %dma_start3A_62[%dma_start3A_63, %dma_start3A_64] : memref<102400x16xf32, #tpu.memory_space<hbm>> -> memref<102400x16xf32, #tpu.memory_space<hbm>>
    tpu.enqueue_indirect_dma source(%dma_start3A_65 : memref<102400x16xf32, #tpu.memory_space<hbm>>) target(%dma_start3A_55 : memref<128x16xf32, #tpu.memory_space<vmem>>) offsets(%dma_start3A_58 : memref<128xi32, #tpu.memory_space<vmem>>) semaphore(%arg14 : memref<!tpu.dma_semaphore, #tpu.memory_space<semaphore_mem>>)
    %scan3A = arith.constant 0 : i32
    %scan3A_66 = arith.constant 0 : i32
    %scan3A_67 = arith.constant 98 : i32
    %scan3A_68 = arith.addi %scan3A_66, %scan3A_67 : i32
    %scan3A_69 = arith.constant 1 : i32
    scf.for %scan3A_139 = %scan3A_66 to %scan3A_68 step %scan3A_69  : i32 {
      %mul3A_140 = arith.constant 784 : i32
      %mul3A_141 = arith.muli %arg1, %mul3A_140 : i32
      %mul3A_142 = arith.constant 2 : i32
      %mul3A_143 = arith.muli %mul3A_142, %scan3A_139 : i32
      %add3A = arith.constant 1 : i32
      %add3A_144 = arith.addi %mul3A_143, %add3A : i32
      %mul3A_145 = arith.constant 4 : i32
      %mul3A_146 = arith.muli %add3A_144, %mul3A_145 : i32
      %add3A_147 = arith.addi %mul3A_141, %mul3A_146 : i32
      "tpu.region"() ({
        %run_scoped3A = tpu.sem_alloc : memref<!tpu.dma_semaphore, #tpu.memory_space<semaphore_mem>>
        %dma_start3A_606 = arith.constant 0 : i32
        %dma_start3A_607 = tpu.memref_slice %arg3[%add3A_147, %dma_start3A_606] : memref<12544x128xi32, #tpu.memory_space<hbm>> -> memref<4x128xi32, #tpu.memory_space<hbm>>
        %dma_start3A_608 = arith.constant 0 : i32
        %dma_start3A_609 = tpu.memref_slice %arg3[%add3A_147, %dma_start3A_608] : memref<12544x128xi32, #tpu.memory_space<hbm>> -> memref<4x128xi32, #tpu.memory_space<hbm>>
        tpu.enqueue_dma source(%dma_start3A_609 : memref<4x128xi32, #tpu.memory_space<hbm>>) target(%arg11 : memref<4x128xi32, #tpu.memory_space<vmem>>) target_semaphore(%run_scoped3A : memref<!tpu.dma_semaphore, #tpu.memory_space<semaphore_mem>>)
        %dma_wait3A_610 = arith.constant 0 : i32
        %dma_wait3A_611 = tpu.memref_slice %arg3[%add3A_147, %dma_wait3A_610] : memref<12544x128xi32, #tpu.memory_space<hbm>> -> memref<4x128xi32, #tpu.memory_space<hbm>>
        %dma_wait3A_612 = arith.constant 0 : i32
        %dma_wait3A_613 = tpu.memref_slice %arg3[%add3A_147, %dma_wait3A_612] : memref<12544x128xi32, #tpu.memory_space<hbm>> -> memref<4x128xi32, #tpu.memory_space<hbm>>
        tpu.wait_dma2 semaphore(%run_scoped3A : memref<!tpu.dma_semaphore, #tpu.memory_space<semaphore_mem>>) src(%dma_wait3A_613 : memref<4x128xi32, #tpu.memory_space<hbm>>) dst(%arg11 : memref<4x128xi32, #tpu.memory_space<vmem>>)
        tpu.yield
      }) : () -> ()
      "tpu.region"() ({
        %run_scoped3A = tpu.sem_alloc : memref<!tpu.dma_semaphore, #tpu.memory_space<semaphore_mem>>
        %dma_start3A_606 = arith.constant 0 : i32
        %dma_start3A_607 = tpu.memref_slice %arg4[%add3A_147, %dma_start3A_606] : memref<12544x128xi32, #tpu.memory_space<hbm>> -> memref<4x128xi32, #tpu.memory_space<hbm>>
        %dma_start3A_608 = arith.constant 0 : i32
        %dma_start3A_609 = tpu.memref_slice %arg4[%add3A_147, %dma_start3A_608] : memref<12544x128xi32, #tpu.memory_space<hbm>> -> memref<4x128xi32, #tpu.memory_space<hbm>>
        tpu.enqueue_dma source(%dma_start3A_609 : memref<4x128xi32, #tpu.memory_space<hbm>>) target(%arg13 : memref<4x128xi32, #tpu.memory_space<vmem>>) target_semaphore(%run_scoped3A : memref<!tpu.dma_semaphore, #tpu.memory_space<semaphore_mem>>)
        %dma_wait3A_610 = arith.constant 0 : i32
        %dma_wait3A_611 = tpu.memref_slice %arg4[%add3A_147, %dma_wait3A_610] : memref<12544x128xi32, #tpu.memory_space<hbm>> -> memref<4x128xi32, #tpu.memory_space<hbm>>
        %dma_wait3A_612 = arith.constant 0 : i32
        %dma_wait3A_613 = tpu.memref_slice %arg4[%add3A_147, %dma_wait3A_612] : memref<12544x128xi32, #tpu.memory_space<hbm>> -> memref<4x128xi32, #tpu.memory_space<hbm>>
        tpu.wait_dma2 semaphore(%run_scoped3A : memref<!tpu.dma_semaphore, #tpu.memory_space<semaphore_mem>>) src(%dma_wait3A_613 : memref<4x128xi32, #tpu.memory_space<hbm>>) dst(%arg13 : memref<4x128xi32, #tpu.memory_space<vmem>>)
        tpu.yield
      }) : () -> ()
      %dma_start3A_148 = arith.constant 0 : i32
      %dma_start3A_149 = arith.constant 0 : i32
      %dma_start3A_150 = arith.constant 0 : i32
      %dma_start3A_151 = arith.constant 0 : i32
      %dma_start3A_152 = tpu.memref_slice %arg9[%dma_start3A_149, %dma_start3A_150, %dma_start3A_151] : memref<4x128x16xf32, #tpu.memory_space<vmem>> -> memref<1x128x16xf32, #tpu.memory_space<vmem>>
      %dma_start3A_153 = tpu.memref_squeeze %dma_start3A_152 : memref<1x128x16xf32, #tpu.memory_space<vmem>> -> memref<128x16xf32, #tpu.memory_space<vmem>>
      %dma_start3A_154 = arith.constant 0 : i32
      %dma_start3A_155 = tpu.memref_slice %arg11[%dma_start3A_148, %dma_start3A_154] : memref<4x128xi32, #tpu.memory_space<vmem>> -> memref<1x128xi32, #tpu.memory_space<vmem>>
      %dma_start3A_156 = tpu.memref_squeeze %dma_start3A_155 : memref<1x128xi32, #tpu.memory_space<vmem>> -> memref<128xi32, #tpu.memory_space<vmem>>
      %dma_start3A_157 = arith.constant 0 : i32
      %dma_start3A_158 = arith.constant 0 : i32
      %dma_start3A_159 = tpu.memref_slice %arg2[%arg0, %dma_start3A_157, %dma_start3A_158] : memref<2x102400x16xf32, #tpu.memory_space<hbm>> -> memref<1x102400x16xf32, #tpu.memory_space<hbm>>
      %dma_start3A_160 = tpu.memref_squeeze %dma_start3A_159 : memref<1x102400x16xf32, #tpu.memory_space<hbm>> -> memref<102400x16xf32, #tpu.memory_space<hbm>>
      %dma_start3A_161 = arith.constant 0 : i32
      %dma_start3A_162 = arith.constant 0 : i32
      %dma_start3A_163 = tpu.memref_slice %dma_start3A_160[%dma_start3A_161, %dma_start3A_162] : memref<102400x16xf32, #tpu.memory_space<hbm>> -> memref<102400x16xf32, #tpu.memory_space<hbm>>
      tpu.enqueue_indirect_dma source(%dma_start3A_163 : memref<102400x16xf32, #tpu.memory_space<hbm>>) target(%dma_start3A_153 : memref<128x16xf32, #tpu.memory_space<vmem>>) offsets(%dma_start3A_156 : memref<128xi32, #tpu.memory_space<vmem>>) semaphore(%arg15 : memref<!tpu.dma_semaphore, #tpu.memory_space<semaphore_mem>>)
      %dma_start3A_164 = arith.constant 1 : i32
      %dma_start3A_165 = arith.constant 1 : i32
      %dma_start3A_166 = arith.constant 0 : i32
      %dma_start3A_167 = arith.constant 0 : i32
      %dma_start3A_168 = tpu.memref_slice %arg9[%dma_start3A_165, %dma_start3A_166, %dma_start3A_167] : memref<4x128x16xf32, #tpu.memory_space<vmem>> -> memref<1x128x16xf32, #tpu.memory_space<vmem>>
      %dma_start3A_169 = tpu.memref_squeeze %dma_start3A_168 : memref<1x128x16xf32, #tpu.memory_space<vmem>> -> memref<128x16xf32, #tpu.memory_space<vmem>>
      %dma_start3A_170 = arith.constant 0 : i32
      %dma_start3A_171 = tpu.memref_slice %arg11[%dma_start3A_164, %dma_start3A_170] : memref<4x128xi32, #tpu.memory_space<vmem>> -> memref<1x128xi32, #tpu.memory_space<vmem>>
      %dma_start3A_172 = tpu.memref_squeeze %dma_start3A_171 : memref<1x128xi32, #tpu.memory_space<vmem>> -> memref<128xi32, #tpu.memory_space<vmem>>
      %dma_start3A_173 = arith.constant 0 : i32
      %dma_start3A_174 = arith.constant 0 : i32
      %dma_start3A_175 = tpu.memref_slice %arg2[%arg0, %dma_start3A_173, %dma_start3A_174] : memref<2x102400x16xf32, #tpu.memory_space<hbm>> -> memref<1x102400x16xf32, #tpu.memory_space<hbm>>
      %dma_start3A_176 = tpu.memref_squeeze %dma_start3A_175 : memref<1x102400x16xf32, #tpu.memory_space<hbm>> -> memref<102400x16xf32, #tpu.memory_space<hbm>>
      %dma_start3A_177 = arith.constant 0 : i32
      %dma_start3A_178 = arith.constant 0 : i32
      %dma_start3A_179 = tpu.memref_slice %dma_start3A_176[%dma_start3A_177, %dma_start3A_178] : memref<102400x16xf32, #tpu.memory_space<hbm>> -> memref<102400x16xf32, #tpu.memory_space<hbm>>
      tpu.enqueue_indirect_dma source(%dma_start3A_179 : memref<102400x16xf32, #tpu.memory_space<hbm>>) target(%dma_start3A_169 : memref<128x16xf32, #tpu.memory_space<vmem>>) offsets(%dma_start3A_172 : memref<128xi32, #tpu.memory_space<vmem>>) semaphore(%arg15 : memref<!tpu.dma_semaphore, #tpu.memory_space<semaphore_mem>>)
      %dma_start3A_180 = arith.constant 2 : i32
      %dma_start3A_181 = arith.constant 2 : i32
      %dma_start3A_182 = arith.constant 0 : i32
      %dma_start3A_183 = arith.constant 0 : i32
      %dma_start3A_184 = tpu.memref_slice %arg9[%dma_start3A_181, %dma_start3A_182, %dma_start3A_183] : memref<4x128x16xf32, #tpu.memory_space<vmem>> -> memref<1x128x16xf32, #tpu.memory_space<vmem>>
      %dma_start3A_185 = tpu.memref_squeeze %dma_start3A_184 : memref<1x128x16xf32, #tpu.memory_space<vmem>> -> memref<128x16xf32, #tpu.memory_space<vmem>>
      %dma_start3A_186 = arith.constant 0 : i32
      %dma_start3A_187 = tpu.memref_slice %arg11[%dma_start3A_180, %dma_start3A_186] : memref<4x128xi32, #tpu.memory_space<vmem>> -> memref<1x128xi32, #tpu.memory_space<vmem>>
      %dma_start3A_188 = tpu.memref_squeeze %dma_start3A_187 : memref<1x128xi32, #tpu.memory_space<vmem>> -> memref<128xi32, #tpu.memory_space<vmem>>
      %dma_start3A_189 = arith.constant 0 : i32
      %dma_start3A_190 = arith.constant 0 : i32
      %dma_start3A_191 = tpu.memref_slice %arg2[%arg0, %dma_start3A_189, %dma_start3A_190] : memref<2x102400x16xf32, #tpu.memory_space<hbm>> -> memref<1x102400x16xf32, #tpu.memory_space<hbm>>
      %dma_start3A_192 = tpu.memref_squeeze %dma_start3A_191 : memref<1x102400x16xf32, #tpu.memory_space<hbm>> -> memref<102400x16xf32, #tpu.memory_space<hbm>>
      %dma_start3A_193 = arith.constant 0 : i32
      %dma_start3A_194 = arith.constant 0 : i32
      %dma_start3A_195 = tpu.memref_slice %dma_start3A_192[%dma_start3A_193, %dma_start3A_194] : memref<102400x16xf32, #tpu.memory_space<hbm>> -> memref<102400x16xf32, #tpu.memory_space<hbm>>
      tpu.enqueue_indirect_dma source(%dma_start3A_195 : memref<102400x16xf32, #tpu.memory_space<hbm>>) target(%dma_start3A_185 : memref<128x16xf32, #tpu.memory_space<vmem>>) offsets(%dma_start3A_188 : memref<128xi32, #tpu.memory_space<vmem>>) semaphore(%arg15 : memref<!tpu.dma_semaphore, #tpu.memory_space<semaphore_mem>>)
      %dma_start3A_196 = arith.constant 3 : i32
      %dma_start3A_197 = arith.constant 3 : i32
      %dma_start3A_198 = arith.constant 0 : i32
      %dma_start3A_199 = arith.constant 0 : i32
      %dma_start3A_200 = tpu.memref_slice %arg9[%dma_start3A_197, %dma_start3A_198, %dma_start3A_199] : memref<4x128x16xf32, #tpu.memory_space<vmem>> -> memref<1x128x16xf32, #tpu.memory_space<vmem>>
      %dma_start3A_201 = tpu.memref_squeeze %dma_start3A_200 : memref<1x128x16xf32, #tpu.memory_space<vmem>> -> memref<128x16xf32, #tpu.memory_space<vmem>>
      %dma_start3A_202 = arith.constant 0 : i32
      %dma_start3A_203 = tpu.memref_slice %arg11[%dma_start3A_196, %dma_start3A_202] : memref<4x128xi32, #tpu.memory_space<vmem>> -> memref<1x128xi32, #tpu.memory_space<vmem>>
      %dma_start3A_204 = tpu.memref_squeeze %dma_start3A_203 : memref<1x128xi32, #tpu.memory_space<vmem>> -> memref<128xi32, #tpu.memory_space<vmem>>
      %dma_start3A_205 = arith.constant 0 : i32
      %dma_start3A_206 = arith.constant 0 : i32
      %dma_start3A_207 = tpu.memref_slice %arg2[%arg0, %dma_start3A_205, %dma_start3A_206] : memref<2x102400x16xf32, #tpu.memory_space<hbm>> -> memref<1x102400x16xf32, #tpu.memory_space<hbm>>
      %dma_start3A_208 = tpu.memref_squeeze %dma_start3A_207 : memref<1x102400x16xf32, #tpu.memory_space<hbm>> -> memref<102400x16xf32, #tpu.memory_space<hbm>>
      %dma_start3A_209 = arith.constant 0 : i32
      %dma_start3A_210 = arith.constant 0 : i32
      %dma_start3A_211 = tpu.memref_slice %dma_start3A_208[%dma_start3A_209, %dma_start3A_210] : memref<102400x16xf32, #tpu.memory_space<hbm>> -> memref<102400x16xf32, #tpu.memory_space<hbm>>
      tpu.enqueue_indirect_dma source(%dma_start3A_211 : memref<102400x16xf32, #tpu.memory_space<hbm>>) target(%dma_start3A_201 : memref<128x16xf32, #tpu.memory_space<vmem>>) offsets(%dma_start3A_204 : memref<128xi32, #tpu.memory_space<vmem>>) semaphore(%arg15 : memref<!tpu.dma_semaphore, #tpu.memory_space<semaphore_mem>>)
      %dma_wait3A_212 = arith.constant 0 : i32
      %dma_wait3A_213 = arith.constant 0 : i32
      %dma_wait3A_214 = arith.constant 0 : i32
      %dma_wait3A_215 = arith.constant 0 : i32
      %dma_wait3A_216 = tpu.memref_slice %arg8[%dma_wait3A_213, %dma_wait3A_214, %dma_wait3A_215] : memref<4x128x16xf32, #tpu.memory_space<vmem>> -> memref<1x128x16xf32, #tpu.memory_space<vmem>>
      %dma_wait3A_217 = tpu.memref_squeeze %dma_wait3A_216 : memref<1x128x16xf32, #tpu.memory_space<vmem>> -> memref<128x16xf32, #tpu.memory_space<vmem>>
      %dma_wait3A_218 = arith.constant 0 : i32
      %dma_wait3A_219 = tpu.memref_slice %arg10[%dma_wait3A_212, %dma_wait3A_218] : memref<4x128xi32, #tpu.memory_space<vmem>> -> memref<1x128xi32, #tpu.memory_space<vmem>>
      %dma_wait3A_220 = tpu.memref_squeeze %dma_wait3A_219 : memref<1x128xi32, #tpu.memory_space<vmem>> -> memref<128xi32, #tpu.memory_space<vmem>>
      %dma_wait3A_221 = arith.constant 0 : i32
      %dma_wait3A_222 = arith.constant 0 : i32
      %dma_wait3A_223 = tpu.memref_slice %arg2[%arg0, %dma_wait3A_221, %dma_wait3A_222] : memref<2x102400x16xf32, #tpu.memory_space<hbm>> -> memref<1x102400x16xf32, #tpu.memory_space<hbm>>
      %dma_wait3A_224 = tpu.memref_squeeze %dma_wait3A_223 : memref<1x102400x16xf32, #tpu.memory_space<hbm>> -> memref<102400x16xf32, #tpu.memory_space<hbm>>
      %dma_wait3A_225 = arith.constant 0 : i32
      %dma_wait3A_226 = arith.constant 0 : i32
      %dma_wait3A_227 = tpu.memref_slice %dma_wait3A_224[%dma_wait3A_225, %dma_wait3A_226] : memref<102400x16xf32, #tpu.memory_space<hbm>> -> memref<102400x16xf32, #tpu.memory_space<hbm>>
      tpu.wait_indirect_dma semaphore(%arg14 : memref<!tpu.dma_semaphore, #tpu.memory_space<semaphore_mem>>) src(%dma_wait3A_227 : memref<102400x16xf32, #tpu.memory_space<hbm>>) dst(%dma_wait3A_217 : memref<128x16xf32, #tpu.memory_space<vmem>>)
      %dma_wait3A_228 = arith.constant 1 : i32
      %dma_wait3A_229 = arith.constant 1 : i32
      %dma_wait3A_230 = arith.constant 0 : i32
      %dma_wait3A_231 = arith.constant 0 : i32
      %dma_wait3A_232 = tpu.memref_slice %arg8[%dma_wait3A_229, %dma_wait3A_230, %dma_wait3A_231] : memref<4x128x16xf32, #tpu.memory_space<vmem>> -> memref<1x128x16xf32, #tpu.memory_space<vmem>>
      %dma_wait3A_233 = tpu.memref_squeeze %dma_wait3A_232 : memref<1x128x16xf32, #tpu.memory_space<vmem>> -> memref<128x16xf32, #tpu.memory_space<vmem>>
      %dma_wait3A_234 = arith.constant 0 : i32
      %dma_wait3A_235 = tpu.memref_slice %arg10[%dma_wait3A_228, %dma_wait3A_234] : memref<4x128xi32, #tpu.memory_space<vmem>> -> memref<1x128xi32, #tpu.memory_space<vmem>>
      %dma_wait3A_236 = tpu.memref_squeeze %dma_wait3A_235 : memref<1x128xi32, #tpu.memory_space<vmem>> -> memref<128xi32, #tpu.memory_space<vmem>>
      %dma_wait3A_237 = arith.constant 0 : i32
      %dma_wait3A_238 = arith.constant 0 : i32
      %dma_wait3A_239 = tpu.memref_slice %arg2[%arg0, %dma_wait3A_237, %dma_wait3A_238] : memref<2x102400x16xf32, #tpu.memory_space<hbm>> -> memref<1x102400x16xf32, #tpu.memory_space<hbm>>
      %dma_wait3A_240 = tpu.memref_squeeze %dma_wait3A_239 : memref<1x102400x16xf32, #tpu.memory_space<hbm>> -> memref<102400x16xf32, #tpu.memory_space<hbm>>
      %dma_wait3A_241 = arith.constant 0 : i32
      %dma_wait3A_242 = arith.constant 0 : i32
      %dma_wait3A_243 = tpu.memref_slice %dma_wait3A_240[%dma_wait3A_241, %dma_wait3A_242] : memref<102400x16xf32, #tpu.memory_space<hbm>> -> memref<102400x16xf32, #tpu.memory_space<hbm>>
      tpu.wait_indirect_dma semaphore(%arg14 : memref<!tpu.dma_semaphore, #tpu.memory_space<semaphore_mem>>) src(%dma_wait3A_243 : memref<102400x16xf32, #tpu.memory_space<hbm>>) dst(%dma_wait3A_233 : memref<128x16xf32, #tpu.memory_space<vmem>>)
      %dma_wait3A_244 = arith.constant 2 : i32
      %dma_wait3A_245 = arith.constant 2 : i32
      %dma_wait3A_246 = arith.constant 0 : i32
      %dma_wait3A_247 = arith.constant 0 : i32
      %dma_wait3A_248 = tpu.memref_slice %arg8[%dma_wait3A_245, %dma_wait3A_246, %dma_wait3A_247] : memref<4x128x16xf32, #tpu.memory_space<vmem>> -> memref<1x128x16xf32, #tpu.memory_space<vmem>>
      %dma_wait3A_249 = tpu.memref_squeeze %dma_wait3A_248 : memref<1x128x16xf32, #tpu.memory_space<vmem>> -> memref<128x16xf32, #tpu.memory_space<vmem>>
      %dma_wait3A_250 = arith.constant 0 : i32
      %dma_wait3A_251 = tpu.memref_slice %arg10[%dma_wait3A_244, %dma_wait3A_250] : memref<4x128xi32, #tpu.memory_space<vmem>> -> memref<1x128xi32, #tpu.memory_space<vmem>>
      %dma_wait3A_252 = tpu.memref_squeeze %dma_wait3A_251 : memref<1x128xi32, #tpu.memory_space<vmem>> -> memref<128xi32, #tpu.memory_space<vmem>>
      %dma_wait3A_253 = arith.constant 0 : i32
      %dma_wait3A_254 = arith.constant 0 : i32
      %dma_wait3A_255 = tpu.memref_slice %arg2[%arg0, %dma_wait3A_253, %dma_wait3A_254] : memref<2x102400x16xf32, #tpu.memory_space<hbm>> -> memref<1x102400x16xf32, #tpu.memory_space<hbm>>
      %dma_wait3A_256 = tpu.memref_squeeze %dma_wait3A_255 : memref<1x102400x16xf32, #tpu.memory_space<hbm>> -> memref<102400x16xf32, #tpu.memory_space<hbm>>
      %dma_wait3A_257 = arith.constant 0 : i32
      %dma_wait3A_258 = arith.constant 0 : i32
      %dma_wait3A_259 = tpu.memref_slice %dma_wait3A_256[%dma_wait3A_257, %dma_wait3A_258] : memref<102400x16xf32, #tpu.memory_space<hbm>> -> memref<102400x16xf32, #tpu.memory_space<hbm>>
      tpu.wait_indirect_dma semaphore(%arg14 : memref<!tpu.dma_semaphore, #tpu.memory_space<semaphore_mem>>) src(%dma_wait3A_259 : memref<102400x16xf32, #tpu.memory_space<hbm>>) dst(%dma_wait3A_249 : memref<128x16xf32, #tpu.memory_space<vmem>>)
      %dma_wait3A_260 = arith.constant 3 : i32
      %dma_wait3A_261 = arith.constant 3 : i32
      %dma_wait3A_262 = arith.constant 0 : i32
      %dma_wait3A_263 = arith.constant 0 : i32
      %dma_wait3A_264 = tpu.memref_slice %arg8[%dma_wait3A_261, %dma_wait3A_262, %dma_wait3A_263] : memref<4x128x16xf32, #tpu.memory_space<vmem>> -> memref<1x128x16xf32, #tpu.memory_space<vmem>>
      %dma_wait3A_265 = tpu.memref_squeeze %dma_wait3A_264 : memref<1x128x16xf32, #tpu.memory_space<vmem>> -> memref<128x16xf32, #tpu.memory_space<vmem>>
      %dma_wait3A_266 = arith.constant 0 : i32
      %dma_wait3A_267 = tpu.memref_slice %arg10[%dma_wait3A_260, %dma_wait3A_266] : memref<4x128xi32, #tpu.memory_space<vmem>> -> memref<1x128xi32, #tpu.memory_space<vmem>>
      %dma_wait3A_268 = tpu.memref_squeeze %dma_wait3A_267 : memref<1x128xi32, #tpu.memory_space<vmem>> -> memref<128xi32, #tpu.memory_space<vmem>>
      %dma_wait3A_269 = arith.constant 0 : i32
      %dma_wait3A_270 = arith.constant 0 : i32
      %dma_wait3A_271 = tpu.memref_slice %arg2[%arg0, %dma_wait3A_269, %dma_wait3A_270] : memref<2x102400x16xf32, #tpu.memory_space<hbm>> -> memref<1x102400x16xf32, #tpu.memory_space<hbm>>
      %dma_wait3A_272 = tpu.memref_squeeze %dma_wait3A_271 : memref<1x102400x16xf32, #tpu.memory_space<hbm>> -> memref<102400x16xf32, #tpu.memory_space<hbm>>
      %dma_wait3A_273 = arith.constant 0 : i32
      %dma_wait3A_274 = arith.constant 0 : i32
      %dma_wait3A_275 = tpu.memref_slice %dma_wait3A_272[%dma_wait3A_273, %dma_wait3A_274] : memref<102400x16xf32, #tpu.memory_space<hbm>> -> memref<102400x16xf32, #tpu.memory_space<hbm>>
      tpu.wait_indirect_dma semaphore(%arg14 : memref<!tpu.dma_semaphore, #tpu.memory_space<semaphore_mem>>) src(%dma_wait3A_275 : memref<102400x16xf32, #tpu.memory_space<hbm>>) dst(%dma_wait3A_265 : memref<128x16xf32, #tpu.memory_space<vmem>>)
      %dma_start3A_276 = arith.constant 0 : i32
      %dma_start3A_277 = arith.constant 0 : i32
      %dma_start3A_278 = arith.constant 0 : i32
      %dma_start3A_279 = arith.constant 0 : i32
      %dma_start3A_280 = tpu.memref_slice %arg8[%dma_start3A_276, %dma_start3A_278, %dma_start3A_279] : memref<4x128x16xf32, #tpu.memory_space<vmem>> -> memref<1x128x16xf32, #tpu.memory_space<vmem>>
      %dma_start3A_281 = tpu.memref_squeeze %dma_start3A_280 : memref<1x128x16xf32, #tpu.memory_space<vmem>> -> memref<128x16xf32, #tpu.memory_space<vmem>>
      %dma_start3A_282 = arith.constant 0 : i32
      %dma_start3A_283 = tpu.memref_slice %arg12[%dma_start3A_277, %dma_start3A_282] : memref<4x128xi32, #tpu.memory_space<vmem>> -> memref<1x128xi32, #tpu.memory_space<vmem>>
      %dma_start3A_284 = tpu.memref_squeeze %dma_start3A_283 : memref<1x128xi32, #tpu.memory_space<vmem>> -> memref<128xi32, #tpu.memory_space<vmem>>
      %dma_start3A_285 = arith.constant 0 : i32
      %dma_start3A_286 = arith.constant 0 : i32
      %dma_start3A_287 = tpu.memref_slice %arg7[%dma_start3A_285, %dma_start3A_286] : memref<102400x16xf32, #tpu.memory_space<vmem_shared>> -> memref<102400x16xf32, #tpu.memory_space<vmem_shared>>
      tpu.enqueue_indirect_dma source(%dma_start3A_281 : memref<128x16xf32, #tpu.memory_space<vmem>>) target(%dma_start3A_287 : memref<102400x16xf32, #tpu.memory_space<vmem_shared>>) offsets(%dma_start3A_284 : memref<128xi32, #tpu.memory_space<vmem>>) semaphore(%arg16 : memref<!tpu.dma_semaphore, #tpu.memory_space<semaphore_mem>>) {add = true}
      %dma_start3A_288 = arith.constant 1 : i32
      %dma_start3A_289 = arith.constant 1 : i32
      %dma_start3A_290 = arith.constant 0 : i32
      %dma_start3A_291 = arith.constant 0 : i32
      %dma_start3A_292 = tpu.memref_slice %arg8[%dma_start3A_288, %dma_start3A_290, %dma_start3A_291] : memref<4x128x16xf32, #tpu.memory_space<vmem>> -> memref<1x128x16xf32, #tpu.memory_space<vmem>>
      %dma_start3A_293 = tpu.memref_squeeze %dma_start3A_292 : memref<1x128x16xf32, #tpu.memory_space<vmem>> -> memref<128x16xf32, #tpu.memory_space<vmem>>
      %dma_start3A_294 = arith.constant 0 : i32
      %dma_start3A_295 = tpu.memref_slice %arg12[%dma_start3A_289, %dma_start3A_294] : memref<4x128xi32, #tpu.memory_space<vmem>> -> memref<1x128xi32, #tpu.memory_space<vmem>>
      %dma_start3A_296 = tpu.memref_squeeze %dma_start3A_295 : memref<1x128xi32, #tpu.memory_space<vmem>> -> memref<128xi32, #tpu.memory_space<vmem>>
      %dma_start3A_297 = arith.constant 0 : i32
      %dma_start3A_298 = arith.constant 0 : i32
      %dma_start3A_299 = tpu.memref_slice %arg7[%dma_start3A_297, %dma_start3A_298] : memref<102400x16xf32, #tpu.memory_space<vmem_shared>> -> memref<102400x16xf32, #tpu.memory_space<vmem_shared>>
      tpu.enqueue_indirect_dma source(%dma_start3A_293 : memref<128x16xf32, #tpu.memory_space<vmem>>) target(%dma_start3A_299 : memref<102400x16xf32, #tpu.memory_space<vmem_shared>>) offsets(%dma_start3A_296 : memref<128xi32, #tpu.memory_space<vmem>>) semaphore(%arg16 : memref<!tpu.dma_semaphore, #tpu.memory_space<semaphore_mem>>) {add = true}
      %dma_start3A_300 = arith.constant 2 : i32
      %dma_start3A_301 = arith.constant 2 : i32
      %dma_start3A_302 = arith.constant 0 : i32
      %dma_start3A_303 = arith.constant 0 : i32
      %dma_start3A_304 = tpu.memref_slice %arg8[%dma_start3A_300, %dma_start3A_302, %dma_start3A_303] : memref<4x128x16xf32, #tpu.memory_space<vmem>> -> memref<1x128x16xf32, #tpu.memory_space<vmem>>
      %dma_start3A_305 = tpu.memref_squeeze %dma_start3A_304 : memref<1x128x16xf32, #tpu.memory_space<vmem>> -> memref<128x16xf32, #tpu.memory_space<vmem>>
      %dma_start3A_306 = arith.constant 0 : i32
      %dma_start3A_307 = tpu.memref_slice %arg12[%dma_start3A_301, %dma_start3A_306] : memref<4x128xi32, #tpu.memory_space<vmem>> -> memref<1x128xi32, #tpu.memory_space<vmem>>
      %dma_start3A_308 = tpu.memref_squeeze %dma_start3A_307 : memref<1x128xi32, #tpu.memory_space<vmem>> -> memref<128xi32, #tpu.memory_space<vmem>>
      %dma_start3A_309 = arith.constant 0 : i32
      %dma_start3A_310 = arith.constant 0 : i32
      %dma_start3A_311 = tpu.memref_slice %arg7[%dma_start3A_309, %dma_start3A_310] : memref<102400x16xf32, #tpu.memory_space<vmem_shared>> -> memref<102400x16xf32, #tpu.memory_space<vmem_shared>>
      tpu.enqueue_indirect_dma source(%dma_start3A_305 : memref<128x16xf32, #tpu.memory_space<vmem>>) target(%dma_start3A_311 : memref<102400x16xf32, #tpu.memory_space<vmem_shared>>) offsets(%dma_start3A_308 : memref<128xi32, #tpu.memory_space<vmem>>) semaphore(%arg16 : memref<!tpu.dma_semaphore, #tpu.memory_space<semaphore_mem>>) {add = true}
      %dma_start3A_312 = arith.constant 3 : i32
      %dma_start3A_313 = arith.constant 3 : i32
      %dma_start3A_314 = arith.constant 0 : i32
      %dma_start3A_315 = arith.constant 0 : i32
      %dma_start3A_316 = tpu.memref_slice %arg8[%dma_start3A_312, %dma_start3A_314, %dma_start3A_315] : memref<4x128x16xf32, #tpu.memory_space<vmem>> -> memref<1x128x16xf32, #tpu.memory_space<vmem>>
      %dma_start3A_317 = tpu.memref_squeeze %dma_start3A_316 : memref<1x128x16xf32, #tpu.memory_space<vmem>> -> memref<128x16xf32, #tpu.memory_space<vmem>>
      %dma_start3A_318 = arith.constant 0 : i32
      %dma_start3A_319 = tpu.memref_slice %arg12[%dma_start3A_313, %dma_start3A_318] : memref<4x128xi32, #tpu.memory_space<vmem>> -> memref<1x128xi32, #tpu.memory_space<vmem>>
      %dma_start3A_320 = tpu.memref_squeeze %dma_start3A_319 : memref<1x128xi32, #tpu.memory_space<vmem>> -> memref<128xi32, #tpu.memory_space<vmem>>
      %dma_start3A_321 = arith.constant 0 : i32
      %dma_start3A_322 = arith.constant 0 : i32
      %dma_start3A_323 = tpu.memref_slice %arg7[%dma_start3A_321, %dma_start3A_322] : memref<102400x16xf32, #tpu.memory_space<vmem_shared>> -> memref<102400x16xf32, #tpu.memory_space<vmem_shared>>
      tpu.enqueue_indirect_dma source(%dma_start3A_317 : memref<128x16xf32, #tpu.memory_space<vmem>>) target(%dma_start3A_323 : memref<102400x16xf32, #tpu.memory_space<vmem_shared>>) offsets(%dma_start3A_320 : memref<128xi32, #tpu.memory_space<vmem>>) semaphore(%arg16 : memref<!tpu.dma_semaphore, #tpu.memory_space<semaphore_mem>>) {add = true}
      %dma_wait3A_324 = arith.constant 0 : i32
      %dma_wait3A_325 = arith.constant 0 : i32
      %dma_wait3A_326 = arith.constant 0 : i32
      %dma_wait3A_327 = arith.constant 0 : i32
      %dma_wait3A_328 = tpu.memref_slice %arg8[%dma_wait3A_324, %dma_wait3A_326, %dma_wait3A_327] : memref<4x128x16xf32, #tpu.memory_space<vmem>> -> memref<1x128x16xf32, #tpu.memory_space<vmem>>
      %dma_wait3A_329 = tpu.memref_squeeze %dma_wait3A_328 : memref<1x128x16xf32, #tpu.memory_space<vmem>> -> memref<128x16xf32, #tpu.memory_space<vmem>>
      %dma_wait3A_330 = arith.constant 0 : i32
      %dma_wait3A_331 = tpu.memref_slice %arg12[%dma_wait3A_325, %dma_wait3A_330] : memref<4x128xi32, #tpu.memory_space<vmem>> -> memref<1x128xi32, #tpu.memory_space<vmem>>
      %dma_wait3A_332 = tpu.memref_squeeze %dma_wait3A_331 : memref<1x128xi32, #tpu.memory_space<vmem>> -> memref<128xi32, #tpu.memory_space<vmem>>
      %dma_wait3A_333 = arith.constant 0 : i32
      %dma_wait3A_334 = arith.constant 0 : i32
      %dma_wait3A_335 = tpu.memref_slice %arg7[%dma_wait3A_333, %dma_wait3A_334] : memref<102400x16xf32, #tpu.memory_space<vmem_shared>> -> memref<102400x16xf32, #tpu.memory_space<vmem_shared>>
      tpu.wait_indirect_dma semaphore(%arg16 : memref<!tpu.dma_semaphore, #tpu.memory_space<semaphore_mem>>) src(%dma_wait3A_329 : memref<128x16xf32, #tpu.memory_space<vmem>>) dst(%dma_wait3A_335 : memref<102400x16xf32, #tpu.memory_space<vmem_shared>>)
      %dma_wait3A_336 = arith.constant 1 : i32
      %dma_wait3A_337 = arith.constant 1 : i32
      %dma_wait3A_338 = arith.constant 0 : i32
      %dma_wait3A_339 = arith.constant 0 : i32
      %dma_wait3A_340 = tpu.memref_slice %arg8[%dma_wait3A_336, %dma_wait3A_338, %dma_wait3A_339] : memref<4x128x16xf32, #tpu.memory_space<vmem>> -> memref<1x128x16xf32, #tpu.memory_space<vmem>>
      %dma_wait3A_341 = tpu.memref_squeeze %dma_wait3A_340 : memref<1x128x16xf32, #tpu.memory_space<vmem>> -> memref<128x16xf32, #tpu.memory_space<vmem>>
      %dma_wait3A_342 = arith.constant 0 : i32
      %dma_wait3A_343 = tpu.memref_slice %arg12[%dma_wait3A_337, %dma_wait3A_342] : memref<4x128xi32, #tpu.memory_space<vmem>> -> memref<1x128xi32, #tpu.memory_space<vmem>>
      %dma_wait3A_344 = tpu.memref_squeeze %dma_wait3A_343 : memref<1x128xi32, #tpu.memory_space<vmem>> -> memref<128xi32, #tpu.memory_space<vmem>>
      %dma_wait3A_345 = arith.constant 0 : i32
      %dma_wait3A_346 = arith.constant 0 : i32
      %dma_wait3A_347 = tpu.memref_slice %arg7[%dma_wait3A_345, %dma_wait3A_346] : memref<102400x16xf32, #tpu.memory_space<vmem_shared>> -> memref<102400x16xf32, #tpu.memory_space<vmem_shared>>
      tpu.wait_indirect_dma semaphore(%arg16 : memref<!tpu.dma_semaphore, #tpu.memory_space<semaphore_mem>>) src(%dma_wait3A_341 : memref<128x16xf32, #tpu.memory_space<vmem>>) dst(%dma_wait3A_347 : memref<102400x16xf32, #tpu.memory_space<vmem_shared>>)
      %dma_wait3A_348 = arith.constant 2 : i32
      %dma_wait3A_349 = arith.constant 2 : i32
      %dma_wait3A_350 = arith.constant 0 : i32
      %dma_wait3A_351 = arith.constant 0 : i32
      %dma_wait3A_352 = tpu.memref_slice %arg8[%dma_wait3A_348, %dma_wait3A_350, %dma_wait3A_351] : memref<4x128x16xf32, #tpu.memory_space<vmem>> -> memref<1x128x16xf32, #tpu.memory_space<vmem>>
      %dma_wait3A_353 = tpu.memref_squeeze %dma_wait3A_352 : memref<1x128x16xf32, #tpu.memory_space<vmem>> -> memref<128x16xf32, #tpu.memory_space<vmem>>
      %dma_wait3A_354 = arith.constant 0 : i32
      %dma_wait3A_355 = tpu.memref_slice %arg12[%dma_wait3A_349, %dma_wait3A_354] : memref<4x128xi32, #tpu.memory_space<vmem>> -> memref<1x128xi32, #tpu.memory_space<vmem>>
      %dma_wait3A_356 = tpu.memref_squeeze %dma_wait3A_355 : memref<1x128xi32, #tpu.memory_space<vmem>> -> memref<128xi32, #tpu.memory_space<vmem>>
      %dma_wait3A_357 = arith.constant 0 : i32
      %dma_wait3A_358 = arith.constant 0 : i32
      %dma_wait3A_359 = tpu.memref_slice %arg7[%dma_wait3A_357, %dma_wait3A_358] : memref<102400x16xf32, #tpu.memory_space<vmem_shared>> -> memref<102400x16xf32, #tpu.memory_space<vmem_shared>>
      tpu.wait_indirect_dma semaphore(%arg16 : memref<!tpu.dma_semaphore, #tpu.memory_space<semaphore_mem>>) src(%dma_wait3A_353 : memref<128x16xf32, #tpu.memory_space<vmem>>) dst(%dma_wait3A_359 : memref<102400x16xf32, #tpu.memory_space<vmem_shared>>)
      %dma_wait3A_360 = arith.constant 3 : i32
      %dma_wait3A_361 = arith.constant 3 : i32
      %dma_wait3A_362 = arith.constant 0 : i32
      %dma_wait3A_363 = arith.constant 0 : i32
      %dma_wait3A_364 = tpu.memref_slice %arg8[%dma_wait3A_360, %dma_wait3A_362, %dma_wait3A_363] : memref<4x128x16xf32, #tpu.memory_space<vmem>> -> memref<1x128x16xf32, #tpu.memory_space<vmem>>
      %dma_wait3A_365 = tpu.memref_squeeze %dma_wait3A_364 : memref<1x128x16xf32, #tpu.memory_space<vmem>> -> memref<128x16xf32, #tpu.memory_space<vmem>>
      %dma_wait3A_366 = arith.constant 0 : i32
      %dma_wait3A_367 = tpu.memref_slice %arg12[%dma_wait3A_361, %dma_wait3A_366] : memref<4x128xi32, #tpu.memory_space<vmem>> -> memref<1x128xi32, #tpu.memory_space<vmem>>
      %dma_wait3A_368 = tpu.memref_squeeze %dma_wait3A_367 : memref<1x128xi32, #tpu.memory_space<vmem>> -> memref<128xi32, #tpu.memory_space<vmem>>
      %dma_wait3A_369 = arith.constant 0 : i32
      %dma_wait3A_370 = arith.constant 0 : i32
      %dma_wait3A_371 = tpu.memref_slice %arg7[%dma_wait3A_369, %dma_wait3A_370] : memref<102400x16xf32, #tpu.memory_space<vmem_shared>> -> memref<102400x16xf32, #tpu.memory_space<vmem_shared>>
      tpu.wait_indirect_dma semaphore(%arg16 : memref<!tpu.dma_semaphore, #tpu.memory_space<semaphore_mem>>) src(%dma_wait3A_365 : memref<128x16xf32, #tpu.memory_space<vmem>>) dst(%dma_wait3A_371 : memref<102400x16xf32, #tpu.memory_space<vmem_shared>>)
      %mul3A_372 = arith.constant 784 : i32
      %mul3A_373 = arith.muli %arg1, %mul3A_372 : i32
      %mul3A_374 = arith.constant 2 : i32
      %mul3A_375 = arith.muli %mul3A_374, %scan3A_139 : i32
      %add3A_376 = arith.constant 2 : i32
      %add3A_377 = arith.addi %mul3A_375, %add3A_376 : i32
      %mul3A_378 = arith.constant 4 : i32
      %mul3A_379 = arith.muli %add3A_377, %mul3A_378 : i32
      %add3A_380 = arith.addi %mul3A_373, %mul3A_379 : i32
      %min3A = arith.constant 12540 : i32
      %min3A_381 = arith.minsi %add3A_380, %min3A : i32
      "tpu.region"() ({
        %run_scoped3A = tpu.sem_alloc : memref<!tpu.dma_semaphore, #tpu.memory_space<semaphore_mem>>
        %dma_start3A_606 = arith.constant 0 : i32
        %dma_start3A_607 = tpu.memref_slice %arg3[%min3A_381, %dma_start3A_606] : memref<12544x128xi32, #tpu.memory_space<hbm>> -> memref<4x128xi32, #tpu.memory_space<hbm>>
        %dma_start3A_608 = arith.constant 0 : i32
        %dma_start3A_609 = tpu.memref_slice %arg3[%min3A_381, %dma_start3A_608] : memref<12544x128xi32, #tpu.memory_space<hbm>> -> memref<4x128xi32, #tpu.memory_space<hbm>>
        tpu.enqueue_dma source(%dma_start3A_609 : memref<4x128xi32, #tpu.memory_space<hbm>>) target(%arg10 : memref<4x128xi32, #tpu.memory_space<vmem>>) target_semaphore(%run_scoped3A : memref<!tpu.dma_semaphore, #tpu.memory_space<semaphore_mem>>)
        %dma_wait3A_610 = arith.constant 0 : i32
        %dma_wait3A_611 = tpu.memref_slice %arg3[%min3A_381, %dma_wait3A_610] : memref<12544x128xi32, #tpu.memory_space<hbm>> -> memref<4x128xi32, #tpu.memory_space<hbm>>
        %dma_wait3A_612 = arith.constant 0 : i32
        %dma_wait3A_613 = tpu.memref_slice %arg3[%min3A_381, %dma_wait3A_612] : memref<12544x128xi32, #tpu.memory_space<hbm>> -> memref<4x128xi32, #tpu.memory_space<hbm>>
        tpu.wait_dma2 semaphore(%run_scoped3A : memref<!tpu.dma_semaphore, #tpu.memory_space<semaphore_mem>>) src(%dma_wait3A_613 : memref<4x128xi32, #tpu.memory_space<hbm>>) dst(%arg10 : memref<4x128xi32, #tpu.memory_space<vmem>>)
        tpu.yield
      }) : () -> ()
      "tpu.region"() ({
        %run_scoped3A = tpu.sem_alloc : memref<!tpu.dma_semaphore, #tpu.memory_space<semaphore_mem>>
        %dma_start3A_606 = arith.constant 0 : i32
        %dma_start3A_607 = tpu.memref_slice %arg4[%min3A_381, %dma_start3A_606] : memref<12544x128xi32, #tpu.memory_space<hbm>> -> memref<4x128xi32, #tpu.memory_space<hbm>>
        %dma_start3A_608 = arith.constant 0 : i32
        %dma_start3A_609 = tpu.memref_slice %arg4[%min3A_381, %dma_start3A_608] : memref<12544x128xi32, #tpu.memory_space<hbm>> -> memref<4x128xi32, #tpu.memory_space<hbm>>
        tpu.enqueue_dma source(%dma_start3A_609 : memref<4x128xi32, #tpu.memory_space<hbm>>) target(%arg12 : memref<4x128xi32, #tpu.memory_space<vmem>>) target_semaphore(%run_scoped3A : memref<!tpu.dma_semaphore, #tpu.memory_space<semaphore_mem>>)
        %dma_wait3A_610 = arith.constant 0 : i32
        %dma_wait3A_611 = tpu.memref_slice %arg4[%min3A_381, %dma_wait3A_610] : memref<12544x128xi32, #tpu.memory_space<hbm>> -> memref<4x128xi32, #tpu.memory_space<hbm>>
        %dma_wait3A_612 = arith.constant 0 : i32
        %dma_wait3A_613 = tpu.memref_slice %arg4[%min3A_381, %dma_wait3A_612] : memref<12544x128xi32, #tpu.memory_space<hbm>> -> memref<4x128xi32, #tpu.memory_space<hbm>>
        tpu.wait_dma2 semaphore(%run_scoped3A : memref<!tpu.dma_semaphore, #tpu.memory_space<semaphore_mem>>) src(%dma_wait3A_613 : memref<4x128xi32, #tpu.memory_space<hbm>>) dst(%arg12 : memref<4x128xi32, #tpu.memory_space<vmem>>)
        tpu.yield
      }) : () -> ()
      %dma_start3A_382 = arith.constant 0 : i32
      %dma_start3A_383 = arith.constant 0 : i32
      %dma_start3A_384 = arith.constant 0 : i32
      %dma_start3A_385 = arith.constant 0 : i32
      %dma_start3A_386 = tpu.memref_slice %arg8[%dma_start3A_383, %dma_start3A_384, %dma_start3A_385] : memref<4x128x16xf32, #tpu.memory_space<vmem>> -> memref<1x128x16xf32, #tpu.memory_space<vmem>>
      %dma_start3A_387 = tpu.memref_squeeze %dma_start3A_386 : memref<1x128x16xf32, #tpu.memory_space<vmem>> -> memref<128x16xf32, #tpu.memory_space<vmem>>
      %dma_start3A_388 = arith.constant 0 : i32
      %dma_start3A_389 = tpu.memref_slice %arg10[%dma_start3A_382, %dma_start3A_388] : memref<4x128xi32, #tpu.memory_space<vmem>> -> memref<1x128xi32, #tpu.memory_space<vmem>>
      %dma_start3A_390 = tpu.memref_squeeze %dma_start3A_389 : memref<1x128xi32, #tpu.memory_space<vmem>> -> memref<128xi32, #tpu.memory_space<vmem>>
      %dma_start3A_391 = arith.constant 0 : i32
      %dma_start3A_392 = arith.constant 0 : i32
      %dma_start3A_393 = tpu.memref_slice %arg2[%arg0, %dma_start3A_391, %dma_start3A_392] : memref<2x102400x16xf32, #tpu.memory_space<hbm>> -> memref<1x102400x16xf32, #tpu.memory_space<hbm>>
      %dma_start3A_394 = tpu.memref_squeeze %dma_start3A_393 : memref<1x102400x16xf32, #tpu.memory_space<hbm>> -> memref<102400x16xf32, #tpu.memory_space<hbm>>
      %dma_start3A_395 = arith.constant 0 : i32
      %dma_start3A_396 = arith.constant 0 : i32
      %dma_start3A_397 = tpu.memref_slice %dma_start3A_394[%dma_start3A_395, %dma_start3A_396] : memref<102400x16xf32, #tpu.memory_space<hbm>> -> memref<102400x16xf32, #tpu.memory_space<hbm>>
      tpu.enqueue_indirect_dma source(%dma_start3A_397 : memref<102400x16xf32, #tpu.memory_space<hbm>>) target(%dma_start3A_387 : memref<128x16xf32, #tpu.memory_space<vmem>>) offsets(%dma_start3A_390 : memref<128xi32, #tpu.memory_space<vmem>>) semaphore(%arg14 : memref<!tpu.dma_semaphore, #tpu.memory_space<semaphore_mem>>)
      %dma_start3A_398 = arith.constant 1 : i32
      %dma_start3A_399 = arith.constant 1 : i32
      %dma_start3A_400 = arith.constant 0 : i32
      %dma_start3A_401 = arith.constant 0 : i32
      %dma_start3A_402 = tpu.memref_slice %arg8[%dma_start3A_399, %dma_start3A_400, %dma_start3A_401] : memref<4x128x16xf32, #tpu.memory_space<vmem>> -> memref<1x128x16xf32, #tpu.memory_space<vmem>>
      %dma_start3A_403 = tpu.memref_squeeze %dma_start3A_402 : memref<1x128x16xf32, #tpu.memory_space<vmem>> -> memref<128x16xf32, #tpu.memory_space<vmem>>
      %dma_start3A_404 = arith.constant 0 : i32
      %dma_start3A_405 = tpu.memref_slice %arg10[%dma_start3A_398, %dma_start3A_404] : memref<4x128xi32, #tpu.memory_space<vmem>> -> memref<1x128xi32, #tpu.memory_space<vmem>>
      %dma_start3A_406 = tpu.memref_squeeze %dma_start3A_405 : memref<1x128xi32, #tpu.memory_space<vmem>> -> memref<128xi32, #tpu.memory_space<vmem>>
      %dma_start3A_407 = arith.constant 0 : i32
      %dma_start3A_408 = arith.constant 0 : i32
      %dma_start3A_409 = tpu.memref_slice %arg2[%arg0, %dma_start3A_407, %dma_start3A_408] : memref<2x102400x16xf32, #tpu.memory_space<hbm>> -> memref<1x102400x16xf32, #tpu.memory_space<hbm>>
      %dma_start3A_410 = tpu.memref_squeeze %dma_start3A_409 : memref<1x102400x16xf32, #tpu.memory_space<hbm>> -> memref<102400x16xf32, #tpu.memory_space<hbm>>
      %dma_start3A_411 = arith.constant 0 : i32
      %dma_start3A_412 = arith.constant 0 : i32
      %dma_start3A_413 = tpu.memref_slice %dma_start3A_410[%dma_start3A_411, %dma_start3A_412] : memref<102400x16xf32, #tpu.memory_space<hbm>> -> memref<102400x16xf32, #tpu.memory_space<hbm>>
      tpu.enqueue_indirect_dma source(%dma_start3A_413 : memref<102400x16xf32, #tpu.memory_space<hbm>>) target(%dma_start3A_403 : memref<128x16xf32, #tpu.memory_space<vmem>>) offsets(%dma_start3A_406 : memref<128xi32, #tpu.memory_space<vmem>>) semaphore(%arg14 : memref<!tpu.dma_semaphore, #tpu.memory_space<semaphore_mem>>)
      %dma_start3A_414 = arith.constant 2 : i32
      %dma_start3A_415 = arith.constant 2 : i32
      %dma_start3A_416 = arith.constant 0 : i32
      %dma_start3A_417 = arith.constant 0 : i32
      %dma_start3A_418 = tpu.memref_slice %arg8[%dma_start3A_415, %dma_start3A_416, %dma_start3A_417] : memref<4x128x16xf32, #tpu.memory_space<vmem>> -> memref<1x128x16xf32, #tpu.memory_space<vmem>>
      %dma_start3A_419 = tpu.memref_squeeze %dma_start3A_418 : memref<1x128x16xf32, #tpu.memory_space<vmem>> -> memref<128x16xf32, #tpu.memory_space<vmem>>
      %dma_start3A_420 = arith.constant 0 : i32
      %dma_start3A_421 = tpu.memref_slice %arg10[%dma_start3A_414, %dma_start3A_420] : memref<4x128xi32, #tpu.memory_space<vmem>> -> memref<1x128xi32, #tpu.memory_space<vmem>>
      %dma_start3A_422 = tpu.memref_squeeze %dma_start3A_421 : memref<1x128xi32, #tpu.memory_space<vmem>> -> memref<128xi32, #tpu.memory_space<vmem>>
      %dma_start3A_423 = arith.constant 0 : i32
      %dma_start3A_424 = arith.constant 0 : i32
      %dma_start3A_425 = tpu.memref_slice %arg2[%arg0, %dma_start3A_423, %dma_start3A_424] : memref<2x102400x16xf32, #tpu.memory_space<hbm>> -> memref<1x102400x16xf32, #tpu.memory_space<hbm>>
      %dma_start3A_426 = tpu.memref_squeeze %dma_start3A_425 : memref<1x102400x16xf32, #tpu.memory_space<hbm>> -> memref<102400x16xf32, #tpu.memory_space<hbm>>
      %dma_start3A_427 = arith.constant 0 : i32
      %dma_start3A_428 = arith.constant 0 : i32
      %dma_start3A_429 = tpu.memref_slice %dma_start3A_426[%dma_start3A_427, %dma_start3A_428] : memref<102400x16xf32, #tpu.memory_space<hbm>> -> memref<102400x16xf32, #tpu.memory_space<hbm>>
      tpu.enqueue_indirect_dma source(%dma_start3A_429 : memref<102400x16xf32, #tpu.memory_space<hbm>>) target(%dma_start3A_419 : memref<128x16xf32, #tpu.memory_space<vmem>>) offsets(%dma_start3A_422 : memref<128xi32, #tpu.memory_space<vmem>>) semaphore(%arg14 : memref<!tpu.dma_semaphore, #tpu.memory_space<semaphore_mem>>)
      %dma_start3A_430 = arith.constant 3 : i32
      %dma_start3A_431 = arith.constant 3 : i32
      %dma_start3A_432 = arith.constant 0 : i32
      %dma_start3A_433 = arith.constant 0 : i32
      %dma_start3A_434 = tpu.memref_slice %arg8[%dma_start3A_431, %dma_start3A_432, %dma_start3A_433] : memref<4x128x16xf32, #tpu.memory_space<vmem>> -> memref<1x128x16xf32, #tpu.memory_space<vmem>>
      %dma_start3A_435 = tpu.memref_squeeze %dma_start3A_434 : memref<1x128x16xf32, #tpu.memory_space<vmem>> -> memref<128x16xf32, #tpu.memory_space<vmem>>
      %dma_start3A_436 = arith.constant 0 : i32
      %dma_start3A_437 = tpu.memref_slice %arg10[%dma_start3A_430, %dma_start3A_436] : memref<4x128xi32, #tpu.memory_space<vmem>> -> memref<1x128xi32, #tpu.memory_space<vmem>>
      %dma_start3A_438 = tpu.memref_squeeze %dma_start3A_437 : memref<1x128xi32, #tpu.memory_space<vmem>> -> memref<128xi32, #tpu.memory_space<vmem>>
      %dma_start3A_439 = arith.constant 0 : i32
      %dma_start3A_440 = arith.constant 0 : i32
      %dma_start3A_441 = tpu.memref_slice %arg2[%arg0, %dma_start3A_439, %dma_start3A_440] : memref<2x102400x16xf32, #tpu.memory_space<hbm>> -> memref<1x102400x16xf32, #tpu.memory_space<hbm>>
      %dma_start3A_442 = tpu.memref_squeeze %dma_start3A_441 : memref<1x102400x16xf32, #tpu.memory_space<hbm>> -> memref<102400x16xf32, #tpu.memory_space<hbm>>
      %dma_start3A_443 = arith.constant 0 : i32
      %dma_start3A_444 = arith.constant 0 : i32
      %dma_start3A_445 = tpu.memref_slice %dma_start3A_442[%dma_start3A_443, %dma_start3A_444] : memref<102400x16xf32, #tpu.memory_space<hbm>> -> memref<102400x16xf32, #tpu.memory_space<hbm>>
      tpu.enqueue_indirect_dma source(%dma_start3A_445 : memref<102400x16xf32, #tpu.memory_space<hbm>>) target(%dma_start3A_435 : memref<128x16xf32, #tpu.memory_space<vmem>>) offsets(%dma_start3A_438 : memref<128xi32, #tpu.memory_space<vmem>>) semaphore(%arg14 : memref<!tpu.dma_semaphore, #tpu.memory_space<semaphore_mem>>)
      %dma_wait3A_446 = arith.constant 0 : i32
      %dma_wait3A_447 = arith.constant 0 : i32
      %dma_wait3A_448 = arith.constant 0 : i32
      %dma_wait3A_449 = arith.constant 0 : i32
      %dma_wait3A_450 = tpu.memref_slice %arg9[%dma_wait3A_447, %dma_wait3A_448, %dma_wait3A_449] : memref<4x128x16xf32, #tpu.memory_space<vmem>> -> memref<1x128x16xf32, #tpu.memory_space<vmem>>
      %dma_wait3A_451 = tpu.memref_squeeze %dma_wait3A_450 : memref<1x128x16xf32, #tpu.memory_space<vmem>> -> memref<128x16xf32, #tpu.memory_space<vmem>>
      %dma_wait3A_452 = arith.constant 0 : i32
      %dma_wait3A_453 = tpu.memref_slice %arg11[%dma_wait3A_446, %dma_wait3A_452] : memref<4x128xi32, #tpu.memory_space<vmem>> -> memref<1x128xi32, #tpu.memory_space<vmem>>
      %dma_wait3A_454 = tpu.memref_squeeze %dma_wait3A_453 : memref<1x128xi32, #tpu.memory_space<vmem>> -> memref<128xi32, #tpu.memory_space<vmem>>
      %dma_wait3A_455 = arith.constant 0 : i32
      %dma_wait3A_456 = arith.constant 0 : i32
      %dma_wait3A_457 = tpu.memref_slice %arg2[%arg0, %dma_wait3A_455, %dma_wait3A_456] : memref<2x102400x16xf32, #tpu.memory_space<hbm>> -> memref<1x102400x16xf32, #tpu.memory_space<hbm>>
      %dma_wait3A_458 = tpu.memref_squeeze %dma_wait3A_457 : memref<1x102400x16xf32, #tpu.memory_space<hbm>> -> memref<102400x16xf32, #tpu.memory_space<hbm>>
      %dma_wait3A_459 = arith.constant 0 : i32
      %dma_wait3A_460 = arith.constant 0 : i32
      %dma_wait3A_461 = tpu.memref_slice %dma_wait3A_458[%dma_wait3A_459, %dma_wait3A_460] : memref<102400x16xf32, #tpu.memory_space<hbm>> -> memref<102400x16xf32, #tpu.memory_space<hbm>>
      tpu.wait_indirect_dma semaphore(%arg15 : memref<!tpu.dma_semaphore, #tpu.memory_space<semaphore_mem>>) src(%dma_wait3A_461 : memref<102400x16xf32, #tpu.memory_space<hbm>>) dst(%dma_wait3A_451 : memref<128x16xf32, #tpu.memory_space<vmem>>)
      %dma_wait3A_462 = arith.constant 1 : i32
      %dma_wait3A_463 = arith.constant 1 : i32
      %dma_wait3A_464 = arith.constant 0 : i32
      %dma_wait3A_465 = arith.constant 0 : i32
      %dma_wait3A_466 = tpu.memref_slice %arg9[%dma_wait3A_463, %dma_wait3A_464, %dma_wait3A_465] : memref<4x128x16xf32, #tpu.memory_space<vmem>> -> memref<1x128x16xf32, #tpu.memory_space<vmem>>
      %dma_wait3A_467 = tpu.memref_squeeze %dma_wait3A_466 : memref<1x128x16xf32, #tpu.memory_space<vmem>> -> memref<128x16xf32, #tpu.memory_space<vmem>>
      %dma_wait3A_468 = arith.constant 0 : i32
      %dma_wait3A_469 = tpu.memref_slice %arg11[%dma_wait3A_462, %dma_wait3A_468] : memref<4x128xi32, #tpu.memory_space<vmem>> -> memref<1x128xi32, #tpu.memory_space<vmem>>
      %dma_wait3A_470 = tpu.memref_squeeze %dma_wait3A_469 : memref<1x128xi32, #tpu.memory_space<vmem>> -> memref<128xi32, #tpu.memory_space<vmem>>
      %dma_wait3A_471 = arith.constant 0 : i32
      %dma_wait3A_472 = arith.constant 0 : i32
      %dma_wait3A_473 = tpu.memref_slice %arg2[%arg0, %dma_wait3A_471, %dma_wait3A_472] : memref<2x102400x16xf32, #tpu.memory_space<hbm>> -> memref<1x102400x16xf32, #tpu.memory_space<hbm>>
      %dma_wait3A_474 = tpu.memref_squeeze %dma_wait3A_473 : memref<1x102400x16xf32, #tpu.memory_space<hbm>> -> memref<102400x16xf32, #tpu.memory_space<hbm>>
      %dma_wait3A_475 = arith.constant 0 : i32
      %dma_wait3A_476 = arith.constant 0 : i32
      %dma_wait3A_477 = tpu.memref_slice %dma_wait3A_474[%dma_wait3A_475, %dma_wait3A_476] : memref<102400x16xf32, #tpu.memory_space<hbm>> -> memref<102400x16xf32, #tpu.memory_space<hbm>>
      tpu.wait_indirect_dma semaphore(%arg15 : memref<!tpu.dma_semaphore, #tpu.memory_space<semaphore_mem>>) src(%dma_wait3A_477 : memref<102400x16xf32, #tpu.memory_space<hbm>>) dst(%dma_wait3A_467 : memref<128x16xf32, #tpu.memory_space<vmem>>)
      %dma_wait3A_478 = arith.constant 2 : i32
      %dma_wait3A_479 = arith.constant 2 : i32
      %dma_wait3A_480 = arith.constant 0 : i32
      %dma_wait3A_481 = arith.constant 0 : i32
      %dma_wait3A_482 = tpu.memref_slice %arg9[%dma_wait3A_479, %dma_wait3A_480, %dma_wait3A_481] : memref<4x128x16xf32, #tpu.memory_space<vmem>> -> memref<1x128x16xf32, #tpu.memory_space<vmem>>
      %dma_wait3A_483 = tpu.memref_squeeze %dma_wait3A_482 : memref<1x128x16xf32, #tpu.memory_space<vmem>> -> memref<128x16xf32, #tpu.memory_space<vmem>>
      %dma_wait3A_484 = arith.constant 0 : i32
      %dma_wait3A_485 = tpu.memref_slice %arg11[%dma_wait3A_478, %dma_wait3A_484] : memref<4x128xi32, #tpu.memory_space<vmem>> -> memref<1x128xi32, #tpu.memory_space<vmem>>
      %dma_wait3A_486 = tpu.memref_squeeze %dma_wait3A_485 : memref<1x128xi32, #tpu.memory_space<vmem>> -> memref<128xi32, #tpu.memory_space<vmem>>
      %dma_wait3A_487 = arith.constant 0 : i32
      %dma_wait3A_488 = arith.constant 0 : i32
      %dma_wait3A_489 = tpu.memref_slice %arg2[%arg0, %dma_wait3A_487, %dma_wait3A_488] : memref<2x102400x16xf32, #tpu.memory_space<hbm>> -> memref<1x102400x16xf32, #tpu.memory_space<hbm>>
      %dma_wait3A_490 = tpu.memref_squeeze %dma_wait3A_489 : memref<1x102400x16xf32, #tpu.memory_space<hbm>> -> memref<102400x16xf32, #tpu.memory_space<hbm>>
      %dma_wait3A_491 = arith.constant 0 : i32
      %dma_wait3A_492 = arith.constant 0 : i32
      %dma_wait3A_493 = tpu.memref_slice %dma_wait3A_490[%dma_wait3A_491, %dma_wait3A_492] : memref<102400x16xf32, #tpu.memory_space<hbm>> -> memref<102400x16xf32, #tpu.memory_space<hbm>>
      tpu.wait_indirect_dma semaphore(%arg15 : memref<!tpu.dma_semaphore, #tpu.memory_space<semaphore_mem>>) src(%dma_wait3A_493 : memref<102400x16xf32, #tpu.memory_space<hbm>>) dst(%dma_wait3A_483 : memref<128x16xf32, #tpu.memory_space<vmem>>)
      %dma_wait3A_494 = arith.constant 3 : i32
      %dma_wait3A_495 = arith.constant 3 : i32
      %dma_wait3A_496 = arith.constant 0 : i32
      %dma_wait3A_497 = arith.constant 0 : i32
      %dma_wait3A_498 = tpu.memref_slice %arg9[%dma_wait3A_495, %dma_wait3A_496, %dma_wait3A_497] : memref<4x128x16xf32, #tpu.memory_space<vmem>> -> memref<1x128x16xf32, #tpu.memory_space<vmem>>
      %dma_wait3A_499 = tpu.memref_squeeze %dma_wait3A_498 : memref<1x128x16xf32, #tpu.memory_space<vmem>> -> memref<128x16xf32, #tpu.memory_space<vmem>>
      %dma_wait3A_500 = arith.constant 0 : i32
      %dma_wait3A_501 = tpu.memref_slice %arg11[%dma_wait3A_494, %dma_wait3A_500] : memref<4x128xi32, #tpu.memory_space<vmem>> -> memref<1x128xi32, #tpu.memory_space<vmem>>
      %dma_wait3A_502 = tpu.memref_squeeze %dma_wait3A_501 : memref<1x128xi32, #tpu.memory_space<vmem>> -> memref<128xi32, #tpu.memory_space<vmem>>
      %dma_wait3A_503 = arith.constant 0 : i32
      %dma_wait3A_504 = arith.constant 0 : i32
      %dma_wait3A_505 = tpu.memref_slice %arg2[%arg0, %dma_wait3A_503, %dma_wait3A_504] : memref<2x102400x16xf32, #tpu.memory_space<hbm>> -> memref<1x102400x16xf32, #tpu.memory_space<hbm>>
      %dma_wait3A_506 = tpu.memref_squeeze %dma_wait3A_505 : memref<1x102400x16xf32, #tpu.memory_space<hbm>> -> memref<102400x16xf32, #tpu.memory_space<hbm>>
      %dma_wait3A_507 = arith.constant 0 : i32
      %dma_wait3A_508 = arith.constant 0 : i32
      %dma_wait3A_509 = tpu.memref_slice %dma_wait3A_506[%dma_wait3A_507, %dma_wait3A_508] : memref<102400x16xf32, #tpu.memory_space<hbm>> -> memref<102400x16xf32, #tpu.memory_space<hbm>>
      tpu.wait_indirect_dma semaphore(%arg15 : memref<!tpu.dma_semaphore, #tpu.memory_space<semaphore_mem>>) src(%dma_wait3A_509 : memref<102400x16xf32, #tpu.memory_space<hbm>>) dst(%dma_wait3A_499 : memref<128x16xf32, #tpu.memory_space<vmem>>)
      %dma_start3A_510 = arith.constant 0 : i32
      %dma_start3A_511 = arith.constant 0 : i32
      %dma_start3A_512 = arith.constant 0 : i32
      %dma_start3A_513 = arith.constant 0 : i32
      %dma_start3A_514 = tpu.memref_slice %arg9[%dma_start3A_510, %dma_start3A_512, %dma_start3A_513] : memref<4x128x16xf32, #tpu.memory_space<vmem>> -> memref<1x128x16xf32, #tpu.memory_space<vmem>>
      %dma_start3A_515 = tpu.memref_squeeze %dma_start3A_514 : memref<1x128x16xf32, #tpu.memory_space<vmem>> -> memref<128x16xf32, #tpu.memory_space<vmem>>
      %dma_start3A_516 = arith.constant 0 : i32
      %dma_start3A_517 = tpu.memref_slice %arg13[%dma_start3A_511, %dma_start3A_516] : memref<4x128xi32, #tpu.memory_space<vmem>> -> memref<1x128xi32, #tpu.memory_space<vmem>>
      %dma_start3A_518 = tpu.memref_squeeze %dma_start3A_517 : memref<1x128xi32, #tpu.memory_space<vmem>> -> memref<128xi32, #tpu.memory_space<vmem>>
      %dma_start3A_519 = arith.constant 0 : i32
      %dma_start3A_520 = arith.constant 0 : i32
      %dma_start3A_521 = tpu.memref_slice %arg7[%dma_start3A_519, %dma_start3A_520] : memref<102400x16xf32, #tpu.memory_space<vmem_shared>> -> memref<102400x16xf32, #tpu.memory_space<vmem_shared>>
      tpu.enqueue_indirect_dma source(%dma_start3A_515 : memref<128x16xf32, #tpu.memory_space<vmem>>) target(%dma_start3A_521 : memref<102400x16xf32, #tpu.memory_space<vmem_shared>>) offsets(%dma_start3A_518 : memref<128xi32, #tpu.memory_space<vmem>>) semaphore(%arg17 : memref<!tpu.dma_semaphore, #tpu.memory_space<semaphore_mem>>) {add = true}
      %dma_start3A_522 = arith.constant 1 : i32
      %dma_start3A_523 = arith.constant 1 : i32
      %dma_start3A_524 = arith.constant 0 : i32
      %dma_start3A_525 = arith.constant 0 : i32
      %dma_start3A_526 = tpu.memref_slice %arg9[%dma_start3A_522, %dma_start3A_524, %dma_start3A_525] : memref<4x128x16xf32, #tpu.memory_space<vmem>> -> memref<1x128x16xf32, #tpu.memory_space<vmem>>
      %dma_start3A_527 = tpu.memref_squeeze %dma_start3A_526 : memref<1x128x16xf32, #tpu.memory_space<vmem>> -> memref<128x16xf32, #tpu.memory_space<vmem>>
      %dma_start3A_528 = arith.constant 0 : i32
      %dma_start3A_529 = tpu.memref_slice %arg13[%dma_start3A_523, %dma_start3A_528] : memref<4x128xi32, #tpu.memory_space<vmem>> -> memref<1x128xi32, #tpu.memory_space<vmem>>
      %dma_start3A_530 = tpu.memref_squeeze %dma_start3A_529 : memref<1x128xi32, #tpu.memory_space<vmem>> -> memref<128xi32, #tpu.memory_space<vmem>>
      %dma_start3A_531 = arith.constant 0 : i32
      %dma_start3A_532 = arith.constant 0 : i32
      %dma_start3A_533 = tpu.memref_slice %arg7[%dma_start3A_531, %dma_start3A_532] : memref<102400x16xf32, #tpu.memory_space<vmem_shared>> -> memref<102400x16xf32, #tpu.memory_space<vmem_shared>>
      tpu.enqueue_indirect_dma source(%dma_start3A_527 : memref<128x16xf32, #tpu.memory_space<vmem>>) target(%dma_start3A_533 : memref<102400x16xf32, #tpu.memory_space<vmem_shared>>) offsets(%dma_start3A_530 : memref<128xi32, #tpu.memory_space<vmem>>) semaphore(%arg17 : memref<!tpu.dma_semaphore, #tpu.memory_space<semaphore_mem>>) {add = true}
      %dma_start3A_534 = arith.constant 2 : i32
      %dma_start3A_535 = arith.constant 2 : i32
      %dma_start3A_536 = arith.constant 0 : i32
      %dma_start3A_537 = arith.constant 0 : i32
      %dma_start3A_538 = tpu.memref_slice %arg9[%dma_start3A_534, %dma_start3A_536, %dma_start3A_537] : memref<4x128x16xf32, #tpu.memory_space<vmem>> -> memref<1x128x16xf32, #tpu.memory_space<vmem>>
      %dma_start3A_539 = tpu.memref_squeeze %dma_start3A_538 : memref<1x128x16xf32, #tpu.memory_space<vmem>> -> memref<128x16xf32, #tpu.memory_space<vmem>>
      %dma_start3A_540 = arith.constant 0 : i32
      %dma_start3A_541 = tpu.memref_slice %arg13[%dma_start3A_535, %dma_start3A_540] : memref<4x128xi32, #tpu.memory_space<vmem>> -> memref<1x128xi32, #tpu.memory_space<vmem>>
      %dma_start3A_542 = tpu.memref_squeeze %dma_start3A_541 : memref<1x128xi32, #tpu.memory_space<vmem>> -> memref<128xi32, #tpu.memory_space<vmem>>
      %dma_start3A_543 = arith.constant 0 : i32
      %dma_start3A_544 = arith.constant 0 : i32
      %dma_start3A_545 = tpu.memref_slice %arg7[%dma_start3A_543, %dma_start3A_544] : memref<102400x16xf32, #tpu.memory_space<vmem_shared>> -> memref<102400x16xf32, #tpu.memory_space<vmem_shared>>
      tpu.enqueue_indirect_dma source(%dma_start3A_539 : memref<128x16xf32, #tpu.memory_space<vmem>>) target(%dma_start3A_545 : memref<102400x16xf32, #tpu.memory_space<vmem_shared>>) offsets(%dma_start3A_542 : memref<128xi32, #tpu.memory_space<vmem>>) semaphore(%arg17 : memref<!tpu.dma_semaphore, #tpu.memory_space<semaphore_mem>>) {add = true}
      %dma_start3A_546 = arith.constant 3 : i32
      %dma_start3A_547 = arith.constant 3 : i32
      %dma_start3A_548 = arith.constant 0 : i32
      %dma_start3A_549 = arith.constant 0 : i32
      %dma_start3A_550 = tpu.memref_slice %arg9[%dma_start3A_546, %dma_start3A_548, %dma_start3A_549] : memref<4x128x16xf32, #tpu.memory_space<vmem>> -> memref<1x128x16xf32, #tpu.memory_space<vmem>>
      %dma_start3A_551 = tpu.memref_squeeze %dma_start3A_550 : memref<1x128x16xf32, #tpu.memory_space<vmem>> -> memref<128x16xf32, #tpu.memory_space<vmem>>
      %dma_start3A_552 = arith.constant 0 : i32
      %dma_start3A_553 = tpu.memref_slice %arg13[%dma_start3A_547, %dma_start3A_552] : memref<4x128xi32, #tpu.memory_space<vmem>> -> memref<1x128xi32, #tpu.memory_space<vmem>>
      %dma_start3A_554 = tpu.memref_squeeze %dma_start3A_553 : memref<1x128xi32, #tpu.memory_space<vmem>> -> memref<128xi32, #tpu.memory_space<vmem>>
      %dma_start3A_555 = arith.constant 0 : i32
      %dma_start3A_556 = arith.constant 0 : i32
      %dma_start3A_557 = tpu.memref_slice %arg7[%dma_start3A_555, %dma_start3A_556] : memref<102400x16xf32, #tpu.memory_space<vmem_shared>> -> memref<102400x16xf32, #tpu.memory_space<vmem_shared>>
      tpu.enqueue_indirect_dma source(%dma_start3A_551 : memref<128x16xf32, #tpu.memory_space<vmem>>) target(%dma_start3A_557 : memref<102400x16xf32, #tpu.memory_space<vmem_shared>>) offsets(%dma_start3A_554 : memref<128xi32, #tpu.memory_space<vmem>>) semaphore(%arg17 : memref<!tpu.dma_semaphore, #tpu.memory_space<semaphore_mem>>) {add = true}
      %dma_wait3A_558 = arith.constant 0 : i32
      %dma_wait3A_559 = arith.constant 0 : i32
      %dma_wait3A_560 = arith.constant 0 : i32
      %dma_wait3A_561 = arith.constant 0 : i32
      %dma_wait3A_562 = tpu.memref_slice %arg9[%dma_wait3A_558, %dma_wait3A_560, %dma_wait3A_561] : memref<4x128x16xf32, #tpu.memory_space<vmem>> -> memref<1x128x16xf32, #tpu.memory_space<vmem>>
      %dma_wait3A_563 = tpu.memref_squeeze %dma_wait3A_562 : memref<1x128x16xf32, #tpu.memory_space<vmem>> -> memref<128x16xf32, #tpu.memory_space<vmem>>
      %dma_wait3A_564 = arith.constant 0 : i32
      %dma_wait3A_565 = tpu.memref_slice %arg13[%dma_wait3A_559, %dma_wait3A_564] : memref<4x128xi32, #tpu.memory_space<vmem>> -> memref<1x128xi32, #tpu.memory_space<vmem>>
      %dma_wait3A_566 = tpu.memref_squeeze %dma_wait3A_565 : memref<1x128xi32, #tpu.memory_space<vmem>> -> memref<128xi32, #tpu.memory_space<vmem>>
      %dma_wait3A_567 = arith.constant 0 : i32
      %dma_wait3A_568 = arith.constant 0 : i32
      %dma_wait3A_569 = tpu.memref_slice %arg7[%dma_wait3A_567, %dma_wait3A_568] : memref<102400x16xf32, #tpu.memory_space<vmem_shared>> -> memref<102400x16xf32, #tpu.memory_space<vmem_shared>>
      tpu.wait_indirect_dma semaphore(%arg17 : memref<!tpu.dma_semaphore, #tpu.memory_space<semaphore_mem>>) src(%dma_wait3A_563 : memref<128x16xf32, #tpu.memory_space<vmem>>) dst(%dma_wait3A_569 : memref<102400x16xf32, #tpu.memory_space<vmem_shared>>)
      %dma_wait3A_570 = arith.constant 1 : i32
      %dma_wait3A_571 = arith.constant 1 : i32
      %dma_wait3A_572 = arith.constant 0 : i32
      %dma_wait3A_573 = arith.constant 0 : i32
      %dma_wait3A_574 = tpu.memref_slice %arg9[%dma_wait3A_570, %dma_wait3A_572, %dma_wait3A_573] : memref<4x128x16xf32, #tpu.memory_space<vmem>> -> memref<1x128x16xf32, #tpu.memory_space<vmem>>
      %dma_wait3A_575 = tpu.memref_squeeze %dma_wait3A_574 : memref<1x128x16xf32, #tpu.memory_space<vmem>> -> memref<128x16xf32, #tpu.memory_space<vmem>>
      %dma_wait3A_576 = arith.constant 0 : i32
      %dma_wait3A_577 = tpu.memref_slice %arg13[%dma_wait3A_571, %dma_wait3A_576] : memref<4x128xi32, #tpu.memory_space<vmem>> -> memref<1x128xi32, #tpu.memory_space<vmem>>
      %dma_wait3A_578 = tpu.memref_squeeze %dma_wait3A_577 : memref<1x128xi32, #tpu.memory_space<vmem>> -> memref<128xi32, #tpu.memory_space<vmem>>
      %dma_wait3A_579 = arith.constant 0 : i32
      %dma_wait3A_580 = arith.constant 0 : i32
      %dma_wait3A_581 = tpu.memref_slice %arg7[%dma_wait3A_579, %dma_wait3A_580] : memref<102400x16xf32, #tpu.memory_space<vmem_shared>> -> memref<102400x16xf32, #tpu.memory_space<vmem_shared>>
      tpu.wait_indirect_dma semaphore(%arg17 : memref<!tpu.dma_semaphore, #tpu.memory_space<semaphore_mem>>) src(%dma_wait3A_575 : memref<128x16xf32, #tpu.memory_space<vmem>>) dst(%dma_wait3A_581 : memref<102400x16xf32, #tpu.memory_space<vmem_shared>>)
      %dma_wait3A_582 = arith.constant 2 : i32
      %dma_wait3A_583 = arith.constant 2 : i32
      %dma_wait3A_584 = arith.constant 0 : i32
      %dma_wait3A_585 = arith.constant 0 : i32
      %dma_wait3A_586 = tpu.memref_slice %arg9[%dma_wait3A_582, %dma_wait3A_584, %dma_wait3A_585] : memref<4x128x16xf32, #tpu.memory_space<vmem>> -> memref<1x128x16xf32, #tpu.memory_space<vmem>>
      %dma_wait3A_587 = tpu.memref_squeeze %dma_wait3A_586 : memref<1x128x16xf32, #tpu.memory_space<vmem>> -> memref<128x16xf32, #tpu.memory_space<vmem>>
      %dma_wait3A_588 = arith.constant 0 : i32
      %dma_wait3A_589 = tpu.memref_slice %arg13[%dma_wait3A_583, %dma_wait3A_588] : memref<4x128xi32, #tpu.memory_space<vmem>> -> memref<1x128xi32, #tpu.memory_space<vmem>>
      %dma_wait3A_590 = tpu.memref_squeeze %dma_wait3A_589 : memref<1x128xi32, #tpu.memory_space<vmem>> -> memref<128xi32, #tpu.memory_space<vmem>>
      %dma_wait3A_591 = arith.constant 0 : i32
      %dma_wait3A_592 = arith.constant 0 : i32
      %dma_wait3A_593 = tpu.memref_slice %arg7[%dma_wait3A_591, %dma_wait3A_592] : memref<102400x16xf32, #tpu.memory_space<vmem_shared>> -> memref<102400x16xf32, #tpu.memory_space<vmem_shared>>
      tpu.wait_indirect_dma semaphore(%arg17 : memref<!tpu.dma_semaphore, #tpu.memory_space<semaphore_mem>>) src(%dma_wait3A_587 : memref<128x16xf32, #tpu.memory_space<vmem>>) dst(%dma_wait3A_593 : memref<102400x16xf32, #tpu.memory_space<vmem_shared>>)
      %dma_wait3A_594 = arith.constant 3 : i32
      %dma_wait3A_595 = arith.constant 3 : i32
      %dma_wait3A_596 = arith.constant 0 : i32
      %dma_wait3A_597 = arith.constant 0 : i32
      %dma_wait3A_598 = tpu.memref_slice %arg9[%dma_wait3A_594, %dma_wait3A_596, %dma_wait3A_597] : memref<4x128x16xf32, #tpu.memory_space<vmem>> -> memref<1x128x16xf32, #tpu.memory_space<vmem>>
      %dma_wait3A_599 = tpu.memref_squeeze %dma_wait3A_598 : memref<1x128x16xf32, #tpu.memory_space<vmem>> -> memref<128x16xf32, #tpu.memory_space<vmem>>
      %dma_wait3A_600 = arith.constant 0 : i32
      %dma_wait3A_601 = tpu.memref_slice %arg13[%dma_wait3A_595, %dma_wait3A_600] : memref<4x128xi32, #tpu.memory_space<vmem>> -> memref<1x128xi32, #tpu.memory_space<vmem>>
      %dma_wait3A_602 = tpu.memref_squeeze %dma_wait3A_601 : memref<1x128xi32, #tpu.memory_space<vmem>> -> memref<128xi32, #tpu.memory_space<vmem>>
      %dma_wait3A_603 = arith.constant 0 : i32
      %dma_wait3A_604 = arith.constant 0 : i32
      %dma_wait3A_605 = tpu.memref_slice %arg7[%dma_wait3A_603, %dma_wait3A_604] : memref<102400x16xf32, #tpu.memory_space<vmem_shared>> -> memref<102400x16xf32, #tpu.memory_space<vmem_shared>>
      tpu.wait_indirect_dma semaphore(%arg17 : memref<!tpu.dma_semaphore, #tpu.memory_space<semaphore_mem>>) src(%dma_wait3A_599 : memref<128x16xf32, #tpu.memory_space<vmem>>) dst(%dma_wait3A_605 : memref<102400x16xf32, #tpu.memory_space<vmem_shared>>)
    }
    %scan3A_70 = arith.constant 98 : i32
    %dma_wait3A = arith.constant 0 : i32
    %dma_wait3A_71 = arith.constant 0 : i32
    %dma_wait3A_72 = arith.constant 0 : i32
    %dma_wait3A_73 = arith.constant 0 : i32
    %dma_wait3A_74 = tpu.memref_slice %arg8[%dma_wait3A_71, %dma_wait3A_72, %dma_wait3A_73] : memref<4x128x16xf32, #tpu.memory_space<vmem>> -> memref<1x128x16xf32, #tpu.memory_space<vmem>>
    %dma_wait3A_75 = tpu.memref_squeeze %dma_wait3A_74 : memref<1x128x16xf32, #tpu.memory_space<vmem>> -> memref<128x16xf32, #tpu.memory_space<vmem>>
    %dma_wait3A_76 = arith.constant 0 : i32
    %dma_wait3A_77 = tpu.memref_slice %arg10[%dma_wait3A, %dma_wait3A_76] : memref<4x128xi32, #tpu.memory_space<vmem>> -> memref<1x128xi32, #tpu.memory_space<vmem>>
    %dma_wait3A_78 = tpu.memref_squeeze %dma_wait3A_77 : memref<1x128xi32, #tpu.memory_space<vmem>> -> memref<128xi32, #tpu.memory_space<vmem>>
    %dma_wait3A_79 = arith.constant 0 : i32
    %dma_wait3A_80 = arith.constant 0 : i32
    %dma_wait3A_81 = tpu.memref_slice %arg2[%arg0, %dma_wait3A_79, %dma_wait3A_80] : memref<2x102400x16xf32, #tpu.memory_space<hbm>> -> memref<1x102400x16xf32, #tpu.memory_space<hbm>>
    %dma_wait3A_82 = tpu.memref_squeeze %dma_wait3A_81 : memref<1x102400x16xf32, #tpu.memory_space<hbm>> -> memref<102400x16xf32, #tpu.memory_space<hbm>>
    %dma_wait3A_83 = arith.constant 0 : i32
    %dma_wait3A_84 = arith.constant 0 : i32
    %dma_wait3A_85 = tpu.memref_slice %dma_wait3A_82[%dma_wait3A_83, %dma_wait3A_84] : memref<102400x16xf32, #tpu.memory_space<hbm>> -> memref<102400x16xf32, #tpu.memory_space<hbm>>
    tpu.wait_indirect_dma semaphore(%arg14 : memref<!tpu.dma_semaphore, #tpu.memory_space<semaphore_mem>>) src(%dma_wait3A_85 : memref<102400x16xf32, #tpu.memory_space<hbm>>) dst(%dma_wait3A_75 : memref<128x16xf32, #tpu.memory_space<vmem>>)
    %dma_wait3A_86 = arith.constant 1 : i32
    %dma_wait3A_87 = arith.constant 1 : i32
    %dma_wait3A_88 = arith.constant 0 : i32
    %dma_wait3A_89 = arith.constant 0 : i32
    %dma_wait3A_90 = tpu.memref_slice %arg8[%dma_wait3A_87, %dma_wait3A_88, %dma_wait3A_89] : memref<4x128x16xf32, #tpu.memory_space<vmem>> -> memref<1x128x16xf32, #tpu.memory_space<vmem>>
    %dma_wait3A_91 = tpu.memref_squeeze %dma_wait3A_90 : memref<1x128x16xf32, #tpu.memory_space<vmem>> -> memref<128x16xf32, #tpu.memory_space<vmem>>
    %dma_wait3A_92 = arith.constant 0 : i32
    %dma_wait3A_93 = tpu.memref_slice %arg10[%dma_wait3A_86, %dma_wait3A_92] : memref<4x128xi32, #tpu.memory_space<vmem>> -> memref<1x128xi32, #tpu.memory_space<vmem>>
    %dma_wait3A_94 = tpu.memref_squeeze %dma_wait3A_93 : memref<1x128xi32, #tpu.memory_space<vmem>> -> memref<128xi32, #tpu.memory_space<vmem>>
    %dma_wait3A_95 = arith.constant 0 : i32
    %dma_wait3A_96 = arith.constant 0 : i32
    %dma_wait3A_97 = tpu.memref_slice %arg2[%arg0, %dma_wait3A_95, %dma_wait3A_96] : memref<2x102400x16xf32, #tpu.memory_space<hbm>> -> memref<1x102400x16xf32, #tpu.memory_space<hbm>>
    %dma_wait3A_98 = tpu.memref_squeeze %dma_wait3A_97 : memref<1x102400x16xf32, #tpu.memory_space<hbm>> -> memref<102400x16xf32, #tpu.memory_space<hbm>>
    %dma_wait3A_99 = arith.constant 0 : i32
    %dma_wait3A_100 = arith.constant 0 : i32
    %dma_wait3A_101 = tpu.memref_slice %dma_wait3A_98[%dma_wait3A_99, %dma_wait3A_100] : memref<102400x16xf32, #tpu.memory_space<hbm>> -> memref<102400x16xf32, #tpu.memory_space<hbm>>
    tpu.wait_indirect_dma semaphore(%arg14 : memref<!tpu.dma_semaphore, #tpu.memory_space<semaphore_mem>>) src(%dma_wait3A_101 : memref<102400x16xf32, #tpu.memory_space<hbm>>) dst(%dma_wait3A_91 : memref<128x16xf32, #tpu.memory_space<vmem>>)
    %dma_wait3A_102 = arith.constant 2 : i32
    %dma_wait3A_103 = arith.constant 2 : i32
    %dma_wait3A_104 = arith.constant 0 : i32
    %dma_wait3A_105 = arith.constant 0 : i32
    %dma_wait3A_106 = tpu.memref_slice %arg8[%dma_wait3A_103, %dma_wait3A_104, %dma_wait3A_105] : memref<4x128x16xf32, #tpu.memory_space<vmem>> -> memref<1x128x16xf32, #tpu.memory_space<vmem>>
    %dma_wait3A_107 = tpu.memref_squeeze %dma_wait3A_106 : memref<1x128x16xf32, #tpu.memory_space<vmem>> -> memref<128x16xf32, #tpu.memory_space<vmem>>
    %dma_wait3A_108 = arith.constant 0 : i32
    %dma_wait3A_109 = tpu.memref_slice %arg10[%dma_wait3A_102, %dma_wait3A_108] : memref<4x128xi32, #tpu.memory_space<vmem>> -> memref<1x128xi32, #tpu.memory_space<vmem>>
    %dma_wait3A_110 = tpu.memref_squeeze %dma_wait3A_109 : memref<1x128xi32, #tpu.memory_space<vmem>> -> memref<128xi32, #tpu.memory_space<vmem>>
    %dma_wait3A_111 = arith.constant 0 : i32
    %dma_wait3A_112 = arith.constant 0 : i32
    %dma_wait3A_113 = tpu.memref_slice %arg2[%arg0, %dma_wait3A_111, %dma_wait3A_112] : memref<2x102400x16xf32, #tpu.memory_space<hbm>> -> memref<1x102400x16xf32, #tpu.memory_space<hbm>>
    %dma_wait3A_114 = tpu.memref_squeeze %dma_wait3A_113 : memref<1x102400x16xf32, #tpu.memory_space<hbm>> -> memref<102400x16xf32, #tpu.memory_space<hbm>>
    %dma_wait3A_115 = arith.constant 0 : i32
    %dma_wait3A_116 = arith.constant 0 : i32
    %dma_wait3A_117 = tpu.memref_slice %dma_wait3A_114[%dma_wait3A_115, %dma_wait3A_116] : memref<102400x16xf32, #tpu.memory_space<hbm>> -> memref<102400x16xf32, #tpu.memory_space<hbm>>
    tpu.wait_indirect_dma semaphore(%arg14 : memref<!tpu.dma_semaphore, #tpu.memory_space<semaphore_mem>>) src(%dma_wait3A_117 : memref<102400x16xf32, #tpu.memory_space<hbm>>) dst(%dma_wait3A_107 : memref<128x16xf32, #tpu.memory_space<vmem>>)
    %dma_wait3A_118 = arith.constant 3 : i32
    %dma_wait3A_119 = arith.constant 3 : i32
    %dma_wait3A_120 = arith.constant 0 : i32
    %dma_wait3A_121 = arith.constant 0 : i32
    %dma_wait3A_122 = tpu.memref_slice %arg8[%dma_wait3A_119, %dma_wait3A_120, %dma_wait3A_121] : memref<4x128x16xf32, #tpu.memory_space<vmem>> -> memref<1x128x16xf32, #tpu.memory_space<vmem>>
    %dma_wait3A_123 = tpu.memref_squeeze %dma_wait3A_122 : memref<1x128x16xf32, #tpu.memory_space<vmem>> -> memref<128x16xf32, #tpu.memory_space<vmem>>
    %dma_wait3A_124 = arith.constant 0 : i32
    %dma_wait3A_125 = tpu.memref_slice %arg10[%dma_wait3A_118, %dma_wait3A_124] : memref<4x128xi32, #tpu.memory_space<vmem>> -> memref<1x128xi32, #tpu.memory_space<vmem>>
    %dma_wait3A_126 = tpu.memref_squeeze %dma_wait3A_125 : memref<1x128xi32, #tpu.memory_space<vmem>> -> memref<128xi32, #tpu.memory_space<vmem>>
    %dma_wait3A_127 = arith.constant 0 : i32
    %dma_wait3A_128 = arith.constant 0 : i32
    %dma_wait3A_129 = tpu.memref_slice %arg2[%arg0, %dma_wait3A_127, %dma_wait3A_128] : memref<2x102400x16xf32, #tpu.memory_space<hbm>> -> memref<1x102400x16xf32, #tpu.memory_space<hbm>>
    %dma_wait3A_130 = tpu.memref_squeeze %dma_wait3A_129 : memref<1x102400x16xf32, #tpu.memory_space<hbm>> -> memref<102400x16xf32, #tpu.memory_space<hbm>>
    %dma_wait3A_131 = arith.constant 0 : i32
    %dma_wait3A_132 = arith.constant 0 : i32
    %dma_wait3A_133 = tpu.memref_slice %dma_wait3A_130[%dma_wait3A_131, %dma_wait3A_132] : memref<102400x16xf32, #tpu.memory_space<hbm>> -> memref<102400x16xf32, #tpu.memory_space<hbm>>
    tpu.wait_indirect_dma semaphore(%arg14 : memref<!tpu.dma_semaphore, #tpu.memory_space<semaphore_mem>>) src(%dma_wait3A_133 : memref<102400x16xf32, #tpu.memory_space<hbm>>) dst(%dma_wait3A_123 : memref<128x16xf32, #tpu.memory_space<vmem>>)
    %barrier3A_134 = arith.constant 0 : index
    tpu.barrier barrier_id(%barrier3A_134)
    %mul3A_135 = arith.constant 6400 : i32
    %mul3A_136 = arith.muli %arg1, %mul3A_135 : i32
    %mul3A_137 = arith.constant 6400 : i32
    %mul3A_138 = arith.muli %arg1, %mul3A_137 : i32
    "tpu.region"() ({
      %run_scoped3A = tpu.sem_alloc : memref<!tpu.dma_semaphore, #tpu.memory_space<semaphore_mem>>
      %dma_start3A_139 = arith.constant 0 : i32
      %dma_start3A_140 = arith.constant 0 : i32
      %dma_start3A_141 = tpu.memref_slice %arg6[%arg0, %dma_start3A_139, %dma_start3A_140] : memref<2x102400x16xf32, #tpu.memory_space<hbm>> -> memref<1x102400x16xf32, #tpu.memory_space<hbm>>
      %dma_start3A_142 = tpu.memref_squeeze %dma_start3A_141 : memref<1x102400x16xf32, #tpu.memory_space<hbm>> -> memref<102400x16xf32, #tpu.memory_space<hbm>>
      %dma_start3A_143 = arith.constant 0 : i32
      %dma_start3A_144 = tpu.memref_slice %dma_start3A_142[%mul3A_138, %dma_start3A_143] : memref<102400x16xf32, #tpu.memory_space<hbm>> -> memref<6400x16xf32, #tpu.memory_space<hbm>>
      %dma_start3A_145 = arith.constant 0 : i32
      %dma_start3A_146 = tpu.memref_slice %arg7[%mul3A_136, %dma_start3A_145] : memref<102400x16xf32, #tpu.memory_space<vmem_shared>> -> memref<6400x16xf32, #tpu.memory_space<vmem_shared>>
      tpu.enqueue_dma source(%dma_start3A_146 : memref<6400x16xf32, #tpu.memory_space<vmem_shared>>) target(%dma_start3A_144 : memref<6400x16xf32, #tpu.memory_space<hbm>>) target_semaphore(%run_scoped3A : memref<!tpu.dma_semaphore, #tpu.memory_space<semaphore_mem>>)
      %dma_wait3A_147 = arith.constant 0 : i32
      %dma_wait3A_148 = arith.constant 0 : i32
      %dma_wait3A_149 = tpu.memref_slice %arg6[%arg0, %dma_wait3A_147, %dma_wait3A_148] : memref<2x102400x16xf32, #tpu.memory_space<hbm>> -> memref<1x102400x16xf32, #tpu.memory_space<hbm>>
      %dma_wait3A_150 = tpu.memref_squeeze %dma_wait3A_149 : memref<1x102400x16xf32, #tpu.memory_space<hbm>> -> memref<102400x16xf32, #tpu.memory_space<hbm>>
      %dma_wait3A_151 = arith.constant 0 : i32
      %dma_wait3A_152 = tpu.memref_slice %dma_wait3A_150[%mul3A_138, %dma_wait3A_151] : memref<102400x16xf32, #tpu.memory_space<hbm>> -> memref<6400x16xf32, #tpu.memory_space<hbm>>
      %dma_wait3A_153 = arith.constant 0 : i32
      %dma_wait3A_154 = tpu.memref_slice %arg7[%mul3A_136, %dma_wait3A_153] : memref<102400x16xf32, #tpu.memory_space<vmem_shared>> -> memref<6400x16xf32, #tpu.memory_space<vmem_shared>>
      tpu.wait_dma2 semaphore(%run_scoped3A : memref<!tpu.dma_semaphore, #tpu.memory_space<semaphore_mem>>) src(%dma_wait3A_154 : memref<6400x16xf32, #tpu.memory_space<vmem_shared>>) dst(%dma_wait3A_152 : memref<6400x16xf32, #tpu.memory_space<hbm>>)
      tpu.yield
    }) : () -> ()
    return
  }
}

#map = affine_map<(d0, d1) -> (0, 0, 0)>
#map1 = affine_map<(d0, d1) -> (0, 0)>
module attributes {stable_mosaic.version = 14 : i64} {
  func.func @_agg_body(%arg0: i32, %arg1: i32, %arg2: memref<2x102400x16xf32, #tpu.memory_space<hbm>>, %arg3: memref<12544x128xi32, #tpu.memory_space<hbm>>, %arg4: memref<12544x128xi32, #tpu.memory_space<hbm>>, %arg5: memref<6400x16xf32, #tpu.memory_space<hbm>>, %arg6: memref<2x102400x16xf32, #tpu.memory_space<hbm>>, %arg7: memref<102400x16xf32, #tpu.memory_space<vmem_shared>>, %arg8: memref<4x128x16xf32, #tpu.memory_space<vmem>>, %arg9: memref<4x128x16xf32, #tpu.memory_space<vmem>>, %arg10: memref<4x128xi32, #tpu.memory_space<vmem>>, %arg11: memref<4x128xi32, #tpu.memory_space<vmem>>, %arg12: memref<4x128xi32, #tpu.memory_space<vmem>>, %arg13: memref<4x128xi32, #tpu.memory_space<vmem>>, %arg14: memref<!tpu.dma_semaphore, #tpu.memory_space<semaphore_mem>>, %arg15: memref<!tpu.dma_semaphore, #tpu.memory_space<semaphore_mem>>, %arg16: memref<!tpu.dma_semaphore, #tpu.memory_space<semaphore_mem>>, %arg17: memref<!tpu.dma_semaphore, #tpu.memory_space<semaphore_mem>>) attributes {dimension_semantics = [#tpu.dimension_semantics<core_parallel>, #tpu.dimension_semantics<subcore_parallel>], iteration_bounds = array<i64: 2, 16>, scalar_prefetch = 0 : i64, scratch_operands = 11 : i64, tpu.core_type = #tpu.core_type<sc_vector_subcore>, window_params = [{transform_indices = #map}, {transform_indices = #map1}, {transform_indices = #map1}, {transform_indices = #map1}, {transform_indices = #map}]} {
    %mul3A = arith.constant 6400 : i32
    %mul3A_0 = arith.muli %arg1, %mul3A : i32
    "tpu.region"() ({
      %run_scoped3A = tpu.sem_alloc : memref<!tpu.dma_semaphore, #tpu.memory_space<semaphore_mem>>
      %dma_start3A_139 = arith.constant 0 : i32
      %dma_start3A_140 = tpu.memref_slice %arg7[%mul3A_0, %dma_start3A_139] : memref<102400x16xf32, #tpu.memory_space<vmem_shared>> -> memref<6400x16xf32, #tpu.memory_space<vmem_shared>>
      tpu.enqueue_dma source(%arg5 : memref<6400x16xf32, #tpu.memory_space<hbm>>) target(%dma_start3A_140 : memref<6400x16xf32, #tpu.memory_space<vmem_shared>>) target_semaphore(%run_scoped3A : memref<!tpu.dma_semaphore, #tpu.memory_space<semaphore_mem>>)
      %dma_wait3A_141 = arith.constant 0 : i32
      %dma_wait3A_142 = tpu.memref_slice %arg7[%mul3A_0, %dma_wait3A_141] : memref<102400x16xf32, #tpu.memory_space<vmem_shared>> -> memref<6400x16xf32, #tpu.memory_space<vmem_shared>>
      tpu.wait_dma2 semaphore(%run_scoped3A : memref<!tpu.dma_semaphore, #tpu.memory_space<semaphore_mem>>) src(%arg5 : memref<6400x16xf32, #tpu.memory_space<hbm>>) dst(%dma_wait3A_142 : memref<6400x16xf32, #tpu.memory_space<vmem_shared>>)
      tpu.yield
    }) : () -> ()
    %barrier3A = arith.constant 0 : index
    tpu.barrier barrier_id(%barrier3A)
    %mul3A_1 = arith.constant 784 : i32
    %mul3A_2 = arith.muli %arg1, %mul3A_1 : i32
    "tpu.region"() ({
      %run_scoped3A = tpu.sem_alloc : memref<!tpu.dma_semaphore, #tpu.memory_space<semaphore_mem>>
      %dma_start3A_139 = arith.constant 0 : i32
      %dma_start3A_140 = tpu.memref_slice %arg3[%mul3A_2, %dma_start3A_139] : memref<12544x128xi32, #tpu.memory_space<hbm>> -> memref<4x128xi32, #tpu.memory_space<hbm>>
      %dma_start3A_141 = arith.constant 0 : i32
      %dma_start3A_142 = tpu.memref_slice %arg3[%mul3A_2, %dma_start3A_141] : memref<12544x128xi32, #tpu.memory_space<hbm>> -> memref<4x128xi32, #tpu.memory_space<hbm>>
      tpu.enqueue_dma source(%dma_start3A_142 : memref<4x128xi32, #tpu.memory_space<hbm>>) target(%arg10 : memref<4x128xi32, #tpu.memory_space<vmem>>) target_semaphore(%run_scoped3A : memref<!tpu.dma_semaphore, #tpu.memory_space<semaphore_mem>>)
      %dma_wait3A_143 = arith.constant 0 : i32
      %dma_wait3A_144 = tpu.memref_slice %arg3[%mul3A_2, %dma_wait3A_143] : memref<12544x128xi32, #tpu.memory_space<hbm>> -> memref<4x128xi32, #tpu.memory_space<hbm>>
      %dma_wait3A_145 = arith.constant 0 : i32
      %dma_wait3A_146 = tpu.memref_slice %arg3[%mul3A_2, %dma_wait3A_145] : memref<12544x128xi32, #tpu.memory_space<hbm>> -> memref<4x128xi32, #tpu.memory_space<hbm>>
      tpu.wait_dma2 semaphore(%run_scoped3A : memref<!tpu.dma_semaphore, #tpu.memory_space<semaphore_mem>>) src(%dma_wait3A_146 : memref<4x128xi32, #tpu.memory_space<hbm>>) dst(%arg10 : memref<4x128xi32, #tpu.memory_space<vmem>>)
      tpu.yield
    }) : () -> ()
    "tpu.region"() ({
      %run_scoped3A = tpu.sem_alloc : memref<!tpu.dma_semaphore, #tpu.memory_space<semaphore_mem>>
      %dma_start3A_139 = arith.constant 0 : i32
      %dma_start3A_140 = tpu.memref_slice %arg4[%mul3A_2, %dma_start3A_139] : memref<12544x128xi32, #tpu.memory_space<hbm>> -> memref<4x128xi32, #tpu.memory_space<hbm>>
      %dma_start3A_141 = arith.constant 0 : i32
      %dma_start3A_142 = tpu.memref_slice %arg4[%mul3A_2, %dma_start3A_141] : memref<12544x128xi32, #tpu.memory_space<hbm>> -> memref<4x128xi32, #tpu.memory_space<hbm>>
      tpu.enqueue_dma source(%dma_start3A_142 : memref<4x128xi32, #tpu.memory_space<hbm>>) target(%arg12 : memref<4x128xi32, #tpu.memory_space<vmem>>) target_semaphore(%run_scoped3A : memref<!tpu.dma_semaphore, #tpu.memory_space<semaphore_mem>>)
      %dma_wait3A_143 = arith.constant 0 : i32
      %dma_wait3A_144 = tpu.memref_slice %arg4[%mul3A_2, %dma_wait3A_143] : memref<12544x128xi32, #tpu.memory_space<hbm>> -> memref<4x128xi32, #tpu.memory_space<hbm>>
      %dma_wait3A_145 = arith.constant 0 : i32
      %dma_wait3A_146 = tpu.memref_slice %arg4[%mul3A_2, %dma_wait3A_145] : memref<12544x128xi32, #tpu.memory_space<hbm>> -> memref<4x128xi32, #tpu.memory_space<hbm>>
      tpu.wait_dma2 semaphore(%run_scoped3A : memref<!tpu.dma_semaphore, #tpu.memory_space<semaphore_mem>>) src(%dma_wait3A_146 : memref<4x128xi32, #tpu.memory_space<hbm>>) dst(%arg12 : memref<4x128xi32, #tpu.memory_space<vmem>>)
      tpu.yield
    }) : () -> ()
    %dma_start3A = arith.constant 0 : i32
    %dma_start3A_3 = arith.constant 0 : i32
    %dma_start3A_4 = arith.constant 0 : i32
    %dma_start3A_5 = arith.constant 0 : i32
    %dma_start3A_6 = tpu.memref_slice %arg8[%dma_start3A_3, %dma_start3A_4, %dma_start3A_5] : memref<4x128x16xf32, #tpu.memory_space<vmem>> -> memref<1x128x16xf32, #tpu.memory_space<vmem>>
    %dma_start3A_7 = tpu.memref_squeeze %dma_start3A_6 : memref<1x128x16xf32, #tpu.memory_space<vmem>> -> memref<128x16xf32, #tpu.memory_space<vmem>>
    %dma_start3A_8 = arith.constant 0 : i32
    %dma_start3A_9 = tpu.memref_slice %arg10[%dma_start3A, %dma_start3A_8] : memref<4x128xi32, #tpu.memory_space<vmem>> -> memref<1x128xi32, #tpu.memory_space<vmem>>
    %dma_start3A_10 = tpu.memref_squeeze %dma_start3A_9 : memref<1x128xi32, #tpu.memory_space<vmem>> -> memref<128xi32, #tpu.memory_space<vmem>>
    %dma_start3A_11 = arith.constant 0 : i32
    %dma_start3A_12 = arith.constant 0 : i32
    %dma_start3A_13 = tpu.memref_slice %arg2[%arg0, %dma_start3A_11, %dma_start3A_12] : memref<2x102400x16xf32, #tpu.memory_space<hbm>> -> memref<1x102400x16xf32, #tpu.memory_space<hbm>>
    %dma_start3A_14 = tpu.memref_squeeze %dma_start3A_13 : memref<1x102400x16xf32, #tpu.memory_space<hbm>> -> memref<102400x16xf32, #tpu.memory_space<hbm>>
    %dma_start3A_15 = arith.constant 0 : i32
    %dma_start3A_16 = arith.constant 0 : i32
    %dma_start3A_17 = tpu.memref_slice %dma_start3A_14[%dma_start3A_15, %dma_start3A_16] : memref<102400x16xf32, #tpu.memory_space<hbm>> -> memref<102400x16xf32, #tpu.memory_space<hbm>>
    tpu.enqueue_indirect_dma source(%dma_start3A_17 : memref<102400x16xf32, #tpu.memory_space<hbm>>) target(%dma_start3A_7 : memref<128x16xf32, #tpu.memory_space<vmem>>) offsets(%dma_start3A_10 : memref<128xi32, #tpu.memory_space<vmem>>) semaphore(%arg14 : memref<!tpu.dma_semaphore, #tpu.memory_space<semaphore_mem>>)
    %dma_start3A_18 = arith.constant 1 : i32
    %dma_start3A_19 = arith.constant 1 : i32
    %dma_start3A_20 = arith.constant 0 : i32
    %dma_start3A_21 = arith.constant 0 : i32
    %dma_start3A_22 = tpu.memref_slice %arg8[%dma_start3A_19, %dma_start3A_20, %dma_start3A_21] : memref<4x128x16xf32, #tpu.memory_space<vmem>> -> memref<1x128x16xf32, #tpu.memory_space<vmem>>
    %dma_start3A_23 = tpu.memref_squeeze %dma_start3A_22 : memref<1x128x16xf32, #tpu.memory_space<vmem>> -> memref<128x16xf32, #tpu.memory_space<vmem>>
    %dma_start3A_24 = arith.constant 0 : i32
    %dma_start3A_25 = tpu.memref_slice %arg10[%dma_start3A_18, %dma_start3A_24] : memref<4x128xi32, #tpu.memory_space<vmem>> -> memref<1x128xi32, #tpu.memory_space<vmem>>
    %dma_start3A_26 = tpu.memref_squeeze %dma_start3A_25 : memref<1x128xi32, #tpu.memory_space<vmem>> -> memref<128xi32, #tpu.memory_space<vmem>>
    %dma_start3A_27 = arith.constant 0 : i32
    %dma_start3A_28 = arith.constant 0 : i32
    %dma_start3A_29 = tpu.memref_slice %arg2[%arg0, %dma_start3A_27, %dma_start3A_28] : memref<2x102400x16xf32, #tpu.memory_space<hbm>> -> memref<1x102400x16xf32, #tpu.memory_space<hbm>>
    %dma_start3A_30 = tpu.memref_squeeze %dma_start3A_29 : memref<1x102400x16xf32, #tpu.memory_space<hbm>> -> memref<102400x16xf32, #tpu.memory_space<hbm>>
    %dma_start3A_31 = arith.constant 0 : i32
    %dma_start3A_32 = arith.constant 0 : i32
    %dma_start3A_33 = tpu.memref_slice %dma_start3A_30[%dma_start3A_31, %dma_start3A_32] : memref<102400x16xf32, #tpu.memory_space<hbm>> -> memref<102400x16xf32, #tpu.memory_space<hbm>>
    tpu.enqueue_indirect_dma source(%dma_start3A_33 : memref<102400x16xf32, #tpu.memory_space<hbm>>) target(%dma_start3A_23 : memref<128x16xf32, #tpu.memory_space<vmem>>) offsets(%dma_start3A_26 : memref<128xi32, #tpu.memory_space<vmem>>) semaphore(%arg14 : memref<!tpu.dma_semaphore, #tpu.memory_space<semaphore_mem>>)
    %dma_start3A_34 = arith.constant 2 : i32
    %dma_start3A_35 = arith.constant 2 : i32
    %dma_start3A_36 = arith.constant 0 : i32
    %dma_start3A_37 = arith.constant 0 : i32
    %dma_start3A_38 = tpu.memref_slice %arg8[%dma_start3A_35, %dma_start3A_36, %dma_start3A_37] : memref<4x128x16xf32, #tpu.memory_space<vmem>> -> memref<1x128x16xf32, #tpu.memory_space<vmem>>
    %dma_start3A_39 = tpu.memref_squeeze %dma_start3A_38 : memref<1x128x16xf32, #tpu.memory_space<vmem>> -> memref<128x16xf32, #tpu.memory_space<vmem>>
    %dma_start3A_40 = arith.constant 0 : i32
    %dma_start3A_41 = tpu.memref_slice %arg10[%dma_start3A_34, %dma_start3A_40] : memref<4x128xi32, #tpu.memory_space<vmem>> -> memref<1x128xi32, #tpu.memory_space<vmem>>
    %dma_start3A_42 = tpu.memref_squeeze %dma_start3A_41 : memref<1x128xi32, #tpu.memory_space<vmem>> -> memref<128xi32, #tpu.memory_space<vmem>>
    %dma_start3A_43 = arith.constant 0 : i32
    %dma_start3A_44 = arith.constant 0 : i32
    %dma_start3A_45 = tpu.memref_slice %arg2[%arg0, %dma_start3A_43, %dma_start3A_44] : memref<2x102400x16xf32, #tpu.memory_space<hbm>> -> memref<1x102400x16xf32, #tpu.memory_space<hbm>>
    %dma_start3A_46 = tpu.memref_squeeze %dma_start3A_45 : memref<1x102400x16xf32, #tpu.memory_space<hbm>> -> memref<102400x16xf32, #tpu.memory_space<hbm>>
    %dma_start3A_47 = arith.constant 0 : i32
    %dma_start3A_48 = arith.constant 0 : i32
    %dma_start3A_49 = tpu.memref_slice %dma_start3A_46[%dma_start3A_47, %dma_start3A_48] : memref<102400x16xf32, #tpu.memory_space<hbm>> -> memref<102400x16xf32, #tpu.memory_space<hbm>>
    tpu.enqueue_indirect_dma source(%dma_start3A_49 : memref<102400x16xf32, #tpu.memory_space<hbm>>) target(%dma_start3A_39 : memref<128x16xf32, #tpu.memory_space<vmem>>) offsets(%dma_start3A_42 : memref<128xi32, #tpu.memory_space<vmem>>) semaphore(%arg14 : memref<!tpu.dma_semaphore, #tpu.memory_space<semaphore_mem>>)
    %dma_start3A_50 = arith.constant 3 : i32
    %dma_start3A_51 = arith.constant 3 : i32
    %dma_start3A_52 = arith.constant 0 : i32
    %dma_start3A_53 = arith.constant 0 : i32
    %dma_start3A_54 = tpu.memref_slice %arg8[%dma_start3A_51, %dma_start3A_52, %dma_start3A_53] : memref<4x128x16xf32, #tpu.memory_space<vmem>> -> memref<1x128x16xf32, #tpu.memory_space<vmem>>
    %dma_start3A_55 = tpu.memref_squeeze %dma_start3A_54 : memref<1x128x16xf32, #tpu.memory_space<vmem>> -> memref<128x16xf32, #tpu.memory_space<vmem>>
    %dma_start3A_56 = arith.constant 0 : i32
    %dma_start3A_57 = tpu.memref_slice %arg10[%dma_start3A_50, %dma_start3A_56] : memref<4x128xi32, #tpu.memory_space<vmem>> -> memref<1x128xi32, #tpu.memory_space<vmem>>
    %dma_start3A_58 = tpu.memref_squeeze %dma_start3A_57 : memref<1x128xi32, #tpu.memory_space<vmem>> -> memref<128xi32, #tpu.memory_space<vmem>>
    %dma_start3A_59 = arith.constant 0 : i32
    %dma_start3A_60 = arith.constant 0 : i32
    %dma_start3A_61 = tpu.memref_slice %arg2[%arg0, %dma_start3A_59, %dma_start3A_60] : memref<2x102400x16xf32, #tpu.memory_space<hbm>> -> memref<1x102400x16xf32, #tpu.memory_space<hbm>>
    %dma_start3A_62 = tpu.memref_squeeze %dma_start3A_61 : memref<1x102400x16xf32, #tpu.memory_space<hbm>> -> memref<102400x16xf32, #tpu.memory_space<hbm>>
    %dma_start3A_63 = arith.constant 0 : i32
    %dma_start3A_64 = arith.constant 0 : i32
    %dma_start3A_65 = tpu.memref_slice %dma_start3A_62[%dma_start3A_63, %dma_start3A_64] : memref<102400x16xf32, #tpu.memory_space<hbm>> -> memref<102400x16xf32, #tpu.memory_space<hbm>>
    tpu.enqueue_indirect_dma source(%dma_start3A_65 : memref<102400x16xf32, #tpu.memory_space<hbm>>) target(%dma_start3A_55 : memref<128x16xf32, #tpu.memory_space<vmem>>) offsets(%dma_start3A_58 : memref<128xi32, #tpu.memory_space<vmem>>) semaphore(%arg14 : memref<!tpu.dma_semaphore, #tpu.memory_space<semaphore_mem>>)
    %scan3A = arith.constant 0 : i32
    %scan3A_66 = arith.constant 0 : i32
    %scan3A_67 = arith.constant 98 : i32
    %scan3A_68 = arith.addi %scan3A_66, %scan3A_67 : i32
    %scan3A_69 = arith.constant 1 : i32
    scf.for %scan3A_139 = %scan3A_66 to %scan3A_68 step %scan3A_69  : i32 {
      %mul3A_140 = arith.constant 784 : i32
      %mul3A_141 = arith.muli %arg1, %mul3A_140 : i32
      %mul3A_142 = arith.constant 2 : i32
      %mul3A_143 = arith.muli %mul3A_142, %scan3A_139 : i32
      %add3A = arith.constant 1 : i32
      %add3A_144 = arith.addi %mul3A_143, %add3A : i32
      %mul3A_145 = arith.constant 4 : i32
      %mul3A_146 = arith.muli %add3A_144, %mul3A_145 : i32
      %add3A_147 = arith.addi %mul3A_141, %mul3A_146 : i32
      "tpu.region"() ({
        %run_scoped3A = tpu.sem_alloc : memref<!tpu.dma_semaphore, #tpu.memory_space<semaphore_mem>>
        %dma_start3A_606 = arith.constant 0 : i32
        %dma_start3A_607 = tpu.memref_slice %arg3[%add3A_147, %dma_start3A_606] : memref<12544x128xi32, #tpu.memory_space<hbm>> -> memref<4x128xi32, #tpu.memory_space<hbm>>
        %dma_start3A_608 = arith.constant 0 : i32
        %dma_start3A_609 = tpu.memref_slice %arg3[%add3A_147, %dma_start3A_608] : memref<12544x128xi32, #tpu.memory_space<hbm>> -> memref<4x128xi32, #tpu.memory_space<hbm>>
        tpu.enqueue_dma source(%dma_start3A_609 : memref<4x128xi32, #tpu.memory_space<hbm>>) target(%arg11 : memref<4x128xi32, #tpu.memory_space<vmem>>) target_semaphore(%run_scoped3A : memref<!tpu.dma_semaphore, #tpu.memory_space<semaphore_mem>>)
        %dma_wait3A_610 = arith.constant 0 : i32
        %dma_wait3A_611 = tpu.memref_slice %arg3[%add3A_147, %dma_wait3A_610] : memref<12544x128xi32, #tpu.memory_space<hbm>> -> memref<4x128xi32, #tpu.memory_space<hbm>>
        %dma_wait3A_612 = arith.constant 0 : i32
        %dma_wait3A_613 = tpu.memref_slice %arg3[%add3A_147, %dma_wait3A_612] : memref<12544x128xi32, #tpu.memory_space<hbm>> -> memref<4x128xi32, #tpu.memory_space<hbm>>
        tpu.wait_dma2 semaphore(%run_scoped3A : memref<!tpu.dma_semaphore, #tpu.memory_space<semaphore_mem>>) src(%dma_wait3A_613 : memref<4x128xi32, #tpu.memory_space<hbm>>) dst(%arg11 : memref<4x128xi32, #tpu.memory_space<vmem>>)
        tpu.yield
      }) : () -> ()
      "tpu.region"() ({
        %run_scoped3A = tpu.sem_alloc : memref<!tpu.dma_semaphore, #tpu.memory_space<semaphore_mem>>
        %dma_start3A_606 = arith.constant 0 : i32
        %dma_start3A_607 = tpu.memref_slice %arg4[%add3A_147, %dma_start3A_606] : memref<12544x128xi32, #tpu.memory_space<hbm>> -> memref<4x128xi32, #tpu.memory_space<hbm>>
        %dma_start3A_608 = arith.constant 0 : i32
        %dma_start3A_609 = tpu.memref_slice %arg4[%add3A_147, %dma_start3A_608] : memref<12544x128xi32, #tpu.memory_space<hbm>> -> memref<4x128xi32, #tpu.memory_space<hbm>>
        tpu.enqueue_dma source(%dma_start3A_609 : memref<4x128xi32, #tpu.memory_space<hbm>>) target(%arg13 : memref<4x128xi32, #tpu.memory_space<vmem>>) target_semaphore(%run_scoped3A : memref<!tpu.dma_semaphore, #tpu.memory_space<semaphore_mem>>)
        %dma_wait3A_610 = arith.constant 0 : i32
        %dma_wait3A_611 = tpu.memref_slice %arg4[%add3A_147, %dma_wait3A_610] : memref<12544x128xi32, #tpu.memory_space<hbm>> -> memref<4x128xi32, #tpu.memory_space<hbm>>
        %dma_wait3A_612 = arith.constant 0 : i32
        %dma_wait3A_613 = tpu.memref_slice %arg4[%add3A_147, %dma_wait3A_612] : memref<12544x128xi32, #tpu.memory_space<hbm>> -> memref<4x128xi32, #tpu.memory_space<hbm>>
        tpu.wait_dma2 semaphore(%run_scoped3A : memref<!tpu.dma_semaphore, #tpu.memory_space<semaphore_mem>>) src(%dma_wait3A_613 : memref<4x128xi32, #tpu.memory_space<hbm>>) dst(%arg13 : memref<4x128xi32, #tpu.memory_space<vmem>>)
        tpu.yield
      }) : () -> ()
      %dma_start3A_148 = arith.constant 0 : i32
      %dma_start3A_149 = arith.constant 0 : i32
      %dma_start3A_150 = arith.constant 0 : i32
      %dma_start3A_151 = arith.constant 0 : i32
      %dma_start3A_152 = tpu.memref_slice %arg9[%dma_start3A_149, %dma_start3A_150, %dma_start3A_151] : memref<4x128x16xf32, #tpu.memory_space<vmem>> -> memref<1x128x16xf32, #tpu.memory_space<vmem>>
      %dma_start3A_153 = tpu.memref_squeeze %dma_start3A_152 : memref<1x128x16xf32, #tpu.memory_space<vmem>> -> memref<128x16xf32, #tpu.memory_space<vmem>>
      %dma_start3A_154 = arith.constant 0 : i32
      %dma_start3A_155 = tpu.memref_slice %arg11[%dma_start3A_148, %dma_start3A_154] : memref<4x128xi32, #tpu.memory_space<vmem>> -> memref<1x128xi32, #tpu.memory_space<vmem>>
      %dma_start3A_156 = tpu.memref_squeeze %dma_start3A_155 : memref<1x128xi32, #tpu.memory_space<vmem>> -> memref<128xi32, #tpu.memory_space<vmem>>
      %dma_start3A_157 = arith.constant 0 : i32
      %dma_start3A_158 = arith.constant 0 : i32
      %dma_start3A_159 = tpu.memref_slice %arg2[%arg0, %dma_start3A_157, %dma_start3A_158] : memref<2x102400x16xf32, #tpu.memory_space<hbm>> -> memref<1x102400x16xf32, #tpu.memory_space<hbm>>
      %dma_start3A_160 = tpu.memref_squeeze %dma_start3A_159 : memref<1x102400x16xf32, #tpu.memory_space<hbm>> -> memref<102400x16xf32, #tpu.memory_space<hbm>>
      %dma_start3A_161 = arith.constant 0 : i32
      %dma_start3A_162 = arith.constant 0 : i32
      %dma_start3A_163 = tpu.memref_slice %dma_start3A_160[%dma_start3A_161, %dma_start3A_162] : memref<102400x16xf32, #tpu.memory_space<hbm>> -> memref<102400x16xf32, #tpu.memory_space<hbm>>
      tpu.enqueue_indirect_dma source(%dma_start3A_163 : memref<102400x16xf32, #tpu.memory_space<hbm>>) target(%dma_start3A_153 : memref<128x16xf32, #tpu.memory_space<vmem>>) offsets(%dma_start3A_156 : memref<128xi32, #tpu.memory_space<vmem>>) semaphore(%arg15 : memref<!tpu.dma_semaphore, #tpu.memory_space<semaphore_mem>>)
      %dma_start3A_164 = arith.constant 1 : i32
      %dma_start3A_165 = arith.constant 1 : i32
      %dma_start3A_166 = arith.constant 0 : i32
      %dma_start3A_167 = arith.constant 0 : i32
      %dma_start3A_168 = tpu.memref_slice %arg9[%dma_start3A_165, %dma_start3A_166, %dma_start3A_167] : memref<4x128x16xf32, #tpu.memory_space<vmem>> -> memref<1x128x16xf32, #tpu.memory_space<vmem>>
      %dma_start3A_169 = tpu.memref_squeeze %dma_start3A_168 : memref<1x128x16xf32, #tpu.memory_space<vmem>> -> memref<128x16xf32, #tpu.memory_space<vmem>>
      %dma_start3A_170 = arith.constant 0 : i32
      %dma_start3A_171 = tpu.memref_slice %arg11[%dma_start3A_164, %dma_start3A_170] : memref<4x128xi32, #tpu.memory_space<vmem>> -> memref<1x128xi32, #tpu.memory_space<vmem>>
      %dma_start3A_172 = tpu.memref_squeeze %dma_start3A_171 : memref<1x128xi32, #tpu.memory_space<vmem>> -> memref<128xi32, #tpu.memory_space<vmem>>
      %dma_start3A_173 = arith.constant 0 : i32
      %dma_start3A_174 = arith.constant 0 : i32
      %dma_start3A_175 = tpu.memref_slice %arg2[%arg0, %dma_start3A_173, %dma_start3A_174] : memref<2x102400x16xf32, #tpu.memory_space<hbm>> -> memref<1x102400x16xf32, #tpu.memory_space<hbm>>
      %dma_start3A_176 = tpu.memref_squeeze %dma_start3A_175 : memref<1x102400x16xf32, #tpu.memory_space<hbm>> -> memref<102400x16xf32, #tpu.memory_space<hbm>>
      %dma_start3A_177 = arith.constant 0 : i32
      %dma_start3A_178 = arith.constant 0 : i32
      %dma_start3A_179 = tpu.memref_slice %dma_start3A_176[%dma_start3A_177, %dma_start3A_178] : memref<102400x16xf32, #tpu.memory_space<hbm>> -> memref<102400x16xf32, #tpu.memory_space<hbm>>
      tpu.enqueue_indirect_dma source(%dma_start3A_179 : memref<102400x16xf32, #tpu.memory_space<hbm>>) target(%dma_start3A_169 : memref<128x16xf32, #tpu.memory_space<vmem>>) offsets(%dma_start3A_172 : memref<128xi32, #tpu.memory_space<vmem>>) semaphore(%arg15 : memref<!tpu.dma_semaphore, #tpu.memory_space<semaphore_mem>>)
      %dma_start3A_180 = arith.constant 2 : i32
      %dma_start3A_181 = arith.constant 2 : i32
      %dma_start3A_182 = arith.constant 0 : i32
      %dma_start3A_183 = arith.constant 0 : i32
      %dma_start3A_184 = tpu.memref_slice %arg9[%dma_start3A_181, %dma_start3A_182, %dma_start3A_183] : memref<4x128x16xf32, #tpu.memory_space<vmem>> -> memref<1x128x16xf32, #tpu.memory_space<vmem>>
      %dma_start3A_185 = tpu.memref_squeeze %dma_start3A_184 : memref<1x128x16xf32, #tpu.memory_space<vmem>> -> memref<128x16xf32, #tpu.memory_space<vmem>>
      %dma_start3A_186 = arith.constant 0 : i32
      %dma_start3A_187 = tpu.memref_slice %arg11[%dma_start3A_180, %dma_start3A_186] : memref<4x128xi32, #tpu.memory_space<vmem>> -> memref<1x128xi32, #tpu.memory_space<vmem>>
      %dma_start3A_188 = tpu.memref_squeeze %dma_start3A_187 : memref<1x128xi32, #tpu.memory_space<vmem>> -> memref<128xi32, #tpu.memory_space<vmem>>
      %dma_start3A_189 = arith.constant 0 : i32
      %dma_start3A_190 = arith.constant 0 : i32
      %dma_start3A_191 = tpu.memref_slice %arg2[%arg0, %dma_start3A_189, %dma_start3A_190] : memref<2x102400x16xf32, #tpu.memory_space<hbm>> -> memref<1x102400x16xf32, #tpu.memory_space<hbm>>
      %dma_start3A_192 = tpu.memref_squeeze %dma_start3A_191 : memref<1x102400x16xf32, #tpu.memory_space<hbm>> -> memref<102400x16xf32, #tpu.memory_space<hbm>>
      %dma_start3A_193 = arith.constant 0 : i32
      %dma_start3A_194 = arith.constant 0 : i32
      %dma_start3A_195 = tpu.memref_slice %dma_start3A_192[%dma_start3A_193, %dma_start3A_194] : memref<102400x16xf32, #tpu.memory_space<hbm>> -> memref<102400x16xf32, #tpu.memory_space<hbm>>
      tpu.enqueue_indirect_dma source(%dma_start3A_195 : memref<102400x16xf32, #tpu.memory_space<hbm>>) target(%dma_start3A_185 : memref<128x16xf32, #tpu.memory_space<vmem>>) offsets(%dma_start3A_188 : memref<128xi32, #tpu.memory_space<vmem>>) semaphore(%arg15 : memref<!tpu.dma_semaphore, #tpu.memory_space<semaphore_mem>>)
      %dma_start3A_196 = arith.constant 3 : i32
      %dma_start3A_197 = arith.constant 3 : i32
      %dma_start3A_198 = arith.constant 0 : i32
      %dma_start3A_199 = arith.constant 0 : i32
      %dma_start3A_200 = tpu.memref_slice %arg9[%dma_start3A_197, %dma_start3A_198, %dma_start3A_199] : memref<4x128x16xf32, #tpu.memory_space<vmem>> -> memref<1x128x16xf32, #tpu.memory_space<vmem>>
      %dma_start3A_201 = tpu.memref_squeeze %dma_start3A_200 : memref<1x128x16xf32, #tpu.memory_space<vmem>> -> memref<128x16xf32, #tpu.memory_space<vmem>>
      %dma_start3A_202 = arith.constant 0 : i32
      %dma_start3A_203 = tpu.memref_slice %arg11[%dma_start3A_196, %dma_start3A_202] : memref<4x128xi32, #tpu.memory_space<vmem>> -> memref<1x128xi32, #tpu.memory_space<vmem>>
      %dma_start3A_204 = tpu.memref_squeeze %dma_start3A_203 : memref<1x128xi32, #tpu.memory_space<vmem>> -> memref<128xi32, #tpu.memory_space<vmem>>
      %dma_start3A_205 = arith.constant 0 : i32
      %dma_start3A_206 = arith.constant 0 : i32
      %dma_start3A_207 = tpu.memref_slice %arg2[%arg0, %dma_start3A_205, %dma_start3A_206] : memref<2x102400x16xf32, #tpu.memory_space<hbm>> -> memref<1x102400x16xf32, #tpu.memory_space<hbm>>
      %dma_start3A_208 = tpu.memref_squeeze %dma_start3A_207 : memref<1x102400x16xf32, #tpu.memory_space<hbm>> -> memref<102400x16xf32, #tpu.memory_space<hbm>>
      %dma_start3A_209 = arith.constant 0 : i32
      %dma_start3A_210 = arith.constant 0 : i32
      %dma_start3A_211 = tpu.memref_slice %dma_start3A_208[%dma_start3A_209, %dma_start3A_210] : memref<102400x16xf32, #tpu.memory_space<hbm>> -> memref<102400x16xf32, #tpu.memory_space<hbm>>
      tpu.enqueue_indirect_dma source(%dma_start3A_211 : memref<102400x16xf32, #tpu.memory_space<hbm>>) target(%dma_start3A_201 : memref<128x16xf32, #tpu.memory_space<vmem>>) offsets(%dma_start3A_204 : memref<128xi32, #tpu.memory_space<vmem>>) semaphore(%arg15 : memref<!tpu.dma_semaphore, #tpu.memory_space<semaphore_mem>>)
      %dma_wait3A_212 = arith.constant 0 : i32
      %dma_wait3A_213 = arith.constant 0 : i32
      %dma_wait3A_214 = arith.constant 0 : i32
      %dma_wait3A_215 = arith.constant 0 : i32
      %dma_wait3A_216 = tpu.memref_slice %arg8[%dma_wait3A_213, %dma_wait3A_214, %dma_wait3A_215] : memref<4x128x16xf32, #tpu.memory_space<vmem>> -> memref<1x128x16xf32, #tpu.memory_space<vmem>>
      %dma_wait3A_217 = tpu.memref_squeeze %dma_wait3A_216 : memref<1x128x16xf32, #tpu.memory_space<vmem>> -> memref<128x16xf32, #tpu.memory_space<vmem>>
      %dma_wait3A_218 = arith.constant 0 : i32
      %dma_wait3A_219 = tpu.memref_slice %arg10[%dma_wait3A_212, %dma_wait3A_218] : memref<4x128xi32, #tpu.memory_space<vmem>> -> memref<1x128xi32, #tpu.memory_space<vmem>>
      %dma_wait3A_220 = tpu.memref_squeeze %dma_wait3A_219 : memref<1x128xi32, #tpu.memory_space<vmem>> -> memref<128xi32, #tpu.memory_space<vmem>>
      %dma_wait3A_221 = arith.constant 0 : i32
      %dma_wait3A_222 = arith.constant 0 : i32
      %dma_wait3A_223 = tpu.memref_slice %arg2[%arg0, %dma_wait3A_221, %dma_wait3A_222] : memref<2x102400x16xf32, #tpu.memory_space<hbm>> -> memref<1x102400x16xf32, #tpu.memory_space<hbm>>
      %dma_wait3A_224 = tpu.memref_squeeze %dma_wait3A_223 : memref<1x102400x16xf32, #tpu.memory_space<hbm>> -> memref<102400x16xf32, #tpu.memory_space<hbm>>
      %dma_wait3A_225 = arith.constant 0 : i32
      %dma_wait3A_226 = arith.constant 0 : i32
      %dma_wait3A_227 = tpu.memref_slice %dma_wait3A_224[%dma_wait3A_225, %dma_wait3A_226] : memref<102400x16xf32, #tpu.memory_space<hbm>> -> memref<102400x16xf32, #tpu.memory_space<hbm>>
      tpu.wait_indirect_dma semaphore(%arg14 : memref<!tpu.dma_semaphore, #tpu.memory_space<semaphore_mem>>) src(%dma_wait3A_227 : memref<102400x16xf32, #tpu.memory_space<hbm>>) dst(%dma_wait3A_217 : memref<128x16xf32, #tpu.memory_space<vmem>>)
      %dma_wait3A_228 = arith.constant 1 : i32
      %dma_wait3A_229 = arith.constant 1 : i32
      %dma_wait3A_230 = arith.constant 0 : i32
      %dma_wait3A_231 = arith.constant 0 : i32
      %dma_wait3A_232 = tpu.memref_slice %arg8[%dma_wait3A_229, %dma_wait3A_230, %dma_wait3A_231] : memref<4x128x16xf32, #tpu.memory_space<vmem>> -> memref<1x128x16xf32, #tpu.memory_space<vmem>>
      %dma_wait3A_233 = tpu.memref_squeeze %dma_wait3A_232 : memref<1x128x16xf32, #tpu.memory_space<vmem>> -> memref<128x16xf32, #tpu.memory_space<vmem>>
      %dma_wait3A_234 = arith.constant 0 : i32
      %dma_wait3A_235 = tpu.memref_slice %arg10[%dma_wait3A_228, %dma_wait3A_234] : memref<4x128xi32, #tpu.memory_space<vmem>> -> memref<1x128xi32, #tpu.memory_space<vmem>>
      %dma_wait3A_236 = tpu.memref_squeeze %dma_wait3A_235 : memref<1x128xi32, #tpu.memory_space<vmem>> -> memref<128xi32, #tpu.memory_space<vmem>>
      %dma_wait3A_237 = arith.constant 0 : i32
      %dma_wait3A_238 = arith.constant 0 : i32
      %dma_wait3A_239 = tpu.memref_slice %arg2[%arg0, %dma_wait3A_237, %dma_wait3A_238] : memref<2x102400x16xf32, #tpu.memory_space<hbm>> -> memref<1x102400x16xf32, #tpu.memory_space<hbm>>
      %dma_wait3A_240 = tpu.memref_squeeze %dma_wait3A_239 : memref<1x102400x16xf32, #tpu.memory_space<hbm>> -> memref<102400x16xf32, #tpu.memory_space<hbm>>
      %dma_wait3A_241 = arith.constant 0 : i32
      %dma_wait3A_242 = arith.constant 0 : i32
      %dma_wait3A_243 = tpu.memref_slice %dma_wait3A_240[%dma_wait3A_241, %dma_wait3A_242] : memref<102400x16xf32, #tpu.memory_space<hbm>> -> memref<102400x16xf32, #tpu.memory_space<hbm>>
      tpu.wait_indirect_dma semaphore(%arg14 : memref<!tpu.dma_semaphore, #tpu.memory_space<semaphore_mem>>) src(%dma_wait3A_243 : memref<102400x16xf32, #tpu.memory_space<hbm>>) dst(%dma_wait3A_233 : memref<128x16xf32, #tpu.memory_space<vmem>>)
      %dma_wait3A_244 = arith.constant 2 : i32
      %dma_wait3A_245 = arith.constant 2 : i32
      %dma_wait3A_246 = arith.constant 0 : i32
      %dma_wait3A_247 = arith.constant 0 : i32
      %dma_wait3A_248 = tpu.memref_slice %arg8[%dma_wait3A_245, %dma_wait3A_246, %dma_wait3A_247] : memref<4x128x16xf32, #tpu.memory_space<vmem>> -> memref<1x128x16xf32, #tpu.memory_space<vmem>>
      %dma_wait3A_249 = tpu.memref_squeeze %dma_wait3A_248 : memref<1x128x16xf32, #tpu.memory_space<vmem>> -> memref<128x16xf32, #tpu.memory_space<vmem>>
      %dma_wait3A_250 = arith.constant 0 : i32
      %dma_wait3A_251 = tpu.memref_slice %arg10[%dma_wait3A_244, %dma_wait3A_250] : memref<4x128xi32, #tpu.memory_space<vmem>> -> memref<1x128xi32, #tpu.memory_space<vmem>>
      %dma_wait3A_252 = tpu.memref_squeeze %dma_wait3A_251 : memref<1x128xi32, #tpu.memory_space<vmem>> -> memref<128xi32, #tpu.memory_space<vmem>>
      %dma_wait3A_253 = arith.constant 0 : i32
      %dma_wait3A_254 = arith.constant 0 : i32
      %dma_wait3A_255 = tpu.memref_slice %arg2[%arg0, %dma_wait3A_253, %dma_wait3A_254] : memref<2x102400x16xf32, #tpu.memory_space<hbm>> -> memref<1x102400x16xf32, #tpu.memory_space<hbm>>
      %dma_wait3A_256 = tpu.memref_squeeze %dma_wait3A_255 : memref<1x102400x16xf32, #tpu.memory_space<hbm>> -> memref<102400x16xf32, #tpu.memory_space<hbm>>
      %dma_wait3A_257 = arith.constant 0 : i32
      %dma_wait3A_258 = arith.constant 0 : i32
      %dma_wait3A_259 = tpu.memref_slice %dma_wait3A_256[%dma_wait3A_257, %dma_wait3A_258] : memref<102400x16xf32, #tpu.memory_space<hbm>> -> memref<102400x16xf32, #tpu.memory_space<hbm>>
      tpu.wait_indirect_dma semaphore(%arg14 : memref<!tpu.dma_semaphore, #tpu.memory_space<semaphore_mem>>) src(%dma_wait3A_259 : memref<102400x16xf32, #tpu.memory_space<hbm>>) dst(%dma_wait3A_249 : memref<128x16xf32, #tpu.memory_space<vmem>>)
      %dma_wait3A_260 = arith.constant 3 : i32
      %dma_wait3A_261 = arith.constant 3 : i32
      %dma_wait3A_262 = arith.constant 0 : i32
      %dma_wait3A_263 = arith.constant 0 : i32
      %dma_wait3A_264 = tpu.memref_slice %arg8[%dma_wait3A_261, %dma_wait3A_262, %dma_wait3A_263] : memref<4x128x16xf32, #tpu.memory_space<vmem>> -> memref<1x128x16xf32, #tpu.memory_space<vmem>>
      %dma_wait3A_265 = tpu.memref_squeeze %dma_wait3A_264 : memref<1x128x16xf32, #tpu.memory_space<vmem>> -> memref<128x16xf32, #tpu.memory_space<vmem>>
      %dma_wait3A_266 = arith.constant 0 : i32
      %dma_wait3A_267 = tpu.memref_slice %arg10[%dma_wait3A_260, %dma_wait3A_266] : memref<4x128xi32, #tpu.memory_space<vmem>> -> memref<1x128xi32, #tpu.memory_space<vmem>>
      %dma_wait3A_268 = tpu.memref_squeeze %dma_wait3A_267 : memref<1x128xi32, #tpu.memory_space<vmem>> -> memref<128xi32, #tpu.memory_space<vmem>>
      %dma_wait3A_269 = arith.constant 0 : i32
      %dma_wait3A_270 = arith.constant 0 : i32
      %dma_wait3A_271 = tpu.memref_slice %arg2[%arg0, %dma_wait3A_269, %dma_wait3A_270] : memref<2x102400x16xf32, #tpu.memory_space<hbm>> -> memref<1x102400x16xf32, #tpu.memory_space<hbm>>
      %dma_wait3A_272 = tpu.memref_squeeze %dma_wait3A_271 : memref<1x102400x16xf32, #tpu.memory_space<hbm>> -> memref<102400x16xf32, #tpu.memory_space<hbm>>
      %dma_wait3A_273 = arith.constant 0 : i32
      %dma_wait3A_274 = arith.constant 0 : i32
      %dma_wait3A_275 = tpu.memref_slice %dma_wait3A_272[%dma_wait3A_273, %dma_wait3A_274] : memref<102400x16xf32, #tpu.memory_space<hbm>> -> memref<102400x16xf32, #tpu.memory_space<hbm>>
      tpu.wait_indirect_dma semaphore(%arg14 : memref<!tpu.dma_semaphore, #tpu.memory_space<semaphore_mem>>) src(%dma_wait3A_275 : memref<102400x16xf32, #tpu.memory_space<hbm>>) dst(%dma_wait3A_265 : memref<128x16xf32, #tpu.memory_space<vmem>>)
      %dma_start3A_276 = arith.constant 0 : i32
      %dma_start3A_277 = arith.constant 0 : i32
      %dma_start3A_278 = arith.constant 0 : i32
      %dma_start3A_279 = arith.constant 0 : i32
      %dma_start3A_280 = tpu.memref_slice %arg8[%dma_start3A_276, %dma_start3A_278, %dma_start3A_279] : memref<4x128x16xf32, #tpu.memory_space<vmem>> -> memref<1x128x16xf32, #tpu.memory_space<vmem>>
      %dma_start3A_281 = tpu.memref_squeeze %dma_start3A_280 : memref<1x128x16xf32, #tpu.memory_space<vmem>> -> memref<128x16xf32, #tpu.memory_space<vmem>>
      %dma_start3A_282 = arith.constant 0 : i32
      %dma_start3A_283 = tpu.memref_slice %arg12[%dma_start3A_277, %dma_start3A_282] : memref<4x128xi32, #tpu.memory_space<vmem>> -> memref<1x128xi32, #tpu.memory_space<vmem>>
      %dma_start3A_284 = tpu.memref_squeeze %dma_start3A_283 : memref<1x128xi32, #tpu.memory_space<vmem>> -> memref<128xi32, #tpu.memory_space<vmem>>
      %dma_start3A_285 = arith.constant 0 : i32
      %dma_start3A_286 = arith.constant 0 : i32
      %dma_start3A_287 = tpu.memref_slice %arg7[%dma_start3A_285, %dma_start3A_286] : memref<102400x16xf32, #tpu.memory_space<vmem_shared>> -> memref<102400x16xf32, #tpu.memory_space<vmem_shared>>
      tpu.enqueue_indirect_dma source(%dma_start3A_281 : memref<128x16xf32, #tpu.memory_space<vmem>>) target(%dma_start3A_287 : memref<102400x16xf32, #tpu.memory_space<vmem_shared>>) offsets(%dma_start3A_284 : memref<128xi32, #tpu.memory_space<vmem>>) semaphore(%arg16 : memref<!tpu.dma_semaphore, #tpu.memory_space<semaphore_mem>>) {add = true}
      %dma_start3A_288 = arith.constant 1 : i32
      %dma_start3A_289 = arith.constant 1 : i32
      %dma_start3A_290 = arith.constant 0 : i32
      %dma_start3A_291 = arith.constant 0 : i32
      %dma_start3A_292 = tpu.memref_slice %arg8[%dma_start3A_288, %dma_start3A_290, %dma_start3A_291] : memref<4x128x16xf32, #tpu.memory_space<vmem>> -> memref<1x128x16xf32, #tpu.memory_space<vmem>>
      %dma_start3A_293 = tpu.memref_squeeze %dma_start3A_292 : memref<1x128x16xf32, #tpu.memory_space<vmem>> -> memref<128x16xf32, #tpu.memory_space<vmem>>
      %dma_start3A_294 = arith.constant 0 : i32
      %dma_start3A_295 = tpu.memref_slice %arg12[%dma_start3A_289, %dma_start3A_294] : memref<4x128xi32, #tpu.memory_space<vmem>> -> memref<1x128xi32, #tpu.memory_space<vmem>>
      %dma_start3A_296 = tpu.memref_squeeze %dma_start3A_295 : memref<1x128xi32, #tpu.memory_space<vmem>> -> memref<128xi32, #tpu.memory_space<vmem>>
      %dma_start3A_297 = arith.constant 0 : i32
      %dma_start3A_298 = arith.constant 0 : i32
      %dma_start3A_299 = tpu.memref_slice %arg7[%dma_start3A_297, %dma_start3A_298] : memref<102400x16xf32, #tpu.memory_space<vmem_shared>> -> memref<102400x16xf32, #tpu.memory_space<vmem_shared>>
      tpu.enqueue_indirect_dma source(%dma_start3A_293 : memref<128x16xf32, #tpu.memory_space<vmem>>) target(%dma_start3A_299 : memref<102400x16xf32, #tpu.memory_space<vmem_shared>>) offsets(%dma_start3A_296 : memref<128xi32, #tpu.memory_space<vmem>>) semaphore(%arg16 : memref<!tpu.dma_semaphore, #tpu.memory_space<semaphore_mem>>) {add = true}
      %dma_start3A_300 = arith.constant 2 : i32
      %dma_start3A_301 = arith.constant 2 : i32
      %dma_start3A_302 = arith.constant 0 : i32
      %dma_start3A_303 = arith.constant 0 : i32
      %dma_start3A_304 = tpu.memref_slice %arg8[%dma_start3A_300, %dma_start3A_302, %dma_start3A_303] : memref<4x128x16xf32, #tpu.memory_space<vmem>> -> memref<1x128x16xf32, #tpu.memory_space<vmem>>
      %dma_start3A_305 = tpu.memref_squeeze %dma_start3A_304 : memref<1x128x16xf32, #tpu.memory_space<vmem>> -> memref<128x16xf32, #tpu.memory_space<vmem>>
      %dma_start3A_306 = arith.constant 0 : i32
      %dma_start3A_307 = tpu.memref_slice %arg12[%dma_start3A_301, %dma_start3A_306] : memref<4x128xi32, #tpu.memory_space<vmem>> -> memref<1x128xi32, #tpu.memory_space<vmem>>
      %dma_start3A_308 = tpu.memref_squeeze %dma_start3A_307 : memref<1x128xi32, #tpu.memory_space<vmem>> -> memref<128xi32, #tpu.memory_space<vmem>>
      %dma_start3A_309 = arith.constant 0 : i32
      %dma_start3A_310 = arith.constant 0 : i32
      %dma_start3A_311 = tpu.memref_slice %arg7[%dma_start3A_309, %dma_start3A_310] : memref<102400x16xf32, #tpu.memory_space<vmem_shared>> -> memref<102400x16xf32, #tpu.memory_space<vmem_shared>>
      tpu.enqueue_indirect_dma source(%dma_start3A_305 : memref<128x16xf32, #tpu.memory_space<vmem>>) target(%dma_start3A_311 : memref<102400x16xf32, #tpu.memory_space<vmem_shared>>) offsets(%dma_start3A_308 : memref<128xi32, #tpu.memory_space<vmem>>) semaphore(%arg16 : memref<!tpu.dma_semaphore, #tpu.memory_space<semaphore_mem>>) {add = true}
      %dma_start3A_312 = arith.constant 3 : i32
      %dma_start3A_313 = arith.constant 3 : i32
      %dma_start3A_314 = arith.constant 0 : i32
      %dma_start3A_315 = arith.constant 0 : i32
      %dma_start3A_316 = tpu.memref_slice %arg8[%dma_start3A_312, %dma_start3A_314, %dma_start3A_315] : memref<4x128x16xf32, #tpu.memory_space<vmem>> -> memref<1x128x16xf32, #tpu.memory_space<vmem>>
      %dma_start3A_317 = tpu.memref_squeeze %dma_start3A_316 : memref<1x128x16xf32, #tpu.memory_space<vmem>> -> memref<128x16xf32, #tpu.memory_space<vmem>>
      %dma_start3A_318 = arith.constant 0 : i32
      %dma_start3A_319 = tpu.memref_slice %arg12[%dma_start3A_313, %dma_start3A_318] : memref<4x128xi32, #tpu.memory_space<vmem>> -> memref<1x128xi32, #tpu.memory_space<vmem>>
      %dma_start3A_320 = tpu.memref_squeeze %dma_start3A_319 : memref<1x128xi32, #tpu.memory_space<vmem>> -> memref<128xi32, #tpu.memory_space<vmem>>
      %dma_start3A_321 = arith.constant 0 : i32
      %dma_start3A_322 = arith.constant 0 : i32
      %dma_start3A_323 = tpu.memref_slice %arg7[%dma_start3A_321, %dma_start3A_322] : memref<102400x16xf32, #tpu.memory_space<vmem_shared>> -> memref<102400x16xf32, #tpu.memory_space<vmem_shared>>
      tpu.enqueue_indirect_dma source(%dma_start3A_317 : memref<128x16xf32, #tpu.memory_space<vmem>>) target(%dma_start3A_323 : memref<102400x16xf32, #tpu.memory_space<vmem_shared>>) offsets(%dma_start3A_320 : memref<128xi32, #tpu.memory_space<vmem>>) semaphore(%arg16 : memref<!tpu.dma_semaphore, #tpu.memory_space<semaphore_mem>>) {add = true}
      %dma_wait3A_324 = arith.constant 0 : i32
      %dma_wait3A_325 = arith.constant 0 : i32
      %dma_wait3A_326 = arith.constant 0 : i32
      %dma_wait3A_327 = arith.constant 0 : i32
      %dma_wait3A_328 = tpu.memref_slice %arg8[%dma_wait3A_324, %dma_wait3A_326, %dma_wait3A_327] : memref<4x128x16xf32, #tpu.memory_space<vmem>> -> memref<1x128x16xf32, #tpu.memory_space<vmem>>
      %dma_wait3A_329 = tpu.memref_squeeze %dma_wait3A_328 : memref<1x128x16xf32, #tpu.memory_space<vmem>> -> memref<128x16xf32, #tpu.memory_space<vmem>>
      %dma_wait3A_330 = arith.constant 0 : i32
      %dma_wait3A_331 = tpu.memref_slice %arg12[%dma_wait3A_325, %dma_wait3A_330] : memref<4x128xi32, #tpu.memory_space<vmem>> -> memref<1x128xi32, #tpu.memory_space<vmem>>
      %dma_wait3A_332 = tpu.memref_squeeze %dma_wait3A_331 : memref<1x128xi32, #tpu.memory_space<vmem>> -> memref<128xi32, #tpu.memory_space<vmem>>
      %dma_wait3A_333 = arith.constant 0 : i32
      %dma_wait3A_334 = arith.constant 0 : i32
      %dma_wait3A_335 = tpu.memref_slice %arg7[%dma_wait3A_333, %dma_wait3A_334] : memref<102400x16xf32, #tpu.memory_space<vmem_shared>> -> memref<102400x16xf32, #tpu.memory_space<vmem_shared>>
      tpu.wait_indirect_dma semaphore(%arg16 : memref<!tpu.dma_semaphore, #tpu.memory_space<semaphore_mem>>) src(%dma_wait3A_329 : memref<128x16xf32, #tpu.memory_space<vmem>>) dst(%dma_wait3A_335 : memref<102400x16xf32, #tpu.memory_space<vmem_shared>>)
      %dma_wait3A_336 = arith.constant 1 : i32
      %dma_wait3A_337 = arith.constant 1 : i32
      %dma_wait3A_338 = arith.constant 0 : i32
      %dma_wait3A_339 = arith.constant 0 : i32
      %dma_wait3A_340 = tpu.memref_slice %arg8[%dma_wait3A_336, %dma_wait3A_338, %dma_wait3A_339] : memref<4x128x16xf32, #tpu.memory_space<vmem>> -> memref<1x128x16xf32, #tpu.memory_space<vmem>>
      %dma_wait3A_341 = tpu.memref_squeeze %dma_wait3A_340 : memref<1x128x16xf32, #tpu.memory_space<vmem>> -> memref<128x16xf32, #tpu.memory_space<vmem>>
      %dma_wait3A_342 = arith.constant 0 : i32
      %dma_wait3A_343 = tpu.memref_slice %arg12[%dma_wait3A_337, %dma_wait3A_342] : memref<4x128xi32, #tpu.memory_space<vmem>> -> memref<1x128xi32, #tpu.memory_space<vmem>>
      %dma_wait3A_344 = tpu.memref_squeeze %dma_wait3A_343 : memref<1x128xi32, #tpu.memory_space<vmem>> -> memref<128xi32, #tpu.memory_space<vmem>>
      %dma_wait3A_345 = arith.constant 0 : i32
      %dma_wait3A_346 = arith.constant 0 : i32
      %dma_wait3A_347 = tpu.memref_slice %arg7[%dma_wait3A_345, %dma_wait3A_346] : memref<102400x16xf32, #tpu.memory_space<vmem_shared>> -> memref<102400x16xf32, #tpu.memory_space<vmem_shared>>
      tpu.wait_indirect_dma semaphore(%arg16 : memref<!tpu.dma_semaphore, #tpu.memory_space<semaphore_mem>>) src(%dma_wait3A_341 : memref<128x16xf32, #tpu.memory_space<vmem>>) dst(%dma_wait3A_347 : memref<102400x16xf32, #tpu.memory_space<vmem_shared>>)
      %dma_wait3A_348 = arith.constant 2 : i32
      %dma_wait3A_349 = arith.constant 2 : i32
      %dma_wait3A_350 = arith.constant 0 : i32
      %dma_wait3A_351 = arith.constant 0 : i32
      %dma_wait3A_352 = tpu.memref_slice %arg8[%dma_wait3A_348, %dma_wait3A_350, %dma_wait3A_351] : memref<4x128x16xf32, #tpu.memory_space<vmem>> -> memref<1x128x16xf32, #tpu.memory_space<vmem>>
      %dma_wait3A_353 = tpu.memref_squeeze %dma_wait3A_352 : memref<1x128x16xf32, #tpu.memory_space<vmem>> -> memref<128x16xf32, #tpu.memory_space<vmem>>
      %dma_wait3A_354 = arith.constant 0 : i32
      %dma_wait3A_355 = tpu.memref_slice %arg12[%dma_wait3A_349, %dma_wait3A_354] : memref<4x128xi32, #tpu.memory_space<vmem>> -> memref<1x128xi32, #tpu.memory_space<vmem>>
      %dma_wait3A_356 = tpu.memref_squeeze %dma_wait3A_355 : memref<1x128xi32, #tpu.memory_space<vmem>> -> memref<128xi32, #tpu.memory_space<vmem>>
      %dma_wait3A_357 = arith.constant 0 : i32
      %dma_wait3A_358 = arith.constant 0 : i32
      %dma_wait3A_359 = tpu.memref_slice %arg7[%dma_wait3A_357, %dma_wait3A_358] : memref<102400x16xf32, #tpu.memory_space<vmem_shared>> -> memref<102400x16xf32, #tpu.memory_space<vmem_shared>>
      tpu.wait_indirect_dma semaphore(%arg16 : memref<!tpu.dma_semaphore, #tpu.memory_space<semaphore_mem>>) src(%dma_wait3A_353 : memref<128x16xf32, #tpu.memory_space<vmem>>) dst(%dma_wait3A_359 : memref<102400x16xf32, #tpu.memory_space<vmem_shared>>)
      %dma_wait3A_360 = arith.constant 3 : i32
      %dma_wait3A_361 = arith.constant 3 : i32
      %dma_wait3A_362 = arith.constant 0 : i32
      %dma_wait3A_363 = arith.constant 0 : i32
      %dma_wait3A_364 = tpu.memref_slice %arg8[%dma_wait3A_360, %dma_wait3A_362, %dma_wait3A_363] : memref<4x128x16xf32, #tpu.memory_space<vmem>> -> memref<1x128x16xf32, #tpu.memory_space<vmem>>
      %dma_wait3A_365 = tpu.memref_squeeze %dma_wait3A_364 : memref<1x128x16xf32, #tpu.memory_space<vmem>> -> memref<128x16xf32, #tpu.memory_space<vmem>>
      %dma_wait3A_366 = arith.constant 0 : i32
      %dma_wait3A_367 = tpu.memref_slice %arg12[%dma_wait3A_361, %dma_wait3A_366] : memref<4x128xi32, #tpu.memory_space<vmem>> -> memref<1x128xi32, #tpu.memory_space<vmem>>
      %dma_wait3A_368 = tpu.memref_squeeze %dma_wait3A_367 : memref<1x128xi32, #tpu.memory_space<vmem>> -> memref<128xi32, #tpu.memory_space<vmem>>
      %dma_wait3A_369 = arith.constant 0 : i32
      %dma_wait3A_370 = arith.constant 0 : i32
      %dma_wait3A_371 = tpu.memref_slice %arg7[%dma_wait3A_369, %dma_wait3A_370] : memref<102400x16xf32, #tpu.memory_space<vmem_shared>> -> memref<102400x16xf32, #tpu.memory_space<vmem_shared>>
      tpu.wait_indirect_dma semaphore(%arg16 : memref<!tpu.dma_semaphore, #tpu.memory_space<semaphore_mem>>) src(%dma_wait3A_365 : memref<128x16xf32, #tpu.memory_space<vmem>>) dst(%dma_wait3A_371 : memref<102400x16xf32, #tpu.memory_space<vmem_shared>>)
      %mul3A_372 = arith.constant 784 : i32
      %mul3A_373 = arith.muli %arg1, %mul3A_372 : i32
      %mul3A_374 = arith.constant 2 : i32
      %mul3A_375 = arith.muli %mul3A_374, %scan3A_139 : i32
      %add3A_376 = arith.constant 2 : i32
      %add3A_377 = arith.addi %mul3A_375, %add3A_376 : i32
      %mul3A_378 = arith.constant 4 : i32
      %mul3A_379 = arith.muli %add3A_377, %mul3A_378 : i32
      %add3A_380 = arith.addi %mul3A_373, %mul3A_379 : i32
      %min3A = arith.constant 12540 : i32
      %min3A_381 = arith.minsi %add3A_380, %min3A : i32
      "tpu.region"() ({
        %run_scoped3A = tpu.sem_alloc : memref<!tpu.dma_semaphore, #tpu.memory_space<semaphore_mem>>
        %dma_start3A_606 = arith.constant 0 : i32
        %dma_start3A_607 = tpu.memref_slice %arg3[%min3A_381, %dma_start3A_606] : memref<12544x128xi32, #tpu.memory_space<hbm>> -> memref<4x128xi32, #tpu.memory_space<hbm>>
        %dma_start3A_608 = arith.constant 0 : i32
        %dma_start3A_609 = tpu.memref_slice %arg3[%min3A_381, %dma_start3A_608] : memref<12544x128xi32, #tpu.memory_space<hbm>> -> memref<4x128xi32, #tpu.memory_space<hbm>>
        tpu.enqueue_dma source(%dma_start3A_609 : memref<4x128xi32, #tpu.memory_space<hbm>>) target(%arg10 : memref<4x128xi32, #tpu.memory_space<vmem>>) target_semaphore(%run_scoped3A : memref<!tpu.dma_semaphore, #tpu.memory_space<semaphore_mem>>)
        %dma_wait3A_610 = arith.constant 0 : i32
        %dma_wait3A_611 = tpu.memref_slice %arg3[%min3A_381, %dma_wait3A_610] : memref<12544x128xi32, #tpu.memory_space<hbm>> -> memref<4x128xi32, #tpu.memory_space<hbm>>
        %dma_wait3A_612 = arith.constant 0 : i32
        %dma_wait3A_613 = tpu.memref_slice %arg3[%min3A_381, %dma_wait3A_612] : memref<12544x128xi32, #tpu.memory_space<hbm>> -> memref<4x128xi32, #tpu.memory_space<hbm>>
        tpu.wait_dma2 semaphore(%run_scoped3A : memref<!tpu.dma_semaphore, #tpu.memory_space<semaphore_mem>>) src(%dma_wait3A_613 : memref<4x128xi32, #tpu.memory_space<hbm>>) dst(%arg10 : memref<4x128xi32, #tpu.memory_space<vmem>>)
        tpu.yield
      }) : () -> ()
      "tpu.region"() ({
        %run_scoped3A = tpu.sem_alloc : memref<!tpu.dma_semaphore, #tpu.memory_space<semaphore_mem>>
        %dma_start3A_606 = arith.constant 0 : i32
        %dma_start3A_607 = tpu.memref_slice %arg4[%min3A_381, %dma_start3A_606] : memref<12544x128xi32, #tpu.memory_space<hbm>> -> memref<4x128xi32, #tpu.memory_space<hbm>>
        %dma_start3A_608 = arith.constant 0 : i32
        %dma_start3A_609 = tpu.memref_slice %arg4[%min3A_381, %dma_start3A_608] : memref<12544x128xi32, #tpu.memory_space<hbm>> -> memref<4x128xi32, #tpu.memory_space<hbm>>
        tpu.enqueue_dma source(%dma_start3A_609 : memref<4x128xi32, #tpu.memory_space<hbm>>) target(%arg12 : memref<4x128xi32, #tpu.memory_space<vmem>>) target_semaphore(%run_scoped3A : memref<!tpu.dma_semaphore, #tpu.memory_space<semaphore_mem>>)
        %dma_wait3A_610 = arith.constant 0 : i32
        %dma_wait3A_611 = tpu.memref_slice %arg4[%min3A_381, %dma_wait3A_610] : memref<12544x128xi32, #tpu.memory_space<hbm>> -> memref<4x128xi32, #tpu.memory_space<hbm>>
        %dma_wait3A_612 = arith.constant 0 : i32
        %dma_wait3A_613 = tpu.memref_slice %arg4[%min3A_381, %dma_wait3A_612] : memref<12544x128xi32, #tpu.memory_space<hbm>> -> memref<4x128xi32, #tpu.memory_space<hbm>>
        tpu.wait_dma2 semaphore(%run_scoped3A : memref<!tpu.dma_semaphore, #tpu.memory_space<semaphore_mem>>) src(%dma_wait3A_613 : memref<4x128xi32, #tpu.memory_space<hbm>>) dst(%arg12 : memref<4x128xi32, #tpu.memory_space<vmem>>)
        tpu.yield
      }) : () -> ()
      %dma_start3A_382 = arith.constant 0 : i32
      %dma_start3A_383 = arith.constant 0 : i32
      %dma_start3A_384 = arith.constant 0 : i32
      %dma_start3A_385 = arith.constant 0 : i32
      %dma_start3A_386 = tpu.memref_slice %arg8[%dma_start3A_383, %dma_start3A_384, %dma_start3A_385] : memref<4x128x16xf32, #tpu.memory_space<vmem>> -> memref<1x128x16xf32, #tpu.memory_space<vmem>>
      %dma_start3A_387 = tpu.memref_squeeze %dma_start3A_386 : memref<1x128x16xf32, #tpu.memory_space<vmem>> -> memref<128x16xf32, #tpu.memory_space<vmem>>
      %dma_start3A_388 = arith.constant 0 : i32
      %dma_start3A_389 = tpu.memref_slice %arg10[%dma_start3A_382, %dma_start3A_388] : memref<4x128xi32, #tpu.memory_space<vmem>> -> memref<1x128xi32, #tpu.memory_space<vmem>>
      %dma_start3A_390 = tpu.memref_squeeze %dma_start3A_389 : memref<1x128xi32, #tpu.memory_space<vmem>> -> memref<128xi32, #tpu.memory_space<vmem>>
      %dma_start3A_391 = arith.constant 0 : i32
      %dma_start3A_392 = arith.constant 0 : i32
      %dma_start3A_393 = tpu.memref_slice %arg2[%arg0, %dma_start3A_391, %dma_start3A_392] : memref<2x102400x16xf32, #tpu.memory_space<hbm>> -> memref<1x102400x16xf32, #tpu.memory_space<hbm>>
      %dma_start3A_394 = tpu.memref_squeeze %dma_start3A_393 : memref<1x102400x16xf32, #tpu.memory_space<hbm>> -> memref<102400x16xf32, #tpu.memory_space<hbm>>
      %dma_start3A_395 = arith.constant 0 : i32
      %dma_start3A_396 = arith.constant 0 : i32
      %dma_start3A_397 = tpu.memref_slice %dma_start3A_394[%dma_start3A_395, %dma_start3A_396] : memref<102400x16xf32, #tpu.memory_space<hbm>> -> memref<102400x16xf32, #tpu.memory_space<hbm>>
      tpu.enqueue_indirect_dma source(%dma_start3A_397 : memref<102400x16xf32, #tpu.memory_space<hbm>>) target(%dma_start3A_387 : memref<128x16xf32, #tpu.memory_space<vmem>>) offsets(%dma_start3A_390 : memref<128xi32, #tpu.memory_space<vmem>>) semaphore(%arg14 : memref<!tpu.dma_semaphore, #tpu.memory_space<semaphore_mem>>)
      %dma_start3A_398 = arith.constant 1 : i32
      %dma_start3A_399 = arith.constant 1 : i32
      %dma_start3A_400 = arith.constant 0 : i32
      %dma_start3A_401 = arith.constant 0 : i32
      %dma_start3A_402 = tpu.memref_slice %arg8[%dma_start3A_399, %dma_start3A_400, %dma_start3A_401] : memref<4x128x16xf32, #tpu.memory_space<vmem>> -> memref<1x128x16xf32, #tpu.memory_space<vmem>>
      %dma_start3A_403 = tpu.memref_squeeze %dma_start3A_402 : memref<1x128x16xf32, #tpu.memory_space<vmem>> -> memref<128x16xf32, #tpu.memory_space<vmem>>
      %dma_start3A_404 = arith.constant 0 : i32
      %dma_start3A_405 = tpu.memref_slice %arg10[%dma_start3A_398, %dma_start3A_404] : memref<4x128xi32, #tpu.memory_space<vmem>> -> memref<1x128xi32, #tpu.memory_space<vmem>>
      %dma_start3A_406 = tpu.memref_squeeze %dma_start3A_405 : memref<1x128xi32, #tpu.memory_space<vmem>> -> memref<128xi32, #tpu.memory_space<vmem>>
      %dma_start3A_407 = arith.constant 0 : i32
      %dma_start3A_408 = arith.constant 0 : i32
      %dma_start3A_409 = tpu.memref_slice %arg2[%arg0, %dma_start3A_407, %dma_start3A_408] : memref<2x102400x16xf32, #tpu.memory_space<hbm>> -> memref<1x102400x16xf32, #tpu.memory_space<hbm>>
      %dma_start3A_410 = tpu.memref_squeeze %dma_start3A_409 : memref<1x102400x16xf32, #tpu.memory_space<hbm>> -> memref<102400x16xf32, #tpu.memory_space<hbm>>
      %dma_start3A_411 = arith.constant 0 : i32
      %dma_start3A_412 = arith.constant 0 : i32
      %dma_start3A_413 = tpu.memref_slice %dma_start3A_410[%dma_start3A_411, %dma_start3A_412] : memref<102400x16xf32, #tpu.memory_space<hbm>> -> memref<102400x16xf32, #tpu.memory_space<hbm>>
      tpu.enqueue_indirect_dma source(%dma_start3A_413 : memref<102400x16xf32, #tpu.memory_space<hbm>>) target(%dma_start3A_403 : memref<128x16xf32, #tpu.memory_space<vmem>>) offsets(%dma_start3A_406 : memref<128xi32, #tpu.memory_space<vmem>>) semaphore(%arg14 : memref<!tpu.dma_semaphore, #tpu.memory_space<semaphore_mem>>)
      %dma_start3A_414 = arith.constant 2 : i32
      %dma_start3A_415 = arith.constant 2 : i32
      %dma_start3A_416 = arith.constant 0 : i32
      %dma_start3A_417 = arith.constant 0 : i32
      %dma_start3A_418 = tpu.memref_slice %arg8[%dma_start3A_415, %dma_start3A_416, %dma_start3A_417] : memref<4x128x16xf32, #tpu.memory_space<vmem>> -> memref<1x128x16xf32, #tpu.memory_space<vmem>>
      %dma_start3A_419 = tpu.memref_squeeze %dma_start3A_418 : memref<1x128x16xf32, #tpu.memory_space<vmem>> -> memref<128x16xf32, #tpu.memory_space<vmem>>
      %dma_start3A_420 = arith.constant 0 : i32
      %dma_start3A_421 = tpu.memref_slice %arg10[%dma_start3A_414, %dma_start3A_420] : memref<4x128xi32, #tpu.memory_space<vmem>> -> memref<1x128xi32, #tpu.memory_space<vmem>>
      %dma_start3A_422 = tpu.memref_squeeze %dma_start3A_421 : memref<1x128xi32, #tpu.memory_space<vmem>> -> memref<128xi32, #tpu.memory_space<vmem>>
      %dma_start3A_423 = arith.constant 0 : i32
      %dma_start3A_424 = arith.constant 0 : i32
      %dma_start3A_425 = tpu.memref_slice %arg2[%arg0, %dma_start3A_423, %dma_start3A_424] : memref<2x102400x16xf32, #tpu.memory_space<hbm>> -> memref<1x102400x16xf32, #tpu.memory_space<hbm>>
      %dma_start3A_426 = tpu.memref_squeeze %dma_start3A_425 : memref<1x102400x16xf32, #tpu.memory_space<hbm>> -> memref<102400x16xf32, #tpu.memory_space<hbm>>
      %dma_start3A_427 = arith.constant 0 : i32
      %dma_start3A_428 = arith.constant 0 : i32
      %dma_start3A_429 = tpu.memref_slice %dma_start3A_426[%dma_start3A_427, %dma_start3A_428] : memref<102400x16xf32, #tpu.memory_space<hbm>> -> memref<102400x16xf32, #tpu.memory_space<hbm>>
      tpu.enqueue_indirect_dma source(%dma_start3A_429 : memref<102400x16xf32, #tpu.memory_space<hbm>>) target(%dma_start3A_419 : memref<128x16xf32, #tpu.memory_space<vmem>>) offsets(%dma_start3A_422 : memref<128xi32, #tpu.memory_space<vmem>>) semaphore(%arg14 : memref<!tpu.dma_semaphore, #tpu.memory_space<semaphore_mem>>)
      %dma_start3A_430 = arith.constant 3 : i32
      %dma_start3A_431 = arith.constant 3 : i32
      %dma_start3A_432 = arith.constant 0 : i32
      %dma_start3A_433 = arith.constant 0 : i32
      %dma_start3A_434 = tpu.memref_slice %arg8[%dma_start3A_431, %dma_start3A_432, %dma_start3A_433] : memref<4x128x16xf32, #tpu.memory_space<vmem>> -> memref<1x128x16xf32, #tpu.memory_space<vmem>>
      %dma_start3A_435 = tpu.memref_squeeze %dma_start3A_434 : memref<1x128x16xf32, #tpu.memory_space<vmem>> -> memref<128x16xf32, #tpu.memory_space<vmem>>
      %dma_start3A_436 = arith.constant 0 : i32
      %dma_start3A_437 = tpu.memref_slice %arg10[%dma_start3A_430, %dma_start3A_436] : memref<4x128xi32, #tpu.memory_space<vmem>> -> memref<1x128xi32, #tpu.memory_space<vmem>>
      %dma_start3A_438 = tpu.memref_squeeze %dma_start3A_437 : memref<1x128xi32, #tpu.memory_space<vmem>> -> memref<128xi32, #tpu.memory_space<vmem>>
      %dma_start3A_439 = arith.constant 0 : i32
      %dma_start3A_440 = arith.constant 0 : i32
      %dma_start3A_441 = tpu.memref_slice %arg2[%arg0, %dma_start3A_439, %dma_start3A_440] : memref<2x102400x16xf32, #tpu.memory_space<hbm>> -> memref<1x102400x16xf32, #tpu.memory_space<hbm>>
      %dma_start3A_442 = tpu.memref_squeeze %dma_start3A_441 : memref<1x102400x16xf32, #tpu.memory_space<hbm>> -> memref<102400x16xf32, #tpu.memory_space<hbm>>
      %dma_start3A_443 = arith.constant 0 : i32
      %dma_start3A_444 = arith.constant 0 : i32
      %dma_start3A_445 = tpu.memref_slice %dma_start3A_442[%dma_start3A_443, %dma_start3A_444] : memref<102400x16xf32, #tpu.memory_space<hbm>> -> memref<102400x16xf32, #tpu.memory_space<hbm>>
      tpu.enqueue_indirect_dma source(%dma_start3A_445 : memref<102400x16xf32, #tpu.memory_space<hbm>>) target(%dma_start3A_435 : memref<128x16xf32, #tpu.memory_space<vmem>>) offsets(%dma_start3A_438 : memref<128xi32, #tpu.memory_space<vmem>>) semaphore(%arg14 : memref<!tpu.dma_semaphore, #tpu.memory_space<semaphore_mem>>)
      %dma_wait3A_446 = arith.constant 0 : i32
      %dma_wait3A_447 = arith.constant 0 : i32
      %dma_wait3A_448 = arith.constant 0 : i32
      %dma_wait3A_449 = arith.constant 0 : i32
      %dma_wait3A_450 = tpu.memref_slice %arg9[%dma_wait3A_447, %dma_wait3A_448, %dma_wait3A_449] : memref<4x128x16xf32, #tpu.memory_space<vmem>> -> memref<1x128x16xf32, #tpu.memory_space<vmem>>
      %dma_wait3A_451 = tpu.memref_squeeze %dma_wait3A_450 : memref<1x128x16xf32, #tpu.memory_space<vmem>> -> memref<128x16xf32, #tpu.memory_space<vmem>>
      %dma_wait3A_452 = arith.constant 0 : i32
      %dma_wait3A_453 = tpu.memref_slice %arg11[%dma_wait3A_446, %dma_wait3A_452] : memref<4x128xi32, #tpu.memory_space<vmem>> -> memref<1x128xi32, #tpu.memory_space<vmem>>
      %dma_wait3A_454 = tpu.memref_squeeze %dma_wait3A_453 : memref<1x128xi32, #tpu.memory_space<vmem>> -> memref<128xi32, #tpu.memory_space<vmem>>
      %dma_wait3A_455 = arith.constant 0 : i32
      %dma_wait3A_456 = arith.constant 0 : i32
      %dma_wait3A_457 = tpu.memref_slice %arg2[%arg0, %dma_wait3A_455, %dma_wait3A_456] : memref<2x102400x16xf32, #tpu.memory_space<hbm>> -> memref<1x102400x16xf32, #tpu.memory_space<hbm>>
      %dma_wait3A_458 = tpu.memref_squeeze %dma_wait3A_457 : memref<1x102400x16xf32, #tpu.memory_space<hbm>> -> memref<102400x16xf32, #tpu.memory_space<hbm>>
      %dma_wait3A_459 = arith.constant 0 : i32
      %dma_wait3A_460 = arith.constant 0 : i32
      %dma_wait3A_461 = tpu.memref_slice %dma_wait3A_458[%dma_wait3A_459, %dma_wait3A_460] : memref<102400x16xf32, #tpu.memory_space<hbm>> -> memref<102400x16xf32, #tpu.memory_space<hbm>>
      tpu.wait_indirect_dma semaphore(%arg15 : memref<!tpu.dma_semaphore, #tpu.memory_space<semaphore_mem>>) src(%dma_wait3A_461 : memref<102400x16xf32, #tpu.memory_space<hbm>>) dst(%dma_wait3A_451 : memref<128x16xf32, #tpu.memory_space<vmem>>)
      %dma_wait3A_462 = arith.constant 1 : i32
      %dma_wait3A_463 = arith.constant 1 : i32
      %dma_wait3A_464 = arith.constant 0 : i32
      %dma_wait3A_465 = arith.constant 0 : i32
      %dma_wait3A_466 = tpu.memref_slice %arg9[%dma_wait3A_463, %dma_wait3A_464, %dma_wait3A_465] : memref<4x128x16xf32, #tpu.memory_space<vmem>> -> memref<1x128x16xf32, #tpu.memory_space<vmem>>
      %dma_wait3A_467 = tpu.memref_squeeze %dma_wait3A_466 : memref<1x128x16xf32, #tpu.memory_space<vmem>> -> memref<128x16xf32, #tpu.memory_space<vmem>>
      %dma_wait3A_468 = arith.constant 0 : i32
      %dma_wait3A_469 = tpu.memref_slice %arg11[%dma_wait3A_462, %dma_wait3A_468] : memref<4x128xi32, #tpu.memory_space<vmem>> -> memref<1x128xi32, #tpu.memory_space<vmem>>
      %dma_wait3A_470 = tpu.memref_squeeze %dma_wait3A_469 : memref<1x128xi32, #tpu.memory_space<vmem>> -> memref<128xi32, #tpu.memory_space<vmem>>
      %dma_wait3A_471 = arith.constant 0 : i32
      %dma_wait3A_472 = arith.constant 0 : i32
      %dma_wait3A_473 = tpu.memref_slice %arg2[%arg0, %dma_wait3A_471, %dma_wait3A_472] : memref<2x102400x16xf32, #tpu.memory_space<hbm>> -> memref<1x102400x16xf32, #tpu.memory_space<hbm>>
      %dma_wait3A_474 = tpu.memref_squeeze %dma_wait3A_473 : memref<1x102400x16xf32, #tpu.memory_space<hbm>> -> memref<102400x16xf32, #tpu.memory_space<hbm>>
      %dma_wait3A_475 = arith.constant 0 : i32
      %dma_wait3A_476 = arith.constant 0 : i32
      %dma_wait3A_477 = tpu.memref_slice %dma_wait3A_474[%dma_wait3A_475, %dma_wait3A_476] : memref<102400x16xf32, #tpu.memory_space<hbm>> -> memref<102400x16xf32, #tpu.memory_space<hbm>>
      tpu.wait_indirect_dma semaphore(%arg15 : memref<!tpu.dma_semaphore, #tpu.memory_space<semaphore_mem>>) src(%dma_wait3A_477 : memref<102400x16xf32, #tpu.memory_space<hbm>>) dst(%dma_wait3A_467 : memref<128x16xf32, #tpu.memory_space<vmem>>)
      %dma_wait3A_478 = arith.constant 2 : i32
      %dma_wait3A_479 = arith.constant 2 : i32
      %dma_wait3A_480 = arith.constant 0 : i32
      %dma_wait3A_481 = arith.constant 0 : i32
      %dma_wait3A_482 = tpu.memref_slice %arg9[%dma_wait3A_479, %dma_wait3A_480, %dma_wait3A_481] : memref<4x128x16xf32, #tpu.memory_space<vmem>> -> memref<1x128x16xf32, #tpu.memory_space<vmem>>
      %dma_wait3A_483 = tpu.memref_squeeze %dma_wait3A_482 : memref<1x128x16xf32, #tpu.memory_space<vmem>> -> memref<128x16xf32, #tpu.memory_space<vmem>>
      %dma_wait3A_484 = arith.constant 0 : i32
      %dma_wait3A_485 = tpu.memref_slice %arg11[%dma_wait3A_478, %dma_wait3A_484] : memref<4x128xi32, #tpu.memory_space<vmem>> -> memref<1x128xi32, #tpu.memory_space<vmem>>
      %dma_wait3A_486 = tpu.memref_squeeze %dma_wait3A_485 : memref<1x128xi32, #tpu.memory_space<vmem>> -> memref<128xi32, #tpu.memory_space<vmem>>
      %dma_wait3A_487 = arith.constant 0 : i32
      %dma_wait3A_488 = arith.constant 0 : i32
      %dma_wait3A_489 = tpu.memref_slice %arg2[%arg0, %dma_wait3A_487, %dma_wait3A_488] : memref<2x102400x16xf32, #tpu.memory_space<hbm>> -> memref<1x102400x16xf32, #tpu.memory_space<hbm>>
      %dma_wait3A_490 = tpu.memref_squeeze %dma_wait3A_489 : memref<1x102400x16xf32, #tpu.memory_space<hbm>> -> memref<102400x16xf32, #tpu.memory_space<hbm>>
      %dma_wait3A_491 = arith.constant 0 : i32
      %dma_wait3A_492 = arith.constant 0 : i32
      %dma_wait3A_493 = tpu.memref_slice %dma_wait3A_490[%dma_wait3A_491, %dma_wait3A_492] : memref<102400x16xf32, #tpu.memory_space<hbm>> -> memref<102400x16xf32, #tpu.memory_space<hbm>>
      tpu.wait_indirect_dma semaphore(%arg15 : memref<!tpu.dma_semaphore, #tpu.memory_space<semaphore_mem>>) src(%dma_wait3A_493 : memref<102400x16xf32, #tpu.memory_space<hbm>>) dst(%dma_wait3A_483 : memref<128x16xf32, #tpu.memory_space<vmem>>)
      %dma_wait3A_494 = arith.constant 3 : i32
      %dma_wait3A_495 = arith.constant 3 : i32
      %dma_wait3A_496 = arith.constant 0 : i32
      %dma_wait3A_497 = arith.constant 0 : i32
      %dma_wait3A_498 = tpu.memref_slice %arg9[%dma_wait3A_495, %dma_wait3A_496, %dma_wait3A_497] : memref<4x128x16xf32, #tpu.memory_space<vmem>> -> memref<1x128x16xf32, #tpu.memory_space<vmem>>
      %dma_wait3A_499 = tpu.memref_squeeze %dma_wait3A_498 : memref<1x128x16xf32, #tpu.memory_space<vmem>> -> memref<128x16xf32, #tpu.memory_space<vmem>>
      %dma_wait3A_500 = arith.constant 0 : i32
      %dma_wait3A_501 = tpu.memref_slice %arg11[%dma_wait3A_494, %dma_wait3A_500] : memref<4x128xi32, #tpu.memory_space<vmem>> -> memref<1x128xi32, #tpu.memory_space<vmem>>
      %dma_wait3A_502 = tpu.memref_squeeze %dma_wait3A_501 : memref<1x128xi32, #tpu.memory_space<vmem>> -> memref<128xi32, #tpu.memory_space<vmem>>
      %dma_wait3A_503 = arith.constant 0 : i32
      %dma_wait3A_504 = arith.constant 0 : i32
      %dma_wait3A_505 = tpu.memref_slice %arg2[%arg0, %dma_wait3A_503, %dma_wait3A_504] : memref<2x102400x16xf32, #tpu.memory_space<hbm>> -> memref<1x102400x16xf32, #tpu.memory_space<hbm>>
      %dma_wait3A_506 = tpu.memref_squeeze %dma_wait3A_505 : memref<1x102400x16xf32, #tpu.memory_space<hbm>> -> memref<102400x16xf32, #tpu.memory_space<hbm>>
      %dma_wait3A_507 = arith.constant 0 : i32
      %dma_wait3A_508 = arith.constant 0 : i32
      %dma_wait3A_509 = tpu.memref_slice %dma_wait3A_506[%dma_wait3A_507, %dma_wait3A_508] : memref<102400x16xf32, #tpu.memory_space<hbm>> -> memref<102400x16xf32, #tpu.memory_space<hbm>>
      tpu.wait_indirect_dma semaphore(%arg15 : memref<!tpu.dma_semaphore, #tpu.memory_space<semaphore_mem>>) src(%dma_wait3A_509 : memref<102400x16xf32, #tpu.memory_space<hbm>>) dst(%dma_wait3A_499 : memref<128x16xf32, #tpu.memory_space<vmem>>)
      %dma_start3A_510 = arith.constant 0 : i32
      %dma_start3A_511 = arith.constant 0 : i32
      %dma_start3A_512 = arith.constant 0 : i32
      %dma_start3A_513 = arith.constant 0 : i32
      %dma_start3A_514 = tpu.memref_slice %arg9[%dma_start3A_510, %dma_start3A_512, %dma_start3A_513] : memref<4x128x16xf32, #tpu.memory_space<vmem>> -> memref<1x128x16xf32, #tpu.memory_space<vmem>>
      %dma_start3A_515 = tpu.memref_squeeze %dma_start3A_514 : memref<1x128x16xf32, #tpu.memory_space<vmem>> -> memref<128x16xf32, #tpu.memory_space<vmem>>
      %dma_start3A_516 = arith.constant 0 : i32
      %dma_start3A_517 = tpu.memref_slice %arg13[%dma_start3A_511, %dma_start3A_516] : memref<4x128xi32, #tpu.memory_space<vmem>> -> memref<1x128xi32, #tpu.memory_space<vmem>>
      %dma_start3A_518 = tpu.memref_squeeze %dma_start3A_517 : memref<1x128xi32, #tpu.memory_space<vmem>> -> memref<128xi32, #tpu.memory_space<vmem>>
      %dma_start3A_519 = arith.constant 0 : i32
      %dma_start3A_520 = arith.constant 0 : i32
      %dma_start3A_521 = tpu.memref_slice %arg7[%dma_start3A_519, %dma_start3A_520] : memref<102400x16xf32, #tpu.memory_space<vmem_shared>> -> memref<102400x16xf32, #tpu.memory_space<vmem_shared>>
      tpu.enqueue_indirect_dma source(%dma_start3A_515 : memref<128x16xf32, #tpu.memory_space<vmem>>) target(%dma_start3A_521 : memref<102400x16xf32, #tpu.memory_space<vmem_shared>>) offsets(%dma_start3A_518 : memref<128xi32, #tpu.memory_space<vmem>>) semaphore(%arg17 : memref<!tpu.dma_semaphore, #tpu.memory_space<semaphore_mem>>) {add = true}
      %dma_start3A_522 = arith.constant 1 : i32
      %dma_start3A_523 = arith.constant 1 : i32
      %dma_start3A_524 = arith.constant 0 : i32
      %dma_start3A_525 = arith.constant 0 : i32
      %dma_start3A_526 = tpu.memref_slice %arg9[%dma_start3A_522, %dma_start3A_524, %dma_start3A_525] : memref<4x128x16xf32, #tpu.memory_space<vmem>> -> memref<1x128x16xf32, #tpu.memory_space<vmem>>
      %dma_start3A_527 = tpu.memref_squeeze %dma_start3A_526 : memref<1x128x16xf32, #tpu.memory_space<vmem>> -> memref<128x16xf32, #tpu.memory_space<vmem>>
      %dma_start3A_528 = arith.constant 0 : i32
      %dma_start3A_529 = tpu.memref_slice %arg13[%dma_start3A_523, %dma_start3A_528] : memref<4x128xi32, #tpu.memory_space<vmem>> -> memref<1x128xi32, #tpu.memory_space<vmem>>
      %dma_start3A_530 = tpu.memref_squeeze %dma_start3A_529 : memref<1x128xi32, #tpu.memory_space<vmem>> -> memref<128xi32, #tpu.memory_space<vmem>>
      %dma_start3A_531 = arith.constant 0 : i32
      %dma_start3A_532 = arith.constant 0 : i32
      %dma_start3A_533 = tpu.memref_slice %arg7[%dma_start3A_531, %dma_start3A_532] : memref<102400x16xf32, #tpu.memory_space<vmem_shared>> -> memref<102400x16xf32, #tpu.memory_space<vmem_shared>>
      tpu.enqueue_indirect_dma source(%dma_start3A_527 : memref<128x16xf32, #tpu.memory_space<vmem>>) target(%dma_start3A_533 : memref<102400x16xf32, #tpu.memory_space<vmem_shared>>) offsets(%dma_start3A_530 : memref<128xi32, #tpu.memory_space<vmem>>) semaphore(%arg17 : memref<!tpu.dma_semaphore, #tpu.memory_space<semaphore_mem>>) {add = true}
      %dma_start3A_534 = arith.constant 2 : i32
      %dma_start3A_535 = arith.constant 2 : i32
      %dma_start3A_536 = arith.constant 0 : i32
      %dma_start3A_537 = arith.constant 0 : i32
      %dma_start3A_538 = tpu.memref_slice %arg9[%dma_start3A_534, %dma_start3A_536, %dma_start3A_537] : memref<4x128x16xf32, #tpu.memory_space<vmem>> -> memref<1x128x16xf32, #tpu.memory_space<vmem>>
      %dma_start3A_539 = tpu.memref_squeeze %dma_start3A_538 : memref<1x128x16xf32, #tpu.memory_space<vmem>> -> memref<128x16xf32, #tpu.memory_space<vmem>>
      %dma_start3A_540 = arith.constant 0 : i32
      %dma_start3A_541 = tpu.memref_slice %arg13[%dma_start3A_535, %dma_start3A_540] : memref<4x128xi32, #tpu.memory_space<vmem>> -> memref<1x128xi32, #tpu.memory_space<vmem>>
      %dma_start3A_542 = tpu.memref_squeeze %dma_start3A_541 : memref<1x128xi32, #tpu.memory_space<vmem>> -> memref<128xi32, #tpu.memory_space<vmem>>
      %dma_start3A_543 = arith.constant 0 : i32
      %dma_start3A_544 = arith.constant 0 : i32
      %dma_start3A_545 = tpu.memref_slice %arg7[%dma_start3A_543, %dma_start3A_544] : memref<102400x16xf32, #tpu.memory_space<vmem_shared>> -> memref<102400x16xf32, #tpu.memory_space<vmem_shared>>
      tpu.enqueue_indirect_dma source(%dma_start3A_539 : memref<128x16xf32, #tpu.memory_space<vmem>>) target(%dma_start3A_545 : memref<102400x16xf32, #tpu.memory_space<vmem_shared>>) offsets(%dma_start3A_542 : memref<128xi32, #tpu.memory_space<vmem>>) semaphore(%arg17 : memref<!tpu.dma_semaphore, #tpu.memory_space<semaphore_mem>>) {add = true}
      %dma_start3A_546 = arith.constant 3 : i32
      %dma_start3A_547 = arith.constant 3 : i32
      %dma_start3A_548 = arith.constant 0 : i32
      %dma_start3A_549 = arith.constant 0 : i32
      %dma_start3A_550 = tpu.memref_slice %arg9[%dma_start3A_546, %dma_start3A_548, %dma_start3A_549] : memref<4x128x16xf32, #tpu.memory_space<vmem>> -> memref<1x128x16xf32, #tpu.memory_space<vmem>>
      %dma_start3A_551 = tpu.memref_squeeze %dma_start3A_550 : memref<1x128x16xf32, #tpu.memory_space<vmem>> -> memref<128x16xf32, #tpu.memory_space<vmem>>
      %dma_start3A_552 = arith.constant 0 : i32
      %dma_start3A_553 = tpu.memref_slice %arg13[%dma_start3A_547, %dma_start3A_552] : memref<4x128xi32, #tpu.memory_space<vmem>> -> memref<1x128xi32, #tpu.memory_space<vmem>>
      %dma_start3A_554 = tpu.memref_squeeze %dma_start3A_553 : memref<1x128xi32, #tpu.memory_space<vmem>> -> memref<128xi32, #tpu.memory_space<vmem>>
      %dma_start3A_555 = arith.constant 0 : i32
      %dma_start3A_556 = arith.constant 0 : i32
      %dma_start3A_557 = tpu.memref_slice %arg7[%dma_start3A_555, %dma_start3A_556] : memref<102400x16xf32, #tpu.memory_space<vmem_shared>> -> memref<102400x16xf32, #tpu.memory_space<vmem_shared>>
      tpu.enqueue_indirect_dma source(%dma_start3A_551 : memref<128x16xf32, #tpu.memory_space<vmem>>) target(%dma_start3A_557 : memref<102400x16xf32, #tpu.memory_space<vmem_shared>>) offsets(%dma_start3A_554 : memref<128xi32, #tpu.memory_space<vmem>>) semaphore(%arg17 : memref<!tpu.dma_semaphore, #tpu.memory_space<semaphore_mem>>) {add = true}
      %dma_wait3A_558 = arith.constant 0 : i32
      %dma_wait3A_559 = arith.constant 0 : i32
      %dma_wait3A_560 = arith.constant 0 : i32
      %dma_wait3A_561 = arith.constant 0 : i32
      %dma_wait3A_562 = tpu.memref_slice %arg9[%dma_wait3A_558, %dma_wait3A_560, %dma_wait3A_561] : memref<4x128x16xf32, #tpu.memory_space<vmem>> -> memref<1x128x16xf32, #tpu.memory_space<vmem>>
      %dma_wait3A_563 = tpu.memref_squeeze %dma_wait3A_562 : memref<1x128x16xf32, #tpu.memory_space<vmem>> -> memref<128x16xf32, #tpu.memory_space<vmem>>
      %dma_wait3A_564 = arith.constant 0 : i32
      %dma_wait3A_565 = tpu.memref_slice %arg13[%dma_wait3A_559, %dma_wait3A_564] : memref<4x128xi32, #tpu.memory_space<vmem>> -> memref<1x128xi32, #tpu.memory_space<vmem>>
      %dma_wait3A_566 = tpu.memref_squeeze %dma_wait3A_565 : memref<1x128xi32, #tpu.memory_space<vmem>> -> memref<128xi32, #tpu.memory_space<vmem>>
      %dma_wait3A_567 = arith.constant 0 : i32
      %dma_wait3A_568 = arith.constant 0 : i32
      %dma_wait3A_569 = tpu.memref_slice %arg7[%dma_wait3A_567, %dma_wait3A_568] : memref<102400x16xf32, #tpu.memory_space<vmem_shared>> -> memref<102400x16xf32, #tpu.memory_space<vmem_shared>>
      tpu.wait_indirect_dma semaphore(%arg17 : memref<!tpu.dma_semaphore, #tpu.memory_space<semaphore_mem>>) src(%dma_wait3A_563 : memref<128x16xf32, #tpu.memory_space<vmem>>) dst(%dma_wait3A_569 : memref<102400x16xf32, #tpu.memory_space<vmem_shared>>)
      %dma_wait3A_570 = arith.constant 1 : i32
      %dma_wait3A_571 = arith.constant 1 : i32
      %dma_wait3A_572 = arith.constant 0 : i32
      %dma_wait3A_573 = arith.constant 0 : i32
      %dma_wait3A_574 = tpu.memref_slice %arg9[%dma_wait3A_570, %dma_wait3A_572, %dma_wait3A_573] : memref<4x128x16xf32, #tpu.memory_space<vmem>> -> memref<1x128x16xf32, #tpu.memory_space<vmem>>
      %dma_wait3A_575 = tpu.memref_squeeze %dma_wait3A_574 : memref<1x128x16xf32, #tpu.memory_space<vmem>> -> memref<128x16xf32, #tpu.memory_space<vmem>>
      %dma_wait3A_576 = arith.constant 0 : i32
      %dma_wait3A_577 = tpu.memref_slice %arg13[%dma_wait3A_571, %dma_wait3A_576] : memref<4x128xi32, #tpu.memory_space<vmem>> -> memref<1x128xi32, #tpu.memory_space<vmem>>
      %dma_wait3A_578 = tpu.memref_squeeze %dma_wait3A_577 : memref<1x128xi32, #tpu.memory_space<vmem>> -> memref<128xi32, #tpu.memory_space<vmem>>
      %dma_wait3A_579 = arith.constant 0 : i32
      %dma_wait3A_580 = arith.constant 0 : i32
      %dma_wait3A_581 = tpu.memref_slice %arg7[%dma_wait3A_579, %dma_wait3A_580] : memref<102400x16xf32, #tpu.memory_space<vmem_shared>> -> memref<102400x16xf32, #tpu.memory_space<vmem_shared>>
      tpu.wait_indirect_dma semaphore(%arg17 : memref<!tpu.dma_semaphore, #tpu.memory_space<semaphore_mem>>) src(%dma_wait3A_575 : memref<128x16xf32, #tpu.memory_space<vmem>>) dst(%dma_wait3A_581 : memref<102400x16xf32, #tpu.memory_space<vmem_shared>>)
      %dma_wait3A_582 = arith.constant 2 : i32
      %dma_wait3A_583 = arith.constant 2 : i32
      %dma_wait3A_584 = arith.constant 0 : i32
      %dma_wait3A_585 = arith.constant 0 : i32
      %dma_wait3A_586 = tpu.memref_slice %arg9[%dma_wait3A_582, %dma_wait3A_584, %dma_wait3A_585] : memref<4x128x16xf32, #tpu.memory_space<vmem>> -> memref<1x128x16xf32, #tpu.memory_space<vmem>>
      %dma_wait3A_587 = tpu.memref_squeeze %dma_wait3A_586 : memref<1x128x16xf32, #tpu.memory_space<vmem>> -> memref<128x16xf32, #tpu.memory_space<vmem>>
      %dma_wait3A_588 = arith.constant 0 : i32
      %dma_wait3A_589 = tpu.memref_slice %arg13[%dma_wait3A_583, %dma_wait3A_588] : memref<4x128xi32, #tpu.memory_space<vmem>> -> memref<1x128xi32, #tpu.memory_space<vmem>>
      %dma_wait3A_590 = tpu.memref_squeeze %dma_wait3A_589 : memref<1x128xi32, #tpu.memory_space<vmem>> -> memref<128xi32, #tpu.memory_space<vmem>>
      %dma_wait3A_591 = arith.constant 0 : i32
      %dma_wait3A_592 = arith.constant 0 : i32
      %dma_wait3A_593 = tpu.memref_slice %arg7[%dma_wait3A_591, %dma_wait3A_592] : memref<102400x16xf32, #tpu.memory_space<vmem_shared>> -> memref<102400x16xf32, #tpu.memory_space<vmem_shared>>
      tpu.wait_indirect_dma semaphore(%arg17 : memref<!tpu.dma_semaphore, #tpu.memory_space<semaphore_mem>>) src(%dma_wait3A_587 : memref<128x16xf32, #tpu.memory_space<vmem>>) dst(%dma_wait3A_593 : memref<102400x16xf32, #tpu.memory_space<vmem_shared>>)
      %dma_wait3A_594 = arith.constant 3 : i32
      %dma_wait3A_595 = arith.constant 3 : i32
      %dma_wait3A_596 = arith.constant 0 : i32
      %dma_wait3A_597 = arith.constant 0 : i32
      %dma_wait3A_598 = tpu.memref_slice %arg9[%dma_wait3A_594, %dma_wait3A_596, %dma_wait3A_597] : memref<4x128x16xf32, #tpu.memory_space<vmem>> -> memref<1x128x16xf32, #tpu.memory_space<vmem>>
      %dma_wait3A_599 = tpu.memref_squeeze %dma_wait3A_598 : memref<1x128x16xf32, #tpu.memory_space<vmem>> -> memref<128x16xf32, #tpu.memory_space<vmem>>
      %dma_wait3A_600 = arith.constant 0 : i32
      %dma_wait3A_601 = tpu.memref_slice %arg13[%dma_wait3A_595, %dma_wait3A_600] : memref<4x128xi32, #tpu.memory_space<vmem>> -> memref<1x128xi32, #tpu.memory_space<vmem>>
      %dma_wait3A_602 = tpu.memref_squeeze %dma_wait3A_601 : memref<1x128xi32, #tpu.memory_space<vmem>> -> memref<128xi32, #tpu.memory_space<vmem>>
      %dma_wait3A_603 = arith.constant 0 : i32
      %dma_wait3A_604 = arith.constant 0 : i32
      %dma_wait3A_605 = tpu.memref_slice %arg7[%dma_wait3A_603, %dma_wait3A_604] : memref<102400x16xf32, #tpu.memory_space<vmem_shared>> -> memref<102400x16xf32, #tpu.memory_space<vmem_shared>>
      tpu.wait_indirect_dma semaphore(%arg17 : memref<!tpu.dma_semaphore, #tpu.memory_space<semaphore_mem>>) src(%dma_wait3A_599 : memref<128x16xf32, #tpu.memory_space<vmem>>) dst(%dma_wait3A_605 : memref<102400x16xf32, #tpu.memory_space<vmem_shared>>)
    }
    %scan3A_70 = arith.constant 98 : i32
    %dma_wait3A = arith.constant 0 : i32
    %dma_wait3A_71 = arith.constant 0 : i32
    %dma_wait3A_72 = arith.constant 0 : i32
    %dma_wait3A_73 = arith.constant 0 : i32
    %dma_wait3A_74 = tpu.memref_slice %arg8[%dma_wait3A_71, %dma_wait3A_72, %dma_wait3A_73] : memref<4x128x16xf32, #tpu.memory_space<vmem>> -> memref<1x128x16xf32, #tpu.memory_space<vmem>>
    %dma_wait3A_75 = tpu.memref_squeeze %dma_wait3A_74 : memref<1x128x16xf32, #tpu.memory_space<vmem>> -> memref<128x16xf32, #tpu.memory_space<vmem>>
    %dma_wait3A_76 = arith.constant 0 : i32
    %dma_wait3A_77 = tpu.memref_slice %arg10[%dma_wait3A, %dma_wait3A_76] : memref<4x128xi32, #tpu.memory_space<vmem>> -> memref<1x128xi32, #tpu.memory_space<vmem>>
    %dma_wait3A_78 = tpu.memref_squeeze %dma_wait3A_77 : memref<1x128xi32, #tpu.memory_space<vmem>> -> memref<128xi32, #tpu.memory_space<vmem>>
    %dma_wait3A_79 = arith.constant 0 : i32
    %dma_wait3A_80 = arith.constant 0 : i32
    %dma_wait3A_81 = tpu.memref_slice %arg2[%arg0, %dma_wait3A_79, %dma_wait3A_80] : memref<2x102400x16xf32, #tpu.memory_space<hbm>> -> memref<1x102400x16xf32, #tpu.memory_space<hbm>>
    %dma_wait3A_82 = tpu.memref_squeeze %dma_wait3A_81 : memref<1x102400x16xf32, #tpu.memory_space<hbm>> -> memref<102400x16xf32, #tpu.memory_space<hbm>>
    %dma_wait3A_83 = arith.constant 0 : i32
    %dma_wait3A_84 = arith.constant 0 : i32
    %dma_wait3A_85 = tpu.memref_slice %dma_wait3A_82[%dma_wait3A_83, %dma_wait3A_84] : memref<102400x16xf32, #tpu.memory_space<hbm>> -> memref<102400x16xf32, #tpu.memory_space<hbm>>
    tpu.wait_indirect_dma semaphore(%arg14 : memref<!tpu.dma_semaphore, #tpu.memory_space<semaphore_mem>>) src(%dma_wait3A_85 : memref<102400x16xf32, #tpu.memory_space<hbm>>) dst(%dma_wait3A_75 : memref<128x16xf32, #tpu.memory_space<vmem>>)
    %dma_wait3A_86 = arith.constant 1 : i32
    %dma_wait3A_87 = arith.constant 1 : i32
    %dma_wait3A_88 = arith.constant 0 : i32
    %dma_wait3A_89 = arith.constant 0 : i32
    %dma_wait3A_90 = tpu.memref_slice %arg8[%dma_wait3A_87, %dma_wait3A_88, %dma_wait3A_89] : memref<4x128x16xf32, #tpu.memory_space<vmem>> -> memref<1x128x16xf32, #tpu.memory_space<vmem>>
    %dma_wait3A_91 = tpu.memref_squeeze %dma_wait3A_90 : memref<1x128x16xf32, #tpu.memory_space<vmem>> -> memref<128x16xf32, #tpu.memory_space<vmem>>
    %dma_wait3A_92 = arith.constant 0 : i32
    %dma_wait3A_93 = tpu.memref_slice %arg10[%dma_wait3A_86, %dma_wait3A_92] : memref<4x128xi32, #tpu.memory_space<vmem>> -> memref<1x128xi32, #tpu.memory_space<vmem>>
    %dma_wait3A_94 = tpu.memref_squeeze %dma_wait3A_93 : memref<1x128xi32, #tpu.memory_space<vmem>> -> memref<128xi32, #tpu.memory_space<vmem>>
    %dma_wait3A_95 = arith.constant 0 : i32
    %dma_wait3A_96 = arith.constant 0 : i32
    %dma_wait3A_97 = tpu.memref_slice %arg2[%arg0, %dma_wait3A_95, %dma_wait3A_96] : memref<2x102400x16xf32, #tpu.memory_space<hbm>> -> memref<1x102400x16xf32, #tpu.memory_space<hbm>>
    %dma_wait3A_98 = tpu.memref_squeeze %dma_wait3A_97 : memref<1x102400x16xf32, #tpu.memory_space<hbm>> -> memref<102400x16xf32, #tpu.memory_space<hbm>>
    %dma_wait3A_99 = arith.constant 0 : i32
    %dma_wait3A_100 = arith.constant 0 : i32
    %dma_wait3A_101 = tpu.memref_slice %dma_wait3A_98[%dma_wait3A_99, %dma_wait3A_100] : memref<102400x16xf32, #tpu.memory_space<hbm>> -> memref<102400x16xf32, #tpu.memory_space<hbm>>
    tpu.wait_indirect_dma semaphore(%arg14 : memref<!tpu.dma_semaphore, #tpu.memory_space<semaphore_mem>>) src(%dma_wait3A_101 : memref<102400x16xf32, #tpu.memory_space<hbm>>) dst(%dma_wait3A_91 : memref<128x16xf32, #tpu.memory_space<vmem>>)
    %dma_wait3A_102 = arith.constant 2 : i32
    %dma_wait3A_103 = arith.constant 2 : i32
    %dma_wait3A_104 = arith.constant 0 : i32
    %dma_wait3A_105 = arith.constant 0 : i32
    %dma_wait3A_106 = tpu.memref_slice %arg8[%dma_wait3A_103, %dma_wait3A_104, %dma_wait3A_105] : memref<4x128x16xf32, #tpu.memory_space<vmem>> -> memref<1x128x16xf32, #tpu.memory_space<vmem>>
    %dma_wait3A_107 = tpu.memref_squeeze %dma_wait3A_106 : memref<1x128x16xf32, #tpu.memory_space<vmem>> -> memref<128x16xf32, #tpu.memory_space<vmem>>
    %dma_wait3A_108 = arith.constant 0 : i32
    %dma_wait3A_109 = tpu.memref_slice %arg10[%dma_wait3A_102, %dma_wait3A_108] : memref<4x128xi32, #tpu.memory_space<vmem>> -> memref<1x128xi32, #tpu.memory_space<vmem>>
    %dma_wait3A_110 = tpu.memref_squeeze %dma_wait3A_109 : memref<1x128xi32, #tpu.memory_space<vmem>> -> memref<128xi32, #tpu.memory_space<vmem>>
    %dma_wait3A_111 = arith.constant 0 : i32
    %dma_wait3A_112 = arith.constant 0 : i32
    %dma_wait3A_113 = tpu.memref_slice %arg2[%arg0, %dma_wait3A_111, %dma_wait3A_112] : memref<2x102400x16xf32, #tpu.memory_space<hbm>> -> memref<1x102400x16xf32, #tpu.memory_space<hbm>>
    %dma_wait3A_114 = tpu.memref_squeeze %dma_wait3A_113 : memref<1x102400x16xf32, #tpu.memory_space<hbm>> -> memref<102400x16xf32, #tpu.memory_space<hbm>>
    %dma_wait3A_115 = arith.constant 0 : i32
    %dma_wait3A_116 = arith.constant 0 : i32
    %dma_wait3A_117 = tpu.memref_slice %dma_wait3A_114[%dma_wait3A_115, %dma_wait3A_116] : memref<102400x16xf32, #tpu.memory_space<hbm>> -> memref<102400x16xf32, #tpu.memory_space<hbm>>
    tpu.wait_indirect_dma semaphore(%arg14 : memref<!tpu.dma_semaphore, #tpu.memory_space<semaphore_mem>>) src(%dma_wait3A_117 : memref<102400x16xf32, #tpu.memory_space<hbm>>) dst(%dma_wait3A_107 : memref<128x16xf32, #tpu.memory_space<vmem>>)
    %dma_wait3A_118 = arith.constant 3 : i32
    %dma_wait3A_119 = arith.constant 3 : i32
    %dma_wait3A_120 = arith.constant 0 : i32
    %dma_wait3A_121 = arith.constant 0 : i32
    %dma_wait3A_122 = tpu.memref_slice %arg8[%dma_wait3A_119, %dma_wait3A_120, %dma_wait3A_121] : memref<4x128x16xf32, #tpu.memory_space<vmem>> -> memref<1x128x16xf32, #tpu.memory_space<vmem>>
    %dma_wait3A_123 = tpu.memref_squeeze %dma_wait3A_122 : memref<1x128x16xf32, #tpu.memory_space<vmem>> -> memref<128x16xf32, #tpu.memory_space<vmem>>
    %dma_wait3A_124 = arith.constant 0 : i32
    %dma_wait3A_125 = tpu.memref_slice %arg10[%dma_wait3A_118, %dma_wait3A_124] : memref<4x128xi32, #tpu.memory_space<vmem>> -> memref<1x128xi32, #tpu.memory_space<vmem>>
    %dma_wait3A_126 = tpu.memref_squeeze %dma_wait3A_125 : memref<1x128xi32, #tpu.memory_space<vmem>> -> memref<128xi32, #tpu.memory_space<vmem>>
    %dma_wait3A_127 = arith.constant 0 : i32
    %dma_wait3A_128 = arith.constant 0 : i32
    %dma_wait3A_129 = tpu.memref_slice %arg2[%arg0, %dma_wait3A_127, %dma_wait3A_128] : memref<2x102400x16xf32, #tpu.memory_space<hbm>> -> memref<1x102400x16xf32, #tpu.memory_space<hbm>>
    %dma_wait3A_130 = tpu.memref_squeeze %dma_wait3A_129 : memref<1x102400x16xf32, #tpu.memory_space<hbm>> -> memref<102400x16xf32, #tpu.memory_space<hbm>>
    %dma_wait3A_131 = arith.constant 0 : i32
    %dma_wait3A_132 = arith.constant 0 : i32
    %dma_wait3A_133 = tpu.memref_slice %dma_wait3A_130[%dma_wait3A_131, %dma_wait3A_132] : memref<102400x16xf32, #tpu.memory_space<hbm>> -> memref<102400x16xf32, #tpu.memory_space<hbm>>
    tpu.wait_indirect_dma semaphore(%arg14 : memref<!tpu.dma_semaphore, #tpu.memory_space<semaphore_mem>>) src(%dma_wait3A_133 : memref<102400x16xf32, #tpu.memory_space<hbm>>) dst(%dma_wait3A_123 : memref<128x16xf32, #tpu.memory_space<vmem>>)
    %barrier3A_134 = arith.constant 0 : index
    tpu.barrier barrier_id(%barrier3A_134)
    %mul3A_135 = arith.constant 6400 : i32
    %mul3A_136 = arith.muli %arg1, %mul3A_135 : i32
    %mul3A_137 = arith.constant 6400 : i32
    %mul3A_138 = arith.muli %arg1, %mul3A_137 : i32
    "tpu.region"() ({
      %run_scoped3A = tpu.sem_alloc : memref<!tpu.dma_semaphore, #tpu.memory_space<semaphore_mem>>
      %dma_start3A_139 = arith.constant 0 : i32
      %dma_start3A_140 = arith.constant 0 : i32
      %dma_start3A_141 = tpu.memref_slice %arg6[%arg0, %dma_start3A_139, %dma_start3A_140] : memref<2x102400x16xf32, #tpu.memory_space<hbm>> -> memref<1x102400x16xf32, #tpu.memory_space<hbm>>
      %dma_start3A_142 = tpu.memref_squeeze %dma_start3A_141 : memref<1x102400x16xf32, #tpu.memory_space<hbm>> -> memref<102400x16xf32, #tpu.memory_space<hbm>>
      %dma_start3A_143 = arith.constant 0 : i32
      %dma_start3A_144 = tpu.memref_slice %dma_start3A_142[%mul3A_138, %dma_start3A_143] : memref<102400x16xf32, #tpu.memory_space<hbm>> -> memref<6400x16xf32, #tpu.memory_space<hbm>>
      %dma_start3A_145 = arith.constant 0 : i32
      %dma_start3A_146 = tpu.memref_slice %arg7[%mul3A_136, %dma_start3A_145] : memref<102400x16xf32, #tpu.memory_space<vmem_shared>> -> memref<6400x16xf32, #tpu.memory_space<vmem_shared>>
      tpu.enqueue_dma source(%dma_start3A_146 : memref<6400x16xf32, #tpu.memory_space<vmem_shared>>) target(%dma_start3A_144 : memref<6400x16xf32, #tpu.memory_space<hbm>>) target_semaphore(%run_scoped3A : memref<!tpu.dma_semaphore, #tpu.memory_space<semaphore_mem>>)
      %dma_wait3A_147 = arith.constant 0 : i32
      %dma_wait3A_148 = arith.constant 0 : i32
      %dma_wait3A_149 = tpu.memref_slice %arg6[%arg0, %dma_wait3A_147, %dma_wait3A_148] : memref<2x102400x16xf32, #tpu.memory_space<hbm>> -> memref<1x102400x16xf32, #tpu.memory_space<hbm>>
      %dma_wait3A_150 = tpu.memref_squeeze %dma_wait3A_149 : memref<1x102400x16xf32, #tpu.memory_space<hbm>> -> memref<102400x16xf32, #tpu.memory_space<hbm>>
      %dma_wait3A_151 = arith.constant 0 : i32
      %dma_wait3A_152 = tpu.memref_slice %dma_wait3A_150[%mul3A_138, %dma_wait3A_151] : memref<102400x16xf32, #tpu.memory_space<hbm>> -> memref<6400x16xf32, #tpu.memory_space<hbm>>
      %dma_wait3A_153 = arith.constant 0 : i32
      %dma_wait3A_154 = tpu.memref_slice %arg7[%mul3A_136, %dma_wait3A_153] : memref<102400x16xf32, #tpu.memory_space<vmem_shared>> -> memref<6400x16xf32, #tpu.memory_space<vmem_shared>>
      tpu.wait_dma2 semaphore(%run_scoped3A : memref<!tpu.dma_semaphore, #tpu.memory_space<semaphore_mem>>) src(%dma_wait3A_154 : memref<6400x16xf32, #tpu.memory_space<vmem_shared>>) dst(%dma_wait3A_152 : memref<6400x16xf32, #tpu.memory_space<hbm>>)
      tpu.yield
    }) : () -> ()
    return
  }
}

module attributes {stable_mosaic.version = 14 : i64} {
  func.func @_mlp_body(%arg0: i32, %arg1: memref<1024x128xf32, #tpu.memory_space<vmem>>, %arg2: memref<128x32xf32, #tpu.memory_space<vmem>>, %arg3: memref<1x32xf32, #tpu.memory_space<vmem>>, %arg4: memref<32x32xf32, #tpu.memory_space<vmem>>, %arg5: memref<1x32xf32, #tpu.memory_space<vmem>>, %arg6: memref<2x1024x1xf32, #tpu.memory_space<vmem>>, %arg7: memref<2x128x128xf32, #tpu.memory_space<vmem>>, %arg8: memref<2x128x128xf32, #tpu.memory_space<vmem>>, %arg9: memref<128x128xf32, #tpu.memory_space<vmem>>) attributes {dimension_semantics = [#tpu.dimension_semantics<arbitrary>], iteration_bounds = array<i64: 100>, scalar_prefetch = 0 : i64, scratch_operands = 0 : i64, tpu.core_type = #tpu.core_type<tc>, window_params = [{transform_indices = @transform_0, window_bounds = array<i64: 1024, 128>}, {pipeline_mode = #tpu.pipeline_mode<synchronous>, transform_indices = @transform_1, window_bounds = array<i64: 128, 32>}, {pipeline_mode = #tpu.pipeline_mode<synchronous>, transform_indices = @transform_2, window_bounds = array<i64: 1, 32>}, {pipeline_mode = #tpu.pipeline_mode<synchronous>, transform_indices = @transform_3, window_bounds = array<i64: 32, 32>}, {pipeline_mode = #tpu.pipeline_mode<synchronous>, transform_indices = @transform_4, window_bounds = array<i64: 1, 32>}, {transform_indices = @transform_5, window_bounds = array<i64: 2, 1024, 1>}, {transform_indices = @transform_6, window_bounds = array<i64: 2, 128, 128>}, {transform_indices = @transform_7, window_bounds = array<i64: 2, 128, 128>}, {transform_indices = @transform_8, window_bounds = array<i64: 128, 128>}]} {
    %get3A = arith.constant 0 : index
    %get3A_0 = arith.constant 0 : index
    %get3A_1 = vector.load %arg1[%get3A, %get3A_0] : memref<1024x128xf32, #tpu.memory_space<vmem>>, vector<1024x128xf32>
    %get3A_2 = arith.constant 0 : index
    %get3A_3 = arith.constant 0 : index
    %get3A_4 = vector.load %arg2[%get3A_2, %get3A_3] : memref<128x32xf32, #tpu.memory_space<vmem>>, vector<128x32xf32>
    %dot_general3A = arith.constant dense<0.000000e+00> : vector<1024x32xf32>
    %dot_general3A_5 = tpu.matmul %get3A_1, %get3A_4, %dot_general3A {dimension_numbers = #tpu.dot_dimension_numbers<[1], [0], [0], [1], [0, 0, 1, 1], [], []>, transpose_lhs_hint = false} : vector<1024x128xf32>, vector<128x32xf32>, vector<1024x32xf32> -> vector<1024x32xf32>
    %get3A_6 = arith.constant 0 : index
    %get3A_7 = arith.constant 0 : index
    %get3A_8 = vector.load %arg3[%get3A_6, %get3A_7] : memref<1x32xf32, #tpu.memory_space<vmem>>, vector<1x32xf32>
    %add3A = vector.broadcast %get3A_8 : vector<1x32xf32> to vector<1024x32xf32>
    %add3A_9 = arith.addf %dot_general3A_5, %add3A : vector<1024x32xf32>
    %max3A = arith.constant 0.000000e+00 : f32
    %max3A_10 = vector.broadcast %max3A : f32 to vector<1024x32xf32>
    %max3A_11 = arith.maximumf %add3A_9, %max3A_10 : vector<1024x32xf32>
    %get3A_12 = arith.constant 0 : index
    %get3A_13 = arith.constant 0 : index
    %get3A_14 = vector.load %arg4[%get3A_12, %get3A_13] : memref<32x32xf32, #tpu.memory_space<vmem>>, vector<32x32xf32>
    %dot_general3A_15 = arith.constant dense<0.000000e+00> : vector<1024x32xf32>
    %dot_general3A_16 = tpu.matmul %max3A_11, %get3A_14, %dot_general3A_15 {dimension_numbers = #tpu.dot_dimension_numbers<[1], [0], [0], [1], [0, 0, 1, 1], [], []>, transpose_lhs_hint = false} : vector<1024x32xf32>, vector<32x32xf32>, vector<1024x32xf32> -> vector<1024x32xf32>
    %get3A_17 = arith.constant 0 : index
    %get3A_18 = arith.constant 0 : index
    %get3A_19 = vector.load %arg5[%get3A_17, %get3A_18] : memref<1x32xf32, #tpu.memory_space<vmem>>, vector<1x32xf32>
    %add3A_20 = vector.broadcast %get3A_19 : vector<1x32xf32> to vector<1024x32xf32>
    %add3A_21 = arith.addf %dot_general3A_16, %add3A_20 : vector<1024x32xf32>
    %max3A_22 = arith.constant 0.000000e+00 : f32
    %max3A_23 = vector.broadcast %max3A_22 : f32 to vector<1024x32xf32>
    %max3A_24 = arith.maximumf %add3A_21, %max3A_23 : vector<1024x32xf32>
    %mul3A = arith.constant 1024 : i32
    %mul3A_25 = arith.muli %arg0, %mul3A : i32
    %iota3A = tpu.iota {dimensions = array<i32: 0>} : vector<1024x1xi32>
    %add3A_26 = vector.broadcast %mul3A_25 : i32 to vector<1024x1xi32>
    %add3A_27 = arith.addi %add3A_26, %iota3A : vector<1024x1xi32>
    %lt3A = arith.constant 100000 : i32
    %lt3A_28 = vector.broadcast %lt3A : i32 to vector<1024x1xi32>
    %lt3A_29 = arith.cmpi slt, %add3A_27, %lt3A_28 : vector<1024x1xi32>
    %jit3A = arith.constant 0.000000e+00 : f32
    %broadcast_in_dim3A = vector.shape_cast %lt3A_29 : vector<1024x1xi1> to vector<1024x1xi1>
    %broadcast_in_dim3A_30 = vector.broadcast %broadcast_in_dim3A : vector<1024x1xi1> to vector<1024x32xi1>
    %broadcast_in_dim3A_31 = vector.broadcast %jit3A : f32 to vector<1024x32xf32>
    %select_n3A = arith.select %broadcast_in_dim3A_30, %max3A_24, %broadcast_in_dim3A_31 : vector<1024x32xi1>, vector<1024x32xf32>
    %get3A_32 = arith.constant 0 : index
    %get3A_33 = arith.constant 0 : index
    %get3A_34 = arith.constant 0 : index
    %get3A_35 = vector.load %arg6[%get3A_32, %get3A_33, %get3A_34] : memref<2x1024x1xf32, #tpu.memory_space<vmem>>, vector<1x1024x1xf32>
    %get3A_36 = vector.shape_cast %get3A_35 : vector<1x1024x1xf32> to vector<1024x1xf32>
    %get3A_37 = arith.constant 1 : index
    %get3A_38 = arith.constant 0 : index
    %get3A_39 = arith.constant 0 : index
    %get3A_40 = vector.load %arg6[%get3A_37, %get3A_38, %get3A_39] : memref<2x1024x1xf32, #tpu.memory_space<vmem>>, vector<1x1024x1xf32>
    %get3A_41 = vector.shape_cast %get3A_40 : vector<1x1024x1xf32> to vector<1024x1xf32>
    %add3A_42 = arith.addf %get3A_36, %get3A_41 : vector<1024x1xf32>
    %max3A_43 = arith.constant 1.000000e+00 : f32
    %max3A_44 = vector.broadcast %max3A_43 : f32 to vector<1024x1xf32>
    %max3A_45 = arith.maximumf %add3A_42, %max3A_44 : vector<1024x1xf32>
    %rsqrt3A = math.rsqrt %max3A_45 : vector<1024x1xf32>
    %broadcast_in_dim3A_46 = vector.shape_cast %rsqrt3A : vector<1024x1xf32> to vector<1024x1xf32>
    %broadcast_in_dim3A_47 = vector.broadcast %broadcast_in_dim3A_46 : vector<1024x1xf32> to vector<1024x16xf32>
    %reshape3A = vector.shape_cast %broadcast_in_dim3A_47 : vector<1024x16xf32> to vector<128x8x16xf32>
    %slice3A = vector.extract_strided_slice %reshape3A {offsets = [0, 0, 0], sizes = [128, 1, 16], strides = [1, 1, 1]} : vector<128x8x16xf32> to vector<128x1x16xf32>
    %reshape3A_48 = vector.shape_cast %slice3A : vector<128x1x16xf32> to vector<128x16xf32>
    %slice3A_49 = vector.extract_strided_slice %reshape3A {offsets = [0, 1, 0], sizes = [128, 1, 16], strides = [1, 1, 1]} : vector<128x8x16xf32> to vector<128x1x16xf32>
    %reshape3A_50 = vector.shape_cast %slice3A_49 : vector<128x1x16xf32> to vector<128x16xf32>
    %slice3A_51 = vector.extract_strided_slice %reshape3A {offsets = [0, 2, 0], sizes = [128, 1, 16], strides = [1, 1, 1]} : vector<128x8x16xf32> to vector<128x1x16xf32>
    %reshape3A_52 = vector.shape_cast %slice3A_51 : vector<128x1x16xf32> to vector<128x16xf32>
    %slice3A_53 = vector.extract_strided_slice %reshape3A {offsets = [0, 3, 0], sizes = [128, 1, 16], strides = [1, 1, 1]} : vector<128x8x16xf32> to vector<128x1x16xf32>
    %reshape3A_54 = vector.shape_cast %slice3A_53 : vector<128x1x16xf32> to vector<128x16xf32>
    %slice3A_55 = vector.extract_strided_slice %reshape3A {offsets = [0, 4, 0], sizes = [128, 1, 16], strides = [1, 1, 1]} : vector<128x8x16xf32> to vector<128x1x16xf32>
    %reshape3A_56 = vector.shape_cast %slice3A_55 : vector<128x1x16xf32> to vector<128x16xf32>
    %slice3A_57 = vector.extract_strided_slice %reshape3A {offsets = [0, 5, 0], sizes = [128, 1, 16], strides = [1, 1, 1]} : vector<128x8x16xf32> to vector<128x1x16xf32>
    %reshape3A_58 = vector.shape_cast %slice3A_57 : vector<128x1x16xf32> to vector<128x16xf32>
    %slice3A_59 = vector.extract_strided_slice %reshape3A {offsets = [0, 6, 0], sizes = [128, 1, 16], strides = [1, 1, 1]} : vector<128x8x16xf32> to vector<128x1x16xf32>
    %reshape3A_60 = vector.shape_cast %slice3A_59 : vector<128x1x16xf32> to vector<128x16xf32>
    %slice3A_61 = vector.extract_strided_slice %reshape3A {offsets = [0, 7, 0], sizes = [128, 1, 16], strides = [1, 1, 1]} : vector<128x8x16xf32> to vector<128x1x16xf32>
    %reshape3A_62 = vector.shape_cast %slice3A_61 : vector<128x1x16xf32> to vector<128x16xf32>
    %concatenate3A = tpu.concatenate %reshape3A_48, %reshape3A_50, %reshape3A_52, %reshape3A_54, %reshape3A_56, %reshape3A_58, %reshape3A_60, %reshape3A_62 in 1 : vector<128x16xf32>, vector<128x16xf32>, vector<128x16xf32>, vector<128x16xf32>, vector<128x16xf32>, vector<128x16xf32>, vector<128x16xf32>, vector<128x16xf32> -> vector<128x128xf32>
    %swap3A = arith.constant 0 : index
    %swap3A_63 = arith.constant 0 : index
    %swap3A_64 = vector.load %arg9[%swap3A, %swap3A_63] : memref<128x128xf32, #tpu.memory_space<vmem>>, vector<128x128xf32>
    tpu.vector_store %arg9[%swap3A, %swap3A_63], %concatenate3A {strides = array<i32>} : memref<128x128xf32, #tpu.memory_space<vmem>>, vector<128x128xf32>,
    %slice3A_65 = vector.extract_strided_slice %select_n3A {offsets = [0, 0], sizes = [1024, 16], strides = [1, 1]} : vector<1024x32xf32> to vector<1024x16xf32>
    %reshape3A_66 = vector.shape_cast %slice3A_65 : vector<1024x16xf32> to vector<128x8x16xf32>
    %slice3A_67 = vector.extract_strided_slice %reshape3A_66 {offsets = [0, 0, 0], sizes = [128, 1, 16], strides = [1, 1, 1]} : vector<128x8x16xf32> to vector<128x1x16xf32>
    %reshape3A_68 = vector.shape_cast %slice3A_67 : vector<128x1x16xf32> to vector<128x16xf32>
    %slice3A_69 = vector.extract_strided_slice %reshape3A_66 {offsets = [0, 1, 0], sizes = [128, 1, 16], strides = [1, 1, 1]} : vector<128x8x16xf32> to vector<128x1x16xf32>
    %reshape3A_70 = vector.shape_cast %slice3A_69 : vector<128x1x16xf32> to vector<128x16xf32>
    %slice3A_71 = vector.extract_strided_slice %reshape3A_66 {offsets = [0, 2, 0], sizes = [128, 1, 16], strides = [1, 1, 1]} : vector<128x8x16xf32> to vector<128x1x16xf32>
    %reshape3A_72 = vector.shape_cast %slice3A_71 : vector<128x1x16xf32> to vector<128x16xf32>
    %slice3A_73 = vector.extract_strided_slice %reshape3A_66 {offsets = [0, 3, 0], sizes = [128, 1, 16], strides = [1, 1, 1]} : vector<128x8x16xf32> to vector<128x1x16xf32>
    %reshape3A_74 = vector.shape_cast %slice3A_73 : vector<128x1x16xf32> to vector<128x16xf32>
    %slice3A_75 = vector.extract_strided_slice %reshape3A_66 {offsets = [0, 4, 0], sizes = [128, 1, 16], strides = [1, 1, 1]} : vector<128x8x16xf32> to vector<128x1x16xf32>
    %reshape3A_76 = vector.shape_cast %slice3A_75 : vector<128x1x16xf32> to vector<128x16xf32>
    %slice3A_77 = vector.extract_strided_slice %reshape3A_66 {offsets = [0, 5, 0], sizes = [128, 1, 16], strides = [1, 1, 1]} : vector<128x8x16xf32> to vector<128x1x16xf32>
    %reshape3A_78 = vector.shape_cast %slice3A_77 : vector<128x1x16xf32> to vector<128x16xf32>
    %slice3A_79 = vector.extract_strided_slice %reshape3A_66 {offsets = [0, 6, 0], sizes = [128, 1, 16], strides = [1, 1, 1]} : vector<128x8x16xf32> to vector<128x1x16xf32>
    %reshape3A_80 = vector.shape_cast %slice3A_79 : vector<128x1x16xf32> to vector<128x16xf32>
    %slice3A_81 = vector.extract_strided_slice %reshape3A_66 {offsets = [0, 7, 0], sizes = [128, 1, 16], strides = [1, 1, 1]} : vector<128x8x16xf32> to vector<128x1x16xf32>
    %reshape3A_82 = vector.shape_cast %slice3A_81 : vector<128x1x16xf32> to vector<128x16xf32>
    %concatenate3A_83 = tpu.concatenate %reshape3A_68, %reshape3A_70, %reshape3A_72, %reshape3A_74, %reshape3A_76, %reshape3A_78, %reshape3A_80, %reshape3A_82 in 1 : vector<128x16xf32>, vector<128x16xf32>, vector<128x16xf32>, vector<128x16xf32>, vector<128x16xf32>, vector<128x16xf32>, vector<128x16xf32>, vector<128x16xf32> -> vector<128x128xf32>
    %slice3A_84 = vector.extract_strided_slice %select_n3A {offsets = [0, 16], sizes = [1024, 16], strides = [1, 1]} : vector<1024x32xf32> to vector<1024x16xf32>
    %reshape3A_85 = vector.shape_cast %slice3A_84 : vector<1024x16xf32> to vector<128x8x16xf32>
    %slice3A_86 = vector.extract_strided_slice %reshape3A_85 {offsets = [0, 0, 0], sizes = [128, 1, 16], strides = [1, 1, 1]} : vector<128x8x16xf32> to vector<128x1x16xf32>
    %reshape3A_87 = vector.shape_cast %slice3A_86 : vector<128x1x16xf32> to vector<128x16xf32>
    %slice3A_88 = vector.extract_strided_slice %reshape3A_85 {offsets = [0, 1, 0], sizes = [128, 1, 16], strides = [1, 1, 1]} : vector<128x8x16xf32> to vector<128x1x16xf32>
    %reshape3A_89 = vector.shape_cast %slice3A_88 : vector<128x1x16xf32> to vector<128x16xf32>
    %slice3A_90 = vector.extract_strided_slice %reshape3A_85 {offsets = [0, 2, 0], sizes = [128, 1, 16], strides = [1, 1, 1]} : vector<128x8x16xf32> to vector<128x1x16xf32>
    %reshape3A_91 = vector.shape_cast %slice3A_90 : vector<128x1x16xf32> to vector<128x16xf32>
    %slice3A_92 = vector.extract_strided_slice %reshape3A_85 {offsets = [0, 3, 0], sizes = [128, 1, 16], strides = [1, 1, 1]} : vector<128x8x16xf32> to vector<128x1x16xf32>
    %reshape3A_93 = vector.shape_cast %slice3A_92 : vector<128x1x16xf32> to vector<128x16xf32>
    %slice3A_94 = vector.extract_strided_slice %reshape3A_85 {offsets = [0, 4, 0], sizes = [128, 1, 16], strides = [1, 1, 1]} : vector<128x8x16xf32> to vector<128x1x16xf32>
    %reshape3A_95 = vector.shape_cast %slice3A_94 : vector<128x1x16xf32> to vector<128x16xf32>
    %slice3A_96 = vector.extract_strided_slice %reshape3A_85 {offsets = [0, 5, 0], sizes = [128, 1, 16], strides = [1, 1, 1]} : vector<128x8x16xf32> to vector<128x1x16xf32>
    %reshape3A_97 = vector.shape_cast %slice3A_96 : vector<128x1x16xf32> to vector<128x16xf32>
    %slice3A_98 = vector.extract_strided_slice %reshape3A_85 {offsets = [0, 6, 0], sizes = [128, 1, 16], strides = [1, 1, 1]} : vector<128x8x16xf32> to vector<128x1x16xf32>
    %reshape3A_99 = vector.shape_cast %slice3A_98 : vector<128x1x16xf32> to vector<128x16xf32>
    %slice3A_100 = vector.extract_strided_slice %reshape3A_85 {offsets = [0, 7, 0], sizes = [128, 1, 16], strides = [1, 1, 1]} : vector<128x8x16xf32> to vector<128x1x16xf32>
    %reshape3A_101 = vector.shape_cast %slice3A_100 : vector<128x1x16xf32> to vector<128x16xf32>
    %concatenate3A_102 = tpu.concatenate %reshape3A_87, %reshape3A_89, %reshape3A_91, %reshape3A_93, %reshape3A_95, %reshape3A_97, %reshape3A_99, %reshape3A_101 in 1 : vector<128x16xf32>, vector<128x16xf32>, vector<128x16xf32>, vector<128x16xf32>, vector<128x16xf32>, vector<128x16xf32>, vector<128x16xf32>, vector<128x16xf32> -> vector<128x128xf32>
    %swap3A_103 = arith.constant 0 : index
    %swap3A_104 = arith.constant 0 : index
    %swap3A_105 = arith.constant 0 : index
    %swap3A_106 = vector.load %arg7[%swap3A_103, %swap3A_104, %swap3A_105] : memref<2x128x128xf32, #tpu.memory_space<vmem>>, vector<1x128x128xf32>
    %swap3A_107 = vector.shape_cast %swap3A_106 : vector<1x128x128xf32> to vector<128x128xf32>
    %swap3A_108 = vector.shape_cast %concatenate3A_83 : vector<128x128xf32> to vector<1x128x128xf32>
    tpu.vector_store %arg7[%swap3A_103, %swap3A_104, %swap3A_105], %swap3A_108 {strides = array<i32>} : memref<2x128x128xf32, #tpu.memory_space<vmem>>, vector<1x128x128xf32>,
    %swap3A_109 = arith.constant 1 : index
    %swap3A_110 = arith.constant 0 : index
    %swap3A_111 = arith.constant 0 : index
    %swap3A_112 = vector.load %arg7[%swap3A_109, %swap3A_110, %swap3A_111] : memref<2x128x128xf32, #tpu.memory_space<vmem>>, vector<1x128x128xf32>
    %swap3A_113 = vector.shape_cast %swap3A_112 : vector<1x128x128xf32> to vector<128x128xf32>
    %swap3A_114 = vector.shape_cast %concatenate3A_102 : vector<128x128xf32> to vector<1x128x128xf32>
    tpu.vector_store %arg7[%swap3A_109, %swap3A_110, %swap3A_111], %swap3A_114 {strides = array<i32>} : memref<2x128x128xf32, #tpu.memory_space<vmem>>, vector<1x128x128xf32>,
    %mul3A_115 = arith.mulf %concatenate3A_83, %concatenate3A : vector<128x128xf32>
    %swap3A_116 = arith.constant 0 : index
    %swap3A_117 = arith.constant 0 : index
    %swap3A_118 = arith.constant 0 : index
    %swap3A_119 = vector.load %arg8[%swap3A_116, %swap3A_117, %swap3A_118] : memref<2x128x128xf32, #tpu.memory_space<vmem>>, vector<1x128x128xf32>
    %swap3A_120 = vector.shape_cast %swap3A_119 : vector<1x128x128xf32> to vector<128x128xf32>
    %swap3A_121 = vector.shape_cast %mul3A_115 : vector<128x128xf32> to vector<1x128x128xf32>
    tpu.vector_store %arg8[%swap3A_116, %swap3A_117, %swap3A_118], %swap3A_121 {strides = array<i32>} : memref<2x128x128xf32, #tpu.memory_space<vmem>>, vector<1x128x128xf32>,
    %mul3A_122 = arith.mulf %concatenate3A_102, %concatenate3A : vector<128x128xf32>
    %swap3A_123 = arith.constant 1 : index
    %swap3A_124 = arith.constant 0 : index
    %swap3A_125 = arith.constant 0 : index
    %swap3A_126 = vector.load %arg8[%swap3A_123, %swap3A_124, %swap3A_125] : memref<2x128x128xf32, #tpu.memory_space<vmem>>, vector<1x128x128xf32>
    %swap3A_127 = vector.shape_cast %swap3A_126 : vector<1x128x128xf32> to vector<128x128xf32>
    %swap3A_128 = vector.shape_cast %mul3A_122 : vector<128x128xf32> to vector<1x128x128xf32>
    tpu.vector_store %arg8[%swap3A_123, %swap3A_124, %swap3A_125], %swap3A_128 {strides = array<i32>} : memref<2x128x128xf32, #tpu.memory_space<vmem>>, vector<1x128x128xf32>,
    return
  }
  func.func @transform_0(%arg0: i32) -> (i32, i32) {
    %min3A = arith.constant 97 : i32
    %min3A_0 = arith.minsi %arg0, %min3A : i32
    %c0_i32 = arith.constant 0 : i32
    %c0_i32_1 = arith.constant 0 : i32
    return %min3A_0, %c0_i32 : i32, i32
  }
  func.func @transform_1(%arg0: i32) -> (i32, i32) {
    %c0_i32 = arith.constant 0 : i32
    %c0_i32_0 = arith.constant 0 : i32
    %c0_i32_1 = arith.constant 0 : i32
    return %c0_i32, %c0_i32_0 : i32, i32
  }
  func.func @transform_2(%arg0: i32) -> (i32, i32) {
    %c0_i32 = arith.constant 0 : i32
    %c0_i32_0 = arith.constant 0 : i32
    %c0_i32_1 = arith.constant 0 : i32
    return %c0_i32, %c0_i32_0 : i32, i32
  }
  func.func @transform_3(%arg0: i32) -> (i32, i32) {
    %c0_i32 = arith.constant 0 : i32
    %c0_i32_0 = arith.constant 0 : i32
    %c0_i32_1 = arith.constant 0 : i32
    return %c0_i32, %c0_i32_0 : i32, i32
  }
  func.func @transform_4(%arg0: i32) -> (i32, i32) {
    %c0_i32 = arith.constant 0 : i32
    %c0_i32_0 = arith.constant 0 : i32
    %c0_i32_1 = arith.constant 0 : i32
    return %c0_i32, %c0_i32_0 : i32, i32
  }
  func.func @transform_5(%arg0: i32) -> (i32, i32, i32) {
    %c0_i32 = arith.constant 0 : i32
    %c0_i32_0 = arith.constant 0 : i32
    %c0_i32_1 = arith.constant 0 : i32
    return %c0_i32, %arg0, %c0_i32_0 : i32, i32, i32
  }
  func.func @transform_6(%arg0: i32) -> (i32, i32, i32) {
    %c0_i32 = arith.constant 0 : i32
    %c0_i32_0 = arith.constant 0 : i32
    %c0_i32_1 = arith.constant 0 : i32
    return %c0_i32, %arg0, %c0_i32_0 : i32, i32, i32
  }
  func.func @transform_7(%arg0: i32) -> (i32, i32, i32) {
    %c0_i32 = arith.constant 0 : i32
    %c0_i32_0 = arith.constant 0 : i32
    %c0_i32_1 = arith.constant 0 : i32
    return %c0_i32, %arg0, %c0_i32_0 : i32, i32, i32
  }
  func.func @transform_8(%arg0: i32) -> (i32, i32) {
    %c0_i32 = arith.constant 0 : i32
    %c0_i32_0 = arith.constant 0 : i32
    return %arg0, %c0_i32 : i32, i32
  }
}

module attributes {stable_mosaic.version = 14 : i64} {
  func.func @_comb_body(%arg0: i32, %arg1: memref<2x128x128xf32, #tpu.memory_space<vmem>>, %arg2: memref<2x128x128xf32, #tpu.memory_space<vmem>>, %arg3: memref<128x128xf32, #tpu.memory_space<vmem>>, %arg4: memref<2x128x128xf32, #tpu.memory_space<vmem>>, %arg5: memref<2x128x128xf32, #tpu.memory_space<vmem>>) attributes {dimension_semantics = [#tpu.dimension_semantics<arbitrary>], iteration_bounds = array<i64: 100>, scalar_prefetch = 0 : i64, scratch_operands = 0 : i64, tpu.core_type = #tpu.core_type<tc>, window_params = [{transform_indices = @transform_0, window_bounds = array<i64: 2, 128, 128>}, {transform_indices = @transform_1, window_bounds = array<i64: 2, 128, 128>}, {transform_indices = @transform_2, window_bounds = array<i64: 128, 128>}, {transform_indices = @transform_3, window_bounds = array<i64: 2, 128, 128>}, {transform_indices = @transform_4, window_bounds = array<i64: 2, 128, 128>}]} {
    %get3A = arith.constant 0 : index
    %get3A_0 = arith.constant 0 : index
    %get3A_1 = vector.load %arg3[%get3A, %get3A_0] : memref<128x128xf32, #tpu.memory_space<vmem>>, vector<128x128xf32>
    %broadcast_in_dim3A = vector.shape_cast %get3A_1 : vector<128x128xf32> to vector<1x128x128xf32>
    %get3A_2 = arith.constant 0 : index
    %get3A_3 = arith.constant 0 : index
    %get3A_4 = arith.constant 0 : index
    %get3A_5 = vector.load %arg1[%get3A_2, %get3A_3, %get3A_4] : memref<2x128x128xf32, #tpu.memory_space<vmem>>, vector<2x128x128xf32>
    %get3A_6 = arith.constant 0 : index
    %get3A_7 = arith.constant 0 : index
    %get3A_8 = arith.constant 0 : index
    %get3A_9 = vector.load %arg2[%get3A_6, %get3A_7, %get3A_8] : memref<2x128x128xf32, #tpu.memory_space<vmem>>, vector<2x128x128xf32>
    %mul3A = vector.broadcast %broadcast_in_dim3A : vector<1x128x128xf32> to vector<2x128x128xf32>
    %mul3A_10 = arith.mulf %get3A_9, %mul3A : vector<2x128x128xf32>
    %add3A = arith.addf %get3A_5, %mul3A_10 : vector<2x128x128xf32>
    %swap3A = arith.constant 0 : index
    %swap3A_11 = arith.constant 0 : index
    %swap3A_12 = arith.constant 0 : index
    %swap3A_13 = vector.load %arg4[%swap3A, %swap3A_11, %swap3A_12] : memref<2x128x128xf32, #tpu.memory_space<vmem>>, vector<2x128x128xf32>
    tpu.vector_store %arg4[%swap3A, %swap3A_11, %swap3A_12], %add3A {strides = array<i32>} : memref<2x128x128xf32, #tpu.memory_space<vmem>>, vector<2x128x128xf32>,
    %mul3A_14 = vector.broadcast %broadcast_in_dim3A : vector<1x128x128xf32> to vector<2x128x128xf32>
    %mul3A_15 = arith.mulf %add3A, %mul3A_14 : vector<2x128x128xf32>
    %swap3A_16 = arith.constant 0 : index
    %swap3A_17 = arith.constant 0 : index
    %swap3A_18 = arith.constant 0 : index
    %swap3A_19 = vector.load %arg5[%swap3A_16, %swap3A_17, %swap3A_18] : memref<2x128x128xf32, #tpu.memory_space<vmem>>, vector<2x128x128xf32>
    tpu.vector_store %arg5[%swap3A_16, %swap3A_17, %swap3A_18], %mul3A_15 {strides = array<i32>} : memref<2x128x128xf32, #tpu.memory_space<vmem>>, vector<2x128x128xf32>,
    return
  }
  func.func @transform_0(%arg0: i32) -> (i32, i32, i32) {
    %c0_i32 = arith.constant 0 : i32
    %c0_i32_0 = arith.constant 0 : i32
    %c0_i32_1 = arith.constant 0 : i32
    return %c0_i32, %arg0, %c0_i32_0 : i32, i32, i32
  }
  func.func @transform_1(%arg0: i32) -> (i32, i32, i32) {
    %c0_i32 = arith.constant 0 : i32
    %c0_i32_0 = arith.constant 0 : i32
    %c0_i32_1 = arith.constant 0 : i32
    return %c0_i32, %arg0, %c0_i32_0 : i32, i32, i32
  }
  func.func @transform_2(%arg0: i32) -> (i32, i32) {
    %c0_i32 = arith.constant 0 : i32
    %c0_i32_0 = arith.constant 0 : i32
    return %arg0, %c0_i32 : i32, i32
  }
  func.func @transform_3(%arg0: i32) -> (i32, i32, i32) {
    %c0_i32 = arith.constant 0 : i32
    %c0_i32_0 = arith.constant 0 : i32
    %c0_i32_1 = arith.constant 0 : i32
    return %c0_i32, %arg0, %c0_i32_0 : i32, i32, i32
  }
  func.func @transform_4(%arg0: i32) -> (i32, i32, i32) {
    %c0_i32 = arith.constant 0 : i32
    %c0_i32_0 = arith.constant 0 : i32
    %c0_i32_1 = arith.constant 0 : i32
    return %c0_i32, %arg0, %c0_i32_0 : i32, i32, i32
  }
}

module attributes {stable_mosaic.version = 14 : i64} {
  func.func @_fin_body(%arg0: i32, %arg1: memref<2x128x128xf32, #tpu.memory_space<vmem>>, %arg2: memref<2x128x128xf32, #tpu.memory_space<vmem>>, %arg3: memref<128x128xf32, #tpu.memory_space<vmem>>, %arg4: memref<3xf32, #tpu.memory_space<smem>>, %arg5: memref<32x2xf32, #tpu.memory_space<vmem>>, %arg6: memref<1x2xf32, #tpu.memory_space<vmem>>, %arg7: memref<1024x2xf32, #tpu.memory_space<vmem>>) attributes {dimension_semantics = [#tpu.dimension_semantics<arbitrary>], iteration_bounds = array<i64: 100>, scalar_prefetch = 0 : i64, scratch_operands = 0 : i64, tpu.core_type = #tpu.core_type<tc>, window_params = [{transform_indices = @transform_0, window_bounds = array<i64: 2, 128, 128>}, {transform_indices = @transform_1, window_bounds = array<i64: 2, 128, 128>}, {transform_indices = @transform_2, window_bounds = array<i64: 128, 128>}, {transform_indices = @transform_3, window_bounds = array<i64: 3>}, {pipeline_mode = #tpu.pipeline_mode<synchronous>, transform_indices = @transform_4, window_bounds = array<i64: 32, 2>}, {pipeline_mode = #tpu.pipeline_mode<synchronous>, transform_indices = @transform_5, window_bounds = array<i64: 1, 2>}, {transform_indices = @transform_6, window_bounds = array<i64: 1024, 2>}]} {
    %get3A = arith.constant 0 : index
    %get3A_0 = memref.load %arg4[%get3A] : memref<3xf32, #tpu.memory_space<smem>>
    %max3A = arith.constant 0.000000e+00 : f32
    %max3A_1 = arith.maximumf %get3A_0, %max3A : f32
    %get3A_2 = arith.constant 1 : index
    %get3A_3 = memref.load %arg4[%get3A_2] : memref<3xf32, #tpu.memory_space<smem>>
    %max3A_4 = arith.constant 0.000000e+00 : f32
    %max3A_5 = arith.maximumf %get3A_3, %max3A_4 : f32
    %get3A_6 = arith.constant 2 : index
    %get3A_7 = memref.load %arg4[%get3A_6] : memref<3xf32, #tpu.memory_space<smem>>
    %max3A_8 = arith.constant 0.000000e+00 : f32
    %max3A_9 = arith.maximumf %get3A_7, %max3A_8 : f32
    %mul3A = arith.constant 2.500000e-01 : f32
    %mul3A_10 = arith.mulf %mul3A, %max3A_1 : f32
    %mul3A_11 = arith.constant 5.000000e-01 : f32
    %mul3A_12 = arith.mulf %mul3A_11, %max3A_5 : f32
    %mul3A_13 = arith.constant 2.500000e-01 : f32
    %mul3A_14 = arith.mulf %mul3A_13, %max3A_9 : f32
    %add3A = arith.addf %mul3A_12, %mul3A_14 : f32
    %get3A_15 = arith.constant 0 : index
    %get3A_16 = arith.constant 0 : index
    %get3A_17 = vector.load %arg3[%get3A_15, %get3A_16] : memref<128x128xf32, #tpu.memory_space<vmem>>, vector<128x128xf32>
    %broadcast_in_dim3A = vector.shape_cast %get3A_17 : vector<128x128xf32> to vector<1x128x128xf32>
    %get3A_18 = arith.constant 0 : index
    %get3A_19 = arith.constant 0 : index
    %get3A_20 = arith.constant 0 : index
    %get3A_21 = vector.load %arg1[%get3A_18, %get3A_19, %get3A_20] : memref<2x128x128xf32, #tpu.memory_space<vmem>>, vector<2x128x128xf32>
    %mul3A_22 = vector.broadcast %mul3A_10 : f32 to vector<2x128x128xf32>
    %mul3A_23 = arith.mulf %mul3A_22, %get3A_21 : vector<2x128x128xf32>
    %get3A_24 = arith.constant 0 : index
    %get3A_25 = arith.constant 0 : index
    %get3A_26 = arith.constant 0 : index
    %get3A_27 = vector.load %arg2[%get3A_24, %get3A_25, %get3A_26] : memref<2x128x128xf32, #tpu.memory_space<vmem>>, vector<2x128x128xf32>
    %mul3A_28 = vector.broadcast %broadcast_in_dim3A : vector<1x128x128xf32> to vector<2x128x128xf32>
    %mul3A_29 = arith.mulf %get3A_27, %mul3A_28 : vector<2x128x128xf32>
    %sub3A = arith.subf %get3A_21, %mul3A_29 : vector<2x128x128xf32>
    %mul3A_30 = vector.broadcast %add3A : f32 to vector<2x128x128xf32>
    %mul3A_31 = arith.mulf %mul3A_30, %sub3A : vector<2x128x128xf32>
    %add3A_32 = arith.addf %mul3A_23, %mul3A_31 : vector<2x128x128xf32>
    %max3A_33 = arith.constant 0.000000e+00 : f32
    %max3A_34 = vector.broadcast %max3A_33 : f32 to vector<2x128x128xf32>
    %max3A_35 = arith.maximumf %add3A_32, %max3A_34 : vector<2x128x128xf32>
    %slice3A = vector.extract_strided_slice %max3A_35 {offsets = [0, 0, 0], sizes = [1, 128, 128], strides = [1, 1, 1]} : vector<2x128x128xf32> to vector<1x128x128xf32>
    %squeeze3A = vector.shape_cast %slice3A : vector<1x128x128xf32> to vector<128x128xf32>
    %slice3A_36 = vector.extract_strided_slice %squeeze3A {offsets = [0, 0], sizes = [128, 16], strides = [1, 1]} : vector<128x128xf32> to vector<128x16xf32>
    %reshape3A = vector.shape_cast %slice3A_36 : vector<128x16xf32> to vector<128x1x16xf32>
    %slice3A_37 = vector.extract_strided_slice %squeeze3A {offsets = [0, 16], sizes = [128, 16], strides = [1, 1]} : vector<128x128xf32> to vector<128x16xf32>
    %reshape3A_38 = vector.shape_cast %slice3A_37 : vector<128x16xf32> to vector<128x1x16xf32>
    %slice3A_39 = vector.extract_strided_slice %squeeze3A {offsets = [0, 32], sizes = [128, 16], strides = [1, 1]} : vector<128x128xf32> to vector<128x16xf32>
    %reshape3A_40 = vector.shape_cast %slice3A_39 : vector<128x16xf32> to vector<128x1x16xf32>
    %slice3A_41 = vector.extract_strided_slice %squeeze3A {offsets = [0, 48], sizes = [128, 16], strides = [1, 1]} : vector<128x128xf32> to vector<128x16xf32>
    %reshape3A_42 = vector.shape_cast %slice3A_41 : vector<128x16xf32> to vector<128x1x16xf32>
    %slice3A_43 = vector.extract_strided_slice %squeeze3A {offsets = [0, 64], sizes = [128, 16], strides = [1, 1]} : vector<128x128xf32> to vector<128x16xf32>
    %reshape3A_44 = vector.shape_cast %slice3A_43 : vector<128x16xf32> to vector<128x1x16xf32>
    %slice3A_45 = vector.extract_strided_slice %squeeze3A {offsets = [0, 80], sizes = [128, 16], strides = [1, 1]} : vector<128x128xf32> to vector<128x16xf32>
    %reshape3A_46 = vector.shape_cast %slice3A_45 : vector<128x16xf32> to vector<128x1x16xf32>
    %slice3A_47 = vector.extract_strided_slice %squeeze3A {offsets = [0, 96], sizes = [128, 16], strides = [1, 1]} : vector<128x128xf32> to vector<128x16xf32>
    %reshape3A_48 = vector.shape_cast %slice3A_47 : vector<128x16xf32> to vector<128x1x16xf32>
    %slice3A_49 = vector.extract_strided_slice %squeeze3A {offsets = [0, 112], sizes = [128, 16], strides = [1, 1]} : vector<128x128xf32> to vector<128x16xf32>
    %reshape3A_50 = vector.shape_cast %slice3A_49 : vector<128x16xf32> to vector<128x1x16xf32>
    %concatenate3A = tpu.concatenate %reshape3A, %reshape3A_38, %reshape3A_40, %reshape3A_42, %reshape3A_44, %reshape3A_46, %reshape3A_48, %reshape3A_50 in 1 : vector<128x1x16xf32>, vector<128x1x16xf32>, vector<128x1x16xf32>, vector<128x1x16xf32>, vector<128x1x16xf32>, vector<128x1x16xf32>, vector<128x1x16xf32>, vector<128x1x16xf32> -> vector<128x8x16xf32>
    %reshape3A_51 = vector.shape_cast %concatenate3A : vector<128x8x16xf32> to vector<1024x16xf32>
    %slice3A_52 = vector.extract_strided_slice %max3A_35 {offsets = [1, 0, 0], sizes = [1, 128, 128], strides = [1, 1, 1]} : vector<2x128x128xf32> to vector<1x128x128xf32>
    %squeeze3A_53 = vector.shape_cast %slice3A_52 : vector<1x128x128xf32> to vector<128x128xf32>
    %slice3A_54 = vector.extract_strided_slice %squeeze3A_53 {offsets = [0, 0], sizes = [128, 16], strides = [1, 1]} : vector<128x128xf32> to vector<128x16xf32>
    %reshape3A_55 = vector.shape_cast %slice3A_54 : vector<128x16xf32> to vector<128x1x16xf32>
    %slice3A_56 = vector.extract_strided_slice %squeeze3A_53 {offsets = [0, 16], sizes = [128, 16], strides = [1, 1]} : vector<128x128xf32> to vector<128x16xf32>
    %reshape3A_57 = vector.shape_cast %slice3A_56 : vector<128x16xf32> to vector<128x1x16xf32>
    %slice3A_58 = vector.extract_strided_slice %squeeze3A_53 {offsets = [0, 32], sizes = [128, 16], strides = [1, 1]} : vector<128x128xf32> to vector<128x16xf32>
    %reshape3A_59 = vector.shape_cast %slice3A_58 : vector<128x16xf32> to vector<128x1x16xf32>
    %slice3A_60 = vector.extract_strided_slice %squeeze3A_53 {offsets = [0, 48], sizes = [128, 16], strides = [1, 1]} : vector<128x128xf32> to vector<128x16xf32>
    %reshape3A_61 = vector.shape_cast %slice3A_60 : vector<128x16xf32> to vector<128x1x16xf32>
    %slice3A_62 = vector.extract_strided_slice %squeeze3A_53 {offsets = [0, 64], sizes = [128, 16], strides = [1, 1]} : vector<128x128xf32> to vector<128x16xf32>
    %reshape3A_63 = vector.shape_cast %slice3A_62 : vector<128x16xf32> to vector<128x1x16xf32>
    %slice3A_64 = vector.extract_strided_slice %squeeze3A_53 {offsets = [0, 80], sizes = [128, 16], strides = [1, 1]} : vector<128x128xf32> to vector<128x16xf32>
    %reshape3A_65 = vector.shape_cast %slice3A_64 : vector<128x16xf32> to vector<128x1x16xf32>
    %slice3A_66 = vector.extract_strided_slice %squeeze3A_53 {offsets = [0, 96], sizes = [128, 16], strides = [1, 1]} : vector<128x128xf32> to vector<128x16xf32>
    %reshape3A_67 = vector.shape_cast %slice3A_66 : vector<128x16xf32> to vector<128x1x16xf32>
    %slice3A_68 = vector.extract_strided_slice %squeeze3A_53 {offsets = [0, 112], sizes = [128, 16], strides = [1, 1]} : vector<128x128xf32> to vector<128x16xf32>
    %reshape3A_69 = vector.shape_cast %slice3A_68 : vector<128x16xf32> to vector<128x1x16xf32>
    %concatenate3A_70 = tpu.concatenate %reshape3A_55, %reshape3A_57, %reshape3A_59, %reshape3A_61, %reshape3A_63, %reshape3A_65, %reshape3A_67, %reshape3A_69 in 1 : vector<128x1x16xf32>, vector<128x1x16xf32>, vector<128x1x16xf32>, vector<128x1x16xf32>, vector<128x1x16xf32>, vector<128x1x16xf32>, vector<128x1x16xf32>, vector<128x1x16xf32> -> vector<128x8x16xf32>
    %reshape3A_71 = vector.shape_cast %concatenate3A_70 : vector<128x8x16xf32> to vector<1024x16xf32>
    %concatenate3A_72 = tpu.concatenate %reshape3A_51, %reshape3A_71 in 1 : vector<1024x16xf32>, vector<1024x16xf32> -> vector<1024x32xf32>
    %get3A_73 = arith.constant 0 : index
    %get3A_74 = arith.constant 0 : index
    %get3A_75 = vector.load %arg5[%get3A_73, %get3A_74] : memref<32x2xf32, #tpu.memory_space<vmem>>, vector<32x2xf32>
    %dot_general3A = arith.constant dense<0.000000e+00> : vector<1024x2xf32>
    %dot_general3A_76 = tpu.matmul %concatenate3A_72, %get3A_75, %dot_general3A {dimension_numbers = #tpu.dot_dimension_numbers<[1], [0], [0], [1], [0, 0, 1, 1], [], []>, transpose_lhs_hint = false} : vector<1024x32xf32>, vector<32x2xf32>, vector<1024x2xf32> -> vector<1024x2xf32>
    %get3A_77 = arith.constant 0 : index
    %get3A_78 = arith.constant 0 : index
    %get3A_79 = vector.load %arg6[%get3A_77, %get3A_78] : memref<1x2xf32, #tpu.memory_space<vmem>>, vector<1x2xf32>
    %add3A_80 = vector.broadcast %get3A_79 : vector<1x2xf32> to vector<1024x2xf32>
    %add3A_81 = arith.addf %dot_general3A_76, %add3A_80 : vector<1024x2xf32>
    %swap3A = arith.constant 0 : index
    %swap3A_82 = arith.constant 0 : index
    %swap3A_83 = vector.load %arg7[%swap3A, %swap3A_82] : memref<1024x2xf32, #tpu.memory_space<vmem>>, vector<1024x2xf32>
    tpu.vector_store %arg7[%swap3A, %swap3A_82], %add3A_81 {strides = array<i32>} : memref<1024x2xf32, #tpu.memory_space<vmem>>, vector<1024x2xf32>,
    return
  }
  func.func @transform_0(%arg0: i32) -> (i32, i32, i32) {
    %c0_i32 = arith.constant 0 : i32
    %c0_i32_0 = arith.constant 0 : i32
    %c0_i32_1 = arith.constant 0 : i32
    return %c0_i32, %arg0, %c0_i32_0 : i32, i32, i32
  }
  func.func @transform_1(%arg0: i32) -> (i32, i32, i32) {
    %c0_i32 = arith.constant 0 : i32
    %c0_i32_0 = arith.constant 0 : i32
    %c0_i32_1 = arith.constant 0 : i32
    return %c0_i32, %arg0, %c0_i32_0 : i32, i32, i32
  }
  func.func @transform_2(%arg0: i32) -> (i32, i32) {
    %c0_i32 = arith.constant 0 : i32
    %c0_i32_0 = arith.constant 0 : i32
    return %arg0, %c0_i32 : i32, i32
  }
  func.func @transform_3(%arg0: i32) -> i32 {
    %c0_i32 = arith.constant 0 : i32
    %c0_i32_0 = arith.constant 0 : i32
    return %c0_i32 : i32
  }
  func.func @transform_4(%arg0: i32) -> (i32, i32) {
    %c0_i32 = arith.constant 0 : i32
    %c0_i32_0 = arith.constant 0 : i32
    %c0_i32_1 = arith.constant 0 : i32
    return %c0_i32, %c0_i32_0 : i32, i32
  }
  func.func @transform_5(%arg0: i32) -> (i32, i32) {
    %c0_i32 = arith.constant 0 : i32
    %c0_i32_0 = arith.constant 0 : i32
    %c0_i32_1 = arith.constant 0 : i32
    return %c0_i32, %c0_i32_0 : i32, i32
  }
  func.func @transform_6(%arg0: i32) -> (i32, i32) {
    %c0_i32 = arith.constant 0 : i32
    %c0_i32_0 = arith.constant 0 : i32
    return %arg0, %c0_i32 : i32, i32
  }
}

</mosaic_0001>

<sc_bundles>
// kernel: kernel.10.cloned.1.call-start
scs
__scs_entry_jumppad:
0x0: {  	(pc) =	sbr.rel $0x88, $3  }
0x1: {  	(tag) =	ssettag $0x0;
	lr =	simm.s32 $0x1  }
0x2: {  	[smem:$0x3F98] =	sst lr;
	_ =	strace $0xD0000000  }
0x3: {  	_ = 	snop  }
0x4: {  	_ = 	snop  }
0x5: {  	_ = 	snop  }
0x6: {  	_ = 	snop  }
0x7: {  	_ = 	snop  }
__scs_overlays_trampoline_lowered:
0x8: {  	[smem:$0x3FA7] =	sst s0  }
0x9: {  	[smem:$0x3FA8] =	sst s1  }
0xa: {  	[smem:$0x3FA9] =	sst s2  }
0xb: {  	[smem:$0x3FAA] =	sst s3  }
0xc: {  	[smem:$0x3FAB] =	sst s4  }
0xd: {  	[smem:$0x3FAC] =	sst s5  }
0xe: {  	[smem:$0x3FAD] =	sst s6  }
0xf: {  	[smem:$0x3FAE] =	sst s7  }
0x10: {  	[smem:$0x3FAF] =	sst s8  }
0x11: {  	[smem:$0x3FB0] =	sst s9;
	s0 =	simm.s32 @!p0 $0x0  }
0x12: {  	s1 =	sld [smem:$0x3F96];
	s0 =	simm.s32 @p0 $0x1  }
0x13: {  	[smem:$0x3FB1] =	sst s0;
	s0 =	simm.s32 @!p1 $0x0  }
0x14: {  	s2 =	sld [smem:$0x3F95];
	s0 =	simm.s32 @p1 $0x1  }
0x15: {  	[smem:$0x3FB2] =	sst s0;
	s0 =	simm.s32 @!p2 $0x0  }
0x16: {  	s3 =	sld [smem:$0x3FDB];
	s0 =	simm.s32 @p2 $0x1  }
0x17: {  	s4 =	simm.s32 $0x1BF5;
	[smem:$0x3FB4] =	sst s0  }
0x18: {  	s0 =	sld [smem:$0x3F97];
	_ =	swait.ge [sflag:s4], $0x0  }
0x19: {  	s7 =	sld [smem:$0x3F98]  }
0x1a: {  	s8 =	sadd.s32 $0xFFFFE003, lr  }
0x1b: {  	s9 =	sadd.s32 $0xFFFFFEF7, lr;
	s5 =	simm.s32 $0xFFFFFFFF;
	p2 =	slt.u32 s8, $0xFFFFF086  }
0x1c: {  	p1 =	slt.u32 s9, $0xF7A;
	s5 =	simm.s32 @!p2 $0x0  }
0x1d: {  	s5 =	simm.s32 @p1 $0x1;
	p0 =	seq.s32 s7, s2  }
0x1e: {  	s7 =	smul.u32 @!p0 $0xF7A, s2;
	p2 =	seq.s32 @!p0 s5, $0x0  }
0x1f: {  	s9 =	smul.u32 $0xF7A, s1;
	s8 =	simm.s32 @!p0 $0x1BF5;
	p2 =	por !p2, p0  }
0x20: {  	[sflag:s8] =	ssyncset.s32 @!p0 $0xFFFFF086;
	s6 =	sadd.s32 @!p0 s3, s7;
	s7 =	simm.s32 @!p0 $0x108  }
0x21: {  	s3 =	sadd.s32 s3, s9;
	s6 =	sadd.s32 @!p0 $0x88, s6;
	s7 =	simm.s32 @p2 $0x1082  }
0x22: {  	[simem:s7], [sflag:s8] =	dma.local @!p0 [hbm:s6], $0xF7A  }
0x23: {  	s9 =	sor.u32 $0xD0000000, s2;
	s6 =	simm.s32 $0x108;
	_ =	swait.ge @!p0 [sflag:s8], $0x0  }
0x24: {  	s3 =	sadd.s32 $0x88, s3;
	s6 =	simm.s32 @!p1 $0x1082;
	[sflag:s4] =	ssyncset.s32 $0xFFFFF086  }
0x25: {  	[simem:s6], [sflag:s4] =	dma.local [hbm:s3], $0xF7A  }
0x26: {  	[smem:$0x3F98] =	sst s1;
	(tag) =	ssettag s2;
	_ =	strace s9  }
0x27: {  	s1 =	sld [smem:$0x3FA8]  }
0x28: {  	s2 =	sld [smem:$0x3FA9]  }
0x29: {  	s4 =	sld [smem:$0x3FAB]  }
0x2a: {  	p0 =	seq.s32 s5, $0x0;
	s5 =	sld [smem:$0x3FAC]  }
0x2b: {  	s6 =	sld [smem:$0x3FAD]  }
0x2c: {  	s7 =	sld [smem:$0x3FAE]  }
0x2d: {  	s3 =	simm.s32 $0x108;
	s8 =	sld [smem:$0x3FAF]  }
0x2e: {  	s3 =	simm.s32 @!p0 $0x1082;
	s9 =	sld [smem:$0x3FB0]  }
0x2f: {  	lr =	sadd.s32 s0, s3;
	s0 =	sld [smem:$0x3FA7]  }
0x30: {  	s3 =	sld [smem:$0x3FAA]  }
0x31: {  	[smem:$0x3FB3] =	sst s10  }
0x32: {  	s10 =	sld [smem:$0x3FB1];
	_ =	sdelay $0x3  }
0x33: {  	p0 =	seq.s32 s10, $0x1;
	s10 =	sld [smem:$0x3FB3];
	_ =	sdelay $0x3  }
0x34: {  	[smem:$0x3FB3] =	sst s10  }
0x35: {  	s10 =	sld [smem:$0x3FB2];
	_ =	sdelay $0x3  }
0x36: {  	p1 =	seq.s32 s10, $0x1;
	s10 =	sld [smem:$0x3FB3];
	_ =	sdelay $0x3  }
0x37: {  	[smem:$0x3FB3] =	sst s10  }
0x38: {  	s10 =	sld [smem:$0x3FB4]  }
0x39: {  	_ = 	snop;
	(pc) =	sbr.ind lr, $3  }
0x3a: {  	_ = 	snop  }
0x3b: {  	_ = 	snop  }
0x3c: {  	p2 =	seq.s32 s10, $0x1;
	s10 =	sld [smem:$0x3FB3]  }
0x3d: {  	_ =	shalt  }
0x3e: {  	_ =	shalt  }
0x3f: {  	_ =	shalt  }
0x40: {  	_ =	shalt  }
0x41: {  	_ =	shalt  }
0x42: {  	_ =	shalt  }
0x43: {  	_ =	shalt  }
0x44: {  	_ =	shalt  }
0x45: {  	_ =	shalt  }
0x46: {  	_ =	shalt  }
0x47: {  	_ =	shalt  }
0x48: {  	_ =	shalt  }
0x49: {  	_ =	shalt  }
0x4a: {  	_ =	shalt  }
0x4b: {  	_ =	shalt  }
0x4c: {  	_ =	shalt  }
0x4d: {  	_ =	shalt  }
0x4e: {  	_ =	shalt  }
0x4f: {  	_ =	shalt  }
0x50: {  	_ =	shalt  }
0x51: {  	_ =	shalt  }
0x52: {  	_ =	shalt  }
0x53: {  	_ =	shalt  }
0x54: {  	_ =	shalt  }
0x55: {  	_ =	shalt  }
0x56: {  	_ =	shalt  }
0x57: {  	_ =	shalt  }
0x58: {  	_ =	shalt  }
0x59: {  	_ =	shalt  }
0x5a: {  	_ =	shalt  }
0x5b: {  	_ =	shalt  }
0x5c: {  	_ =	shalt  }
0x5d: {  	_ =	shalt  }
0x5e: {  	_ =	shalt  }
0x5f: {  	_ =	shalt  }
0x60: {  	_ =	shalt  }
0x61: {  	_ =	shalt  }
0x62: {  	_ =	shalt  }
0x63: {  	_ =	shalt  }
0x64: {  	_ =	shalt  }
0x65: {  	_ =	shalt  }
0x66: {  	_ =	shalt  }
0x67: {  	_ =	shalt  }
0x68: {  	_ =	shalt  }
0x69: {  	_ =	shalt  }
0x6a: {  	_ =	shalt  }
0x6b: {  	_ =	shalt  }
0x6c: {  	_ =	shalt  }
0x6d: {  	_ =	shalt  }
0x6e: {  	_ =	shalt  }
0x6f: {  	_ =	shalt  }
0x70: {  	_ =	shalt  }
0x71: {  	_ =	shalt  }
0x72: {  	_ =	shalt  }
0x73: {  	_ =	shalt  }
0x74: {  	_ =	shalt  }
0x75: {  	_ =	shalt  }
0x76: {  	_ =	shalt  }
0x77: {  	_ =	shalt  }
0x78: {  	_ =	shalt  }
0x79: {  	_ =	shalt  }
0x7a: {  	_ =	shalt  }
0x7b: {  	_ =	shalt  }
0x7c: {  	_ =	shalt  }
0x7d: {  	_ =	shalt  }
0x7e: {  	_ =	shalt  }
0x7f: {  	_ =	shalt  }
0x80: {  	_ =	shalt  }
0x81: {  	_ =	shalt  }
0x82: {  	_ =	shalt  }
0x83: {  	_ =	shalt  }
0x84: {  	_ =	shalt  }
0x85: {  	_ =	shalt  }
0x86: {  	_ =	shalt  }
0x87: {  	_ =	shalt  }
.Lfunc_end0:
.L_simem_size_0:
called_computation_lowered:
.L_overlay_start_0:
0x88: {  	s2 =	sld [smem:$0x3FD9]  }
0x89: {  	s3 =	sld [smem:$0x3FFE];
	_ =	sdelay $0x1  }
0x8a: {  	s1 =	srdreg.scid  }
0x8b: {  	s0 =	sand.u32 $0x1, s1  }
0x8c: {  	s17 =	sshll.u32 s0, $0xA;
	s2 =	sadd.s32 s3, s2  }
0x8d: {  	s2 =	sadd.s32 s2, s17  }
0x8e: {  	[smem:$0x3FBF] =	sst s2  }
0x8f: {  	_ = 	snop  }
0x90: {  	s2 =	sld [smem:$0x3FD0];
	(tm) =	ssettm $0x1  }
0x91: {  	s18 =	sld [smem:$0x3FFB];
	_ =	sdelay $0x3  }
0x92: {  	_ =	strace s18  }
0x93: {  	s3 =	sld [smem:$0x3FFC];
	_ =	sdelay $0x3  }
0x94: {  	_ =	strace s3  }
0x95: {  	s3 =	sld [smem:$0x3FFD];
	_ =	sdelay $0x3  }
0x96: {  	_ =	strace s3  }
0x97: {  	_ =	strace $0x8FFFFFFF  }
0x98: {  	s19 =	sld [smem:$0x3FDB];
	_ =	sdelay $0x1  }
0x99: {  	s4 =	simm.s32 $_scs_section_size  }
0x9a: {  	s5 =	simm.s32 $_size__tile_overlayer_lowered;
	s6 =	simm.s32 $_tile_overlayer_lowered  }
0x9b: {  	s22 =	simm.s32 $0x1BFF;
	s21 =	sshll.u32 s6, $0x1;
	s3 =	sadd.s32 s4, s19  }
0x9c: {  	s7 =	simm.s32 $0x0;
	s20 =	sshll.u32 s5, $0x1;
	s5 =	sadd.s32 s21, s3  }
0x9d: {  	[timem:s7], [sflag:s22] =	dma.local [hbm:s5], s20  }
0x9e: {  	_ =	swait.ge [sflag:s22], s20  }
0x9f: {  	s4 =	ssub.s32 $0x0, s20;
	[sflag:s22] =	ssyncset.done $0x0  }
0xa0: {  	[sflag:s22] =	ssyncadd.s32 s4;
	_ =	sdelay $0x1  }
0xa1: {  	s23 =	simm.s32 $0x1B8B  }
0xa2: {  	_ =	swait.ge [sflag:s23], $0x1  }
0xa3: {  	[sflag:s23] =	ssyncset.done $0x0  }
0xa4: {  	s25 =	simm.s32 $0x1B8E;
	s24 =	sld [smem:$0x3FFE];
	[sflag:s23] =	ssyncadd.s32 $0xFFFFFFFF  }
0xa5: {  	s26 =	simm.s32 $execute0_lowered;
	[smem:$0x3FD2] =	sst s25  }
0xa6: {  	s5 =	sshll.u32 s26, $0x1;
	_ =	strace $0x80000046;
	[dreg:$0x1] =	wrdreg $0xFFFFFFFF  }
0xa7: {  	s28 =	simm.s32 $_size_execute0_lowered;
	s3 =	sadd.s32 s3, s5;
	[dreg:$0x0] =	wrdreg $0x0  }
0xa8: {  	s5 =	sshll.u32 s28, $0x1;
	[dreg:$0x2] =	wrdreg s3  }
0xa9: {  	[dreg:$0x3] =	wrdreg s5  }
0xaa: {  	[dreg:$0x4] =	wrdreg $0xC0  }
0xab: {  	_ =	task [dreg:s7], $0x5FFFF  }
0xac: {  	[dreg:$0x1] =	wrdreg $0xFFFFFFFF  }
0xad: {  	[dreg:$0x0] =	wrdreg $0x60  }
0xae: {  	[dreg:$0x2] =	wrdreg s24  }
0xaf: {  	[dreg:$0x3] =	wrdreg s2  }
0xb0: {  	[dreg:$0x4] =	wrdreg $0x0  }
0xb1: {  	[dreg:$0x5] =	wrdreg $0x9  }
0xb2: {  	_ =	task.clear_ibuf [dreg:s7], $0x6FFFF;
	_ =	strace $0x90000046  }
0xb3: {  	s29 =	simm.s32 $0x9;
	_ =	strace $0x80000048  }
0xb4: {  	_ =	swait.ge [sflag:s29], $0x1  }
0xb5: {  	[sflag:s29] =	ssyncadd.s32 $0xFFFFFFFF  }
0xb6: {  	_ =	strace $0x90000048  }
0xb7: {  	_ =	sfence  }
0xb8: {  	s30 =	sld [smem:$0x0];
	_ =	sdelay $0x2  }
0xb9: {  	s31 =	sshll.u32 s1, $0xD;
	s1 =	sshrl.u32 s1, $0x2  }
0xba: {  	s3 =	sand.u32 $0x4000, s31;
	s1 =	sadd.s32 s1, s30  }
0xbb: {  	s0 =	sor.u32 s3, s0;
	s1 =	sshll.u32 s1, $0x11  }
0xbc: {  	s0 =	sor.u32 s1, s0  }
0xbd: {  	s0 =	sadd.s32 $0x8F2B, s0  }
0xbe: {  	[sflag:s0] =	ssyncadd.remote.s32 $0x1  }
0xbf: {  	_ =	sfence.sel $0xFFFF  }
0xc0: {  	[dreg:$0x0] =	wrdreg $0xFFFFFFFF;
	(pc) =	sbr.abs _section_cstart, $3  }
0xc1: {  	[dreg:$0x1] =	wrdreg $0xFFFFFFFF  }
0xc2: {  	_ =	task.clear_ibuf [dreg:s7], $0x2FFFF;
	_ =	strace $0x9FFFFFFF  }
0xc3: {  	(tm) =	ssettm $0x7FFFFFFF  }
tec
execute0_lowered:
.L_overlay_start_1:
0x0: {  	(tag) =	ssettag $0x1  }
0x1: {  	s6 =	rddreg [dreg:$0x0]  }
0x2: {  	s2 =	rddreg [dreg:$0x1]  }
0x3: {  	s3 =	rddreg [dreg:$0x2]  }
0x4: {  	s0 =	srdreg.scid;
	s1 =	rddreg [dreg:$0x3]  }
0x5: {  	s4 =	simm.s32 $0x0;
	s12 =	simm.s32 $0x1900;
	s13 =	simm.s32 $0x80  }
0x6: {  	s14 =	simm.s32 $0x1980;
	s15 =	simm.s32 $0x1A00;
	s16 =	simm.s32 $0x1A80  }
0x7: {  	s17 =	simm.s32 $0x1B00;
	s18 =	simm.s32 $0x1B80;
	s5 =	sand.u32 $0x1, s0  }
0x8: {  	s19 =	simm.s32 $0x1C00;
	s0 =	stileid.u32;
	s7 =	smul.u32 $0xC4000, s5  }
0x9: {  	s20 =	simm.s32 $0x1C80;
	[smem:$0x7FF] =	sst s4;
	s8 =	smul.u32 $0xC400, s0  }
0xa: {  	s21 =	simm.s32 $0x1;
	_ =	strace $0x80000047;
	s29 =	smul.u32 $0x3200, s5  }
0xb: {  	s9 =	ssub.s32 $0x2, s5;
	s5 =	sadd.s32 $0x64200, s6;
	s11 =	smul.u32 $0x1900, s0  }
0xc: {  	s30 =	sshll.u32 s0, $0x6;
	s10 =	sshrl.u32 s9, $0x1;
	s7 =	sadd.s32 s8, s7  }
0xd: {  	s9 =	ssub.s32 s9, s10;
	s31 =	sadd.s32 s11, s3;
	s23 =	sshrl.u32 s11, $0x3  }
0xe: {  	s10 =	simm.s32 $0x2;
	s11 =	simm.s32 $0x1D00;
	s7 =	sshrl.u32 s7, $0x3  }
0xf: {  	s28 =	sadd.s32 s7, s6;
	s7 =	sadd.s32 s29, s6;
	s6 =	sor.u32 $0x1C02, s30  }
0x10: {  	s22 =	sadd.s32 $0x64400, s7;
	s7 =	smax.u32 s9, $0x1;
	s8 =	sadd.s32 $0x33200, s28  }
0x11: {  	s9 =	sshrl.u32 s31, $0x3;
	s22 =	sadd.s32 s23, s22;
	s23 =	simm.s32 $0x0  }
.LBB2_1:
0x12: {  	[spmem:s9], [sflag:s6] =	dma.local [hbm:s2], $0x320  }
0x13: {  	_ =	swait.ge [sflag:s10], $0x320  }
0x14: {  	[sflag:s10] =	ssyncset.done $0x0  }
0x15: {  	[sflag:s10] =	ssyncadd.s32 $0xFFFFFCE0  }
0x16: {  	[tilespmem:s11], [sflag:$0x2] =	stream.linear.gather [hbm4b:s5+s4], $0x80, $0x38;
	[tilespmem:$0x1D80] =	vst v63  }
0x17: {  	_ =	swait.ge [sflag:s10], $0x80  }
0x18: {  	[sflag:s10] =	ssyncset.done $0x0  }
0x19: {  	[sflag:s10] =	ssyncadd.s32 $0xFFFFFF80  }
0x1a: {  	s24 =	sadd.s32 $0x0, s8;
	[bflag:$0x0] =	sbarrier.arrive $0xFFFF  }
0x1b: {  	[tilespmem:s12], [sflag:$0x2] =	stream.linear.gather [hbm4b:s24+s4], $0x400, $0x38;
	[tilespmem:$0x1D80] =	vst v63  }
0x1c: {  	_ =	swait.ge [sflag:s10], $0x400  }
0x1d: {  	[sflag:s10] =	ssyncset.done $0x0  }
0x1e: {  	[sflag:s10] =	ssyncadd.s32 $0xFFFFFC00  }
0x1f: {  	[spmem:s3] =	stream.indirect.scatter.add.f32 [tilespmem:s11], [sflag:$0x1], $0x1, s12, s13, $0xb8;
	[tilespmem:$0x1D80] =	vst v63  }
0x20: {  	_ = 	snop  }
0x21: {  	[spmem:s3] =	stream.indirect.scatter.add.f32 [tilespmem:s11], [sflag:$0x1], $0x1, s14, s13, $0xb8;
	[tilespmem:$0x1D80] =	vst v63  }
0x22: {  	_ = 	snop  }
0x23: {  	[spmem:s3] =	stream.indirect.scatter.add.f32 [tilespmem:s11], [sflag:$0x1], $0x1, s15, s13, $0xb8;
	[tilespmem:$0x1D80] =	vst v63  }
0x24: {  	_ = 	snop  }
0x25: {  	[spmem:s3] =	stream.indirect.scatter.add.f32 [tilespmem:s11], [sflag:$0x1], $0x1, s16, s13, $0xb8;
	[tilespmem:$0x1D80] =	vst v63  }
0x26: {  	_ = 	snop  }
0x27: {  	[spmem:s3] =	stream.indirect.scatter.add.f32 [tilespmem:s11], [sflag:$0x1], $0x1, s17, s13, $0xb8;
	[tilespmem:$0x1D80] =	vst v63  }
0x28: {  	_ = 	snop  }
0x29: {  	[spmem:s3] =	stream.indirect.scatter.add.f32 [tilespmem:s11], [sflag:$0x1], $0x1, s18, s13, $0xb8;
	[tilespmem:$0x1D80] =	vst v63  }
0x2a: {  	_ = 	snop  }
0x2b: {  	[spmem:s3] =	stream.indirect.scatter.add.f32 [tilespmem:s11], [sflag:$0x1], $0x1, s19, s13, $0xb8;
	[tilespmem:$0x1D80] =	vst v63  }
0x2c: {  	_ = 	snop  }
0x2d: {  	[spmem:s3] =	stream.indirect.scatter.add.f32 [tilespmem:s11], [sflag:$0x1], $0x1, s20, s13, $0xb8;
	[tilespmem:$0x1D80] =	vst v63  }
0x2e: {  	_ =	swait.ge [sflag:s21], $0x80  }
0x2f: {  	[sflag:s21] =	ssyncset.done $0x0  }
0x30: {  	[sflag:s21] =	ssyncadd.s32 $0xFFFFFF80  }
0x31: {  	_ =	swait.ge [sflag:s21], $0x80  }
0x32: {  	[sflag:s21] =	ssyncset.done $0x0  }
0x33: {  	[sflag:s21] =	ssyncadd.s32 $0xFFFFFF80  }
0x34: {  	_ =	swait.ge [sflag:s21], $0x80  }
0x35: {  	[sflag:s21] =	ssyncset.done $0x0  }
0x36: {  	[sflag:s21] =	ssyncadd.s32 $0xFFFFFF80  }
0x37: {  	_ =	swait.ge [sflag:s21], $0x80  }
0x38: {  	[sflag:s21] =	ssyncset.done $0x0  }
0x39: {  	[sflag:s21] =	ssyncadd.s32 $0xFFFFFF80  }
0x3a: {  	_ =	swait.ge [sflag:s21], $0x80  }
0x3b: {  	[sflag:s21] =	ssyncset.done $0x0  }
0x3c: {  	[sflag:s21] =	ssyncadd.s32 $0xFFFFFF80  }
0x3d: {  	_ =	swait.ge [sflag:s21], $0x80  }
0x3e: {  	[sflag:s21] =	ssyncset.done $0x0  }
0x3f: {  	[sflag:s21] =	ssyncadd.s32 $0xFFFFFF80  }
0x40: {  	_ =	swait.ge [sflag:s21], $0x80  }
0x41: {  	[sflag:s21] =	ssyncset.done $0x0  }
0x42: {  	[sflag:s21] =	ssyncadd.s32 $0xFFFFFF80  }
0x43: {  	_ =	swait.ge [sflag:s21], $0x80  }
0x44: {  	s26 =	simm.s32 $0x100;
	s24 =	simm.s32 $0x80;
	[sflag:s21] =	ssyncset.done $0x0  }
.LBB2_2:
0x45: {  	s28 =	sadd.s32 s24, s8  }
0x46: {  	[sflag:s21] =	ssyncadd.s32 $0xFFFFFF80;
	s24 =	smov.u32 s26;
	s25 =	sadd.s32 $0x80, s26  }
0x47: {  	[tilespmem:s12], [sflag:$0x2] =	stream.linear.gather [hbm4b:s28+s4], $0x400, $0x38;
	[tilespmem:$0x1D80] =	vst v63  }
0x48: {  	p0 =	sne.s32 s26, $0x1800;
	_ =	swait.ge [sflag:s10], $0x400  }
0x49: {  	[sflag:s10] =	ssyncset.done $0x0  }
0x4a: {  	[sflag:s10] =	ssyncadd.s32 $0xFFFFFC00  }
0x4b: {  	[spmem:s3] =	stream.indirect.scatter.add.f32 [tilespmem:s11], [sflag:$0x1], $0x1, s12, s13, $0xb8;
	[tilespmem:$0x1D80] =	vst v63  }
0x4c: {  	_ = 	snop  }
0x4d: {  	[spmem:s3] =	stream.indirect.scatter.add.f32 [tilespmem:s11], [sflag:$0x1], $0x1, s14, s13, $0xb8;
	[tilespmem:$0x1D80] =	vst v63  }
0x4e: {  	_ = 	snop  }
0x4f: {  	[spmem:s3] =	stream.indirect.scatter.add.f32 [tilespmem:s11], [sflag:$0x1], $0x1, s15, s13, $0xb8;
	[tilespmem:$0x1D80] =	vst v63  }
0x50: {  	_ = 	snop  }
0x51: {  	[spmem:s3] =	stream.indirect.scatter.add.f32 [tilespmem:s11], [sflag:$0x1], $0x1, s16, s13, $0xb8;
	[tilespmem:$0x1D80] =	vst v63  }
0x52: {  	_ = 	snop  }
0x53: {  	[spmem:s3] =	stream.indirect.scatter.add.f32 [tilespmem:s11], [sflag:$0x1], $0x1, s17, s13, $0xb8;
	[tilespmem:$0x1D80] =	vst v63  }
0x54: {  	_ = 	snop  }
0x55: {  	[spmem:s3] =	stream.indirect.scatter.add.f32 [tilespmem:s11], [sflag:$0x1], $0x1, s18, s13, $0xb8;
	[tilespmem:$0x1D80] =	vst v63  }
0x56: {  	_ = 	snop  }
0x57: {  	[spmem:s3] =	stream.indirect.scatter.add.f32 [tilespmem:s11], [sflag:$0x1], $0x1, s19, s13, $0xb8;
	[tilespmem:$0x1D80] =	vst v63  }
0x58: {  	_ = 	snop  }
0x59: {  	[spmem:s3] =	stream.indirect.scatter.add.f32 [tilespmem:s11], [sflag:$0x1], $0x1, s20, s13, $0xb8;
	[tilespmem:$0x1D80] =	vst v63  }
0x5a: {  	_ =	swait.ge [sflag:s21], $0x80  }
0x5b: {  	[sflag:s21] =	ssyncset.done $0x0  }
0x5c: {  	[sflag:s21] =	ssyncadd.s32 $0xFFFFFF80  }
0x5d: {  	_ =	swait.ge [sflag:s21], $0x80  }
0x5e: {  	[sflag:s21] =	ssyncset.done $0x0  }
0x5f: {  	[sflag:s21] =	ssyncadd.s32 $0xFFFFFF80  }
0x60: {  	_ =	swait.ge [sflag:s21], $0x80  }
0x61: {  	[sflag:s21] =	ssyncset.done $0x0  }
0x62: {  	[sflag:s21] =	ssyncadd.s32 $0xFFFFFF80  }
0x63: {  	_ =	swait.ge [sflag:s21], $0x80  }
0x64: {  	[sflag:s21] =	ssyncset.done $0x0  }
0x65: {  	[sflag:s21] =	ssyncadd.s32 $0xFFFFFF80  }
0x66: {  	_ =	swait.ge [sflag:s21], $0x80  }
0x67: {  	[sflag:s21] =	ssyncset.done $0x0  }
0x68: {  	[sflag:s21] =	ssyncadd.s32 $0xFFFFFF80  }
0x69: {  	_ =	swait.ge [sflag:s21], $0x80  }
0x6a: {  	[sflag:s21] =	ssyncset.done $0x0  }
0x6b: {  	[sflag:s21] =	ssyncadd.s32 $0xFFFFFF80  }
.Ltmp0:
0x6c: {  	_ =	swait.ge [sflag:s21], $0x80;
	(pc) =	sbr.rel @p0 .LBB2_2-.Ltmp0, $4  }
0x6d: {  	[sflag:s21] =	ssyncset.done $0x0  }
0x6e: {  	[sflag:s21] =	ssyncadd.s32 $0xFFFFFF80  }
0x6f: {  	_ =	swait.ge [sflag:s21], $0x80  }
0x70: {  	s26 =	smov.u32 s25;
	[sflag:s21] =	ssyncset.done $0x0  }
0x71: {  	s24 =	sadd.s32 s24, s8;
	[sflag:s21] =	ssyncadd.s32 $0xFFFFFF80  }
0x72: {  	[tilespmem:s12], [sflag:$0x2] =	stream.linear.gather [hbm4b:s24+s4], $0x400, $0x38;
	[tilespmem:$0x1D80] =	vst v63  }
0x73: {  	_ =	swait.ge [sflag:s10], $0x400  }
0x74: {  	[sflag:s10] =	ssyncset.done $0x0  }
0x75: {  	[sflag:s10] =	ssyncadd.s32 $0xFFFFFC00  }
0x76: {  	[spmem:s3] =	stream.indirect.scatter.add.f32 [tilespmem:s11], [sflag:$0x1], $0x1, s12, s13, $0xb8;
	[tilespmem:$0x1D80] =	vst v63  }
0x77: {  	_ = 	snop  }
0x78: {  	[spmem:s3] =	stream.indirect.scatter.add.f32 [tilespmem:s11], [sflag:$0x1], $0x1, s14, s13, $0xb8;
	[tilespmem:$0x1D80] =	vst v63  }
0x79: {  	_ = 	snop  }
0x7a: {  	[spmem:s3] =	stream.indirect.scatter.add.f32 [tilespmem:s11], [sflag:$0x1], $0x1, s15, s13, $0xb8;
	[tilespmem:$0x1D80] =	vst v63  }
0x7b: {  	_ = 	snop  }
0x7c: {  	[spmem:s3] =	stream.indirect.scatter.add.f32 [tilespmem:s11], [sflag:$0x1], $0x1, s16, s13, $0xb8;
	[tilespmem:$0x1D80] =	vst v63  }
0x7d: {  	_ = 	snop  }
0x7e: {  	[spmem:s3] =	stream.indirect.scatter.add.f32 [tilespmem:s11], [sflag:$0x1], $0x1, s17, s13, $0xb8;
	[tilespmem:$0x1D80] =	vst v63  }
0x7f: {  	_ = 	snop  }
0x80: {  	[spmem:s3] =	stream.indirect.scatter.add.f32 [tilespmem:s11], [sflag:$0x1], $0x1, s18, s13, $0xb8;
	[tilespmem:$0x1D80] =	vst v63  }
0x81: {  	_ = 	snop  }
0x82: {  	[spmem:s3] =	stream.indirect.scatter.add.f32 [tilespmem:s11], [sflag:$0x1], $0x1, s19, s13, $0xb8;
	[tilespmem:$0x1D80] =	vst v63  }
0x83: {  	_ = 	snop  }
0x84: {  	[spmem:s3] =	stream.indirect.scatter.add.f32 [tilespmem:s11], [sflag:$0x1], $0x1, s20, s13, $0xb8;
	[tilespmem:$0x1D80] =	vst v63  }
0x85: {  	_ =	swait.ge [sflag:s21], $0x80  }
0x86: {  	[sflag:s21] =	ssyncset.done $0x0  }
0x87: {  	[sflag:s21] =	ssyncadd.s32 $0xFFFFFF80  }
0x88: {  	_ =	swait.ge [sflag:s21], $0x80  }
0x89: {  	[sflag:s21] =	ssyncset.done $0x0  }
0x8a: {  	[sflag:s21] =	ssyncadd.s32 $0xFFFFFF80  }
0x8b: {  	_ =	swait.ge [sflag:s21], $0x80  }
0x8c: {  	[sflag:s21] =	ssyncset.done $0x0  }
0x8d: {  	[sflag:s21] =	ssyncadd.s32 $0xFFFFFF80  }
0x8e: {  	_ =	swait.ge [sflag:s21], $0x80  }
0x8f: {  	[sflag:s21] =	ssyncset.done $0x0  }
0x90: {  	[sflag:s21] =	ssyncadd.s32 $0xFFFFFF80  }
0x91: {  	_ =	swait.ge [sflag:s21], $0x80  }
0x92: {  	[sflag:s21] =	ssyncset.done $0x0  }
0x93: {  	[sflag:s21] =	ssyncadd.s32 $0xFFFFFF80  }
0x94: {  	_ =	swait.ge [sflag:s21], $0x80  }
0x95: {  	[sflag:s21] =	ssyncset.done $0x0  }
0x96: {  	[sflag:s21] =	ssyncadd.s32 $0xFFFFFF80  }
0x97: {  	_ =	swait.ge [sflag:s21], $0x80  }
0x98: {  	[sflag:s21] =	ssyncset.done $0x0  }
0x99: {  	[sflag:s21] =	ssyncadd.s32 $0xFFFFFF80  }
0x9a: {  	_ =	swait.ge [sflag:s21], $0x80  }
0x9b: {  	s23 =	sadd.s32 $0x1, s23;
	[sflag:s21] =	ssyncset.done $0x0  }
0x9c: {  	p0 =	sne.s32 s23, s7;
	[sflag:s21] =	ssyncadd.s32 $0xFFFFFF80  }
.Ltmp1:
0x9d: {  	[bflag:$0x0] =	sbarrier.arrive $0xFFFF;
	(pc) =	sbr.rel @p0 .LBB2_1-.Ltmp1, $4  }
0x9e: {  	[hbm:s22], [sflag:s6] =	dma.local [spmem:s9], $0x320  }
0x9f: {  	_ =	swait.ge [sflag:s10], $0x320  }
0xa0: {  	[sflag:s10] =	ssyncset.done $0x0  }
0xa1: {  	[sflag:s10] =	ssyncadd.s32 $0xFFFFFCE0  }
0xa2: {  	_ =	sfence.sel $0x180000  }
0xa3: {  	[bflag:$0x0] =	sbarrier.arrive $0xFFFF  }
0xa4: {  	p0 =	sne.s32 s0, $0x0;
	_ =	strace $0x90000047  }
0xa5: {  	s0 =	sadd.s32 @!p0 $0x100000, s1;
	[bflag:$0x2] =	sbarrier.arrive $0xFFFF  }
0xa6: {  	[sflag:s0] =	ssyncadd.tile.s32 @!p0 $0x1;
	_ =	shalt  }
.Lfunc_end2:
_tile_overlayer_lowered:
.L_overlay_start_2:
0xa7: {  	(tag) =	ssettag $0x2  }
0xa8: {  	s0 =	rddreg [dreg:$0x0];
	s2 =	stileid.u32  }
0xa9: {  	s1 =	rddreg [dreg:$0x1];
	p0 =	sne.s32 s2, $0x0  }
0xaa: {  	s3 =	rddreg [dreg:$0x2];
	[bflag:$0x3] =	sbarrier.arrive $0xFFFF;
	s2 =	simm.s32 @!p0 $0x1C02  }
0xab: {  	[timem:s3], [sflag:s2] =	dma.local @!p0 [hbm:s0], s1  }
0xac: {  	s0 =	simm.s32 @!p0 $0x2  }
0xad: {  	_ =	swait.ge @!p0 [sflag:s0], s1  }
0xae: {  	s1 =	ssub.s32 @!p0 $0x0, s1;
	[sflag:s0] =	ssyncset.done @!p0 $0x0  }
0xaf: {  	[sflag:s0] =	ssyncadd.s32 @!p0 s1  }
0xb0: {  	[bflag:$0x3] =	sbarrier.arrive $0xFFFF  }
0xb1: {  	_ =	shalt  }

// kernel: kernel.13.cloned.1.call-start
scs
__scs_entry_jumppad:
0x0: {  	(pc) =	sbr.rel $0x88, $3  }
0x1: {  	(tag) =	ssettag $0x0;
	lr =	simm.s32 $0x1  }
0x2: {  	[smem:$0x3F98] =	sst lr;
	_ =	strace $0xD0000000  }
0x3: {  	_ = 	snop  }
0x4: {  	_ = 	snop  }
0x5: {  	_ = 	snop  }
0x6: {  	_ = 	snop  }
0x7: {  	_ = 	snop  }
__scs_overlays_trampoline_lowered:
0x8: {  	[smem:$0x3FA7] =	sst s0  }
0x9: {  	[smem:$0x3FA8] =	sst s1  }
0xa: {  	[smem:$0x3FA9] =	sst s2  }
0xb: {  	[smem:$0x3FAA] =	sst s3  }
0xc: {  	[smem:$0x3FAB] =	sst s4  }
0xd: {  	[smem:$0x3FAC] =	sst s5  }
0xe: {  	[smem:$0x3FAD] =	sst s6  }
0xf: {  	[smem:$0x3FAE] =	sst s7  }
0x10: {  	[smem:$0x3FAF] =	sst s8  }
0x11: {  	[smem:$0x3FB0] =	sst s9;
	s0 =	simm.s32 @!p0 $0x0  }
0x12: {  	s1 =	sld [smem:$0x3F96];
	s0 =	simm.s32 @p0 $0x1  }
0x13: {  	[smem:$0x3FB1] =	sst s0;
	s0 =	simm.s32 @!p1 $0x0  }
0x14: {  	s2 =	sld [smem:$0x3F95];
	s0 =	simm.s32 @p1 $0x1  }
0x15: {  	[smem:$0x3FB2] =	sst s0;
	s0 =	simm.s32 @!p2 $0x0  }
0x16: {  	s3 =	sld [smem:$0x3FDB];
	s0 =	simm.s32 @p2 $0x1  }
0x17: {  	s4 =	simm.s32 $0x1BF5;
	[smem:$0x3FB4] =	sst s0  }
0x18: {  	s0 =	sld [smem:$0x3F97];
	_ =	swait.ge [sflag:s4], $0x0  }
0x19: {  	s7 =	sld [smem:$0x3F98]  }
0x1a: {  	s8 =	sadd.s32 $0xFFFFE003, lr  }
0x1b: {  	s9 =	sadd.s32 $0xFFFFFEF7, lr;
	s5 =	simm.s32 $0xFFFFFFFF;
	p2 =	slt.u32 s8, $0xFFFFF086  }
0x1c: {  	p1 =	slt.u32 s9, $0xF7A;
	s5 =	simm.s32 @!p2 $0x0  }
0x1d: {  	s5 =	simm.s32 @p1 $0x1;
	p0 =	seq.s32 s7, s2  }
0x1e: {  	s7 =	smul.u32 @!p0 $0xF7A, s2;
	p2 =	seq.s32 @!p0 s5, $0x0  }
0x1f: {  	s9 =	smul.u32 $0xF7A, s1;
	s8 =	simm.s32 @!p0 $0x1BF5;
	p2 =	por !p2, p0  }
0x20: {  	[sflag:s8] =	ssyncset.s32 @!p0 $0xFFFFF086;
	s6 =	sadd.s32 @!p0 s3, s7;
	s7 =	simm.s32 @!p0 $0x108  }
0x21: {  	s3 =	sadd.s32 s3, s9;
	s6 =	sadd.s32 @!p0 $0x88, s6;
	s7 =	simm.s32 @p2 $0x1082  }
0x22: {  	[simem:s7], [sflag:s8] =	dma.local @!p0 [hbm:s6], $0xF7A  }
0x23: {  	s9 =	sor.u32 $0xD0000000, s2;
	s6 =	simm.s32 $0x108;
	_ =	swait.ge @!p0 [sflag:s8], $0x0  }
0x24: {  	s3 =	sadd.s32 $0x88, s3;
	s6 =	simm.s32 @!p1 $0x1082;
	[sflag:s4] =	ssyncset.s32 $0xFFFFF086  }
0x25: {  	[simem:s6], [sflag:s4] =	dma.local [hbm:s3], $0xF7A  }
0x26: {  	[smem:$0x3F98] =	sst s1;
	(tag) =	ssettag s2;
	_ =	strace s9  }
0x27: {  	s1 =	sld [smem:$0x3FA8]  }
0x28: {  	s2 =	sld [smem:$0x3FA9]  }
0x29: {  	s4 =	sld [smem:$0x3FAB]  }
0x2a: {  	p0 =	seq.s32 s5, $0x0;
	s5 =	sld [smem:$0x3FAC]  }
0x2b: {  	s6 =	sld [smem:$0x3FAD]  }
0x2c: {  	s7 =	sld [smem:$0x3FAE]  }
0x2d: {  	s3 =	simm.s32 $0x108;
	s8 =	sld [smem:$0x3FAF]  }
0x2e: {  	s3 =	simm.s32 @!p0 $0x1082;
	s9 =	sld [smem:$0x3FB0]  }
0x2f: {  	lr =	sadd.s32 s0, s3;
	s0 =	sld [smem:$0x3FA7]  }
0x30: {  	s3 =	sld [smem:$0x3FAA]  }
0x31: {  	[smem:$0x3FB3] =	sst s10  }
0x32: {  	s10 =	sld [smem:$0x3FB1];
	_ =	sdelay $0x3  }
0x33: {  	p0 =	seq.s32 s10, $0x1;
	s10 =	sld [smem:$0x3FB3];
	_ =	sdelay $0x3  }
0x34: {  	[smem:$0x3FB3] =	sst s10  }
0x35: {  	s10 =	sld [smem:$0x3FB2];
	_ =	sdelay $0x3  }
0x36: {  	p1 =	seq.s32 s10, $0x1;
	s10 =	sld [smem:$0x3FB3];
	_ =	sdelay $0x3  }
0x37: {  	[smem:$0x3FB3] =	sst s10  }
0x38: {  	s10 =	sld [smem:$0x3FB4]  }
0x39: {  	_ = 	snop;
	(pc) =	sbr.ind lr, $3  }
0x3a: {  	_ = 	snop  }
0x3b: {  	_ = 	snop  }
0x3c: {  	p2 =	seq.s32 s10, $0x1;
	s10 =	sld [smem:$0x3FB3]  }
0x3d: {  	_ =	shalt  }
0x3e: {  	_ =	shalt  }
0x3f: {  	_ =	shalt  }
0x40: {  	_ =	shalt  }
0x41: {  	_ =	shalt  }
0x42: {  	_ =	shalt  }
0x43: {  	_ =	shalt  }
0x44: {  	_ =	shalt  }
0x45: {  	_ =	shalt  }
0x46: {  	_ =	shalt  }
0x47: {  	_ =	shalt  }
0x48: {  	_ =	shalt  }
0x49: {  	_ =	shalt  }
0x4a: {  	_ =	shalt  }
0x4b: {  	_ =	shalt  }
0x4c: {  	_ =	shalt  }
0x4d: {  	_ =	shalt  }
0x4e: {  	_ =	shalt  }
0x4f: {  	_ =	shalt  }
0x50: {  	_ =	shalt  }
0x51: {  	_ =	shalt  }
0x52: {  	_ =	shalt  }
0x53: {  	_ =	shalt  }
0x54: {  	_ =	shalt  }
0x55: {  	_ =	shalt  }
0x56: {  	_ =	shalt  }
0x57: {  	_ =	shalt  }
0x58: {  	_ =	shalt  }
0x59: {  	_ =	shalt  }
0x5a: {  	_ =	shalt  }
0x5b: {  	_ =	shalt  }
0x5c: {  	_ =	shalt  }
0x5d: {  	_ =	shalt  }
0x5e: {  	_ =	shalt  }
0x5f: {  	_ =	shalt  }
0x60: {  	_ =	shalt  }
0x61: {  	_ =	shalt  }
0x62: {  	_ =	shalt  }
0x63: {  	_ =	shalt  }
0x64: {  	_ =	shalt  }
0x65: {  	_ =	shalt  }
0x66: {  	_ =	shalt  }
0x67: {  	_ =	shalt  }
0x68: {  	_ =	shalt  }
0x69: {  	_ =	shalt  }
0x6a: {  	_ =	shalt  }
0x6b: {  	_ =	shalt  }
0x6c: {  	_ =	shalt  }
0x6d: {  	_ =	shalt  }
0x6e: {  	_ =	shalt  }
0x6f: {  	_ =	shalt  }
0x70: {  	_ =	shalt  }
0x71: {  	_ =	shalt  }
0x72: {  	_ =	shalt  }
0x73: {  	_ =	shalt  }
0x74: {  	_ =	shalt  }
0x75: {  	_ =	shalt  }
0x76: {  	_ =	shalt  }
0x77: {  	_ =	shalt  }
0x78: {  	_ =	shalt  }
0x79: {  	_ =	shalt  }
0x7a: {  	_ =	shalt  }
0x7b: {  	_ =	shalt  }
0x7c: {  	_ =	shalt  }
0x7d: {  	_ =	shalt  }
0x7e: {  	_ =	shalt  }
0x7f: {  	_ =	shalt  }
0x80: {  	_ =	shalt  }
0x81: {  	_ =	shalt  }
0x82: {  	_ =	shalt  }
0x83: {  	_ =	shalt  }
0x84: {  	_ =	shalt  }
0x85: {  	_ =	shalt  }
0x86: {  	_ =	shalt  }
0x87: {  	_ =	shalt  }
.Lfunc_end0:
.L_simem_size_0:
called_computation.1_lowered:
.L_overlay_start_0:
0x88: {  	s2 =	sld [smem:$0x3FD9]  }
0x89: {  	s3 =	sld [smem:$0x3FFE];
	_ =	sdelay $0x1  }
0x8a: {  	s1 =	srdreg.scid  }
0x8b: {  	s0 =	sand.u32 $0x1, s1  }
0x8c: {  	s17 =	sshll.u32 s0, $0xA;
	s2 =	sadd.s32 s3, s2  }
0x8d: {  	s2 =	sadd.s32 s2, s17  }
0x8e: {  	[smem:$0x3FBF] =	sst s2  }
0x8f: {  	_ = 	snop  }
0x90: {  	s2 =	sld [smem:$0x3FD0];
	(tm) =	ssettm $0x1  }
0x91: {  	s18 =	sld [smem:$0x3FFB];
	_ =	sdelay $0x3  }
0x92: {  	_ =	strace s18  }
0x93: {  	s3 =	sld [smem:$0x3FFC];
	_ =	sdelay $0x3  }
0x94: {  	_ =	strace s3  }
0x95: {  	s3 =	sld [smem:$0x3FFD];
	_ =	sdelay $0x3  }
0x96: {  	_ =	strace s3  }
0x97: {  	_ =	strace $0x8FFFFFFF  }
0x98: {  	s19 =	sld [smem:$0x3FDB];
	_ =	sdelay $0x1  }
0x99: {  	s4 =	simm.s32 $_scs_section_size  }
0x9a: {  	s5 =	simm.s32 $_size__tile_overlayer_lowered;
	s6 =	simm.s32 $_tile_overlayer_lowered  }
0x9b: {  	s22 =	simm.s32 $0x1BFF;
	s21 =	sshll.u32 s6, $0x1;
	s3 =	sadd.s32 s4, s19  }
0x9c: {  	s7 =	simm.s32 $0x0;
	s20 =	sshll.u32 s5, $0x1;
	s5 =	sadd.s32 s21, s3  }
0x9d: {  	[timem:s7], [sflag:s22] =	dma.local [hbm:s5], s20  }
0x9e: {  	_ =	swait.ge [sflag:s22], s20  }
0x9f: {  	s4 =	ssub.s32 $0x0, s20;
	[sflag:s22] =	ssyncset.done $0x0  }
0xa0: {  	[sflag:s22] =	ssyncadd.s32 s4;
	_ =	sdelay $0x1  }
0xa1: {  	s23 =	simm.s32 $0x1B8B  }
0xa2: {  	_ =	swait.ge [sflag:s23], $0x1  }
0xa3: {  	[sflag:s23] =	ssyncset.done $0x0  }
0xa4: {  	s25 =	simm.s32 $0x1B8E;
	s24 =	sld [smem:$0x3FFE];
	[sflag:s23] =	ssyncadd.s32 $0xFFFFFFFF  }
0xa5: {  	s26 =	simm.s32 $execute0_lowered;
	[smem:$0x3FD2] =	sst s25  }
0xa6: {  	s5 =	sshll.u32 s26, $0x1;
	_ =	strace $0x80000049;
	[dreg:$0x1] =	wrdreg $0xFFFFFFFF  }
0xa7: {  	s28 =	simm.s32 $_size_execute0_lowered;
	s3 =	sadd.s32 s3, s5;
	[dreg:$0x0] =	wrdreg $0x0  }
0xa8: {  	s5 =	sshll.u32 s28, $0x1;
	[dreg:$0x2] =	wrdreg s3  }
0xa9: {  	[dreg:$0x3] =	wrdreg s5  }
0xaa: {  	[dreg:$0x4] =	wrdreg $0xC0  }
0xab: {  	_ =	task [dreg:s7], $0x5FFFF  }
0xac: {  	[dreg:$0x1] =	wrdreg $0xFFFFFFFF  }
0xad: {  	[dreg:$0x0] =	wrdreg $0x60  }
0xae: {  	[dreg:$0x2] =	wrdreg s24  }
0xaf: {  	[dreg:$0x3] =	wrdreg s2  }
0xb0: {  	[dreg:$0x4] =	wrdreg $0x0  }
0xb1: {  	[dreg:$0x5] =	wrdreg $0x9  }
0xb2: {  	_ =	task.clear_ibuf [dreg:s7], $0x6FFFF;
	_ =	strace $0x90000049  }
0xb3: {  	s29 =	simm.s32 $0x9;
	_ =	strace $0x8000004B  }
0xb4: {  	_ =	swait.ge [sflag:s29], $0x1  }
0xb5: {  	[sflag:s29] =	ssyncadd.s32 $0xFFFFFFFF  }
0xb6: {  	_ =	strace $0x9000004B  }
0xb7: {  	_ =	sfence  }
0xb8: {  	s30 =	sld [smem:$0x0];
	_ =	sdelay $0x2  }
0xb9: {  	s31 =	sshll.u32 s1, $0xD;
	s1 =	sshrl.u32 s1, $0x2  }
0xba: {  	s3 =	sand.u32 $0x4000, s31;
	s1 =	sadd.s32 s1, s30  }
0xbb: {  	s0 =	sor.u32 s3, s0;
	s1 =	sshll.u32 s1, $0x11  }
0xbc: {  	s0 =	sor.u32 s1, s0  }
0xbd: {  	s0 =	sadd.s32 $0x8F2B, s0  }
0xbe: {  	[sflag:s0] =	ssyncadd.remote.s32 $0x1  }
0xbf: {  	_ =	sfence.sel $0xFFFF  }
0xc0: {  	[dreg:$0x0] =	wrdreg $0xFFFFFFFF;
	(pc) =	sbr.abs _section_cstart, $3  }
0xc1: {  	[dreg:$0x1] =	wrdreg $0xFFFFFFFF  }
0xc2: {  	_ =	task.clear_ibuf [dreg:s7], $0x2FFFF;
	_ =	strace $0x9FFFFFFF  }
0xc3: {  	(tm) =	ssettm $0x7FFFFFFF  }
tec
execute0_lowered:
.L_overlay_start_1:
0x0: {  	(tag) =	ssettag $0x1  }
0x1: {  	s0 =	rddreg [dreg:$0x0]  }
0x2: {  	s2 =	rddreg [dreg:$0x2];
	s3 =	simm.s32 $0x0  }
0x3: {  	s1 =	srdreg.scid;
	s10 =	stileid.u32;
	s14 =	simm.s32 $0x5  }
0x4: {  	s18 =	simm.s32 $0x1D280;
	s19 =	simm.s32 $0x1D300;
	s20 =	simm.s32 $0x1D380  }
0x5: {  	s21 =	simm.s32 $0x1D480;
	s22 =	simm.s32 $0x1D500;
	s23 =	simm.s32 $0x1D580  }
0x6: {  	s24 =	simm.s32 $0x1D680;
	s25 =	simm.s32 $0x1D700;
	s26 =	simm.s32 $0x1D780  }
0x7: {  	s28 =	simm.s32 $0x1D600;
	s29 =	simm.s32 $0x1B000;
	[smem:$0x7FF] =	sst s3  }
0x8: {  	s30 =	simm.s32 $0x1B800;
	_ =	strace $0x8000004A;
	[dreg:$0x4] =	wrdreg s18  }
0x9: {  	s31 =	simm.s32 $0x1C000;
	s1 =	sand.u32 $0x1, s1;
	[dreg:$0x5] =	wrdreg s19  }
0xa: {  	s5 =	sadd.s32 $0x2200, s0;
	s7 =	smul.u32 $0x19000, s10;
	[dreg:$0x6] =	wrdreg s20  }
0xb: {  	s6 =	sadd.s32 $0x33200, s0;
	s9 =	smul.u32 $0x3100, s10;
	[dreg:$0x7] =	wrdreg s21  }
0xc: {  	s8 =	sshll.u32 s10, $0x6;
	s11 =	smul.u32 $0x310, s10;
	[dreg:$0x8] =	wrdreg s22  }
0xd: {  	s4 =	smul.u32 $0x32000, s1;
	s1 =	ssub.s32 $0x2, s1;
	[dreg:$0x9] =	wrdreg s23  }
0xe: {  	s12 =	sor.u32 $0x1C05, s8;
	s18 =	simm.s32 $0x19000;
	[dreg:$0xa] =	wrdreg s24  }
0xf: {  	s20 =	simm.s32 $0x19800;
	s22 =	simm.s32 $0x1A000;
	[dreg:$0xb] =	wrdreg s25  }
0x10: {  	[dreg:$0xc] =	wrdreg s26;
	s25 =	simm.s32 $0x1A800;
	s26 =	simm.s32 $0x1D200  }
0x11: {  	s24 =	simm.s32 $0x4;
	s19 =	simm.s32 $0x0;
	s15 =	sshrl.u32 s1, $0x1  }
0x12: {  	s16 =	sadd.s32 s7, s2;
	s8 =	sadd.s32 s5, s9;
	s9 =	sadd.s32 s6, s9  }
0x13: {  	s7 =	sshrl.u32 s7, $0x3;
	s17 =	sor.u32 $0x8, s11;
	s11 =	simm.s32 $0x2  }
0x14: {  	[dreg:$0xd] =	wrdreg s12;
	s0 =	sadd.s32 s4, s0;
	s1 =	ssub.s32 s1, s15  }
0x15: {  	[dreg:$0xf] =	wrdreg s17;
	s13 =	sshrl.u32 s16, $0x3;
	s15 =	simm.s32 $0x1D000  }
0x16: {  	s16 =	simm.s32 $0x1D400;
	s17 =	simm.s32 $0x80;
	s10 =	sadd.s32 $0x38A800, s0  }
0x17: {  	s0 =	sadd.s32 $0xC8200, s0;
	s1 =	smax.u32 s1, $0x1;
	[dreg:$0x10] =	wrdreg s13  }
0x18: {  	s4 =	simm.s32 $0x1;
	[dreg:$0xe] =	wrdreg s1;
	s0 =	sadd.s32 s7, s0  }
0x19: {  	s1 =	simm.s32 $0x3;
	[dreg:$0x11] =	wrdreg s0;
	s0 =	simm.s32 $0x1C800  }
.LBB2_1:
0x1a: {  	[dreg:$0x12] =	wrdreg s19  }
0x1b: {  	s7 =	rddreg [dreg:$0x1]  }
0x1c: {  	[spmem:s13], [sflag:s12] =	dma.local [hbm:s7], $0x3200  }
0x1d: {  	_ =	swait.ge [sflag:s14], $0x3200  }
0x1e: {  	[sflag:s14] =	ssyncset.done $0x0  }
0x1f: {  	[sflag:s14] =	ssyncadd.s32 $0xFFFFCE00  }
0x20: {  	[bflag:$0x0] =	sbarrier.arrive $0xFFFF  }
0x21: {  	[tilespmem:s15], [sflag:$0x5] =	stream.linear.gather [hbm4b:s8+s3], $0x200, $0x38;
	[tilespmem:$0x1D800] =	vst v63  }
0x22: {  	_ =	swait.ge [sflag:s14], $0x200  }
0x23: {  	[sflag:s14] =	ssyncset.done $0x0  }
0x24: {  	[sflag:s14] =	ssyncadd.s32 $0xFFFFFE00  }
0x25: {  	[tilespmem:s16], [sflag:$0x5] =	stream.linear.gather [hbm4b:s9+s3], $0x200, $0x38;
	[tilespmem:$0x1D800] =	vst v63  }
0x26: {  	_ =	swait.ge [sflag:s14], $0x200  }
0x27: {  	[sflag:s14] =	ssyncset.done $0x0  }
0x28: {  	[sflag:s14] =	ssyncadd.s32 $0xFFFFFE00  }
0x29: {  	[tilespmem:s18], [sflag:$0x1] =	stream.indirect.gather [hbm4b:s10+s17], $0x10, s15, s17, $0xb8;
	[tilespmem:$0x1D800] =	vst v63  }
0x2a: {  	s19 =	simm.s32 $0x1D080  }
0x2b: {  	[tilespmem:s20], [sflag:$0x1] =	stream.indirect.gather [hbm4b:s10+s17], $0x10, s19, s17, $0xb8;
	[tilespmem:$0x1D800] =	vst v63  }
0x2c: {  	s21 =	simm.s32 $0x1D100  }
0x2d: {  	[tilespmem:s22], [sflag:$0x1] =	stream.indirect.gather [hbm4b:s10+s17], $0x10, s21, s17, $0xb8;
	[tilespmem:$0x1D800] =	vst v63  }
0x2e: {  	s23 =	simm.s32 $0x1D180  }
0x2f: {  	[tilespmem:s25], [sflag:$0x1] =	stream.indirect.gather [hbm4b:s10+s17], $0x10, s23, s17, $0xb8;
	[tilespmem:$0x1D800] =	vst v63  }
0x30: {  	s13 =	sadd.s32 $0x40, s8  }
0x31: {  	[tilespmem:s26], [sflag:$0x5] =	stream.linear.gather [hbm4b:s13+s3], $0x200, $0x38;
	[tilespmem:$0x1D800] =	vst v63  }
0x32: {  	_ =	swait.ge [sflag:s14], $0x200  }
0x33: {  	[sflag:s14] =	ssyncset.done $0x0  }
0x34: {  	s12 =	sadd.s32 $0x40, s9;
	[sflag:s14] =	ssyncadd.s32 $0xFFFFFE00  }
0x35: {  	[tilespmem:s28], [sflag:$0x5] =	stream.linear.gather [hbm4b:s12+s3], $0x200, $0x38;
	[tilespmem:$0x1D800] =	vst v63  }
0x36: {  	_ =	swait.ge [sflag:s14], $0x200  }
0x37: {  	[sflag:s14] =	ssyncset.done $0x0  }
0x38: {  	[sflag:s14] =	ssyncadd.s32 $0xFFFFFE00  }
0x39: {  	[tilespmem:s29], [sflag:$0x2] =	stream.indirect.gather [hbm4b:s10+s17], $0x10, s26, s17, $0xb8;
	[tilespmem:$0x1D800] =	vst v63  }
0x3a: {  	s13 =	rddreg [dreg:$0x4]  }
0x3b: {  	[tilespmem:s30], [sflag:$0x2] =	stream.indirect.gather [hbm4b:s10+s17], $0x10, s13, s17, $0xb8;
	[tilespmem:$0x1D800] =	vst v63  }
0x3c: {  	s12 =	rddreg [dreg:$0x5]  }
0x3d: {  	[tilespmem:s31], [sflag:$0x2] =	stream.indirect.gather [hbm4b:s10+s17], $0x10, s12, s17, $0xb8;
	[tilespmem:$0x1D800] =	vst v63  }
0x3e: {  	s13 =	rddreg [dreg:$0x6]  }
0x3f: {  	[tilespmem:s0], [sflag:$0x2] =	stream.indirect.gather [hbm4b:s10+s17], $0x10, s13, s17, $0xb8;
	[tilespmem:$0x1D800] =	vst v63  }
0x40: {  	_ =	swait.ge [sflag:s4], $0x800  }
0x41: {  	[sflag:s4] =	ssyncset.done $0x0  }
0x42: {  	[sflag:s4] =	ssyncadd.s32 $0xFFFFF800  }
0x43: {  	_ =	swait.ge [sflag:s4], $0x800  }
0x44: {  	[sflag:s4] =	ssyncset.done $0x0  }
0x45: {  	[sflag:s4] =	ssyncadd.s32 $0xFFFFF800  }
0x46: {  	_ =	swait.ge [sflag:s4], $0x800  }
0x47: {  	[sflag:s4] =	ssyncset.done $0x0  }
0x48: {  	[sflag:s4] =	ssyncadd.s32 $0xFFFFF800  }
0x49: {  	_ =	swait.ge [sflag:s4], $0x800  }
0x4a: {  	[sflag:s4] =	ssyncset.done $0x0  }
0x4b: {  	[sflag:s4] =	ssyncadd.s32 $0xFFFFF800  }
0x4c: {  	[spmem:s2] =	stream.indirect.scatter.add.f32 [tilespmem:s18], [sflag:$0x3], $0x10, s16, s17, $0xb8;
	[tilespmem:$0x1D800] =	vst v63  }
0x4d: {  	s13 =	rddreg [dreg:$0x7]  }
0x4e: {  	[spmem:s2] =	stream.indirect.scatter.add.f32 [tilespmem:s20], [sflag:$0x3], $0x10, s13, s17, $0xb8;
	[tilespmem:$0x1D800] =	vst v63  }
0x4f: {  	s12 =	rddreg [dreg:$0x8]  }
0x50: {  	[spmem:s2] =	stream.indirect.scatter.add.f32 [tilespmem:s22], [sflag:$0x3], $0x10, s12, s17, $0xb8;
	[tilespmem:$0x1D800] =	vst v63  }
0x51: {  	s13 =	rddreg [dreg:$0x9]  }
0x52: {  	[spmem:s2] =	stream.indirect.scatter.add.f32 [tilespmem:s25], [sflag:$0x3], $0x10, s13, s17, $0xb8;
	[tilespmem:$0x1D800] =	vst v63  }
0x53: {  	_ =	swait.ge [sflag:s1], $0x800  }
0x54: {  	[sflag:s1] =	ssyncset.done $0x0  }
0x55: {  	[sflag:s1] =	ssyncadd.s32 $0xFFFFF800  }
0x56: {  	_ =	swait.ge [sflag:s1], $0x800  }
0x57: {  	[sflag:s1] =	ssyncset.done $0x0  }
0x58: {  	[sflag:s1] =	ssyncadd.s32 $0xFFFFF800  }
0x59: {  	_ =	swait.ge [sflag:s1], $0x800  }
0x5a: {  	[sflag:s1] =	ssyncset.done $0x0;
	s13 =	rddreg [dreg:$0xf]  }
0x5b: {  	[sflag:s1] =	ssyncadd.s32 $0xFFFFF800;
	p0 =	slt.s32 s13, $0x30FC;
	s7 =	smov.u32 s13  }
0x5c: {  	_ =	swait.ge [sflag:s1], $0x800;
	s7 =	simm.s32 @!p0 $0x30FC  }
0x5d: {  	[sflag:s1] =	ssyncset.done $0x0;
	s7 =	sshll.u32 s7, $0x4  }
0x5e: {  	[sflag:s1] =	ssyncadd.s32 $0xFFFFF800;
	s12 =	sadd.s32 s5, s7  }
0x5f: {  	[tilespmem:s15], [sflag:$0x5] =	stream.linear.gather [hbm4b:s12+s3], $0x200, $0x38;
	[tilespmem:$0x1D800] =	vst v63  }
0x60: {  	_ =	swait.ge [sflag:s14], $0x200  }
0x61: {  	[sflag:s14] =	ssyncset.done $0x0  }
0x62: {  	s7 =	sadd.s32 s6, s7;
	[sflag:s14] =	ssyncadd.s32 $0xFFFFFE00  }
0x63: {  	[tilespmem:s16], [sflag:$0x5] =	stream.linear.gather [hbm4b:s7+s3], $0x200, $0x38;
	[tilespmem:$0x1D800] =	vst v63  }
0x64: {  	_ =	swait.ge [sflag:s14], $0x200  }
0x65: {  	[sflag:s14] =	ssyncset.done $0x0  }
0x66: {  	[sflag:s14] =	ssyncadd.s32 $0xFFFFFE00  }
0x67: {  	[tilespmem:s18], [sflag:$0x1] =	stream.indirect.gather [hbm4b:s10+s17], $0x10, s15, s17, $0xb8;
	[tilespmem:$0x1D800] =	vst v63  }
0x68: {  	_ = 	snop  }
0x69: {  	[tilespmem:s20], [sflag:$0x1] =	stream.indirect.gather [hbm4b:s10+s17], $0x10, s19, s17, $0xb8;
	[tilespmem:$0x1D800] =	vst v63  }
0x6a: {  	_ = 	snop  }
0x6b: {  	[tilespmem:s22], [sflag:$0x1] =	stream.indirect.gather [hbm4b:s10+s17], $0x10, s21, s17, $0xb8;
	[tilespmem:$0x1D800] =	vst v63  }
0x6c: {  	_ = 	snop  }
0x6d: {  	[tilespmem:s25], [sflag:$0x1] =	stream.indirect.gather [hbm4b:s10+s17], $0x10, s23, s17, $0xb8;
	[tilespmem:$0x1D800] =	vst v63  }
0x6e: {  	_ =	swait.ge [sflag:s11], $0x800  }
0x6f: {  	[sflag:s11] =	ssyncset.done $0x0  }
0x70: {  	[sflag:s11] =	ssyncadd.s32 $0xFFFFF800  }
0x71: {  	_ =	swait.ge [sflag:s11], $0x800  }
0x72: {  	[sflag:s11] =	ssyncset.done $0x0  }
0x73: {  	[sflag:s11] =	ssyncadd.s32 $0xFFFFF800  }
0x74: {  	_ =	swait.ge [sflag:s11], $0x800  }
0x75: {  	[sflag:s11] =	ssyncset.done $0x0  }
0x76: {  	[sflag:s11] =	ssyncadd.s32 $0xFFFFF800  }
0x77: {  	_ =	swait.ge [sflag:s11], $0x800  }
0x78: {  	[sflag:s11] =	ssyncset.done $0x0  }
0x79: {  	[sflag:s11] =	ssyncadd.s32 $0xFFFFF800  }
0x7a: {  	[spmem:s2] =	stream.indirect.scatter.add.f32 [tilespmem:s29], [sflag:$0x4], $0x10, s28, s17, $0xb8;
	[tilespmem:$0x1D800] =	vst v63  }
0x7b: {  	s19 =	rddreg [dreg:$0xa]  }
0x7c: {  	[spmem:s2] =	stream.indirect.scatter.add.f32 [tilespmem:s30], [sflag:$0x4], $0x10, s19, s17, $0xb8;
	[tilespmem:$0x1D800] =	vst v63  }
0x7d: {  	s21 =	rddreg [dreg:$0xb]  }
0x7e: {  	[spmem:s2] =	stream.indirect.scatter.add.f32 [tilespmem:s31], [sflag:$0x4], $0x10, s21, s17, $0xb8;
	[tilespmem:$0x1D800] =	vst v63  }
0x7f: {  	s23 =	rddreg [dreg:$0xc]  }
0x80: {  	[spmem:s2] =	stream.indirect.scatter.add.f32 [tilespmem:s0], [sflag:$0x4], $0x10, s23, s17, $0xb8;
	[tilespmem:$0x1D800] =	vst v63  }
0x81: {  	_ =	swait.ge [sflag:s24], $0x800  }
0x82: {  	[sflag:s24] =	ssyncset.done $0x0  }
0x83: {  	[sflag:s24] =	ssyncadd.s32 $0xFFFFF800  }
0x84: {  	_ =	swait.ge [sflag:s24], $0x800  }
0x85: {  	[sflag:s24] =	ssyncset.done $0x0  }
0x86: {  	[sflag:s24] =	ssyncadd.s32 $0xFFFFF800  }
0x87: {  	_ =	swait.ge [sflag:s24], $0x800  }
0x88: {  	[sflag:s24] =	ssyncset.done $0x0  }
0x89: {  	[sflag:s24] =	ssyncadd.s32 $0xFFFFF800  }
0x8a: {  	s13 =	sadd.s32 $0x8, s13;
	_ =	swait.ge [sflag:s24], $0x800  }
0x8b: {  	s12 =	simm.s32 $0xC0;
	s7 =	simm.s32 $0x140;
	[sflag:s24] =	ssyncset.done $0x0  }
.LBB2_2:
0x8c: {  	s21 =	sadd.s32 s12, s8;
	[sflag:s24] =	ssyncadd.s32 $0xFFFFF800  }
0x8d: {  	[tilespmem:s26], [sflag:$0x5] =	stream.linear.gather [hbm4b:s21+s3], $0x200, $0x38;
	[tilespmem:$0x1D800] =	vst v63  }
0x8e: {  	_ =	swait.ge [sflag:s14], $0x200  }
0x8f: {  	[sflag:s14] =	ssyncset.done $0x0  }
0x90: {  	s21 =	sadd.s32 s12, s9;
	[sflag:s14] =	ssyncadd.s32 $0xFFFFFE00  }
0x91: {  	[tilespmem:s28], [sflag:$0x5] =	stream.linear.gather [hbm4b:s21+s3], $0x200, $0x38;
	[tilespmem:$0x1D800] =	vst v63  }
0x92: {  	_ =	swait.ge [sflag:s14], $0x200  }
0x93: {  	[sflag:s14] =	ssyncset.done $0x0  }
0x94: {  	s23 =	smov.u32 s7;
	[sflag:s14] =	ssyncadd.s32 $0xFFFFFE00  }
0x95: {  	[tilespmem:s29], [sflag:$0x2] =	stream.indirect.gather [hbm4b:s10+s17], $0x10, s26, s17, $0xb8;
	[tilespmem:$0x1D800] =	vst v63  }
0x96: {  	s12 =	smov.u32 s23;
	s23 =	rddreg [dreg:$0x4]  }
0x97: {  	[tilespmem:s30], [sflag:$0x2] =	stream.indirect.gather [hbm4b:s10+s17], $0x10, s23, s17, $0xb8;
	[tilespmem:$0x1D800] =	vst v63  }
0x98: {  	s21 =	rddreg [dreg:$0x5]  }
0x99: {  	[tilespmem:s31], [sflag:$0x2] =	stream.indirect.gather [hbm4b:s10+s17], $0x10, s21, s17, $0xb8;
	[tilespmem:$0x1D800] =	vst v63  }
0x9a: {  	s23 =	rddreg [dreg:$0x6]  }
0x9b: {  	[tilespmem:s0], [sflag:$0x2] =	stream.indirect.gather [hbm4b:s10+s17], $0x10, s23, s17, $0xb8;
	[tilespmem:$0x1D800] =	vst v63  }
0x9c: {  	_ =	swait.ge [sflag:s4], $0x800  }
0x9d: {  	[sflag:s4] =	ssyncset.done $0x0  }
0x9e: {  	[sflag:s4] =	ssyncadd.s32 $0xFFFFF800  }
0x9f: {  	_ =	swait.ge [sflag:s4], $0x800  }
0xa0: {  	[sflag:s4] =	ssyncset.done $0x0  }
0xa1: {  	[sflag:s4] =	ssyncadd.s32 $0xFFFFF800  }
0xa2: {  	_ =	swait.ge [sflag:s4], $0x800  }
0xa3: {  	[sflag:s4] =	ssyncset.done $0x0  }
0xa4: {  	[sflag:s4] =	ssyncadd.s32 $0xFFFFF800  }
0xa5: {  	_ =	swait.ge [sflag:s4], $0x800  }
0xa6: {  	[sflag:s4] =	ssyncset.done $0x0  }
0xa7: {  	[sflag:s4] =	ssyncadd.s32 $0xFFFFF800  }
0xa8: {  	[spmem:s2] =	stream.indirect.scatter.add.f32 [tilespmem:s18], [sflag:$0x3], $0x10, s16, s17, $0xb8;
	[tilespmem:$0x1D800] =	vst v63  }
0xa9: {  	s23 =	rddreg [dreg:$0x7]  }
0xaa: {  	[spmem:s2] =	stream.indirect.scatter.add.f32 [tilespmem:s20], [sflag:$0x3], $0x10, s23, s17, $0xb8;
	[tilespmem:$0x1D800] =	vst v63  }
0xab: {  	s21 =	rddreg [dreg:$0x8]  }
0xac: {  	[spmem:s2] =	stream.indirect.scatter.add.f32 [tilespmem:s22], [sflag:$0x3], $0x10, s21, s17, $0xb8;
	[tilespmem:$0x1D800] =	vst v63  }
0xad: {  	s23 =	rddreg [dreg:$0x9]  }
0xae: {  	[spmem:s2] =	stream.indirect.scatter.add.f32 [tilespmem:s25], [sflag:$0x3], $0x10, s23, s17, $0xb8;
	[tilespmem:$0x1D800] =	vst v63  }
0xaf: {  	_ =	swait.ge [sflag:s1], $0x800  }
0xb0: {  	[sflag:s1] =	ssyncset.done $0x0  }
0xb1: {  	[sflag:s1] =	ssyncadd.s32 $0xFFFFF800  }
0xb2: {  	_ =	swait.ge [sflag:s1], $0x800  }
0xb3: {  	[sflag:s1] =	ssyncset.done $0x0  }
0xb4: {  	[sflag:s1] =	ssyncadd.s32 $0xFFFFF800  }
0xb5: {  	_ =	swait.ge [sflag:s1], $0x800  }
0xb6: {  	s19 =	sadd.s32 $0x80, s7;
	p0 =	sne.s32 s7, $0x30C0;
	[sflag:s1] =	ssyncset.done $0x0  }
0xb7: {  	p1 =	slt.s32 s13, $0x30FC;
	s7 =	smov.u32 s13;
	[sflag:s1] =	ssyncadd.s32 $0xFFFFF800  }
0xb8: {  	s7 =	simm.s32 @!p1 $0x30FC;
	_ =	swait.ge [sflag:s1], $0x800  }
0xb9: {  	s7 =	sshll.u32 s7, $0x4;
	[sflag:s1] =	ssyncset.done $0x0  }
0xba: {  	s23 =	sadd.s32 s5, s7;
	[sflag:s1] =	ssyncadd.s32 $0xFFFFF800  }
0xbb: {  	[tilespmem:s15], [sflag:$0x5] =	stream.linear.gather [hbm4b:s23+s3], $0x200, $0x38;
	[tilespmem:$0x1D800] =	vst v63  }
0xbc: {  	_ =	swait.ge [sflag:s14], $0x200  }
0xbd: {  	[sflag:s14] =	ssyncset.done $0x0  }
0xbe: {  	s7 =	sadd.s32 s6, s7;
	[sflag:s14] =	ssyncadd.s32 $0xFFFFFE00  }
0xbf: {  	[tilespmem:s16], [sflag:$0x5] =	stream.linear.gather [hbm4b:s7+s3], $0x200, $0x38;
	[tilespmem:$0x1D800] =	vst v63  }
0xc0: {  	_ =	swait.ge [sflag:s14], $0x200  }
0xc1: {  	[sflag:s14] =	ssyncset.done $0x0  }
0xc2: {  	[sflag:s14] =	ssyncadd.s32 $0xFFFFFE00  }
0xc3: {  	[tilespmem:s18], [sflag:$0x1] =	stream.indirect.gather [hbm4b:s10+s17], $0x10, s15, s17, $0xb8;
	[tilespmem:$0x1D800] =	vst v63  }
0xc4: {  	s21 =	simm.s32 $0x1D080  }
0xc5: {  	[tilespmem:s20], [sflag:$0x1] =	stream.indirect.gather [hbm4b:s10+s17], $0x10, s21, s17, $0xb8;
	[tilespmem:$0x1D800] =	vst v63  }
0xc6: {  	s23 =	simm.s32 $0x1D100  }
0xc7: {  	[tilespmem:s22], [sflag:$0x1] =	stream.indirect.gather [hbm4b:s10+s17], $0x10, s23, s17, $0xb8;
	[tilespmem:$0x1D800] =	vst v63  }
0xc8: {  	s21 =	simm.s32 $0x1D180  }
0xc9: {  	[tilespmem:s25], [sflag:$0x1] =	stream.indirect.gather [hbm4b:s10+s17], $0x10, s21, s17, $0xb8;
	[tilespmem:$0x1D800] =	vst v63  }
0xca: {  	_ =	swait.ge [sflag:s11], $0x800  }
0xcb: {  	[sflag:s11] =	ssyncset.done $0x0  }
0xcc: {  	[sflag:s11] =	ssyncadd.s32 $0xFFFFF800  }
0xcd: {  	_ =	swait.ge [sflag:s11], $0x800  }
0xce: {  	[sflag:s11] =	ssyncset.done $0x0  }
0xcf: {  	[sflag:s11] =	ssyncadd.s32 $0xFFFFF800  }
0xd0: {  	_ =	swait.ge [sflag:s11], $0x800  }
0xd1: {  	[sflag:s11] =	ssyncset.done $0x0  }
0xd2: {  	[sflag:s11] =	ssyncadd.s32 $0xFFFFF800  }
0xd3: {  	_ =	swait.ge [sflag:s11], $0x800  }
0xd4: {  	[sflag:s11] =	ssyncset.done $0x0  }
0xd5: {  	[sflag:s11] =	ssyncadd.s32 $0xFFFFF800  }
0xd6: {  	[spmem:s2] =	stream.indirect.scatter.add.f32 [tilespmem:s29], [sflag:$0x4], $0x10, s28, s17, $0xb8;
	[tilespmem:$0x1D800] =	vst v63  }
0xd7: {  	s23 =	rddreg [dreg:$0xa]  }
0xd8: {  	[spmem:s2] =	stream.indirect.scatter.add.f32 [tilespmem:s30], [sflag:$0x4], $0x10, s23, s17, $0xb8;
	[tilespmem:$0x1D800] =	vst v63  }
0xd9: {  	s21 =	rddreg [dreg:$0xb]  }
0xda: {  	[spmem:s2] =	stream.indirect.scatter.add.f32 [tilespmem:s31], [sflag:$0x4], $0x10, s21, s17, $0xb8;
	[tilespmem:$0x1D800] =	vst v63  }
0xdb: {  	s23 =	rddreg [dreg:$0xc]  }
0xdc: {  	[spmem:s2] =	stream.indirect.scatter.add.f32 [tilespmem:s0], [sflag:$0x4], $0x10, s23, s17, $0xb8;
	[tilespmem:$0x1D800] =	vst v63  }
0xdd: {  	_ =	swait.ge [sflag:s24], $0x800  }
0xde: {  	[sflag:s24] =	ssyncset.done $0x0  }
0xdf: {  	[sflag:s24] =	ssyncadd.s32 $0xFFFFF800  }
0xe0: {  	_ =	swait.ge [sflag:s24], $0x800  }
0xe1: {  	[sflag:s24] =	ssyncset.done $0x0  }
0xe2: {  	[sflag:s24] =	ssyncadd.s32 $0xFFFFF800  }
.Ltmp0:
0xe3: {  	_ =	swait.ge [sflag:s24], $0x800;
	(pc) =	sbr.rel @p0 .LBB2_2-.Ltmp0, $4  }
0xe4: {  	[sflag:s24] =	ssyncset.done $0x0  }
0xe5: {  	[sflag:s24] =	ssyncadd.s32 $0xFFFFF800  }
0xe6: {  	_ =	swait.ge [sflag:s24], $0x800  }
0xe7: {  	s13 =	sadd.s32 $0x8, s13;
	s7 =	smov.u32 s19;
	[sflag:s24] =	ssyncset.done $0x0  }
0xe8: {  	s7 =	sadd.s32 s12, s8;
	[sflag:s24] =	ssyncadd.s32 $0xFFFFF800  }
0xe9: {  	[tilespmem:s26], [sflag:$0x5] =	stream.linear.gather [hbm4b:s7+s3], $0x200, $0x38;
	[tilespmem:$0x1D800] =	vst v63  }
0xea: {  	_ =	swait.ge [sflag:s14], $0x200  }
0xeb: {  	[sflag:s14] =	ssyncset.done $0x0  }
0xec: {  	s12 =	sadd.s32 s12, s9;
	[sflag:s14] =	ssyncadd.s32 $0xFFFFFE00  }
0xed: {  	[tilespmem:s28], [sflag:$0x5] =	stream.linear.gather [hbm4b:s12+s3], $0x200, $0x38;
	[tilespmem:$0x1D800] =	vst v63  }
0xee: {  	_ =	swait.ge [sflag:s14], $0x200  }
0xef: {  	[sflag:s14] =	ssyncset.done $0x0  }
0xf0: {  	[sflag:s14] =	ssyncadd.s32 $0xFFFFFE00  }
0xf1: {  	[tilespmem:s29], [sflag:$0x2] =	stream.indirect.gather [hbm4b:s10+s17], $0x10, s26, s17, $0xb8;
	[tilespmem:$0x1D800] =	vst v63  }
0xf2: {  	s19 =	rddreg [dreg:$0x4]  }
0xf3: {  	[tilespmem:s30], [sflag:$0x2] =	stream.indirect.gather [hbm4b:s10+s17], $0x10, s19, s17, $0xb8;
	[tilespmem:$0x1D800] =	vst v63  }
0xf4: {  	s21 =	rddreg [dreg:$0x5]  }
0xf5: {  	[tilespmem:s31], [sflag:$0x2] =	stream.indirect.gather [hbm4b:s10+s17], $0x10, s21, s17, $0xb8;
	[tilespmem:$0x1D800] =	vst v63  }
0xf6: {  	s23 =	rddreg [dreg:$0x6]  }
0xf7: {  	[tilespmem:s0], [sflag:$0x2] =	stream.indirect.gather [hbm4b:s10+s17], $0x10, s23, s17, $0xb8;
	[tilespmem:$0x1D800] =	vst v63  }
0xf8: {  	_ =	swait.ge [sflag:s4], $0x800  }
0xf9: {  	[sflag:s4] =	ssyncset.done $0x0  }
0xfa: {  	[sflag:s4] =	ssyncadd.s32 $0xFFFFF800  }
0xfb: {  	_ =	swait.ge [sflag:s4], $0x800  }
0xfc: {  	[sflag:s4] =	ssyncset.done $0x0  }
0xfd: {  	[sflag:s4] =	ssyncadd.s32 $0xFFFFF800  }
0xfe: {  	_ =	swait.ge [sflag:s4], $0x800  }
0xff: {  	[sflag:s4] =	ssyncset.done $0x0  }
0x100: {  	[sflag:s4] =	ssyncadd.s32 $0xFFFFF800  }
0x101: {  	_ =	swait.ge [sflag:s4], $0x800  }
0x102: {  	[sflag:s4] =	ssyncset.done $0x0  }
0x103: {  	[sflag:s4] =	ssyncadd.s32 $0xFFFFF800  }
0x104: {  	[spmem:s2] =	stream.indirect.scatter.add.f32 [tilespmem:s18], [sflag:$0x3], $0x10, s16, s17, $0xb8;
	[tilespmem:$0x1D800] =	vst v63  }
0x105: {  	s12 =	rddreg [dreg:$0x7]  }
0x106: {  	[spmem:s2] =	stream.indirect.scatter.add.f32 [tilespmem:s20], [sflag:$0x3], $0x10, s12, s17, $0xb8;
	[tilespmem:$0x1D800] =	vst v63  }
0x107: {  	s19 =	rddreg [dreg:$0x8]  }
0x108: {  	[spmem:s2] =	stream.indirect.scatter.add.f32 [tilespmem:s22], [sflag:$0x3], $0x10, s19, s17, $0xb8;
	[tilespmem:$0x1D800] =	vst v63  }
0x109: {  	s21 =	rddreg [dreg:$0x9]  }
0x10a: {  	[spmem:s2] =	stream.indirect.scatter.add.f32 [tilespmem:s25], [sflag:$0x3], $0x10, s21, s17, $0xb8;
	[tilespmem:$0x1D800] =	vst v63  }
0x10b: {  	_ =	swait.ge [sflag:s1], $0x800  }
0x10c: {  	[sflag:s1] =	ssyncset.done $0x0  }
0x10d: {  	[sflag:s1] =	ssyncadd.s32 $0xFFFFF800  }
0x10e: {  	_ =	swait.ge [sflag:s1], $0x800  }
0x10f: {  	[sflag:s1] =	ssyncset.done $0x0  }
0x110: {  	[sflag:s1] =	ssyncadd.s32 $0xFFFFF800  }
0x111: {  	_ =	swait.ge [sflag:s1], $0x800  }
0x112: {  	[sflag:s1] =	ssyncset.done $0x0  }
0x113: {  	p0 =	slt.s32 s13, $0x30FC;
	[sflag:s1] =	ssyncadd.s32 $0xFFFFF800  }
0x114: {  	s13 =	simm.s32 @!p0 $0x30FC;
	_ =	swait.ge [sflag:s1], $0x800  }
0x115: {  	s23 =	sshll.u32 s13, $0x4;
	[sflag:s1] =	ssyncset.done $0x0  }
0x116: {  	s13 =	sadd.s32 s5, s23;
	[sflag:s1] =	ssyncadd.s32 $0xFFFFF800  }
0x117: {  	[tilespmem:s15], [sflag:$0x5] =	stream.linear.gather [hbm4b:s13+s3], $0x200, $0x38;
	[tilespmem:$0x1D800] =	vst v63  }
0x118: {  	_ =	swait.ge [sflag:s14], $0x200  }
0x119: {  	[sflag:s14] =	ssyncset.done $0x0  }
0x11a: {  	s7 =	sadd.s32 s6, s23;
	[sflag:s14] =	ssyncadd.s32 $0xFFFFFE00  }
0x11b: {  	[tilespmem:s16], [sflag:$0x5] =	stream.linear.gather [hbm4b:s7+s3], $0x200, $0x38;
	[tilespmem:$0x1D800] =	vst v63  }
0x11c: {  	_ =	swait.ge [sflag:s14], $0x200  }
0x11d: {  	[sflag:s14] =	ssyncset.done $0x0  }
0x11e: {  	[sflag:s14] =	ssyncadd.s32 $0xFFFFFE00  }
0x11f: {  	[tilespmem:s18], [sflag:$0x1] =	stream.indirect.gather [hbm4b:s10+s17], $0x10, s15, s17, $0xb8;
	[tilespmem:$0x1D800] =	vst v63  }
0x120: {  	s19 =	simm.s32 $0x1D080  }
0x121: {  	[tilespmem:s20], [sflag:$0x1] =	stream.indirect.gather [hbm4b:s10+s17], $0x10, s19, s17, $0xb8;
	[tilespmem:$0x1D800] =	vst v63  }
0x122: {  	s21 =	simm.s32 $0x1D100  }
0x123: {  	[tilespmem:s22], [sflag:$0x1] =	stream.indirect.gather [hbm4b:s10+s17], $0x10, s21, s17, $0xb8;
	[tilespmem:$0x1D800] =	vst v63  }
0x124: {  	s23 =	simm.s32 $0x1D180  }
0x125: {  	[tilespmem:s25], [sflag:$0x1] =	stream.indirect.gather [hbm4b:s10+s17], $0x10, s23, s17, $0xb8;
	[tilespmem:$0x1D800] =	vst v63  }
0x126: {  	_ =	swait.ge [sflag:s11], $0x800  }
0x127: {  	[sflag:s11] =	ssyncset.done $0x0  }
0x128: {  	[sflag:s11] =	ssyncadd.s32 $0xFFFFF800  }
0x129: {  	_ =	swait.ge [sflag:s11], $0x800  }
0x12a: {  	[sflag:s11] =	ssyncset.done $0x0  }
0x12b: {  	[sflag:s11] =	ssyncadd.s32 $0xFFFFF800  }
0x12c: {  	_ =	swait.ge [sflag:s11], $0x800  }
0x12d: {  	[sflag:s11] =	ssyncset.done $0x0  }
0x12e: {  	[sflag:s11] =	ssyncadd.s32 $0xFFFFF800  }
0x12f: {  	_ =	swait.ge [sflag:s11], $0x800  }
0x130: {  	[sflag:s11] =	ssyncset.done $0x0  }
0x131: {  	[sflag:s11] =	ssyncadd.s32 $0xFFFFF800  }
0x132: {  	[spmem:s2] =	stream.indirect.scatter.add.f32 [tilespmem:s29], [sflag:$0x4], $0x10, s28, s17, $0xb8;
	[tilespmem:$0x1D800] =	vst v63  }
0x133: {  	s12 =	rddreg [dreg:$0xa]  }
0x134: {  	[spmem:s2] =	stream.indirect.scatter.add.f32 [tilespmem:s30], [sflag:$0x4], $0x10, s12, s17, $0xb8;
	[tilespmem:$0x1D800] =	vst v63  }
0x135: {  	s13 =	rddreg [dreg:$0xb]  }
0x136: {  	[spmem:s2] =	stream.indirect.scatter.add.f32 [tilespmem:s31], [sflag:$0x4], $0x10, s13, s17, $0xb8;
	[tilespmem:$0x1D800] =	vst v63  }
0x137: {  	s19 =	rddreg [dreg:$0xc]  }
0x138: {  	[spmem:s2] =	stream.indirect.scatter.add.f32 [tilespmem:s0], [sflag:$0x4], $0x10, s19, s17, $0xb8;
	[tilespmem:$0x1D800] =	vst v63  }
0x139: {  	_ =	swait.ge [sflag:s24], $0x800  }
0x13a: {  	[sflag:s24] =	ssyncset.done $0x0  }
0x13b: {  	[sflag:s24] =	ssyncadd.s32 $0xFFFFF800  }
0x13c: {  	_ =	swait.ge [sflag:s24], $0x800  }
0x13d: {  	[sflag:s24] =	ssyncset.done $0x0  }
0x13e: {  	[sflag:s24] =	ssyncadd.s32 $0xFFFFF800  }
0x13f: {  	_ =	swait.ge [sflag:s24], $0x800  }
0x140: {  	[sflag:s24] =	ssyncset.done $0x0  }
0x141: {  	[sflag:s24] =	ssyncadd.s32 $0xFFFFF800  }
0x142: {  	_ =	swait.ge [sflag:s24], $0x800  }
0x143: {  	[sflag:s24] =	ssyncset.done $0x0  }
0x144: {  	[sflag:s24] =	ssyncadd.s32 $0xFFFFF800  }
0x145: {  	_ =	swait.ge [sflag:s4], $0x800  }
0x146: {  	[sflag:s4] =	ssyncset.done $0x0  }
0x147: {  	[sflag:s4] =	ssyncadd.s32 $0xFFFFF800  }
0x148: {  	_ =	swait.ge [sflag:s4], $0x800  }
0x149: {  	[sflag:s4] =	ssyncset.done $0x0  }
0x14a: {  	[sflag:s4] =	ssyncadd.s32 $0xFFFFF800  }
0x14b: {  	_ =	swait.ge [sflag:s4], $0x800  }
0x14c: {  	[sflag:s4] =	ssyncset.done $0x0  }
0x14d: {  	[sflag:s4] =	ssyncadd.s32 $0xFFFFF800  }
0x14e: {  	_ =	swait.ge [sflag:s4], $0x800  }
0x14f: {  	[sflag:s4] =	ssyncset.done $0x0  }
0x150: {  	[sflag:s4] =	ssyncadd.s32 $0xFFFFF800  }
0x151: {  	[bflag:$0x0] =	sbarrier.arrive $0xFFFF  }
0x152: {  	s12 =	rddreg [dreg:$0xd]  }
0x153: {  	s13 =	rddreg [dreg:$0x10]  }
0x154: {  	s21 =	rddreg [dreg:$0x11]  }
0x155: {  	[hbm:s21], [sflag:s12] =	dma.local [spmem:s13], $0x3200  }
0x156: {  	_ =	swait.ge [sflag:s14], $0x3200  }
0x157: {  	s19 =	rddreg [dreg:$0x12]  }
0x158: {  	s23 =	rddreg [dreg:$0xe];
	s19 =	sadd.s32 $0x1, s19  }
0x159: {  	p0 =	sne.s32 s19, s23  }
.Ltmp1:
0x15a: {  	_ = 	snop;
	(pc) =	sbr.rel @p0 .LBB2_1-.Ltmp1, $3  }
0x15b: {  	_ =	sdelay $0x1  }
0x15c: {  	[sflag:s14] =	ssyncset.done $0x0  }
0x15d: {  	[sflag:s14] =	ssyncadd.s32 $0xFFFFCE00  }
0x15e: {  	_ =	sfence.sel $0x180000  }
0x15f: {  	[bflag:$0x0] =	sbarrier.arrive $0xFFFF  }
0x160: {  	_ =	strace $0x9000004A  }
0x161: {  	s0 =	stileid.u32;
	[bflag:$0x2] =	sbarrier.arrive $0xFFFF  }
0x162: {  	p0 =	sne.s32 s0, $0x0;
	s0 =	rddreg [dreg:$0x3]  }
0x163: {  	s0 =	sadd.s32 @!p0 $0x100000, s0  }
0x164: {  	[sflag:s0] =	ssyncadd.tile.s32 @!p0 $0x1;
	_ =	shalt  }
.Lfunc_end2:
_tile_overlayer_lowered:
.L_overlay_start_2:
0x165: {  	(tag) =	ssettag $0x2  }
0x166: {  	s0 =	rddreg [dreg:$0x0];
	s2 =	stileid.u32  }
0x167: {  	s1 =	rddreg [dreg:$0x1];
	p0 =	sne.s32 s2, $0x0  }
0x168: {  	s3 =	rddreg [dreg:$0x2];
	[bflag:$0x3] =	sbarrier.arrive $0xFFFF;
	s2 =	simm.s32 @!p0 $0x1C05  }
0x169: {  	[timem:s3], [sflag:s2] =	dma.local @!p0 [hbm:s0], s1  }
0x16a: {  	s0 =	simm.s32 @!p0 $0x5  }
0x16b: {  	_ =	swait.ge @!p0 [sflag:s0], s1  }
0x16c: {  	s1 =	ssub.s32 @!p0 $0x0, s1;
	[sflag:s0] =	ssyncset.done @!p0 $0x0  }
0x16d: {  	[sflag:s0] =	ssyncadd.s32 @!p0 s1  }
0x16e: {  	[bflag:$0x3] =	sbarrier.arrive $0xFFFF  }
0x16f: {  	_ =	shalt  }

// kernel: kernel.16.cloned.1.call-start
scs
__scs_entry_jumppad:
0x0: {  	(pc) =	sbr.rel $0x88, $3  }
0x1: {  	(tag) =	ssettag $0x0;
	lr =	simm.s32 $0x1  }
0x2: {  	[smem:$0x3F98] =	sst lr;
	_ =	strace $0xD0000000  }
0x3: {  	_ = 	snop  }
0x4: {  	_ = 	snop  }
0x5: {  	_ = 	snop  }
0x6: {  	_ = 	snop  }
0x7: {  	_ = 	snop  }
__scs_overlays_trampoline_lowered:
0x8: {  	[smem:$0x3FA7] =	sst s0  }
0x9: {  	[smem:$0x3FA8] =	sst s1  }
0xa: {  	[smem:$0x3FA9] =	sst s2  }
0xb: {  	[smem:$0x3FAA] =	sst s3  }
0xc: {  	[smem:$0x3FAB] =	sst s4  }
0xd: {  	[smem:$0x3FAC] =	sst s5  }
0xe: {  	[smem:$0x3FAD] =	sst s6  }
0xf: {  	[smem:$0x3FAE] =	sst s7  }
0x10: {  	[smem:$0x3FAF] =	sst s8  }
0x11: {  	[smem:$0x3FB0] =	sst s9;
	s0 =	simm.s32 @!p0 $0x0  }
0x12: {  	s1 =	sld [smem:$0x3F96];
	s0 =	simm.s32 @p0 $0x1  }
0x13: {  	[smem:$0x3FB1] =	sst s0;
	s0 =	simm.s32 @!p1 $0x0  }
0x14: {  	s2 =	sld [smem:$0x3F95];
	s0 =	simm.s32 @p1 $0x1  }
0x15: {  	[smem:$0x3FB2] =	sst s0;
	s0 =	simm.s32 @!p2 $0x0  }
0x16: {  	s3 =	sld [smem:$0x3FDB];
	s0 =	simm.s32 @p2 $0x1  }
0x17: {  	s4 =	simm.s32 $0x1BF5;
	[smem:$0x3FB4] =	sst s0  }
0x18: {  	s0 =	sld [smem:$0x3F97];
	_ =	swait.ge [sflag:s4], $0x0  }
0x19: {  	s7 =	sld [smem:$0x3F98]  }
0x1a: {  	s8 =	sadd.s32 $0xFFFFE003, lr  }
0x1b: {  	s9 =	sadd.s32 $0xFFFFFEF7, lr;
	s5 =	simm.s32 $0xFFFFFFFF;
	p2 =	slt.u32 s8, $0xFFFFF086  }
0x1c: {  	p1 =	slt.u32 s9, $0xF7A;
	s5 =	simm.s32 @!p2 $0x0  }
0x1d: {  	s5 =	simm.s32 @p1 $0x1;
	p0 =	seq.s32 s7, s2  }
0x1e: {  	s7 =	smul.u32 @!p0 $0xF7A, s2;
	p2 =	seq.s32 @!p0 s5, $0x0  }
0x1f: {  	s9 =	smul.u32 $0xF7A, s1;
	s8 =	simm.s32 @!p0 $0x1BF5;
	p2 =	por !p2, p0  }
0x20: {  	[sflag:s8] =	ssyncset.s32 @!p0 $0xFFFFF086;
	s6 =	sadd.s32 @!p0 s3, s7;
	s7 =	simm.s32 @!p0 $0x108  }
0x21: {  	s3 =	sadd.s32 s3, s9;
	s6 =	sadd.s32 @!p0 $0x88, s6;
	s7 =	simm.s32 @p2 $0x1082  }
0x22: {  	[simem:s7], [sflag:s8] =	dma.local @!p0 [hbm:s6], $0xF7A  }
0x23: {  	s9 =	sor.u32 $0xD0000000, s2;
	s6 =	simm.s32 $0x108;
	_ =	swait.ge @!p0 [sflag:s8], $0x0  }
0x24: {  	s3 =	sadd.s32 $0x88, s3;
	s6 =	simm.s32 @!p1 $0x1082;
	[sflag:s4] =	ssyncset.s32 $0xFFFFF086  }
0x25: {  	[simem:s6], [sflag:s4] =	dma.local [hbm:s3], $0xF7A  }
0x26: {  	[smem:$0x3F98] =	sst s1;
	(tag) =	ssettag s2;
	_ =	strace s9  }
0x27: {  	s1 =	sld [smem:$0x3FA8]  }
0x28: {  	s2 =	sld [smem:$0x3FA9]  }
0x29: {  	s4 =	sld [smem:$0x3FAB]  }
0x2a: {  	p0 =	seq.s32 s5, $0x0;
	s5 =	sld [smem:$0x3FAC]  }
0x2b: {  	s6 =	sld [smem:$0x3FAD]  }
0x2c: {  	s7 =	sld [smem:$0x3FAE]  }
0x2d: {  	s3 =	simm.s32 $0x108;
	s8 =	sld [smem:$0x3FAF]  }
0x2e: {  	s3 =	simm.s32 @!p0 $0x1082;
	s9 =	sld [smem:$0x3FB0]  }
0x2f: {  	lr =	sadd.s32 s0, s3;
	s0 =	sld [smem:$0x3FA7]  }
0x30: {  	s3 =	sld [smem:$0x3FAA]  }
0x31: {  	[smem:$0x3FB3] =	sst s10  }
0x32: {  	s10 =	sld [smem:$0x3FB1];
	_ =	sdelay $0x3  }
0x33: {  	p0 =	seq.s32 s10, $0x1;
	s10 =	sld [smem:$0x3FB3];
	_ =	sdelay $0x3  }
0x34: {  	[smem:$0x3FB3] =	sst s10  }
0x35: {  	s10 =	sld [smem:$0x3FB2];
	_ =	sdelay $0x3  }
0x36: {  	p1 =	seq.s32 s10, $0x1;
	s10 =	sld [smem:$0x3FB3];
	_ =	sdelay $0x3  }
0x37: {  	[smem:$0x3FB3] =	sst s10  }
0x38: {  	s10 =	sld [smem:$0x3FB4]  }
0x39: {  	_ = 	snop;
	(pc) =	sbr.ind lr, $3  }
0x3a: {  	_ = 	snop  }
0x3b: {  	_ = 	snop  }
0x3c: {  	p2 =	seq.s32 s10, $0x1;
	s10 =	sld [smem:$0x3FB3]  }
0x3d: {  	_ =	shalt  }
0x3e: {  	_ =	shalt  }
0x3f: {  	_ =	shalt  }
0x40: {  	_ =	shalt  }
0x41: {  	_ =	shalt  }
0x42: {  	_ =	shalt  }
0x43: {  	_ =	shalt  }
0x44: {  	_ =	shalt  }
0x45: {  	_ =	shalt  }
0x46: {  	_ =	shalt  }
0x47: {  	_ =	shalt  }
0x48: {  	_ =	shalt  }
0x49: {  	_ =	shalt  }
0x4a: {  	_ =	shalt  }
0x4b: {  	_ =	shalt  }
0x4c: {  	_ =	shalt  }
0x4d: {  	_ =	shalt  }
0x4e: {  	_ =	shalt  }
0x4f: {  	_ =	shalt  }
0x50: {  	_ =	shalt  }
0x51: {  	_ =	shalt  }
0x52: {  	_ =	shalt  }
0x53: {  	_ =	shalt  }
0x54: {  	_ =	shalt  }
0x55: {  	_ =	shalt  }
0x56: {  	_ =	shalt  }
0x57: {  	_ =	shalt  }
0x58: {  	_ =	shalt  }
0x59: {  	_ =	shalt  }
0x5a: {  	_ =	shalt  }
0x5b: {  	_ =	shalt  }
0x5c: {  	_ =	shalt  }
0x5d: {  	_ =	shalt  }
0x5e: {  	_ =	shalt  }
0x5f: {  	_ =	shalt  }
0x60: {  	_ =	shalt  }
0x61: {  	_ =	shalt  }
0x62: {  	_ =	shalt  }
0x63: {  	_ =	shalt  }
0x64: {  	_ =	shalt  }
0x65: {  	_ =	shalt  }
0x66: {  	_ =	shalt  }
0x67: {  	_ =	shalt  }
0x68: {  	_ =	shalt  }
0x69: {  	_ =	shalt  }
0x6a: {  	_ =	shalt  }
0x6b: {  	_ =	shalt  }
0x6c: {  	_ =	shalt  }
0x6d: {  	_ =	shalt  }
0x6e: {  	_ =	shalt  }
0x6f: {  	_ =	shalt  }
0x70: {  	_ =	shalt  }
0x71: {  	_ =	shalt  }
0x72: {  	_ =	shalt  }
0x73: {  	_ =	shalt  }
0x74: {  	_ =	shalt  }
0x75: {  	_ =	shalt  }
0x76: {  	_ =	shalt  }
0x77: {  	_ =	shalt  }
0x78: {  	_ =	shalt  }
0x79: {  	_ =	shalt  }
0x7a: {  	_ =	shalt  }
0x7b: {  	_ =	shalt  }
0x7c: {  	_ =	shalt  }
0x7d: {  	_ =	shalt  }
0x7e: {  	_ =	shalt  }
0x7f: {  	_ =	shalt  }
0x80: {  	_ =	shalt  }
0x81: {  	_ =	shalt  }
0x82: {  	_ =	shalt  }
0x83: {  	_ =	shalt  }
0x84: {  	_ =	shalt  }
0x85: {  	_ =	shalt  }
0x86: {  	_ =	shalt  }
0x87: {  	_ =	shalt  }
.Lfunc_end0:
.L_simem_size_0:
called_computation.2_lowered:
.L_overlay_start_0:
0x88: {  	s2 =	sld [smem:$0x3FD9]  }
0x89: {  	s3 =	sld [smem:$0x3FFE];
	_ =	sdelay $0x1  }
0x8a: {  	s1 =	srdreg.scid  }
0x8b: {  	s0 =	sand.u32 $0x1, s1  }
0x8c: {  	s17 =	sshll.u32 s0, $0xA;
	s2 =	sadd.s32 s3, s2  }
0x8d: {  	s2 =	sadd.s32 s2, s17  }
0x8e: {  	[smem:$0x3FBF] =	sst s2  }
0x8f: {  	_ = 	snop  }
0x90: {  	s2 =	sld [smem:$0x3FD0];
	(tm) =	ssettm $0x1  }
0x91: {  	s18 =	sld [smem:$0x3FFB];
	_ =	sdelay $0x3  }
0x92: {  	_ =	strace s18  }
0x93: {  	s3 =	sld [smem:$0x3FFC];
	_ =	sdelay $0x3  }
0x94: {  	_ =	strace s3  }
0x95: {  	s3 =	sld [smem:$0x3FFD];
	_ =	sdelay $0x3  }
0x96: {  	_ =	strace s3  }
0x97: {  	_ =	strace $0x8FFFFFFF  }
0x98: {  	s19 =	sld [smem:$0x3FDB];
	_ =	sdelay $0x1  }
0x99: {  	s4 =	simm.s32 $_scs_section_size  }
0x9a: {  	s5 =	simm.s32 $_size__tile_overlayer_lowered;
	s6 =	simm.s32 $_tile_overlayer_lowered  }
0x9b: {  	s22 =	simm.s32 $0x1BFF;
	s21 =	sshll.u32 s6, $0x1;
	s3 =	sadd.s32 s4, s19  }
0x9c: {  	s7 =	simm.s32 $0x0;
	s20 =	sshll.u32 s5, $0x1;
	s5 =	sadd.s32 s21, s3  }
0x9d: {  	[timem:s7], [sflag:s22] =	dma.local [hbm:s5], s20  }
0x9e: {  	_ =	swait.ge [sflag:s22], s20  }
0x9f: {  	s4 =	ssub.s32 $0x0, s20;
	[sflag:s22] =	ssyncset.done $0x0  }
0xa0: {  	[sflag:s22] =	ssyncadd.s32 s4;
	_ =	sdelay $0x1  }
0xa1: {  	s23 =	simm.s32 $0x1B8B  }
0xa2: {  	_ =	swait.ge [sflag:s23], $0x1  }
0xa3: {  	[sflag:s23] =	ssyncset.done $0x0  }
0xa4: {  	s25 =	simm.s32 $0x1B8E;
	s24 =	sld [smem:$0x3FFE];
	[sflag:s23] =	ssyncadd.s32 $0xFFFFFFFF  }
0xa5: {  	s26 =	simm.s32 $execute0_lowered;
	[smem:$0x3FD2] =	sst s25  }
0xa6: {  	s5 =	sshll.u32 s26, $0x1;
	_ =	strace $0x8000004C;
	[dreg:$0x1] =	wrdreg $0xFFFFFFFF  }
0xa7: {  	s28 =	simm.s32 $_size_execute0_lowered;
	s3 =	sadd.s32 s3, s5;
	[dreg:$0x0] =	wrdreg $0x0  }
0xa8: {  	s5 =	sshll.u32 s28, $0x1;
	[dreg:$0x2] =	wrdreg s3  }
0xa9: {  	[dreg:$0x3] =	wrdreg s5  }
0xaa: {  	[dreg:$0x4] =	wrdreg $0xC0  }
0xab: {  	_ =	task [dreg:s7], $0x5FFFF  }
0xac: {  	[dreg:$0x1] =	wrdreg $0xFFFFFFFF  }
0xad: {  	[dreg:$0x0] =	wrdreg $0x60  }
0xae: {  	[dreg:$0x2] =	wrdreg s24  }
0xaf: {  	[dreg:$0x3] =	wrdreg s2  }
0xb0: {  	[dreg:$0x4] =	wrdreg $0x0  }
0xb1: {  	[dreg:$0x5] =	wrdreg $0x9  }
0xb2: {  	_ =	task.clear_ibuf [dreg:s7], $0x6FFFF;
	_ =	strace $0x9000004C  }
0xb3: {  	s29 =	simm.s32 $0x9;
	_ =	strace $0x8000004E  }
0xb4: {  	_ =	swait.ge [sflag:s29], $0x1  }
0xb5: {  	[sflag:s29] =	ssyncadd.s32 $0xFFFFFFFF  }
0xb6: {  	_ =	strace $0x9000004E  }
0xb7: {  	_ =	sfence  }
0xb8: {  	s30 =	sld [smem:$0x0];
	_ =	sdelay $0x2  }
0xb9: {  	s31 =	sshll.u32 s1, $0xD;
	s1 =	sshrl.u32 s1, $0x2  }
0xba: {  	s3 =	sand.u32 $0x4000, s31;
	s1 =	sadd.s32 s1, s30  }
0xbb: {  	s0 =	sor.u32 s3, s0;
	s1 =	sshll.u32 s1, $0x11  }
0xbc: {  	s0 =	sor.u32 s1, s0  }
0xbd: {  	s0 =	sadd.s32 $0x8F2B, s0  }
0xbe: {  	[sflag:s0] =	ssyncadd.remote.s32 $0x1  }
0xbf: {  	_ =	sfence.sel $0xFFFF  }
0xc0: {  	[dreg:$0x0] =	wrdreg $0xFFFFFFFF;
	(pc) =	sbr.abs _section_cstart, $3  }
0xc1: {  	[dreg:$0x1] =	wrdreg $0xFFFFFFFF  }
0xc2: {  	_ =	task.clear_ibuf [dreg:s7], $0x2FFFF;
	_ =	strace $0x9FFFFFFF  }
0xc3: {  	(tm) =	ssettm $0x7FFFFFFF  }
tec
execute0_lowered:
.L_overlay_start_1:
0x0: {  	(tag) =	ssettag $0x1  }
0x1: {  	s0 =	rddreg [dreg:$0x0]  }
0x2: {  	s2 =	rddreg [dreg:$0x2];
	s3 =	simm.s32 $0x0  }
0x3: {  	s1 =	srdreg.scid;
	s10 =	stileid.u32;
	s14 =	simm.s32 $0x5  }
0x4: {  	s18 =	simm.s32 $0x1D280;
	s19 =	simm.s32 $0x1D300;
	s20 =	simm.s32 $0x1D380  }
0x5: {  	s21 =	simm.s32 $0x1D480;
	s22 =	simm.s32 $0x1D500;
	s23 =	simm.s32 $0x1D580  }
0x6: {  	s24 =	simm.s32 $0x1D680;
	s25 =	simm.s32 $0x1D700;
	s26 =	simm.s32 $0x1D780  }
0x7: {  	s28 =	simm.s32 $0x1D600;
	s29 =	simm.s32 $0x1B000;
	[smem:$0x7FF] =	sst s3  }
0x8: {  	s30 =	simm.s32 $0x1B800;
	_ =	strace $0x8000004D;
	[dreg:$0x4] =	wrdreg s18  }
0x9: {  	s31 =	simm.s32 $0x1C000;
	s1 =	sand.u32 $0x1, s1;
	[dreg:$0x5] =	wrdreg s19  }
0xa: {  	s5 =	sadd.s32 $0x2200, s0;
	s7 =	smul.u32 $0x19000, s10;
	[dreg:$0x6] =	wrdreg s20  }
0xb: {  	s6 =	sadd.s32 $0x33200, s0;
	s9 =	smul.u32 $0x3100, s10;
	[dreg:$0x7] =	wrdreg s21  }
0xc: {  	s8 =	sshll.u32 s10, $0x6;
	s11 =	smul.u32 $0x310, s10;
	[dreg:$0x8] =	wrdreg s22  }
0xd: {  	s4 =	smul.u32 $0x32000, s1;
	s1 =	ssub.s32 $0x2, s1;
	[dreg:$0x9] =	wrdreg s23  }
0xe: {  	s12 =	sor.u32 $0x1C05, s8;
	s18 =	simm.s32 $0x19000;
	[dreg:$0xa] =	wrdreg s24  }
0xf: {  	s20 =	simm.s32 $0x19800;
	s22 =	simm.s32 $0x1A000;
	[dreg:$0xb] =	wrdreg s25  }
0x10: {  	[dreg:$0xc] =	wrdreg s26;
	s25 =	simm.s32 $0x1A800;
	s26 =	simm.s32 $0x1D200  }
0x11: {  	s24 =	simm.s32 $0x4;
	s19 =	simm.s32 $0x0;
	s15 =	sshrl.u32 s1, $0x1  }
0x12: {  	s16 =	sadd.s32 s7, s2;
	s8 =	sadd.s32 s5, s9;
	s9 =	sadd.s32 s6, s9  }
0x13: {  	s7 =	sshrl.u32 s7, $0x3;
	s17 =	sor.u32 $0x8, s11;
	s11 =	simm.s32 $0x2  }
0x14: {  	[dreg:$0xd] =	wrdreg s12;
	s0 =	sadd.s32 s4, s0;
	s1 =	ssub.s32 s1, s15  }
0x15: {  	[dreg:$0xf] =	wrdreg s17;
	s13 =	sshrl.u32 s16, $0x3;
	s15 =	simm.s32 $0x1D000  }
0x16: {  	s16 =	simm.s32 $0x1D400;
	s17 =	simm.s32 $0x80;
	s10 =	sadd.s32 $0x12C200, s0  }
0x17: {  	s0 =	sadd.s32 $0xC8200, s0;
	s1 =	smax.u32 s1, $0x1;
	[dreg:$0x10] =	wrdreg s13  }
0x18: {  	s4 =	simm.s32 $0x1;
	[dreg:$0xe] =	wrdreg s1;
	s0 =	sadd.s32 s7, s0  }
0x19: {  	s1 =	simm.s32 $0x3;
	[dreg:$0x11] =	wrdreg s0;
	s0 =	simm.s32 $0x1C800  }
.LBB2_1:
0x1a: {  	[dreg:$0x12] =	wrdreg s19  }
0x1b: {  	s7 =	rddreg [dreg:$0x1]  }
0x1c: {  	[spmem:s13], [sflag:s12] =	dma.local [hbm:s7], $0x3200  }
0x1d: {  	_ =	swait.ge [sflag:s14], $0x3200  }
0x1e: {  	[sflag:s14] =	ssyncset.done $0x0  }
0x1f: {  	[sflag:s14] =	ssyncadd.s32 $0xFFFFCE00  }
0x20: {  	[bflag:$0x0] =	sbarrier.arrive $0xFFFF  }
0x21: {  	[tilespmem:s15], [sflag:$0x5] =	stream.linear.gather [hbm4b:s8+s3], $0x200, $0x38;
	[tilespmem:$0x1D800] =	vst v63  }
0x22: {  	_ =	swait.ge [sflag:s14], $0x200  }
0x23: {  	[sflag:s14] =	ssyncset.done $0x0  }
0x24: {  	[sflag:s14] =	ssyncadd.s32 $0xFFFFFE00  }
0x25: {  	[tilespmem:s16], [sflag:$0x5] =	stream.linear.gather [hbm4b:s9+s3], $0x200, $0x38;
	[tilespmem:$0x1D800] =	vst v63  }
0x26: {  	_ =	swait.ge [sflag:s14], $0x200  }
0x27: {  	[sflag:s14] =	ssyncset.done $0x0  }
0x28: {  	[sflag:s14] =	ssyncadd.s32 $0xFFFFFE00  }
0x29: {  	[tilespmem:s18], [sflag:$0x1] =	stream.indirect.gather [hbm4b:s10+s17], $0x10, s15, s17, $0xb8;
	[tilespmem:$0x1D800] =	vst v63  }
0x2a: {  	s19 =	simm.s32 $0x1D080  }
0x2b: {  	[tilespmem:s20], [sflag:$0x1] =	stream.indirect.gather [hbm4b:s10+s17], $0x10, s19, s17, $0xb8;
	[tilespmem:$0x1D800] =	vst v63  }
0x2c: {  	s21 =	simm.s32 $0x1D100  }
0x2d: {  	[tilespmem:s22], [sflag:$0x1] =	stream.indirect.gather [hbm4b:s10+s17], $0x10, s21, s17, $0xb8;
	[tilespmem:$0x1D800] =	vst v63  }
0x2e: {  	s23 =	simm.s32 $0x1D180  }
0x2f: {  	[tilespmem:s25], [sflag:$0x1] =	stream.indirect.gather [hbm4b:s10+s17], $0x10, s23, s17, $0xb8;
	[tilespmem:$0x1D800] =	vst v63  }
0x30: {  	s13 =	sadd.s32 $0x40, s8  }
0x31: {  	[tilespmem:s26], [sflag:$0x5] =	stream.linear.gather [hbm4b:s13+s3], $0x200, $0x38;
	[tilespmem:$0x1D800] =	vst v63  }
0x32: {  	_ =	swait.ge [sflag:s14], $0x200  }
0x33: {  	[sflag:s14] =	ssyncset.done $0x0  }
0x34: {  	s12 =	sadd.s32 $0x40, s9;
	[sflag:s14] =	ssyncadd.s32 $0xFFFFFE00  }
0x35: {  	[tilespmem:s28], [sflag:$0x5] =	stream.linear.gather [hbm4b:s12+s3], $0x200, $0x38;
	[tilespmem:$0x1D800] =	vst v63  }
0x36: {  	_ =	swait.ge [sflag:s14], $0x200  }
0x37: {  	[sflag:s14] =	ssyncset.done $0x0  }
0x38: {  	[sflag:s14] =	ssyncadd.s32 $0xFFFFFE00  }
0x39: {  	[tilespmem:s29], [sflag:$0x2] =	stream.indirect.gather [hbm4b:s10+s17], $0x10, s26, s17, $0xb8;
	[tilespmem:$0x1D800] =	vst v63  }
0x3a: {  	s13 =	rddreg [dreg:$0x4]  }
0x3b: {  	[tilespmem:s30], [sflag:$0x2] =	stream.indirect.gather [hbm4b:s10+s17], $0x10, s13, s17, $0xb8;
	[tilespmem:$0x1D800] =	vst v63  }
0x3c: {  	s12 =	rddreg [dreg:$0x5]  }
0x3d: {  	[tilespmem:s31], [sflag:$0x2] =	stream.indirect.gather [hbm4b:s10+s17], $0x10, s12, s17, $0xb8;
	[tilespmem:$0x1D800] =	vst v63  }
0x3e: {  	s13 =	rddreg [dreg:$0x6]  }
0x3f: {  	[tilespmem:s0], [sflag:$0x2] =	stream.indirect.gather [hbm4b:s10+s17], $0x10, s13, s17, $0xb8;
	[tilespmem:$0x1D800] =	vst v63  }
0x40: {  	_ =	swait.ge [sflag:s4], $0x800  }
0x41: {  	[sflag:s4] =	ssyncset.done $0x0  }
0x42: {  	[sflag:s4] =	ssyncadd.s32 $0xFFFFF800  }
0x43: {  	_ =	swait.ge [sflag:s4], $0x800  }
0x44: {  	[sflag:s4] =	ssyncset.done $0x0  }
0x45: {  	[sflag:s4] =	ssyncadd.s32 $0xFFFFF800  }
0x46: {  	_ =	swait.ge [sflag:s4], $0x800  }
0x47: {  	[sflag:s4] =	ssyncset.done $0x0  }
0x48: {  	[sflag:s4] =	ssyncadd.s32 $0xFFFFF800  }
0x49: {  	_ =	swait.ge [sflag:s4], $0x800  }
0x4a: {  	[sflag:s4] =	ssyncset.done $0x0  }
0x4b: {  	[sflag:s4] =	ssyncadd.s32 $0xFFFFF800  }
0x4c: {  	[spmem:s2] =	stream.indirect.scatter.add.f32 [tilespmem:s18], [sflag:$0x3], $0x10, s16, s17, $0xb8;
	[tilespmem:$0x1D800] =	vst v63  }
0x4d: {  	s13 =	rddreg [dreg:$0x7]  }
0x4e: {  	[spmem:s2] =	stream.indirect.scatter.add.f32 [tilespmem:s20], [sflag:$0x3], $0x10, s13, s17, $0xb8;
	[tilespmem:$0x1D800] =	vst v63  }
0x4f: {  	s12 =	rddreg [dreg:$0x8]  }
0x50: {  	[spmem:s2] =	stream.indirect.scatter.add.f32 [tilespmem:s22], [sflag:$0x3], $0x10, s12, s17, $0xb8;
	[tilespmem:$0x1D800] =	vst v63  }
0x51: {  	s13 =	rddreg [dreg:$0x9]  }
0x52: {  	[spmem:s2] =	stream.indirect.scatter.add.f32 [tilespmem:s25], [sflag:$0x3], $0x10, s13, s17, $0xb8;
	[tilespmem:$0x1D800] =	vst v63  }
0x53: {  	_ =	swait.ge [sflag:s1], $0x800  }
0x54: {  	[sflag:s1] =	ssyncset.done $0x0  }
0x55: {  	[sflag:s1] =	ssyncadd.s32 $0xFFFFF800  }
0x56: {  	_ =	swait.ge [sflag:s1], $0x800  }
0x57: {  	[sflag:s1] =	ssyncset.done $0x0  }
0x58: {  	[sflag:s1] =	ssyncadd.s32 $0xFFFFF800  }
0x59: {  	_ =	swait.ge [sflag:s1], $0x800  }
0x5a: {  	[sflag:s1] =	ssyncset.done $0x0;
	s13 =	rddreg [dreg:$0xf]  }
0x5b: {  	[sflag:s1] =	ssyncadd.s32 $0xFFFFF800;
	p0 =	slt.s32 s13, $0x30FC;
	s7 =	smov.u32 s13  }
0x5c: {  	_ =	swait.ge [sflag:s1], $0x800;
	s7 =	simm.s32 @!p0 $0x30FC  }
0x5d: {  	[sflag:s1] =	ssyncset.done $0x0;
	s7 =	sshll.u32 s7, $0x4  }
0x5e: {  	[sflag:s1] =	ssyncadd.s32 $0xFFFFF800;
	s12 =	sadd.s32 s5, s7  }
0x5f: {  	[tilespmem:s15], [sflag:$0x5] =	stream.linear.gather [hbm4b:s12+s3], $0x200, $0x38;
	[tilespmem:$0x1D800] =	vst v63  }
0x60: {  	_ =	swait.ge [sflag:s14], $0x200  }
0x61: {  	[sflag:s14] =	ssyncset.done $0x0  }
0x62: {  	s7 =	sadd.s32 s6, s7;
	[sflag:s14] =	ssyncadd.s32 $0xFFFFFE00  }
0x63: {  	[tilespmem:s16], [sflag:$0x5] =	stream.linear.gather [hbm4b:s7+s3], $0x200, $0x38;
	[tilespmem:$0x1D800] =	vst v63  }
0x64: {  	_ =	swait.ge [sflag:s14], $0x200  }
0x65: {  	[sflag:s14] =	ssyncset.done $0x0  }
0x66: {  	[sflag:s14] =	ssyncadd.s32 $0xFFFFFE00  }
0x67: {  	[tilespmem:s18], [sflag:$0x1] =	stream.indirect.gather [hbm4b:s10+s17], $0x10, s15, s17, $0xb8;
	[tilespmem:$0x1D800] =	vst v63  }
0x68: {  	_ = 	snop  }
0x69: {  	[tilespmem:s20], [sflag:$0x1] =	stream.indirect.gather [hbm4b:s10+s17], $0x10, s19, s17, $0xb8;
	[tilespmem:$0x1D800] =	vst v63  }
0x6a: {  	_ = 	snop  }
0x6b: {  	[tilespmem:s22], [sflag:$0x1] =	stream.indirect.gather [hbm4b:s10+s17], $0x10, s21, s17, $0xb8;
	[tilespmem:$0x1D800] =	vst v63  }
0x6c: {  	_ = 	snop  }
0x6d: {  	[tilespmem:s25], [sflag:$0x1] =	stream.indirect.gather [hbm4b:s10+s17], $0x10, s23, s17, $0xb8;
	[tilespmem:$0x1D800] =	vst v63  }
0x6e: {  	_ =	swait.ge [sflag:s11], $0x800  }
0x6f: {  	[sflag:s11] =	ssyncset.done $0x0  }
0x70: {  	[sflag:s11] =	ssyncadd.s32 $0xFFFFF800  }
0x71: {  	_ =	swait.ge [sflag:s11], $0x800  }
0x72: {  	[sflag:s11] =	ssyncset.done $0x0  }
0x73: {  	[sflag:s11] =	ssyncadd.s32 $0xFFFFF800  }
0x74: {  	_ =	swait.ge [sflag:s11], $0x800  }
0x75: {  	[sflag:s11] =	ssyncset.done $0x0  }
0x76: {  	[sflag:s11] =	ssyncadd.s32 $0xFFFFF800  }
0x77: {  	_ =	swait.ge [sflag:s11], $0x800  }
0x78: {  	[sflag:s11] =	ssyncset.done $0x0  }
0x79: {  	[sflag:s11] =	ssyncadd.s32 $0xFFFFF800  }
0x7a: {  	[spmem:s2] =	stream.indirect.scatter.add.f32 [tilespmem:s29], [sflag:$0x4], $0x10, s28, s17, $0xb8;
	[tilespmem:$0x1D800] =	vst v63  }
0x7b: {  	s19 =	rddreg [dreg:$0xa]  }
0x7c: {  	[spmem:s2] =	stream.indirect.scatter.add.f32 [tilespmem:s30], [sflag:$0x4], $0x10, s19, s17, $0xb8;
	[tilespmem:$0x1D800] =	vst v63  }
0x7d: {  	s21 =	rddreg [dreg:$0xb]  }
0x7e: {  	[spmem:s2] =	stream.indirect.scatter.add.f32 [tilespmem:s31], [sflag:$0x4], $0x10, s21, s17, $0xb8;
	[tilespmem:$0x1D800] =	vst v63  }
0x7f: {  	s23 =	rddreg [dreg:$0xc]  }
0x80: {  	[spmem:s2] =	stream.indirect.scatter.add.f32 [tilespmem:s0], [sflag:$0x4], $0x10, s23, s17, $0xb8;
	[tilespmem:$0x1D800] =	vst v63  }
0x81: {  	_ =	swait.ge [sflag:s24], $0x800  }
0x82: {  	[sflag:s24] =	ssyncset.done $0x0  }
0x83: {  	[sflag:s24] =	ssyncadd.s32 $0xFFFFF800  }
0x84: {  	_ =	swait.ge [sflag:s24], $0x800  }
0x85: {  	[sflag:s24] =	ssyncset.done $0x0  }
0x86: {  	[sflag:s24] =	ssyncadd.s32 $0xFFFFF800  }
0x87: {  	_ =	swait.ge [sflag:s24], $0x800  }
0x88: {  	[sflag:s24] =	ssyncset.done $0x0  }
0x89: {  	[sflag:s24] =	ssyncadd.s32 $0xFFFFF800  }
0x8a: {  	s13 =	sadd.s32 $0x8, s13;
	_ =	swait.ge [sflag:s24], $0x800  }
0x8b: {  	s12 =	simm.s32 $0xC0;
	s7 =	simm.s32 $0x140;
	[sflag:s24] =	ssyncset.done $0x0  }
.LBB2_2:
0x8c: {  	s21 =	sadd.s32 s12, s8;
	[sflag:s24] =	ssyncadd.s32 $0xFFFFF800  }
0x8d: {  	[tilespmem:s26], [sflag:$0x5] =	stream.linear.gather [hbm4b:s21+s3], $0x200, $0x38;
	[tilespmem:$0x1D800] =	vst v63  }
0x8e: {  	_ =	swait.ge [sflag:s14], $0x200  }
0x8f: {  	[sflag:s14] =	ssyncset.done $0x0  }
0x90: {  	s21 =	sadd.s32 s12, s9;
	[sflag:s14] =	ssyncadd.s32 $0xFFFFFE00  }
0x91: {  	[tilespmem:s28], [sflag:$0x5] =	stream.linear.gather [hbm4b:s21+s3], $0x200, $0x38;
	[tilespmem:$0x1D800] =	vst v63  }
0x92: {  	_ =	swait.ge [sflag:s14], $0x200  }
0x93: {  	[sflag:s14] =	ssyncset.done $0x0  }
0x94: {  	s23 =	smov.u32 s7;
	[sflag:s14] =	ssyncadd.s32 $0xFFFFFE00  }
0x95: {  	[tilespmem:s29], [sflag:$0x2] =	stream.indirect.gather [hbm4b:s10+s17], $0x10, s26, s17, $0xb8;
	[tilespmem:$0x1D800] =	vst v63  }
0x96: {  	s12 =	smov.u32 s23;
	s23 =	rddreg [dreg:$0x4]  }
0x97: {  	[tilespmem:s30], [sflag:$0x2] =	stream.indirect.gather [hbm4b:s10+s17], $0x10, s23, s17, $0xb8;
	[tilespmem:$0x1D800] =	vst v63  }
0x98: {  	s21 =	rddreg [dreg:$0x5]  }
0x99: {  	[tilespmem:s31], [sflag:$0x2] =	stream.indirect.gather [hbm4b:s10+s17], $0x10, s21, s17, $0xb8;
	[tilespmem:$0x1D800] =	vst v63  }
0x9a: {  	s23 =	rddreg [dreg:$0x6]  }
0x9b: {  	[tilespmem:s0], [sflag:$0x2] =	stream.indirect.gather [hbm4b:s10+s17], $0x10, s23, s17, $0xb8;
	[tilespmem:$0x1D800] =	vst v63  }
0x9c: {  	_ =	swait.ge [sflag:s4], $0x800  }
0x9d: {  	[sflag:s4] =	ssyncset.done $0x0  }
0x9e: {  	[sflag:s4] =	ssyncadd.s32 $0xFFFFF800  }
0x9f: {  	_ =	swait.ge [sflag:s4], $0x800  }
0xa0: {  	[sflag:s4] =	ssyncset.done $0x0  }
0xa1: {  	[sflag:s4] =	ssyncadd.s32 $0xFFFFF800  }
0xa2: {  	_ =	swait.ge [sflag:s4], $0x800  }
0xa3: {  	[sflag:s4] =	ssyncset.done $0x0  }
0xa4: {  	[sflag:s4] =	ssyncadd.s32 $0xFFFFF800  }
0xa5: {  	_ =	swait.ge [sflag:s4], $0x800  }
0xa6: {  	[sflag:s4] =	ssyncset.done $0x0  }
0xa7: {  	[sflag:s4] =	ssyncadd.s32 $0xFFFFF800  }
0xa8: {  	[spmem:s2] =	stream.indirect.scatter.add.f32 [tilespmem:s18], [sflag:$0x3], $0x10, s16, s17, $0xb8;
	[tilespmem:$0x1D800] =	vst v63  }
0xa9: {  	s23 =	rddreg [dreg:$0x7]  }
0xaa: {  	[spmem:s2] =	stream.indirect.scatter.add.f32 [tilespmem:s20], [sflag:$0x3], $0x10, s23, s17, $0xb8;
	[tilespmem:$0x1D800] =	vst v63  }
0xab: {  	s21 =	rddreg [dreg:$0x8]  }
0xac: {  	[spmem:s2] =	stream.indirect.scatter.add.f32 [tilespmem:s22], [sflag:$0x3], $0x10, s21, s17, $0xb8;
	[tilespmem:$0x1D800] =	vst v63  }
0xad: {  	s23 =	rddreg [dreg:$0x9]  }
0xae: {  	[spmem:s2] =	stream.indirect.scatter.add.f32 [tilespmem:s25], [sflag:$0x3], $0x10, s23, s17, $0xb8;
	[tilespmem:$0x1D800] =	vst v63  }
0xaf: {  	_ =	swait.ge [sflag:s1], $0x800  }
0xb0: {  	[sflag:s1] =	ssyncset.done $0x0  }
0xb1: {  	[sflag:s1] =	ssyncadd.s32 $0xFFFFF800  }
0xb2: {  	_ =	swait.ge [sflag:s1], $0x800  }
0xb3: {  	[sflag:s1] =	ssyncset.done $0x0  }
0xb4: {  	[sflag:s1] =	ssyncadd.s32 $0xFFFFF800  }
0xb5: {  	_ =	swait.ge [sflag:s1], $0x800  }
0xb6: {  	s19 =	sadd.s32 $0x80, s7;
	p0 =	sne.s32 s7, $0x30C0;
	[sflag:s1] =	ssyncset.done $0x0  }
0xb7: {  	p1 =	slt.s32 s13, $0x30FC;
	s7 =	smov.u32 s13;
	[sflag:s1] =	ssyncadd.s32 $0xFFFFF800  }
0xb8: {  	s7 =	simm.s32 @!p1 $0x30FC;
	_ =	swait.ge [sflag:s1], $0x800  }
0xb9: {  	s7 =	sshll.u32 s7, $0x4;
	[sflag:s1] =	ssyncset.done $0x0  }
0xba: {  	s23 =	sadd.s32 s5, s7;
	[sflag:s1] =	ssyncadd.s32 $0xFFFFF800  }
0xbb: {  	[tilespmem:s15], [sflag:$0x5] =	stream.linear.gather [hbm4b:s23+s3], $0x200, $0x38;
	[tilespmem:$0x1D800] =	vst v63  }
0xbc: {  	_ =	swait.ge [sflag:s14], $0x200  }
0xbd: {  	[sflag:s14] =	ssyncset.done $0x0  }
0xbe: {  	s7 =	sadd.s32 s6, s7;
	[sflag:s14] =	ssyncadd.s32 $0xFFFFFE00  }
0xbf: {  	[tilespmem:s16], [sflag:$0x5] =	stream.linear.gather [hbm4b:s7+s3], $0x200, $0x38;
	[tilespmem:$0x1D800] =	vst v63  }
0xc0: {  	_ =	swait.ge [sflag:s14], $0x200  }
0xc1: {  	[sflag:s14] =	ssyncset.done $0x0  }
0xc2: {  	[sflag:s14] =	ssyncadd.s32 $0xFFFFFE00  }
0xc3: {  	[tilespmem:s18], [sflag:$0x1] =	stream.indirect.gather [hbm4b:s10+s17], $0x10, s15, s17, $0xb8;
	[tilespmem:$0x1D800] =	vst v63  }
0xc4: {  	s21 =	simm.s32 $0x1D080  }
0xc5: {  	[tilespmem:s20], [sflag:$0x1] =	stream.indirect.gather [hbm4b:s10+s17], $0x10, s21, s17, $0xb8;
	[tilespmem:$0x1D800] =	vst v63  }
0xc6: {  	s23 =	simm.s32 $0x1D100  }
0xc7: {  	[tilespmem:s22], [sflag:$0x1] =	stream.indirect.gather [hbm4b:s10+s17], $0x10, s23, s17, $0xb8;
	[tilespmem:$0x1D800] =	vst v63  }
0xc8: {  	s21 =	simm.s32 $0x1D180  }
0xc9: {  	[tilespmem:s25], [sflag:$0x1] =	stream.indirect.gather [hbm4b:s10+s17], $0x10, s21, s17, $0xb8;
	[tilespmem:$0x1D800] =	vst v63  }
0xca: {  	_ =	swait.ge [sflag:s11], $0x800  }
0xcb: {  	[sflag:s11] =	ssyncset.done $0x0  }
0xcc: {  	[sflag:s11] =	ssyncadd.s32 $0xFFFFF800  }
0xcd: {  	_ =	swait.ge [sflag:s11], $0x800  }
0xce: {  	[sflag:s11] =	ssyncset.done $0x0  }
0xcf: {  	[sflag:s11] =	ssyncadd.s32 $0xFFFFF800  }
0xd0: {  	_ =	swait.ge [sflag:s11], $0x800  }
0xd1: {  	[sflag:s11] =	ssyncset.done $0x0  }
0xd2: {  	[sflag:s11] =	ssyncadd.s32 $0xFFFFF800  }
0xd3: {  	_ =	swait.ge [sflag:s11], $0x800  }
0xd4: {  	[sflag:s11] =	ssyncset.done $0x0  }
0xd5: {  	[sflag:s11] =	ssyncadd.s32 $0xFFFFF800  }
0xd6: {  	[spmem:s2] =	stream.indirect.scatter.add.f32 [tilespmem:s29], [sflag:$0x4], $0x10, s28, s17, $0xb8;
	[tilespmem:$0x1D800] =	vst v63  }
0xd7: {  	s23 =	rddreg [dreg:$0xa]  }
0xd8: {  	[spmem:s2] =	stream.indirect.scatter.add.f32 [tilespmem:s30], [sflag:$0x4], $0x10, s23, s17, $0xb8;
	[tilespmem:$0x1D800] =	vst v63  }
0xd9: {  	s21 =	rddreg [dreg:$0xb]  }
0xda: {  	[spmem:s2] =	stream.indirect.scatter.add.f32 [tilespmem:s31], [sflag:$0x4], $0x10, s21, s17, $0xb8;
	[tilespmem:$0x1D800] =	vst v63  }
0xdb: {  	s23 =	rddreg [dreg:$0xc]  }
0xdc: {  	[spmem:s2] =	stream.indirect.scatter.add.f32 [tilespmem:s0], [sflag:$0x4], $0x10, s23, s17, $0xb8;
	[tilespmem:$0x1D800] =	vst v63  }
0xdd: {  	_ =	swait.ge [sflag:s24], $0x800  }
0xde: {  	[sflag:s24] =	ssyncset.done $0x0  }
0xdf: {  	[sflag:s24] =	ssyncadd.s32 $0xFFFFF800  }
0xe0: {  	_ =	swait.ge [sflag:s24], $0x800  }
0xe1: {  	[sflag:s24] =	ssyncset.done $0x0  }
0xe2: {  	[sflag:s24] =	ssyncadd.s32 $0xFFFFF800  }
.Ltmp0:
0xe3: {  	_ =	swait.ge [sflag:s24], $0x800;
	(pc) =	sbr.rel @p0 .LBB2_2-.Ltmp0, $4  }
0xe4: {  	[sflag:s24] =	ssyncset.done $0x0  }
0xe5: {  	[sflag:s24] =	ssyncadd.s32 $0xFFFFF800  }
0xe6: {  	_ =	swait.ge [sflag:s24], $0x800  }
0xe7: {  	s13 =	sadd.s32 $0x8, s13;
	s7 =	smov.u32 s19;
	[sflag:s24] =	ssyncset.done $0x0  }
0xe8: {  	s7 =	sadd.s32 s12, s8;
	[sflag:s24] =	ssyncadd.s32 $0xFFFFF800  }
0xe9: {  	[tilespmem:s26], [sflag:$0x5] =	stream.linear.gather [hbm4b:s7+s3], $0x200, $0x38;
	[tilespmem:$0x1D800] =	vst v63  }
0xea: {  	_ =	swait.ge [sflag:s14], $0x200  }
0xeb: {  	[sflag:s14] =	ssyncset.done $0x0  }
0xec: {  	s12 =	sadd.s32 s12, s9;
	[sflag:s14] =	ssyncadd.s32 $0xFFFFFE00  }
0xed: {  	[tilespmem:s28], [sflag:$0x5] =	stream.linear.gather [hbm4b:s12+s3], $0x200, $0x38;
	[tilespmem:$0x1D800] =	vst v63  }
0xee: {  	_ =	swait.ge [sflag:s14], $0x200  }
0xef: {  	[sflag:s14] =	ssyncset.done $0x0  }
0xf0: {  	[sflag:s14] =	ssyncadd.s32 $0xFFFFFE00  }
0xf1: {  	[tilespmem:s29], [sflag:$0x2] =	stream.indirect.gather [hbm4b:s10+s17], $0x10, s26, s17, $0xb8;
	[tilespmem:$0x1D800] =	vst v63  }
0xf2: {  	s19 =	rddreg [dreg:$0x4]  }
0xf3: {  	[tilespmem:s30], [sflag:$0x2] =	stream.indirect.gather [hbm4b:s10+s17], $0x10, s19, s17, $0xb8;
	[tilespmem:$0x1D800] =	vst v63  }
0xf4: {  	s21 =	rddreg [dreg:$0x5]  }
0xf5: {  	[tilespmem:s31], [sflag:$0x2] =	stream.indirect.gather [hbm4b:s10+s17], $0x10, s21, s17, $0xb8;
	[tilespmem:$0x1D800] =	vst v63  }
0xf6: {  	s23 =	rddreg [dreg:$0x6]  }
0xf7: {  	[tilespmem:s0], [sflag:$0x2] =	stream.indirect.gather [hbm4b:s10+s17], $0x10, s23, s17, $0xb8;
	[tilespmem:$0x1D800] =	vst v63  }
0xf8: {  	_ =	swait.ge [sflag:s4], $0x800  }
0xf9: {  	[sflag:s4] =	ssyncset.done $0x0  }
0xfa: {  	[sflag:s4] =	ssyncadd.s32 $0xFFFFF800  }
0xfb: {  	_ =	swait.ge [sflag:s4], $0x800  }
0xfc: {  	[sflag:s4] =	ssyncset.done $0x0  }
0xfd: {  	[sflag:s4] =	ssyncadd.s32 $0xFFFFF800  }
0xfe: {  	_ =	swait.ge [sflag:s4], $0x800  }
0xff: {  	[sflag:s4] =	ssyncset.done $0x0  }
0x100: {  	[sflag:s4] =	ssyncadd.s32 $0xFFFFF800  }
0x101: {  	_ =	swait.ge [sflag:s4], $0x800  }
0x102: {  	[sflag:s4] =	ssyncset.done $0x0  }
0x103: {  	[sflag:s4] =	ssyncadd.s32 $0xFFFFF800  }
0x104: {  	[spmem:s2] =	stream.indirect.scatter.add.f32 [tilespmem:s18], [sflag:$0x3], $0x10, s16, s17, $0xb8;
	[tilespmem:$0x1D800] =	vst v63  }
0x105: {  	s12 =	rddreg [dreg:$0x7]  }
0x106: {  	[spmem:s2] =	stream.indirect.scatter.add.f32 [tilespmem:s20], [sflag:$0x3], $0x10, s12, s17, $0xb8;
	[tilespmem:$0x1D800] =	vst v63  }
0x107: {  	s19 =	rddreg [dreg:$0x8]  }
0x108: {  	[spmem:s2] =	stream.indirect.scatter.add.f32 [tilespmem:s22], [sflag:$0x3], $0x10, s19, s17, $0xb8;
	[tilespmem:$0x1D800] =	vst v63  }
0x109: {  	s21 =	rddreg [dreg:$0x9]  }
0x10a: {  	[spmem:s2] =	stream.indirect.scatter.add.f32 [tilespmem:s25], [sflag:$0x3], $0x10, s21, s17, $0xb8;
	[tilespmem:$0x1D800] =	vst v63  }
0x10b: {  	_ =	swait.ge [sflag:s1], $0x800  }
0x10c: {  	[sflag:s1] =	ssyncset.done $0x0  }
0x10d: {  	[sflag:s1] =	ssyncadd.s32 $0xFFFFF800  }
0x10e: {  	_ =	swait.ge [sflag:s1], $0x800  }
0x10f: {  	[sflag:s1] =	ssyncset.done $0x0  }
0x110: {  	[sflag:s1] =	ssyncadd.s32 $0xFFFFF800  }
0x111: {  	_ =	swait.ge [sflag:s1], $0x800  }
0x112: {  	[sflag:s1] =	ssyncset.done $0x0  }
0x113: {  	p0 =	slt.s32 s13, $0x30FC;
	[sflag:s1] =	ssyncadd.s32 $0xFFFFF800  }
0x114: {  	s13 =	simm.s32 @!p0 $0x30FC;
	_ =	swait.ge [sflag:s1], $0x800  }
0x115: {  	s23 =	sshll.u32 s13, $0x4;
	[sflag:s1] =	ssyncset.done $0x0  }
0x116: {  	s13 =	sadd.s32 s5, s23;
	[sflag:s1] =	ssyncadd.s32 $0xFFFFF800  }
0x117: {  	[tilespmem:s15], [sflag:$0x5] =	stream.linear.gather [hbm4b:s13+s3], $0x200, $0x38;
	[tilespmem:$0x1D800] =	vst v63  }
0x118: {  	_ =	swait.ge [sflag:s14], $0x200  }
0x119: {  	[sflag:s14] =	ssyncset.done $0x0  }
0x11a: {  	s7 =	sadd.s32 s6, s23;
	[sflag:s14] =	ssyncadd.s32 $0xFFFFFE00  }
0x11b: {  	[tilespmem:s16], [sflag:$0x5] =	stream.linear.gather [hbm4b:s7+s3], $0x200, $0x38;
	[tilespmem:$0x1D800] =	vst v63  }
0x11c: {  	_ =	swait.ge [sflag:s14], $0x200  }
0x11d: {  	[sflag:s14] =	ssyncset.done $0x0  }
0x11e: {  	[sflag:s14] =	ssyncadd.s32 $0xFFFFFE00  }
0x11f: {  	[tilespmem:s18], [sflag:$0x1] =	stream.indirect.gather [hbm4b:s10+s17], $0x10, s15, s17, $0xb8;
	[tilespmem:$0x1D800] =	vst v63  }
0x120: {  	s19 =	simm.s32 $0x1D080  }
0x121: {  	[tilespmem:s20], [sflag:$0x1] =	stream.indirect.gather [hbm4b:s10+s17], $0x10, s19, s17, $0xb8;
	[tilespmem:$0x1D800] =	vst v63  }
0x122: {  	s21 =	simm.s32 $0x1D100  }
0x123: {  	[tilespmem:s22], [sflag:$0x1] =	stream.indirect.gather [hbm4b:s10+s17], $0x10, s21, s17, $0xb8;
	[tilespmem:$0x1D800] =	vst v63  }
0x124: {  	s23 =	simm.s32 $0x1D180  }
0x125: {  	[tilespmem:s25], [sflag:$0x1] =	stream.indirect.gather [hbm4b:s10+s17], $0x10, s23, s17, $0xb8;
	[tilespmem:$0x1D800] =	vst v63  }
0x126: {  	_ =	swait.ge [sflag:s11], $0x800  }
0x127: {  	[sflag:s11] =	ssyncset.done $0x0  }
0x128: {  	[sflag:s11] =	ssyncadd.s32 $0xFFFFF800  }
0x129: {  	_ =	swait.ge [sflag:s11], $0x800  }
0x12a: {  	[sflag:s11] =	ssyncset.done $0x0  }
0x12b: {  	[sflag:s11] =	ssyncadd.s32 $0xFFFFF800  }
0x12c: {  	_ =	swait.ge [sflag:s11], $0x800  }
0x12d: {  	[sflag:s11] =	ssyncset.done $0x0  }
0x12e: {  	[sflag:s11] =	ssyncadd.s32 $0xFFFFF800  }
0x12f: {  	_ =	swait.ge [sflag:s11], $0x800  }
0x130: {  	[sflag:s11] =	ssyncset.done $0x0  }
0x131: {  	[sflag:s11] =	ssyncadd.s32 $0xFFFFF800  }
0x132: {  	[spmem:s2] =	stream.indirect.scatter.add.f32 [tilespmem:s29], [sflag:$0x4], $0x10, s28, s17, $0xb8;
	[tilespmem:$0x1D800] =	vst v63  }
0x133: {  	s12 =	rddreg [dreg:$0xa]  }
0x134: {  	[spmem:s2] =	stream.indirect.scatter.add.f32 [tilespmem:s30], [sflag:$0x4], $0x10, s12, s17, $0xb8;
	[tilespmem:$0x1D800] =	vst v63  }
0x135: {  	s13 =	rddreg [dreg:$0xb]  }
0x136: {  	[spmem:s2] =	stream.indirect.scatter.add.f32 [tilespmem:s31], [sflag:$0x4], $0x10, s13, s17, $0xb8;
	[tilespmem:$0x1D800] =	vst v63  }
0x137: {  	s19 =	rddreg [dreg:$0xc]  }
0x138: {  	[spmem:s2] =	stream.indirect.scatter.add.f32 [tilespmem:s0], [sflag:$0x4], $0x10, s19, s17, $0xb8;
	[tilespmem:$0x1D800] =	vst v63  }
0x139: {  	_ =	swait.ge [sflag:s24], $0x800  }
0x13a: {  	[sflag:s24] =	ssyncset.done $0x0  }
0x13b: {  	[sflag:s24] =	ssyncadd.s32 $0xFFFFF800  }
0x13c: {  	_ =	swait.ge [sflag:s24], $0x800  }
0x13d: {  	[sflag:s24] =	ssyncset.done $0x0  }
0x13e: {  	[sflag:s24] =	ssyncadd.s32 $0xFFFFF800  }
0x13f: {  	_ =	swait.ge [sflag:s24], $0x800  }
0x140: {  	[sflag:s24] =	ssyncset.done $0x0  }
0x141: {  	[sflag:s24] =	ssyncadd.s32 $0xFFFFF800  }
0x142: {  	_ =	swait.ge [sflag:s24], $0x800  }
0x143: {  	[sflag:s24] =	ssyncset.done $0x0  }
0x144: {  	[sflag:s24] =	ssyncadd.s32 $0xFFFFF800  }
0x145: {  	_ =	swait.ge [sflag:s4], $0x800  }
0x146: {  	[sflag:s4] =	ssyncset.done $0x0  }
0x147: {  	[sflag:s4] =	ssyncadd.s32 $0xFFFFF800  }
0x148: {  	_ =	swait.ge [sflag:s4], $0x800  }
0x149: {  	[sflag:s4] =	ssyncset.done $0x0  }
0x14a: {  	[sflag:s4] =	ssyncadd.s32 $0xFFFFF800  }
0x14b: {  	_ =	swait.ge [sflag:s4], $0x800  }
0x14c: {  	[sflag:s4] =	ssyncset.done $0x0  }
0x14d: {  	[sflag:s4] =	ssyncadd.s32 $0xFFFFF800  }
0x14e: {  	_ =	swait.ge [sflag:s4], $0x800  }
0x14f: {  	[sflag:s4] =	ssyncset.done $0x0  }
0x150: {  	[sflag:s4] =	ssyncadd.s32 $0xFFFFF800  }
0x151: {  	[bflag:$0x0] =	sbarrier.arrive $0xFFFF  }
0x152: {  	s12 =	rddreg [dreg:$0xd]  }
0x153: {  	s13 =	rddreg [dreg:$0x10]  }
0x154: {  	s21 =	rddreg [dreg:$0x11]  }
0x155: {  	[hbm:s21], [sflag:s12] =	dma.local [spmem:s13], $0x3200  }
0x156: {  	_ =	swait.ge [sflag:s14], $0x3200  }
0x157: {  	s19 =	rddreg [dreg:$0x12]  }
0x158: {  	s23 =	rddreg [dreg:$0xe];
	s19 =	sadd.s32 $0x1, s19  }
0x159: {  	p0 =	sne.s32 s19, s23  }
.Ltmp1:
0x15a: {  	_ = 	snop;
	(pc) =	sbr.rel @p0 .LBB2_1-.Ltmp1, $3  }
0x15b: {  	_ =	sdelay $0x1  }
0x15c: {  	[sflag:s14] =	ssyncset.done $0x0  }
0x15d: {  	[sflag:s14] =	ssyncadd.s32 $0xFFFFCE00  }
0x15e: {  	_ =	sfence.sel $0x180000  }
0x15f: {  	[bflag:$0x0] =	sbarrier.arrive $0xFFFF  }
0x160: {  	_ =	strace $0x9000004D  }
0x161: {  	s0 =	stileid.u32;
	[bflag:$0x2] =	sbarrier.arrive $0xFFFF  }
0x162: {  	p0 =	sne.s32 s0, $0x0;
	s0 =	rddreg [dreg:$0x3]  }
0x163: {  	s0 =	sadd.s32 @!p0 $0x100000, s0  }
0x164: {  	[sflag:s0] =	ssyncadd.tile.s32 @!p0 $0x1;
	_ =	shalt  }
.Lfunc_end2:
_tile_overlayer_lowered:
.L_overlay_start_2:
0x165: {  	(tag) =	ssettag $0x2  }
0x166: {  	s0 =	rddreg [dreg:$0x0];
	s2 =	stileid.u32  }
0x167: {  	s1 =	rddreg [dreg:$0x1];
	p0 =	sne.s32 s2, $0x0  }
0x168: {  	s3 =	rddreg [dreg:$0x2];
	[bflag:$0x3] =	sbarrier.arrive $0xFFFF;
	s2 =	simm.s32 @!p0 $0x1C05  }
0x169: {  	[timem:s3], [sflag:s2] =	dma.local @!p0 [hbm:s0], s1  }
0x16a: {  	s0 =	simm.s32 @!p0 $0x5  }
0x16b: {  	_ =	swait.ge @!p0 [sflag:s0], s1  }
0x16c: {  	s1 =	ssub.s32 @!p0 $0x0, s1;
	[sflag:s0] =	ssyncset.done @!p0 $0x0  }
0x16d: {  	[sflag:s0] =	ssyncadd.s32 @!p0 s1  }
0x16e: {  	[bflag:$0x3] =	sbarrier.arrive $0xFFFF  }
0x16f: {  	_ =	shalt  }

// kernel: kernel.19.cloned.1.call-start
scs
__scs_entry_jumppad:
0x0: {  	(pc) =	sbr.rel $0x88, $3  }
0x1: {  	(tag) =	ssettag $0x0;
	lr =	simm.s32 $0x1  }
0x2: {  	[smem:$0x3F98] =	sst lr;
	_ =	strace $0xD0000000  }
0x3: {  	_ = 	snop  }
0x4: {  	_ = 	snop  }
0x5: {  	_ = 	snop  }
0x6: {  	_ = 	snop  }
0x7: {  	_ = 	snop  }
__scs_overlays_trampoline_lowered:
0x8: {  	[smem:$0x3FA7] =	sst s0  }
0x9: {  	[smem:$0x3FA8] =	sst s1  }
0xa: {  	[smem:$0x3FA9] =	sst s2  }
0xb: {  	[smem:$0x3FAA] =	sst s3  }
0xc: {  	[smem:$0x3FAB] =	sst s4  }
0xd: {  	[smem:$0x3FAC] =	sst s5  }
0xe: {  	[smem:$0x3FAD] =	sst s6  }
0xf: {  	[smem:$0x3FAE] =	sst s7  }
0x10: {  	[smem:$0x3FAF] =	sst s8  }
0x11: {  	[smem:$0x3FB0] =	sst s9;
	s0 =	simm.s32 @!p0 $0x0  }
0x12: {  	s1 =	sld [smem:$0x3F96];
	s0 =	simm.s32 @p0 $0x1  }
0x13: {  	[smem:$0x3FB1] =	sst s0;
	s0 =	simm.s32 @!p1 $0x0  }
0x14: {  	s2 =	sld [smem:$0x3F95];
	s0 =	simm.s32 @p1 $0x1  }
0x15: {  	[smem:$0x3FB2] =	sst s0;
	s0 =	simm.s32 @!p2 $0x0  }
0x16: {  	s3 =	sld [smem:$0x3FDB];
	s0 =	simm.s32 @p2 $0x1  }
0x17: {  	s4 =	simm.s32 $0x1BF5;
	[smem:$0x3FB4] =	sst s0  }
0x18: {  	s0 =	sld [smem:$0x3F97];
	_ =	swait.ge [sflag:s4], $0x0  }
0x19: {  	s7 =	sld [smem:$0x3F98]  }
0x1a: {  	s8 =	sadd.s32 $0xFFFFE003, lr  }
0x1b: {  	s9 =	sadd.s32 $0xFFFFFEF7, lr;
	s5 =	simm.s32 $0xFFFFFFFF;
	p2 =	slt.u32 s8, $0xFFFFF086  }
0x1c: {  	p1 =	slt.u32 s9, $0xF7A;
	s5 =	simm.s32 @!p2 $0x0  }
0x1d: {  	s5 =	simm.s32 @p1 $0x1;
	p0 =	seq.s32 s7, s2  }
0x1e: {  	s7 =	smul.u32 @!p0 $0xF7A, s2;
	p2 =	seq.s32 @!p0 s5, $0x0  }
0x1f: {  	s9 =	smul.u32 $0xF7A, s1;
	s8 =	simm.s32 @!p0 $0x1BF5;
	p2 =	por !p2, p0  }
0x20: {  	[sflag:s8] =	ssyncset.s32 @!p0 $0xFFFFF086;
	s6 =	sadd.s32 @!p0 s3, s7;
	s7 =	simm.s32 @!p0 $0x108  }
0x21: {  	s3 =	sadd.s32 s3, s9;
	s6 =	sadd.s32 @!p0 $0x88, s6;
	s7 =	simm.s32 @p2 $0x1082  }
0x22: {  	[simem:s7], [sflag:s8] =	dma.local @!p0 [hbm:s6], $0xF7A  }
0x23: {  	s9 =	sor.u32 $0xD0000000, s2;
	s6 =	simm.s32 $0x108;
	_ =	swait.ge @!p0 [sflag:s8], $0x0  }
0x24: {  	s3 =	sadd.s32 $0x88, s3;
	s6 =	simm.s32 @!p1 $0x1082;
	[sflag:s4] =	ssyncset.s32 $0xFFFFF086  }
0x25: {  	[simem:s6], [sflag:s4] =	dma.local [hbm:s3], $0xF7A  }
0x26: {  	[smem:$0x3F98] =	sst s1;
	(tag) =	ssettag s2;
	_ =	strace s9  }
0x27: {  	s1 =	sld [smem:$0x3FA8]  }
0x28: {  	s2 =	sld [smem:$0x3FA9]  }
0x29: {  	s4 =	sld [smem:$0x3FAB]  }
0x2a: {  	p0 =	seq.s32 s5, $0x0;
	s5 =	sld [smem:$0x3FAC]  }
0x2b: {  	s6 =	sld [smem:$0x3FAD]  }
0x2c: {  	s7 =	sld [smem:$0x3FAE]  }
0x2d: {  	s3 =	simm.s32 $0x108;
	s8 =	sld [smem:$0x3FAF]  }
0x2e: {  	s3 =	simm.s32 @!p0 $0x1082;
	s9 =	sld [smem:$0x3FB0]  }
0x2f: {  	lr =	sadd.s32 s0, s3;
	s0 =	sld [smem:$0x3FA7]  }
0x30: {  	s3 =	sld [smem:$0x3FAA]  }
0x31: {  	[smem:$0x3FB3] =	sst s10  }
0x32: {  	s10 =	sld [smem:$0x3FB1];
	_ =	sdelay $0x3  }
0x33: {  	p0 =	seq.s32 s10, $0x1;
	s10 =	sld [smem:$0x3FB3];
	_ =	sdelay $0x3  }
0x34: {  	[smem:$0x3FB3] =	sst s10  }
0x35: {  	s10 =	sld [smem:$0x3FB2];
	_ =	sdelay $0x3  }
0x36: {  	p1 =	seq.s32 s10, $0x1;
	s10 =	sld [smem:$0x3FB3];
	_ =	sdelay $0x3  }
0x37: {  	[smem:$0x3FB3] =	sst s10  }
0x38: {  	s10 =	sld [smem:$0x3FB4]  }
0x39: {  	_ = 	snop;
	(pc) =	sbr.ind lr, $3  }
0x3a: {  	_ = 	snop  }
0x3b: {  	_ = 	snop  }
0x3c: {  	p2 =	seq.s32 s10, $0x1;
	s10 =	sld [smem:$0x3FB3]  }
0x3d: {  	_ =	shalt  }
0x3e: {  	_ =	shalt  }
0x3f: {  	_ =	shalt  }
0x40: {  	_ =	shalt  }
0x41: {  	_ =	shalt  }
0x42: {  	_ =	shalt  }
0x43: {  	_ =	shalt  }
0x44: {  	_ =	shalt  }
0x45: {  	_ =	shalt  }
0x46: {  	_ =	shalt  }
0x47: {  	_ =	shalt  }
0x48: {  	_ =	shalt  }
0x49: {  	_ =	shalt  }
0x4a: {  	_ =	shalt  }
0x4b: {  	_ =	shalt  }
0x4c: {  	_ =	shalt  }
0x4d: {  	_ =	shalt  }
0x4e: {  	_ =	shalt  }
0x4f: {  	_ =	shalt  }
0x50: {  	_ =	shalt  }
0x51: {  	_ =	shalt  }
0x52: {  	_ =	shalt  }
0x53: {  	_ =	shalt  }
0x54: {  	_ =	shalt  }
0x55: {  	_ =	shalt  }
0x56: {  	_ =	shalt  }
0x57: {  	_ =	shalt  }
0x58: {  	_ =	shalt  }
0x59: {  	_ =	shalt  }
0x5a: {  	_ =	shalt  }
0x5b: {  	_ =	shalt  }
0x5c: {  	_ =	shalt  }
0x5d: {  	_ =	shalt  }
0x5e: {  	_ =	shalt  }
0x5f: {  	_ =	shalt  }
0x60: {  	_ =	shalt  }
0x61: {  	_ =	shalt  }
0x62: {  	_ =	shalt  }
0x63: {  	_ =	shalt  }
0x64: {  	_ =	shalt  }
0x65: {  	_ =	shalt  }
0x66: {  	_ =	shalt  }
0x67: {  	_ =	shalt  }
0x68: {  	_ =	shalt  }
0x69: {  	_ =	shalt  }
0x6a: {  	_ =	shalt  }
0x6b: {  	_ =	shalt  }
0x6c: {  	_ =	shalt  }
0x6d: {  	_ =	shalt  }
0x6e: {  	_ =	shalt  }
0x6f: {  	_ =	shalt  }
0x70: {  	_ =	shalt  }
0x71: {  	_ =	shalt  }
0x72: {  	_ =	shalt  }
0x73: {  	_ =	shalt  }
0x74: {  	_ =	shalt  }
0x75: {  	_ =	shalt  }
0x76: {  	_ =	shalt  }
0x77: {  	_ =	shalt  }
0x78: {  	_ =	shalt  }
0x79: {  	_ =	shalt  }
0x7a: {  	_ =	shalt  }
0x7b: {  	_ =	shalt  }
0x7c: {  	_ =	shalt  }
0x7d: {  	_ =	shalt  }
0x7e: {  	_ =	shalt  }
0x7f: {  	_ =	shalt  }
0x80: {  	_ =	shalt  }
0x81: {  	_ =	shalt  }
0x82: {  	_ =	shalt  }
0x83: {  	_ =	shalt  }
0x84: {  	_ =	shalt  }
0x85: {  	_ =	shalt  }
0x86: {  	_ =	shalt  }
0x87: {  	_ =	shalt  }
.Lfunc_end0:
.L_simem_size_0:
called_computation.3_lowered:
.L_overlay_start_0:
0x88: {  	s2 =	sld [smem:$0x3FD9]  }
0x89: {  	s3 =	sld [smem:$0x3FFE];
	_ =	sdelay $0x1  }
0x8a: {  	s1 =	srdreg.scid  }
0x8b: {  	s0 =	sand.u32 $0x1, s1  }
0x8c: {  	s17 =	sshll.u32 s0, $0xA;
	s2 =	sadd.s32 s3, s2  }
0x8d: {  	s2 =	sadd.s32 s2, s17  }
0x8e: {  	[smem:$0x3FBF] =	sst s2  }
0x8f: {  	_ = 	snop  }
0x90: {  	s2 =	sld [smem:$0x3FD0];
	(tm) =	ssettm $0x1  }
0x91: {  	s18 =	sld [smem:$0x3FFB];
	_ =	sdelay $0x3  }
0x92: {  	_ =	strace s18  }
0x93: {  	s3 =	sld [smem:$0x3FFC];
	_ =	sdelay $0x3  }
0x94: {  	_ =	strace s3  }
0x95: {  	s3 =	sld [smem:$0x3FFD];
	_ =	sdelay $0x3  }
0x96: {  	_ =	strace s3  }
0x97: {  	_ =	strace $0x8FFFFFFF  }
0x98: {  	s19 =	sld [smem:$0x3FDB];
	_ =	sdelay $0x1  }
0x99: {  	s4 =	simm.s32 $_scs_section_size  }
0x9a: {  	s5 =	simm.s32 $_size__tile_overlayer_lowered;
	s6 =	simm.s32 $_tile_overlayer_lowered  }
0x9b: {  	s22 =	simm.s32 $0x1BFF;
	s21 =	sshll.u32 s6, $0x1;
	s3 =	sadd.s32 s4, s19  }
0x9c: {  	s7 =	simm.s32 $0x0;
	s20 =	sshll.u32 s5, $0x1;
	s5 =	sadd.s32 s21, s3  }
0x9d: {  	[timem:s7], [sflag:s22] =	dma.local [hbm:s5], s20  }
0x9e: {  	_ =	swait.ge [sflag:s22], s20  }
0x9f: {  	s4 =	ssub.s32 $0x0, s20;
	[sflag:s22] =	ssyncset.done $0x0  }
0xa0: {  	[sflag:s22] =	ssyncadd.s32 s4;
	_ =	sdelay $0x1  }
0xa1: {  	s23 =	simm.s32 $0x1B8B  }
0xa2: {  	_ =	swait.ge [sflag:s23], $0x1  }
0xa3: {  	[sflag:s23] =	ssyncset.done $0x0  }
0xa4: {  	s25 =	simm.s32 $0x1B8E;
	s24 =	sld [smem:$0x3FFE];
	[sflag:s23] =	ssyncadd.s32 $0xFFFFFFFF  }
0xa5: {  	s26 =	simm.s32 $execute0_lowered;
	[smem:$0x3FD2] =	sst s25  }
0xa6: {  	s5 =	sshll.u32 s26, $0x1;
	_ =	strace $0x8000004F;
	[dreg:$0x1] =	wrdreg $0xFFFFFFFF  }
0xa7: {  	s28 =	simm.s32 $_size_execute0_lowered;
	s3 =	sadd.s32 s3, s5;
	[dreg:$0x0] =	wrdreg $0x0  }
0xa8: {  	s5 =	sshll.u32 s28, $0x1;
	[dreg:$0x2] =	wrdreg s3  }
0xa9: {  	[dreg:$0x3] =	wrdreg s5  }
0xaa: {  	[dreg:$0x4] =	wrdreg $0xC0  }
0xab: {  	_ =	task [dreg:s7], $0x5FFFF  }
0xac: {  	[dreg:$0x1] =	wrdreg $0xFFFFFFFF  }
0xad: {  	[dreg:$0x0] =	wrdreg $0x60  }
0xae: {  	[dreg:$0x2] =	wrdreg s24  }
0xaf: {  	[dreg:$0x3] =	wrdreg s2  }
0xb0: {  	[dreg:$0x4] =	wrdreg $0x0  }
0xb1: {  	[dreg:$0x5] =	wrdreg $0x9  }
0xb2: {  	_ =	task.clear_ibuf [dreg:s7], $0x6FFFF;
	_ =	strace $0x9000004F  }
0xb3: {  	s29 =	simm.s32 $0x9;
	_ =	strace $0x80000051  }
0xb4: {  	_ =	swait.ge [sflag:s29], $0x1  }
0xb5: {  	[sflag:s29] =	ssyncadd.s32 $0xFFFFFFFF  }
0xb6: {  	_ =	strace $0x90000051  }
0xb7: {  	_ =	sfence  }
0xb8: {  	s30 =	sld [smem:$0x0];
	_ =	sdelay $0x2  }
0xb9: {  	s31 =	sshll.u32 s1, $0xD;
	s1 =	sshrl.u32 s1, $0x2  }
0xba: {  	s3 =	sand.u32 $0x4000, s31;
	s1 =	sadd.s32 s1, s30  }
0xbb: {  	s0 =	sor.u32 s3, s0;
	s1 =	sshll.u32 s1, $0x11  }
0xbc: {  	s0 =	sor.u32 s1, s0  }
0xbd: {  	s0 =	sadd.s32 $0x8F2B, s0  }
0xbe: {  	[sflag:s0] =	ssyncadd.remote.s32 $0x1  }
0xbf: {  	_ =	sfence.sel $0xFFFF  }
0xc0: {  	[dreg:$0x0] =	wrdreg $0xFFFFFFFF;
	(pc) =	sbr.abs _section_cstart, $3  }
0xc1: {  	[dreg:$0x1] =	wrdreg $0xFFFFFFFF  }
0xc2: {  	_ =	task.clear_ibuf [dreg:s7], $0x2FFFF;
	_ =	strace $0x9FFFFFFF  }
0xc3: {  	(tm) =	ssettm $0x7FFFFFFF  }
tec
execute0_lowered:
.L_overlay_start_1:
0x0: {  	(tag) =	ssettag $0x1  }
0x1: {  	s0 =	rddreg [dreg:$0x0]  }
0x2: {  	s2 =	rddreg [dreg:$0x2];
	s3 =	simm.s32 $0x0  }
0x3: {  	s1 =	srdreg.scid;
	s10 =	stileid.u32;
	s14 =	simm.s32 $0x5  }
0x4: {  	s18 =	simm.s32 $0x1D280;
	s19 =	simm.s32 $0x1D300;
	s20 =	simm.s32 $0x1D380  }
0x5: {  	s21 =	simm.s32 $0x1D480;
	s22 =	simm.s32 $0x1D500;
	s23 =	simm.s32 $0x1D580  }
0x6: {  	s24 =	simm.s32 $0x1D680;
	s25 =	simm.s32 $0x1D700;
	s26 =	simm.s32 $0x1D780  }
0x7: {  	s28 =	simm.s32 $0x1D600;
	s29 =	simm.s32 $0x1B000;
	[smem:$0x7FF] =	sst s3  }
0x8: {  	s30 =	simm.s32 $0x1B800;
	_ =	strace $0x80000050;
	[dreg:$0x4] =	wrdreg s18  }
0x9: {  	s31 =	simm.s32 $0x1C000;
	s1 =	sand.u32 $0x1, s1;
	[dreg:$0x5] =	wrdreg s19  }
0xa: {  	s5 =	sadd.s32 $0x2200, s0;
	s7 =	smul.u32 $0x19000, s10;
	[dreg:$0x6] =	wrdreg s20  }
0xb: {  	s6 =	sadd.s32 $0x33200, s0;
	s9 =	smul.u32 $0x3100, s10;
	[dreg:$0x7] =	wrdreg s21  }
0xc: {  	s8 =	sshll.u32 s10, $0x6;
	s11 =	smul.u32 $0x310, s10;
	[dreg:$0x8] =	wrdreg s22  }
0xd: {  	s4 =	smul.u32 $0x32000, s1;
	s1 =	ssub.s32 $0x2, s1;
	[dreg:$0x9] =	wrdreg s23  }
0xe: {  	s12 =	sor.u32 $0x1C05, s8;
	s18 =	simm.s32 $0x19000;
	[dreg:$0xa] =	wrdreg s24  }
0xf: {  	s20 =	simm.s32 $0x19800;
	s22 =	simm.s32 $0x1A000;
	[dreg:$0xb] =	wrdreg s25  }
0x10: {  	[dreg:$0xc] =	wrdreg s26;
	s25 =	simm.s32 $0x1A800;
	s26 =	simm.s32 $0x1D200  }
0x11: {  	s24 =	simm.s32 $0x4;
	s19 =	simm.s32 $0x0;
	s15 =	sshrl.u32 s1, $0x1  }
0x12: {  	s16 =	sadd.s32 s7, s2;
	s8 =	sadd.s32 s5, s9;
	s9 =	sadd.s32 s6, s9  }
0x13: {  	s7 =	sshrl.u32 s7, $0x3;
	s17 =	sor.u32 $0x8, s11;
	s11 =	simm.s32 $0x2  }
0x14: {  	[dreg:$0xd] =	wrdreg s12;
	s0 =	sadd.s32 s4, s0;
	s1 =	ssub.s32 s1, s15  }
0x15: {  	[dreg:$0xf] =	wrdreg s17;
	s13 =	sshrl.u32 s16, $0x3;
	s15 =	simm.s32 $0x1D000  }
0x16: {  	s16 =	simm.s32 $0x1D400;
	s17 =	simm.s32 $0x80;
	s10 =	sadd.s32 $0x12C200, s0  }
0x17: {  	s0 =	sadd.s32 $0x64200, s0;
	s1 =	smax.u32 s1, $0x1;
	[dreg:$0x10] =	wrdreg s13  }
0x18: {  	s4 =	simm.s32 $0x1;
	[dreg:$0xe] =	wrdreg s1;
	s0 =	sadd.s32 s7, s0  }
0x19: {  	s1 =	simm.s32 $0x3;
	[dreg:$0x11] =	wrdreg s0;
	s0 =	simm.s32 $0x1C800  }
.LBB2_1:
0x1a: {  	[dreg:$0x12] =	wrdreg s19  }
0x1b: {  	s7 =	rddreg [dreg:$0x1]  }
0x1c: {  	[spmem:s13], [sflag:s12] =	dma.local [hbm:s7], $0x3200  }
0x1d: {  	_ =	swait.ge [sflag:s14], $0x3200  }
0x1e: {  	[sflag:s14] =	ssyncset.done $0x0  }
0x1f: {  	[sflag:s14] =	ssyncadd.s32 $0xFFFFCE00  }
0x20: {  	[bflag:$0x0] =	sbarrier.arrive $0xFFFF  }
0x21: {  	[tilespmem:s15], [sflag:$0x5] =	stream.linear.gather [hbm4b:s8+s3], $0x200, $0x38;
	[tilespmem:$0x1D800] =	vst v63  }
0x22: {  	_ =	swait.ge [sflag:s14], $0x200  }
0x23: {  	[sflag:s14] =	ssyncset.done $0x0  }
0x24: {  	[sflag:s14] =	ssyncadd.s32 $0xFFFFFE00  }
0x25: {  	[tilespmem:s16], [sflag:$0x5] =	stream.linear.gather [hbm4b:s9+s3], $0x200, $0x38;
	[tilespmem:$0x1D800] =	vst v63  }
0x26: {  	_ =	swait.ge [sflag:s14], $0x200  }
0x27: {  	[sflag:s14] =	ssyncset.done $0x0  }
0x28: {  	[sflag:s14] =	ssyncadd.s32 $0xFFFFFE00  }
0x29: {  	[tilespmem:s18], [sflag:$0x1] =	stream.indirect.gather [hbm4b:s10+s17], $0x10, s15, s17, $0xb8;
	[tilespmem:$0x1D800] =	vst v63  }
0x2a: {  	s19 =	simm.s32 $0x1D080  }
0x2b: {  	[tilespmem:s20], [sflag:$0x1] =	stream.indirect.gather [hbm4b:s10+s17], $0x10, s19, s17, $0xb8;
	[tilespmem:$0x1D800] =	vst v63  }
0x2c: {  	s21 =	simm.s32 $0x1D100  }
0x2d: {  	[tilespmem:s22], [sflag:$0x1] =	stream.indirect.gather [hbm4b:s10+s17], $0x10, s21, s17, $0xb8;
	[tilespmem:$0x1D800] =	vst v63  }
0x2e: {  	s23 =	simm.s32 $0x1D180  }
0x2f: {  	[tilespmem:s25], [sflag:$0x1] =	stream.indirect.gather [hbm4b:s10+s17], $0x10, s23, s17, $0xb8;
	[tilespmem:$0x1D800] =	vst v63  }
0x30: {  	s13 =	sadd.s32 $0x40, s8  }
0x31: {  	[tilespmem:s26], [sflag:$0x5] =	stream.linear.gather [hbm4b:s13+s3], $0x200, $0x38;
	[tilespmem:$0x1D800] =	vst v63  }
0x32: {  	_ =	swait.ge [sflag:s14], $0x200  }
0x33: {  	[sflag:s14] =	ssyncset.done $0x0  }
0x34: {  	s12 =	sadd.s32 $0x40, s9;
	[sflag:s14] =	ssyncadd.s32 $0xFFFFFE00  }
0x35: {  	[tilespmem:s28], [sflag:$0x5] =	stream.linear.gather [hbm4b:s12+s3], $0x200, $0x38;
	[tilespmem:$0x1D800] =	vst v63  }
0x36: {  	_ =	swait.ge [sflag:s14], $0x200  }
0x37: {  	[sflag:s14] =	ssyncset.done $0x0  }
0x38: {  	[sflag:s14] =	ssyncadd.s32 $0xFFFFFE00  }
0x39: {  	[tilespmem:s29], [sflag:$0x2] =	stream.indirect.gather [hbm4b:s10+s17], $0x10, s26, s17, $0xb8;
	[tilespmem:$0x1D800] =	vst v63  }
0x3a: {  	s13 =	rddreg [dreg:$0x4]  }
0x3b: {  	[tilespmem:s30], [sflag:$0x2] =	stream.indirect.gather [hbm4b:s10+s17], $0x10, s13, s17, $0xb8;
	[tilespmem:$0x1D800] =	vst v63  }
0x3c: {  	s12 =	rddreg [dreg:$0x5]  }
0x3d: {  	[tilespmem:s31], [sflag:$0x2] =	stream.indirect.gather [hbm4b:s10+s17], $0x10, s12, s17, $0xb8;
	[tilespmem:$0x1D800] =	vst v63  }
0x3e: {  	s13 =	rddreg [dreg:$0x6]  }
0x3f: {  	[tilespmem:s0], [sflag:$0x2] =	stream.indirect.gather [hbm4b:s10+s17], $0x10, s13, s17, $0xb8;
	[tilespmem:$0x1D800] =	vst v63  }
0x40: {  	_ =	swait.ge [sflag:s4], $0x800  }
0x41: {  	[sflag:s4] =	ssyncset.done $0x0  }
0x42: {  	[sflag:s4] =	ssyncadd.s32 $0xFFFFF800  }
0x43: {  	_ =	swait.ge [sflag:s4], $0x800  }
0x44: {  	[sflag:s4] =	ssyncset.done $0x0  }
0x45: {  	[sflag:s4] =	ssyncadd.s32 $0xFFFFF800  }
0x46: {  	_ =	swait.ge [sflag:s4], $0x800  }
0x47: {  	[sflag:s4] =	ssyncset.done $0x0  }
0x48: {  	[sflag:s4] =	ssyncadd.s32 $0xFFFFF800  }
0x49: {  	_ =	swait.ge [sflag:s4], $0x800  }
0x4a: {  	[sflag:s4] =	ssyncset.done $0x0  }
0x4b: {  	[sflag:s4] =	ssyncadd.s32 $0xFFFFF800  }
0x4c: {  	[spmem:s2] =	stream.indirect.scatter.add.f32 [tilespmem:s18], [sflag:$0x3], $0x10, s16, s17, $0xb8;
	[tilespmem:$0x1D800] =	vst v63  }
0x4d: {  	s13 =	rddreg [dreg:$0x7]  }
0x4e: {  	[spmem:s2] =	stream.indirect.scatter.add.f32 [tilespmem:s20], [sflag:$0x3], $0x10, s13, s17, $0xb8;
	[tilespmem:$0x1D800] =	vst v63  }
0x4f: {  	s12 =	rddreg [dreg:$0x8]  }
0x50: {  	[spmem:s2] =	stream.indirect.scatter.add.f32 [tilespmem:s22], [sflag:$0x3], $0x10, s12, s17, $0xb8;
	[tilespmem:$0x1D800] =	vst v63  }
0x51: {  	s13 =	rddreg [dreg:$0x9]  }
0x52: {  	[spmem:s2] =	stream.indirect.scatter.add.f32 [tilespmem:s25], [sflag:$0x3], $0x10, s13, s17, $0xb8;
	[tilespmem:$0x1D800] =	vst v63  }
0x53: {  	_ =	swait.ge [sflag:s1], $0x800  }
0x54: {  	[sflag:s1] =	ssyncset.done $0x0  }
0x55: {  	[sflag:s1] =	ssyncadd.s32 $0xFFFFF800  }
0x56: {  	_ =	swait.ge [sflag:s1], $0x800  }
0x57: {  	[sflag:s1] =	ssyncset.done $0x0  }
0x58: {  	[sflag:s1] =	ssyncadd.s32 $0xFFFFF800  }
0x59: {  	_ =	swait.ge [sflag:s1], $0x800  }
0x5a: {  	[sflag:s1] =	ssyncset.done $0x0;
	s13 =	rddreg [dreg:$0xf]  }
0x5b: {  	[sflag:s1] =	ssyncadd.s32 $0xFFFFF800;
	p0 =	slt.s32 s13, $0x30FC;
	s7 =	smov.u32 s13  }
0x5c: {  	_ =	swait.ge [sflag:s1], $0x800;
	s7 =	simm.s32 @!p0 $0x30FC  }
0x5d: {  	[sflag:s1] =	ssyncset.done $0x0;
	s7 =	sshll.u32 s7, $0x4  }
0x5e: {  	[sflag:s1] =	ssyncadd.s32 $0xFFFFF800;
	s12 =	sadd.s32 s5, s7  }
0x5f: {  	[tilespmem:s15], [sflag:$0x5] =	stream.linear.gather [hbm4b:s12+s3], $0x200, $0x38;
	[tilespmem:$0x1D800] =	vst v63  }
0x60: {  	_ =	swait.ge [sflag:s14], $0x200  }
0x61: {  	[sflag:s14] =	ssyncset.done $0x0  }
0x62: {  	s7 =	sadd.s32 s6, s7;
	[sflag:s14] =	ssyncadd.s32 $0xFFFFFE00  }
0x63: {  	[tilespmem:s16], [sflag:$0x5] =	stream.linear.gather [hbm4b:s7+s3], $0x200, $0x38;
	[tilespmem:$0x1D800] =	vst v63  }
0x64: {  	_ =	swait.ge [sflag:s14], $0x200  }
0x65: {  	[sflag:s14] =	ssyncset.done $0x0  }
0x66: {  	[sflag:s14] =	ssyncadd.s32 $0xFFFFFE00  }
0x67: {  	[tilespmem:s18], [sflag:$0x1] =	stream.indirect.gather [hbm4b:s10+s17], $0x10, s15, s17, $0xb8;
	[tilespmem:$0x1D800] =	vst v63  }
0x68: {  	_ = 	snop  }
0x69: {  	[tilespmem:s20], [sflag:$0x1] =	stream.indirect.gather [hbm4b:s10+s17], $0x10, s19, s17, $0xb8;
	[tilespmem:$0x1D800] =	vst v63  }
0x6a: {  	_ = 	snop  }
0x6b: {  	[tilespmem:s22], [sflag:$0x1] =	stream.indirect.gather [hbm4b:s10+s17], $0x10, s21, s17, $0xb8;
	[tilespmem:$0x1D800] =	vst v63  }
0x6c: {  	_ = 	snop  }
0x6d: {  	[tilespmem:s25], [sflag:$0x1] =	stream.indirect.gather [hbm4b:s10+s17], $0x10, s23, s17, $0xb8;
	[tilespmem:$0x1D800] =	vst v63  }
0x6e: {  	_ =	swait.ge [sflag:s11], $0x800  }
0x6f: {  	[sflag:s11] =	ssyncset.done $0x0  }
0x70: {  	[sflag:s11] =	ssyncadd.s32 $0xFFFFF800  }
0x71: {  	_ =	swait.ge [sflag:s11], $0x800  }
0x72: {  	[sflag:s11] =	ssyncset.done $0x0  }
0x73: {  	[sflag:s11] =	ssyncadd.s32 $0xFFFFF800  }
0x74: {  	_ =	swait.ge [sflag:s11], $0x800  }
0x75: {  	[sflag:s11] =	ssyncset.done $0x0  }
0x76: {  	[sflag:s11] =	ssyncadd.s32 $0xFFFFF800  }
0x77: {  	_ =	swait.ge [sflag:s11], $0x800  }
0x78: {  	[sflag:s11] =	ssyncset.done $0x0  }
0x79: {  	[sflag:s11] =	ssyncadd.s32 $0xFFFFF800  }
0x7a: {  	[spmem:s2] =	stream.indirect.scatter.add.f32 [tilespmem:s29], [sflag:$0x4], $0x10, s28, s17, $0xb8;
	[tilespmem:$0x1D800] =	vst v63  }
0x7b: {  	s19 =	rddreg [dreg:$0xa]  }
0x7c: {  	[spmem:s2] =	stream.indirect.scatter.add.f32 [tilespmem:s30], [sflag:$0x4], $0x10, s19, s17, $0xb8;
	[tilespmem:$0x1D800] =	vst v63  }
0x7d: {  	s21 =	rddreg [dreg:$0xb]  }
0x7e: {  	[spmem:s2] =	stream.indirect.scatter.add.f32 [tilespmem:s31], [sflag:$0x4], $0x10, s21, s17, $0xb8;
	[tilespmem:$0x1D800] =	vst v63  }
0x7f: {  	s23 =	rddreg [dreg:$0xc]  }
0x80: {  	[spmem:s2] =	stream.indirect.scatter.add.f32 [tilespmem:s0], [sflag:$0x4], $0x10, s23, s17, $0xb8;
	[tilespmem:$0x1D800] =	vst v63  }
0x81: {  	_ =	swait.ge [sflag:s24], $0x800  }
0x82: {  	[sflag:s24] =	ssyncset.done $0x0  }
0x83: {  	[sflag:s24] =	ssyncadd.s32 $0xFFFFF800  }
0x84: {  	_ =	swait.ge [sflag:s24], $0x800  }
0x85: {  	[sflag:s24] =	ssyncset.done $0x0  }
0x86: {  	[sflag:s24] =	ssyncadd.s32 $0xFFFFF800  }
0x87: {  	_ =	swait.ge [sflag:s24], $0x800  }
0x88: {  	[sflag:s24] =	ssyncset.done $0x0  }
0x89: {  	[sflag:s24] =	ssyncadd.s32 $0xFFFFF800  }
0x8a: {  	s13 =	sadd.s32 $0x8, s13;
	_ =	swait.ge [sflag:s24], $0x800  }
0x8b: {  	s12 =	simm.s32 $0xC0;
	s7 =	simm.s32 $0x140;
	[sflag:s24] =	ssyncset.done $0x0  }
.LBB2_2:
0x8c: {  	s21 =	sadd.s32 s12, s8;
	[sflag:s24] =	ssyncadd.s32 $0xFFFFF800  }
0x8d: {  	[tilespmem:s26], [sflag:$0x5] =	stream.linear.gather [hbm4b:s21+s3], $0x200, $0x38;
	[tilespmem:$0x1D800] =	vst v63  }
0x8e: {  	_ =	swait.ge [sflag:s14], $0x200  }
0x8f: {  	[sflag:s14] =	ssyncset.done $0x0  }
0x90: {  	s21 =	sadd.s32 s12, s9;
	[sflag:s14] =	ssyncadd.s32 $0xFFFFFE00  }
0x91: {  	[tilespmem:s28], [sflag:$0x5] =	stream.linear.gather [hbm4b:s21+s3], $0x200, $0x38;
	[tilespmem:$0x1D800] =	vst v63  }
0x92: {  	_ =	swait.ge [sflag:s14], $0x200  }
0x93: {  	[sflag:s14] =	ssyncset.done $0x0  }
0x94: {  	s23 =	smov.u32 s7;
	[sflag:s14] =	ssyncadd.s32 $0xFFFFFE00  }
0x95: {  	[tilespmem:s29], [sflag:$0x2] =	stream.indirect.gather [hbm4b:s10+s17], $0x10, s26, s17, $0xb8;
	[tilespmem:$0x1D800] =	vst v63  }
0x96: {  	s12 =	smov.u32 s23;
	s23 =	rddreg [dreg:$0x4]  }
0x97: {  	[tilespmem:s30], [sflag:$0x2] =	stream.indirect.gather [hbm4b:s10+s17], $0x10, s23, s17, $0xb8;
	[tilespmem:$0x1D800] =	vst v63  }
0x98: {  	s21 =	rddreg [dreg:$0x5]  }
0x99: {  	[tilespmem:s31], [sflag:$0x2] =	stream.indirect.gather [hbm4b:s10+s17], $0x10, s21, s17, $0xb8;
	[tilespmem:$0x1D800] =	vst v63  }
0x9a: {  	s23 =	rddreg [dreg:$0x6]  }
0x9b: {  	[tilespmem:s0], [sflag:$0x2] =	stream.indirect.gather [hbm4b:s10+s17], $0x10, s23, s17, $0xb8;
	[tilespmem:$0x1D800] =	vst v63  }
0x9c: {  	_ =	swait.ge [sflag:s4], $0x800  }
0x9d: {  	[sflag:s4] =	ssyncset.done $0x0  }
0x9e: {  	[sflag:s4] =	ssyncadd.s32 $0xFFFFF800  }
0x9f: {  	_ =	swait.ge [sflag:s4], $0x800  }
0xa0: {  	[sflag:s4] =	ssyncset.done $0x0  }
0xa1: {  	[sflag:s4] =	ssyncadd.s32 $0xFFFFF800  }
0xa2: {  	_ =	swait.ge [sflag:s4], $0x800  }
0xa3: {  	[sflag:s4] =	ssyncset.done $0x0  }
0xa4: {  	[sflag:s4] =	ssyncadd.s32 $0xFFFFF800  }
0xa5: {  	_ =	swait.ge [sflag:s4], $0x800  }
0xa6: {  	[sflag:s4] =	ssyncset.done $0x0  }
0xa7: {  	[sflag:s4] =	ssyncadd.s32 $0xFFFFF800  }
0xa8: {  	[spmem:s2] =	stream.indirect.scatter.add.f32 [tilespmem:s18], [sflag:$0x3], $0x10, s16, s17, $0xb8;
	[tilespmem:$0x1D800] =	vst v63  }
0xa9: {  	s23 =	rddreg [dreg:$0x7]  }
0xaa: {  	[spmem:s2] =	stream.indirect.scatter.add.f32 [tilespmem:s20], [sflag:$0x3], $0x10, s23, s17, $0xb8;
	[tilespmem:$0x1D800] =	vst v63  }
0xab: {  	s21 =	rddreg [dreg:$0x8]  }
0xac: {  	[spmem:s2] =	stream.indirect.scatter.add.f32 [tilespmem:s22], [sflag:$0x3], $0x10, s21, s17, $0xb8;
	[tilespmem:$0x1D800] =	vst v63  }
0xad: {  	s23 =	rddreg [dreg:$0x9]  }
0xae: {  	[spmem:s2] =	stream.indirect.scatter.add.f32 [tilespmem:s25], [sflag:$0x3], $0x10, s23, s17, $0xb8;
	[tilespmem:$0x1D800] =	vst v63  }
0xaf: {  	_ =	swait.ge [sflag:s1], $0x800  }
0xb0: {  	[sflag:s1] =	ssyncset.done $0x0  }
0xb1: {  	[sflag:s1] =	ssyncadd.s32 $0xFFFFF800  }
0xb2: {  	_ =	swait.ge [sflag:s1], $0x800  }
0xb3: {  	[sflag:s1] =	ssyncset.done $0x0  }
0xb4: {  	[sflag:s1] =	ssyncadd.s32 $0xFFFFF800  }
0xb5: {  	_ =	swait.ge [sflag:s1], $0x800  }
0xb6: {  	s19 =	sadd.s32 $0x80, s7;
	p0 =	sne.s32 s7, $0x30C0;
	[sflag:s1] =	ssyncset.done $0x0  }
0xb7: {  	p1 =	slt.s32 s13, $0x30FC;
	s7 =	smov.u32 s13;
	[sflag:s1] =	ssyncadd.s32 $0xFFFFF800  }
0xb8: {  	s7 =	simm.s32 @!p1 $0x30FC;
	_ =	swait.ge [sflag:s1], $0x800  }
0xb9: {  	s7 =	sshll.u32 s7, $0x4;
	[sflag:s1] =	ssyncset.done $0x0  }
0xba: {  	s23 =	sadd.s32 s5, s7;
	[sflag:s1] =	ssyncadd.s32 $0xFFFFF800  }
0xbb: {  	[tilespmem:s15], [sflag:$0x5] =	stream.linear.gather [hbm4b:s23+s3], $0x200, $0x38;
	[tilespmem:$0x1D800] =	vst v63  }
0xbc: {  	_ =	swait.ge [sflag:s14], $0x200  }
0xbd: {  	[sflag:s14] =	ssyncset.done $0x0  }
0xbe: {  	s7 =	sadd.s32 s6, s7;
	[sflag:s14] =	ssyncadd.s32 $0xFFFFFE00  }
0xbf: {  	[tilespmem:s16], [sflag:$0x5] =	stream.linear.gather [hbm4b:s7+s3], $0x200, $0x38;
	[tilespmem:$0x1D800] =	vst v63  }
0xc0: {  	_ =	swait.ge [sflag:s14], $0x200  }
0xc1: {  	[sflag:s14] =	ssyncset.done $0x0  }
0xc2: {  	[sflag:s14] =	ssyncadd.s32 $0xFFFFFE00  }
0xc3: {  	[tilespmem:s18], [sflag:$0x1] =	stream.indirect.gather [hbm4b:s10+s17], $0x10, s15, s17, $0xb8;
	[tilespmem:$0x1D800] =	vst v63  }
0xc4: {  	s21 =	simm.s32 $0x1D080  }
0xc5: {  	[tilespmem:s20], [sflag:$0x1] =	stream.indirect.gather [hbm4b:s10+s17], $0x10, s21, s17, $0xb8;
	[tilespmem:$0x1D800] =	vst v63  }
0xc6: {  	s23 =	simm.s32 $0x1D100  }
0xc7: {  	[tilespmem:s22], [sflag:$0x1] =	stream.indirect.gather [hbm4b:s10+s17], $0x10, s23, s17, $0xb8;
	[tilespmem:$0x1D800] =	vst v63  }
0xc8: {  	s21 =	simm.s32 $0x1D180  }
0xc9: {  	[tilespmem:s25], [sflag:$0x1] =	stream.indirect.gather [hbm4b:s10+s17], $0x10, s21, s17, $0xb8;
	[tilespmem:$0x1D800] =	vst v63  }
0xca: {  	_ =	swait.ge [sflag:s11], $0x800  }
0xcb: {  	[sflag:s11] =	ssyncset.done $0x0  }
0xcc: {  	[sflag:s11] =	ssyncadd.s32 $0xFFFFF800  }
0xcd: {  	_ =	swait.ge [sflag:s11], $0x800  }
0xce: {  	[sflag:s11] =	ssyncset.done $0x0  }
0xcf: {  	[sflag:s11] =	ssyncadd.s32 $0xFFFFF800  }
0xd0: {  	_ =	swait.ge [sflag:s11], $0x800  }
0xd1: {  	[sflag:s11] =	ssyncset.done $0x0  }
0xd2: {  	[sflag:s11] =	ssyncadd.s32 $0xFFFFF800  }
0xd3: {  	_ =	swait.ge [sflag:s11], $0x800  }
0xd4: {  	[sflag:s11] =	ssyncset.done $0x0  }
0xd5: {  	[sflag:s11] =	ssyncadd.s32 $0xFFFFF800  }
0xd6: {  	[spmem:s2] =	stream.indirect.scatter.add.f32 [tilespmem:s29], [sflag:$0x4], $0x10, s28, s17, $0xb8;
	[tilespmem:$0x1D800] =	vst v63  }
0xd7: {  	s23 =	rddreg [dreg:$0xa]  }
0xd8: {  	[spmem:s2] =	stream.indirect.scatter.add.f32 [tilespmem:s30], [sflag:$0x4], $0x10, s23, s17, $0xb8;
	[tilespmem:$0x1D800] =	vst v63  }
0xd9: {  	s21 =	rddreg [dreg:$0xb]  }
0xda: {  	[spmem:s2] =	stream.indirect.scatter.add.f32 [tilespmem:s31], [sflag:$0x4], $0x10, s21, s17, $0xb8;
	[tilespmem:$0x1D800] =	vst v63  }
0xdb: {  	s23 =	rddreg [dreg:$0xc]  }
0xdc: {  	[spmem:s2] =	stream.indirect.scatter.add.f32 [tilespmem:s0], [sflag:$0x4], $0x10, s23, s17, $0xb8;
	[tilespmem:$0x1D800] =	vst v63  }
0xdd: {  	_ =	swait.ge [sflag:s24], $0x800  }
0xde: {  	[sflag:s24] =	ssyncset.done $0x0  }
0xdf: {  	[sflag:s24] =	ssyncadd.s32 $0xFFFFF800  }
0xe0: {  	_ =	swait.ge [sflag:s24], $0x800  }
0xe1: {  	[sflag:s24] =	ssyncset.done $0x0  }
0xe2: {  	[sflag:s24] =	ssyncadd.s32 $0xFFFFF800  }
.Ltmp0:
0xe3: {  	_ =	swait.ge [sflag:s24], $0x800;
	(pc) =	sbr.rel @p0 .LBB2_2-.Ltmp0, $4  }
0xe4: {  	[sflag:s24] =	ssyncset.done $0x0  }
0xe5: {  	[sflag:s24] =	ssyncadd.s32 $0xFFFFF800  }
0xe6: {  	_ =	swait.ge [sflag:s24], $0x800  }
0xe7: {  	s13 =	sadd.s32 $0x8, s13;
	s7 =	smov.u32 s19;
	[sflag:s24] =	ssyncset.done $0x0  }
0xe8: {  	s7 =	sadd.s32 s12, s8;
	[sflag:s24] =	ssyncadd.s32 $0xFFFFF800  }
0xe9: {  	[tilespmem:s26], [sflag:$0x5] =	stream.linear.gather [hbm4b:s7+s3], $0x200, $0x38;
	[tilespmem:$0x1D800] =	vst v63  }
0xea: {  	_ =	swait.ge [sflag:s14], $0x200  }
0xeb: {  	[sflag:s14] =	ssyncset.done $0x0  }
0xec: {  	s12 =	sadd.s32 s12, s9;
	[sflag:s14] =	ssyncadd.s32 $0xFFFFFE00  }
0xed: {  	[tilespmem:s28], [sflag:$0x5] =	stream.linear.gather [hbm4b:s12+s3], $0x200, $0x38;
	[tilespmem:$0x1D800] =	vst v63  }
0xee: {  	_ =	swait.ge [sflag:s14], $0x200  }
0xef: {  	[sflag:s14] =	ssyncset.done $0x0  }
0xf0: {  	[sflag:s14] =	ssyncadd.s32 $0xFFFFFE00  }
0xf1: {  	[tilespmem:s29], [sflag:$0x2] =	stream.indirect.gather [hbm4b:s10+s17], $0x10, s26, s17, $0xb8;
	[tilespmem:$0x1D800] =	vst v63  }
0xf2: {  	s19 =	rddreg [dreg:$0x4]  }
0xf3: {  	[tilespmem:s30], [sflag:$0x2] =	stream.indirect.gather [hbm4b:s10+s17], $0x10, s19, s17, $0xb8;
	[tilespmem:$0x1D800] =	vst v63  }
0xf4: {  	s21 =	rddreg [dreg:$0x5]  }
0xf5: {  	[tilespmem:s31], [sflag:$0x2] =	stream.indirect.gather [hbm4b:s10+s17], $0x10, s21, s17, $0xb8;
	[tilespmem:$0x1D800] =	vst v63  }
0xf6: {  	s23 =	rddreg [dreg:$0x6]  }
0xf7: {  	[tilespmem:s0], [sflag:$0x2] =	stream.indirect.gather [hbm4b:s10+s17], $0x10, s23, s17, $0xb8;
	[tilespmem:$0x1D800] =	vst v63  }
0xf8: {  	_ =	swait.ge [sflag:s4], $0x800  }
0xf9: {  	[sflag:s4] =	ssyncset.done $0x0  }
0xfa: {  	[sflag:s4] =	ssyncadd.s32 $0xFFFFF800  }
0xfb: {  	_ =	swait.ge [sflag:s4], $0x800  }
0xfc: {  	[sflag:s4] =	ssyncset.done $0x0  }
0xfd: {  	[sflag:s4] =	ssyncadd.s32 $0xFFFFF800  }
0xfe: {  	_ =	swait.ge [sflag:s4], $0x800  }
0xff: {  	[sflag:s4] =	ssyncset.done $0x0  }
0x100: {  	[sflag:s4] =	ssyncadd.s32 $0xFFFFF800  }
0x101: {  	_ =	swait.ge [sflag:s4], $0x800  }
0x102: {  	[sflag:s4] =	ssyncset.done $0x0  }
0x103: {  	[sflag:s4] =	ssyncadd.s32 $0xFFFFF800  }
0x104: {  	[spmem:s2] =	stream.indirect.scatter.add.f32 [tilespmem:s18], [sflag:$0x3], $0x10, s16, s17, $0xb8;
	[tilespmem:$0x1D800] =	vst v63  }
0x105: {  	s12 =	rddreg [dreg:$0x7]  }
0x106: {  	[spmem:s2] =	stream.indirect.scatter.add.f32 [tilespmem:s20], [sflag:$0x3], $0x10, s12, s17, $0xb8;
	[tilespmem:$0x1D800] =	vst v63  }
0x107: {  	s19 =	rddreg [dreg:$0x8]  }
0x108: {  	[spmem:s2] =	stream.indirect.scatter.add.f32 [tilespmem:s22], [sflag:$0x3], $0x10, s19, s17, $0xb8;
	[tilespmem:$0x1D800] =	vst v63  }
0x109: {  	s21 =	rddreg [dreg:$0x9]  }
0x10a: {  	[spmem:s2] =	stream.indirect.scatter.add.f32 [tilespmem:s25], [sflag:$0x3], $0x10, s21, s17, $0xb8;
	[tilespmem:$0x1D800] =	vst v63  }
0x10b: {  	_ =	swait.ge [sflag:s1], $0x800  }
0x10c: {  	[sflag:s1] =	ssyncset.done $0x0  }
0x10d: {  	[sflag:s1] =	ssyncadd.s32 $0xFFFFF800  }
0x10e: {  	_ =	swait.ge [sflag:s1], $0x800  }
0x10f: {  	[sflag:s1] =	ssyncset.done $0x0  }
0x110: {  	[sflag:s1] =	ssyncadd.s32 $0xFFFFF800  }
0x111: {  	_ =	swait.ge [sflag:s1], $0x800  }
0x112: {  	[sflag:s1] =	ssyncset.done $0x0  }
0x113: {  	p0 =	slt.s32 s13, $0x30FC;
	[sflag:s1] =	ssyncadd.s32 $0xFFFFF800  }
0x114: {  	s13 =	simm.s32 @!p0 $0x30FC;
	_ =	swait.ge [sflag:s1], $0x800  }
0x115: {  	s23 =	sshll.u32 s13, $0x4;
	[sflag:s1] =	ssyncset.done $0x0  }
0x116: {  	s13 =	sadd.s32 s5, s23;
	[sflag:s1] =	ssyncadd.s32 $0xFFFFF800  }
0x117: {  	[tilespmem:s15], [sflag:$0x5] =	stream.linear.gather [hbm4b:s13+s3], $0x200, $0x38;
	[tilespmem:$0x1D800] =	vst v63  }
0x118: {  	_ =	swait.ge [sflag:s14], $0x200  }
0x119: {  	[sflag:s14] =	ssyncset.done $0x0  }
0x11a: {  	s7 =	sadd.s32 s6, s23;
	[sflag:s14] =	ssyncadd.s32 $0xFFFFFE00  }
0x11b: {  	[tilespmem:s16], [sflag:$0x5] =	stream.linear.gather [hbm4b:s7+s3], $0x200, $0x38;
	[tilespmem:$0x1D800] =	vst v63  }
0x11c: {  	_ =	swait.ge [sflag:s14], $0x200  }
0x11d: {  	[sflag:s14] =	ssyncset.done $0x0  }
0x11e: {  	[sflag:s14] =	ssyncadd.s32 $0xFFFFFE00  }
0x11f: {  	[tilespmem:s18], [sflag:$0x1] =	stream.indirect.gather [hbm4b:s10+s17], $0x10, s15, s17, $0xb8;
	[tilespmem:$0x1D800] =	vst v63  }
0x120: {  	s19 =	simm.s32 $0x1D080  }
0x121: {  	[tilespmem:s20], [sflag:$0x1] =	stream.indirect.gather [hbm4b:s10+s17], $0x10, s19, s17, $0xb8;
	[tilespmem:$0x1D800] =	vst v63  }
0x122: {  	s21 =	simm.s32 $0x1D100  }
0x123: {  	[tilespmem:s22], [sflag:$0x1] =	stream.indirect.gather [hbm4b:s10+s17], $0x10, s21, s17, $0xb8;
	[tilespmem:$0x1D800] =	vst v63  }
0x124: {  	s23 =	simm.s32 $0x1D180  }
0x125: {  	[tilespmem:s25], [sflag:$0x1] =	stream.indirect.gather [hbm4b:s10+s17], $0x10, s23, s17, $0xb8;
	[tilespmem:$0x1D800] =	vst v63  }
0x126: {  	_ =	swait.ge [sflag:s11], $0x800  }
0x127: {  	[sflag:s11] =	ssyncset.done $0x0  }
0x128: {  	[sflag:s11] =	ssyncadd.s32 $0xFFFFF800  }
0x129: {  	_ =	swait.ge [sflag:s11], $0x800  }
0x12a: {  	[sflag:s11] =	ssyncset.done $0x0  }
0x12b: {  	[sflag:s11] =	ssyncadd.s32 $0xFFFFF800  }
0x12c: {  	_ =	swait.ge [sflag:s11], $0x800  }
0x12d: {  	[sflag:s11] =	ssyncset.done $0x0  }
0x12e: {  	[sflag:s11] =	ssyncadd.s32 $0xFFFFF800  }
0x12f: {  	_ =	swait.ge [sflag:s11], $0x800  }
0x130: {  	[sflag:s11] =	ssyncset.done $0x0  }
0x131: {  	[sflag:s11] =	ssyncadd.s32 $0xFFFFF800  }
0x132: {  	[spmem:s2] =	stream.indirect.scatter.add.f32 [tilespmem:s29], [sflag:$0x4], $0x10, s28, s17, $0xb8;
	[tilespmem:$0x1D800] =	vst v63  }
0x133: {  	s12 =	rddreg [dreg:$0xa]  }
0x134: {  	[spmem:s2] =	stream.indirect.scatter.add.f32 [tilespmem:s30], [sflag:$0x4], $0x10, s12, s17, $0xb8;
	[tilespmem:$0x1D800] =	vst v63  }
0x135: {  	s13 =	rddreg [dreg:$0xb]  }
0x136: {  	[spmem:s2] =	stream.indirect.scatter.add.f32 [tilespmem:s31], [sflag:$0x4], $0x10, s13, s17, $0xb8;
	[tilespmem:$0x1D800] =	vst v63  }
0x137: {  	s19 =	rddreg [dreg:$0xc]  }
0x138: {  	[spmem:s2] =	stream.indirect.scatter.add.f32 [tilespmem:s0], [sflag:$0x4], $0x10, s19, s17, $0xb8;
	[tilespmem:$0x1D800] =	vst v63  }
0x139: {  	_ =	swait.ge [sflag:s24], $0x800  }
0x13a: {  	[sflag:s24] =	ssyncset.done $0x0  }
0x13b: {  	[sflag:s24] =	ssyncadd.s32 $0xFFFFF800  }
0x13c: {  	_ =	swait.ge [sflag:s24], $0x800  }
0x13d: {  	[sflag:s24] =	ssyncset.done $0x0  }
0x13e: {  	[sflag:s24] =	ssyncadd.s32 $0xFFFFF800  }
0x13f: {  	_ =	swait.ge [sflag:s24], $0x800  }
0x140: {  	[sflag:s24] =	ssyncset.done $0x0  }
0x141: {  	[sflag:s24] =	ssyncadd.s32 $0xFFFFF800  }
0x142: {  	_ =	swait.ge [sflag:s24], $0x800  }
0x143: {  	[sflag:s24] =	ssyncset.done $0x0  }
0x144: {  	[sflag:s24] =	ssyncadd.s32 $0xFFFFF800  }
0x145: {  	_ =	swait.ge [sflag:s4], $0x800  }
0x146: {  	[sflag:s4] =	ssyncset.done $0x0  }
0x147: {  	[sflag:s4] =	ssyncadd.s32 $0xFFFFF800  }
0x148: {  	_ =	swait.ge [sflag:s4], $0x800  }
0x149: {  	[sflag:s4] =	ssyncset.done $0x0  }
0x14a: {  	[sflag:s4] =	ssyncadd.s32 $0xFFFFF800  }
0x14b: {  	_ =	swait.ge [sflag:s4], $0x800  }
0x14c: {  	[sflag:s4] =	ssyncset.done $0x0  }
0x14d: {  	[sflag:s4] =	ssyncadd.s32 $0xFFFFF800  }
0x14e: {  	_ =	swait.ge [sflag:s4], $0x800  }
0x14f: {  	[sflag:s4] =	ssyncset.done $0x0  }
0x150: {  	[sflag:s4] =	ssyncadd.s32 $0xFFFFF800  }
0x151: {  	[bflag:$0x0] =	sbarrier.arrive $0xFFFF  }
0x152: {  	s12 =	rddreg [dreg:$0xd]  }
0x153: {  	s13 =	rddreg [dreg:$0x10]  }
0x154: {  	s21 =	rddreg [dreg:$0x11]  }
0x155: {  	[hbm:s21], [sflag:s12] =	dma.local [spmem:s13], $0x3200  }
0x156: {  	_ =	swait.ge [sflag:s14], $0x3200  }
0x157: {  	s19 =	rddreg [dreg:$0x12]  }
0x158: {  	s23 =	rddreg [dreg:$0xe];
	s19 =	sadd.s32 $0x1, s19  }
0x159: {  	p0 =	sne.s32 s19, s23  }
.Ltmp1:
0x15a: {  	_ = 	snop;
	(pc) =	sbr.rel @p0 .LBB2_1-.Ltmp1, $3  }
0x15b: {  	_ =	sdelay $0x1  }
0x15c: {  	[sflag:s14] =	ssyncset.done $0x0  }
0x15d: {  	[sflag:s14] =	ssyncadd.s32 $0xFFFFCE00  }
0x15e: {  	_ =	sfence.sel $0x180000  }
0x15f: {  	[bflag:$0x0] =	sbarrier.arrive $0xFFFF  }
0x160: {  	_ =	strace $0x90000050  }
0x161: {  	s0 =	stileid.u32;
	[bflag:$0x2] =	sbarrier.arrive $0xFFFF  }
0x162: {  	p0 =	sne.s32 s0, $0x0;
	s0 =	rddreg [dreg:$0x3]  }
0x163: {  	s0 =	sadd.s32 @!p0 $0x100000, s0  }
0x164: {  	[sflag:s0] =	ssyncadd.tile.s32 @!p0 $0x1;
	_ =	shalt  }
.Lfunc_end2:
_tile_overlayer_lowered:
.L_overlay_start_2:
0x165: {  	(tag) =	ssettag $0x2  }
0x166: {  	s0 =	rddreg [dreg:$0x0];
	s2 =	stileid.u32  }
0x167: {  	s1 =	rddreg [dreg:$0x1];
	p0 =	sne.s32 s2, $0x0  }
0x168: {  	s3 =	rddreg [dreg:$0x2];
	[bflag:$0x3] =	sbarrier.arrive $0xFFFF;
	s2 =	simm.s32 @!p0 $0x1C05  }
0x169: {  	[timem:s3], [sflag:s2] =	dma.local @!p0 [hbm:s0], s1  }
0x16a: {  	s0 =	simm.s32 @!p0 $0x5  }
0x16b: {  	_ =	swait.ge @!p0 [sflag:s0], s1  }
0x16c: {  	s1 =	ssub.s32 @!p0 $0x0, s1;
	[sflag:s0] =	ssyncset.done @!p0 $0x0  }
0x16d: {  	[sflag:s0] =	ssyncadd.s32 @!p0 s1  }
0x16e: {  	[bflag:$0x3] =	sbarrier.arrive $0xFFFF  }
0x16f: {  	_ =	shalt  }

</sc_bundles>
